<compile_context>
chip_gen: v7x
topology: tpu7x:2x2x1
jax: 0.10.2.dev20260603
libtpu: 0.0.44.dev20260713+nightly
codegen_flags: <defaults>
</compile_context>

<pallas_src>
import functools

import jax
import jax.numpy as jnp
import numpy as np
from jax import lax
from jax.experimental import pallas as pl
from jax.experimental.pallas import tpu as pltpu
from jax.experimental.pallas import tpu_sc as plsc

N = 10000
D_IN = 128
D_OUT = 32
H = 4
R = 3
E = 200000
NEG = 0.2

EW = 16
NC = 2
NS = 16
NW = NC * NS
K = 64
EPW = 6400
NCH = EPW // K
EP = NW * EPW
RPT = 640
NACC = NS * RPT
ZB = 8
DB = 64

BN = 1000
GRID = N // BN
BN3 = 400
GRID3 = N // BN3



def _tab_body(x_ref, w_ref, q_ref, feat_ref, elr_ref):
    xb = x_ref[...]
    for r in range(R):
        f = jnp.dot(xb, w_ref[r], preferred_element_type=jnp.float32)
        feat_ref[r] = f
        elr_ref[r] = jnp.dot(f, q_ref[r], preferred_element_type=jnp.float32)


def _build_tables(x, W, Q):
    return pl.pallas_call(
        _tab_body,
        grid=(GRID,),
        in_specs=[
            pl.BlockSpec((BN, D_IN), lambda i: (i, 0)),
            pl.BlockSpec((R, D_IN, D_IN), lambda i: (0, 0, 0)),
            pl.BlockSpec((R, D_IN, D_IN), lambda i: (0, 0, 0)),
        ],
        out_specs=[
            pl.BlockSpec((R, BN, D_IN), lambda i: (0, i, 0)),
            pl.BlockSpec((R, BN, D_IN), lambda i: (0, i, 0)),
        ],
        out_shape=[
            jax.ShapeDtypeStruct((R, N, D_IN), jnp.float32),
            jax.ShapeDtypeStruct((R, N, D_IN), jnp.float32),
        ],
    )(x, W, Q)



_SC_MESH = plsc.VectorSubcoreMesh(core_axis_name="c", subcore_axis_name="s")


def _dump_acc(acc, out, c, r, s, bounce):
    base = s * RPT
    nfull = (N - (NS - 1) * RPT) // DB
    rem = (N - (NS - 1) * RPT) - nfull * DB

    def dfull(t, carry):
        pltpu.sync_copy(acc.at[pl.ds(base + t * DB, DB)], bounce)
        pltpu.sync_copy(bounce, out.at[c, r, pl.ds(base + t * DB, DB)])
        return carry

    lax.fori_loop(0, nfull, dfull, 0)
    o1 = base + nfull * DB
    pltpu.sync_copy(acc.at[pl.ds(o1, rem)], bounce.at[pl.ds(0, rem)])
    pltpu.sync_copy(bounce.at[pl.ds(0, rem)], out.at[c, r, pl.ds(o1, rem)])

    @pl.when(s < NS - 1)
    def _rest():
        o2 = base + nfull * DB + rem
        nrest = (RPT - nfull * DB - rem) // DB
        rrem = RPT - nfull * DB - rem - nrest * DB

        def drest(t, carry):
            pltpu.sync_copy(acc.at[pl.ds(o2 + t * DB, DB)], bounce)
            pltpu.sync_copy(bounce, out.at[c, r, pl.ds(o2 + t * DB, DB)])
            return carry

        lax.fori_loop(0, nrest, drest, 0)
        o3 = o2 + nrest * DB
        pltpu.sync_copy(acc.at[pl.ds(o3, rrem)], bounce.at[pl.ds(0, rrem)])
        pltpu.sync_copy(bounce.at[pl.ds(0, rrem)],
                        out.at[c, r, pl.ds(o3, rrem)])


@functools.partial(
    pl.kernel,
    out_type=(
        jax.ShapeDtypeStruct((NC, R, N, D_IN), jnp.float32),
        jax.ShapeDtypeStruct((R, NW, NCH, K, EW), jnp.float32),
    ),
    mesh=_SC_MESH,
    compiler_params=pltpu.CompilerParams(needs_layout_passes=False),
    scratch_types=[
        pltpu.VMEM((K,), jnp.int32),
        pltpu.VMEM((1, K), jnp.int32),
        pltpu.VMEM((K,), jnp.int32),
        pltpu.VMEM((K, D_IN), jnp.float32),
        pltpu.VMEM((K, D_IN), jnp.float32),
        pltpu.VMEM((K, D_IN), jnp.float32),
        pltpu.VMEM((K, EW), jnp.float32),
        pltpu.VMEM((ZB, D_IN), jnp.float32),
        pltpu.VMEM_SHARED((NACC, D_IN), jnp.float32),
        pltpu.SemaphoreType.DMA,
        pltpu.SemaphoreType.DMA,
        pltpu.SemaphoreType.DMA,
    ],
)
def _num_kernel(srcoff, dstoff, dstacc, feattab, elrtab,
                pnum, pvals,
                srci, dsta, dio, A, EL, ER, P, Z,
                accn, sem1, sem2, sem3):
    c = lax.axis_index("c")
    s = lax.axis_index("s")
    w = c * NS + s

    zv = jnp.zeros((16,), jnp.float32)

    def zrow(i, carry):
        for j in range(D_IN // 16):
            Z[i, j * 16:(j + 1) * 16] = zv
        return carry

    lax.fori_loop(0, ZB, zrow, 0)

    lane = lax.iota(jnp.int32, 16)
    shift4 = (lane + 4) % 16
    s4 = jnp.reshape(shift4, (16, 1))
    hsplat = [jnp.full((16, 1), h, jnp.int32) for h in range(H)]
    gdn = lax.GatherDimensionNumbers(
        offset_dims=(), collapsed_slice_dims=(0,), start_index_map=(0,))

    def lane_bcast(vec, idx):
        return lax.gather(vec, idx, gdn, (1,),
                          mode=lax.GatherScatterMode.PROMISE_IN_BOUNDS)

    for r in range(R):
        def zcp(t, carry):
            pltpu.sync_copy(Z, accn.at[pl.ds(s * RPT + t * ZB, ZB)])
            return carry

        lax.fori_loop(0, RPT // ZB, zcp, 0)
        plsc.subcore_barrier()

        def chunk(ci, carry):
            ia = pltpu.async_copy(srcoff.at[r, w, ci], srci, sem1)
            ib = pltpu.async_copy(dstoff.at[r, w, ci], dio, sem2)
            ic = pltpu.async_copy(dstacc.at[r, w, pl.ds(ci, 1)], dsta, sem3)
            ia.wait()
            ib.wait()
            ic.wait()
            ga = pltpu.async_copy(feattab.at[srci], A, sem1)
            gb = pltpu.async_copy(elrtab.at[srci], EL, sem2)
            gc = pltpu.async_copy(elrtab.at[dio], ER, sem3)
            ga.wait()
            gb.wait()
            gc.wait()

            def edge(k, inner):
                el = EL[k, 0:16]
                er = lane_bcast(ER[k, 0:16], s4)
                v = el + er
                e = jnp.where(v >= 0, v, NEG * v)
                p = jnp.exp(e)
                P[k, 0:16] = p
                for q in range(D_IN // 16):
                    m = lane_bcast(p, hsplat[q // 2])
                    A[k, q * 16:(q + 1) * 16] = (
                        A[k, q * 16:(q + 1) * 16] * m)
                return inner

            lax.fori_loop(0, K, edge, 0)
            sa = pltpu.async_copy(A, accn.at[dsta.at[0]], sem1, add=True)
            sb = pltpu.async_copy(P, pvals.at[r, w, ci], sem2)
            sa.wait()
            sb.wait()
            return carry

        lax.fori_loop(0, NCH, chunk, 0)
        plsc.subcore_barrier()
        _dump_acc(accn, pnum, c, r, s, A)
        plsc.subcore_barrier()


@functools.partial(
    pl.kernel,
    out_type=jax.ShapeDtypeStruct((NC, R, N, D_IN), jnp.float32),
    mesh=_SC_MESH,
    compiler_params=pltpu.CompilerParams(needs_layout_passes=False),
    scratch_types=[
        pltpu.VMEM((1, K), jnp.int32),
        pltpu.VMEM((K, EW), jnp.float32),
        pltpu.VMEM((K, D_IN), jnp.float32),
        pltpu.VMEM((DB, D_IN), jnp.float32),
        pltpu.VMEM((ZB, D_IN), jnp.float32),
        pltpu.VMEM_SHARED((NACC, D_IN), jnp.float32),
        pltpu.SemaphoreType.DMA,
        pltpu.SemaphoreType.DMA,
    ],
)
def _den_kernel(dstacc, pvals,
                pden,
                dsta, P16, P128, DPB, Z,
                accd, semd1, semd2):
    c = lax.axis_index("c")
    s = lax.axis_index("s")
    w = c * NS + s

    zv = jnp.zeros((16,), jnp.float32)

    def zrow(i, carry):
        for j in range(D_IN // 16):
            Z[i, j * 16:(j + 1) * 16] = zv
        return carry

    lax.fori_loop(0, ZB, zrow, 0)

    def zp(k, carry):
        for j in range(D_IN // 16):
            P128[k, j * 16:(j + 1) * 16] = zv
        return carry

    lax.fori_loop(0, K, zp, 0)

    for r in range(R):
        def zcp(t, carry):
            pltpu.sync_copy(Z, accd.at[pl.ds(s * RPT + t * ZB, ZB)])
            return carry

        lax.fori_loop(0, RPT // ZB, zcp, 0)
        plsc.subcore_barrier()

        def chunk(ci, carry):
            ia = pltpu.async_copy(dstacc.at[r, w, pl.ds(ci, 1)], dsta, semd1)
            ib = pltpu.async_copy(pvals.at[r, w, ci], P16, semd2)
            ia.wait()
            ib.wait()

            def row(k, inner):
                P128[k, 0:16] = P16[k, 0:16]
                return inner

            lax.fori_loop(0, K, row, 0)
            pltpu.sync_copy(P128, accd.at[dsta.at[0]], add=True)
            return carry

        lax.fori_loop(0, NCH, chunk, 0)
        plsc.subcore_barrier()
        _dump_acc(accd, pden, c, r, s, DPB)
        plsc.subcore_barrier()



def _att_body(pnum_ref, pden_ref, x_ref, out_ref, am_ref):
    i = pl.program_id(0)
    num = pnum_ref[0] + pnum_ref[1]
    den = pden_ref[0] + pden_ref[1]
    fcs = []
    for r in range(R):
        for h in range(H):
            nrh = num[r, :, h * D_OUT:(h + 1) * D_OUT]
            drh = den[r, :, h:h + 1]
            fcs.append(jnp.where(drh > 0, nrh / drh, 0.0))
    fc = jnp.stack(fcs, axis=1)
    inv = 1.0 / np.sqrt(D_OUT)
    rows = []
    for l in range(R * H):
        rows.append(jnp.sum(fc * fc[:, l:l + 1, :], axis=-1) * inv)
    scores = jnp.stack(rows, axis=1)
    mx = jnp.max(scores, axis=-1, keepdims=True)
    ex = jnp.exp(scores - mx)
    attn = ex / jnp.sum(ex, axis=-1, keepdims=True)
    cm = jnp.mean(attn, axis=1)
    rst = jnp.zeros((BN3, D_OUT), jnp.float32)
    for m in range(R * H):
        rst = rst + cm[:, m:m + 1] * fc[:, m, :]
    out_ref[...] = jnp.concatenate([x_ref[...], rst], axis=1)
    part_am = jnp.sum(attn, axis=0) * (1.0 / N)

    @pl.when(i == 0)
    def _init():
        am_ref[...] = part_am

    @pl.when(i > 0)
    def _acc():
        am_ref[...] = am_ref[...] + part_am


def _attention(pnum, pden, x):
    L = R * H
    return pl.pallas_call(
        _att_body,
        grid=(GRID3,),
        in_specs=[
            pl.BlockSpec((NC, R, BN3, D_IN), lambda i: (0, 0, i, 0)),
            pl.BlockSpec((NC, R, BN3, D_IN), lambda i: (0, 0, i, 0)),
            pl.BlockSpec((BN3, D_IN), lambda i: (i, 0)),
        ],
        out_specs=[
            pl.BlockSpec((BN3, D_IN + D_OUT), lambda i: (i, 0)),
            pl.BlockSpec((L, L), lambda i: (0, 0)),
        ],
        out_shape=[
            jax.ShapeDtypeStruct((N, D_IN + D_OUT), jnp.float32),
            jax.ShapeDtypeStruct((L, L), jnp.float32),
        ],
    )(pnum, pden, x)



def kernel(x, edge_index, W, attn_l, attn_r):
    mask = (jnp.arange(D_IN)[:, None] // D_OUT == jnp.arange(H)[None, :])
    mask = mask.astype(jnp.float32)
    Pl = attn_l.reshape(R, D_IN)[:, :, None] * mask[None]
    Pr = attn_r.reshape(R, D_IN)[:, :, None] * mask[None]
    zpad = jnp.zeros((R, D_IN, D_IN - 2 * H), jnp.float32)
    Q = jnp.concatenate([Pl, Pr, zpad], axis=2)

    ei = edge_index.reshape(2, R, E)
    roff = (jnp.arange(R, dtype=jnp.int32) * N)[:, None]
    pad = EP - E
    src = jnp.concatenate(
        [ei[0] + roff, jnp.zeros((R, pad), jnp.int32) + roff], axis=1)
    dstg = jnp.minimum(
        jnp.concatenate(
            [ei[1] + roff, jnp.full((R, pad), N, jnp.int32) + roff], axis=1),
        R * N - 1)
    dsts = jnp.concatenate(
        [ei[1], jnp.full((R, pad), N, jnp.int32)], axis=1)
    srcoff = src.reshape(R, NW, NCH, K)
    dstoff = dstg.reshape(R, NW, NCH, K)
    dstacc = dsts.reshape(R, NW, NCH, K)

    feattab, elrtab = _build_tables(x, W, Q)
    feattab = feattab.reshape(R * N, D_IN)
    elrtab = elrtab.reshape(R * N, D_IN)

    pnum, pvals = _num_kernel(srcoff, dstoff, dstacc, feattab, elrtab)
    pden = _den_kernel(dstacc, pvals)

    out, attn_map = _attention(pnum, pden, x)
    return out, attn_map

# --- scband reference (transcript-rebuilt; emitter-appended) ---
"""Pipeline reference for scband-stochastic-multi-layer-rgcn-56968446214863 (READ-ONLY COPY).

The authoritative reference and input builder live on the scoring server;
editing this copy changes nothing except your own understanding.
"""

import jax, jax.numpy as jnp
import numpy as np

# Model constants (from init_kwargs / hparams):
#   single RGAT layer (len(train_sampler_param)=1), pruning disabled
#   feat_dims=[128, 32] -> acc_feat_dim[0]=128 (GAT in), out_feats=32
#   gnn_attention_head H=4, 3 canonical edge types (all node->node)
N = 10000
D_IN = 128
D_OUT = 32
H = 4
R = 3
E_PER_REL = 200000
NEG_SLOPE = 0.2  # DGL GATConv default leaky_relu negative_slope


def setup_inputs(seed: int = 0) -> dict:
    key = jax.random.key(seed)
    ks = jax.random.split(key, 6)
    x = jax.random.normal(ks[0], (N, D_IN), dtype=jnp.float32)
    edge_index = jax.random.randint(ks[1], (2, R * E_PER_REL), 0, N, dtype=jnp.int32)
    # Per-relation GATConv parameters (DGL GATConv: shared fc for src/dst when in_feats is int)
    W = jax.random.normal(ks[2], (R, D_IN, H * D_OUT), dtype=jnp.float32) * (1.0 / np.sqrt(D_IN))
    attn_l = jax.random.normal(ks[3], (R, H, D_OUT), dtype=jnp.float32) * 0.1
    attn_r = jax.random.normal(ks[4], (R, H, D_OUT), dtype=jnp.float32) * 0.1
    return {"x": x, "edge_index": edge_index, "W": W, "attn_l": attn_l, "attn_r": attn_r}


def _leaky_relu(v):
    return jnp.where(v >= 0, v, NEG_SLOPE * v)


def _forward(x, edge_index, W, attn_l, attn_r):
    ei = edge_index.reshape(2, R, E_PER_REL)
    rel_outs = []
    for r in range(R):
        src = ei[0, r]
        dst = ei[1, r]
        # GATConv: linear projection -> [N, H, D_OUT]
        feat = (x @ W[r]).reshape(N, H, D_OUT)
        el = jnp.sum(feat * attn_l[r][None, :, :], axis=-1)  # [N, H]
        er = jnp.sum(feat * attn_r[r][None, :, :], axis=-1)  # [N, H]
        e = _leaky_relu(el[src] + er[dst])  # [E, H]
        # edge softmax over incoming edges per dst node, per head
        m = jax.ops.segment_max(e, dst, num_segments=N)
        m = jnp.where(jnp.isfinite(m), m, 0.0)
        ex = jnp.exp(e - m[dst])
        den = jax.ops.segment_sum(ex, dst, num_segments=N)
        alpha = ex / den[dst]  # [E, H]
        msg = alpha[:, :, None] * feat[src]  # [E, H, D_OUT]
        out_r = jax.ops.segment_sum(msg, dst, num_segments=N)  # [N, H, D_OUT]
        rel_outs.append(out_r)
    # concat per-relation multi-head outputs along dim 1 -> [N, R*H, D_OUT]
    feat_cat = jnp.concatenate(rel_outs, axis=1)
    # attention(feat, feat, feat): scaled dot-product self-attention over the R*H slots
    scores = jnp.einsum('nld,nmd->nlm', feat_cat, feat_cat) / np.sqrt(D_OUT)
    attn = jax.nn.softmax(scores, axis=-1)  # [N, L, L]
    feat_att = jnp.einsum('nlm,nmd->nld', attn, feat_cat)
    attn_map = attn.mean(axis=0)  # [L, L]
    rst = feat_att.mean(axis=1)  # [N, D_OUT]
    out = jnp.concatenate([x, rst], axis=1)  # [N, D_IN + D_OUT]
    return out, attn_map


def reference(x, edge_index, W, attn_l, attn_r):
    return _forward(x, edge_index, W, attn_l, attn_r)

if __name__ == "__main__":
    import jax
    _d = setup_inputs()
    print(jax.jit(kernel)(*tuple(_d.values())))

</pallas_src>

<mosaic_0001>
#map = affine_map<(d0, d1) -> (0, 0, 0, 0)>
#map1 = affine_map<(d0, d1) -> (0, 0)>
#map2 = affine_map<(d0, d1) -> (0, 0, 0, 0, 0)>
module attributes {stable_mosaic.version = 14 : i64} {
  func.func @_num_kernel(%arg0: i32, %arg1: i32, %arg2: memref<3x32x100x64xi32, #tpu.memory_space<hbm>>, %arg3: memref<3x32x100x64xi32, #tpu.memory_space<hbm>>, %arg4: memref<3x32x100x64xi32, #tpu.memory_space<hbm>>, %arg5: memref<30000x128xf32, #tpu.memory_space<hbm>>, %arg6: memref<30000x128xf32, #tpu.memory_space<hbm>>, %arg7: memref<2x3x10000x128xf32, #tpu.memory_space<hbm>>, %arg8: memref<3x32x100x64x16xf32, #tpu.memory_space<hbm>>, %arg9: memref<64xi32, #tpu.memory_space<vmem>>, %arg10: memref<1x64xi32, #tpu.memory_space<vmem>>, %arg11: memref<64xi32, #tpu.memory_space<vmem>>, %arg12: memref<64x128xf32, #tpu.memory_space<vmem>>, %arg13: memref<64x128xf32, #tpu.memory_space<vmem>>, %arg14: memref<64x128xf32, #tpu.memory_space<vmem>>, %arg15: memref<64x16xf32, #tpu.memory_space<vmem>>, %arg16: memref<8x128xf32, #tpu.memory_space<vmem>>, %arg17: memref<10240x128xf32, #tpu.memory_space<vmem_shared>>, %arg18: memref<!tpu.dma_semaphore, #tpu.memory_space<semaphore_mem>>, %arg19: memref<!tpu.dma_semaphore, #tpu.memory_space<semaphore_mem>>, %arg20: memref<!tpu.dma_semaphore, #tpu.memory_space<semaphore_mem>>) attributes {dimension_semantics = [#tpu.dimension_semantics<core_parallel>, #tpu.dimension_semantics<subcore_parallel>], iteration_bounds = array<i64: 2, 16>, scalar_prefetch = 0 : i64, scratch_operands = 12 : i64, tpu.core_type = #tpu.core_type<sc_vector_subcore>, window_params = [{transform_indices = #map}, {transform_indices = #map}, {transform_indices = #map}, {transform_indices = #map1}, {transform_indices = #map1}, {transform_indices = #map}, {transform_indices = #map2}]} {
    %mul3A = arith.constant 16 : i32
    %mul3A_0 = arith.muli %arg0, %mul3A : i32
    %add3A = arith.addi %mul3A_0, %arg1 : i32
    %broadcast_in_dim3A = arith.constant 0.000000e+00 : f32
    %broadcast_in_dim3A_1 = vector.broadcast %broadcast_in_dim3A : f32 to vector<16xf32>
    %scan3A = arith.constant 0 : i32
    %scan3A_2 = arith.constant 0 : i32
    %scan3A_3 = arith.constant 8 : i32
    %scan3A_4 = arith.addi %scan3A_2, %scan3A_3 : i32
    %scan3A_5 = arith.constant 1 : i32
    scf.for %scan3A_122 = %scan3A_2 to %scan3A_4 step %scan3A_5  : i32 {
      %swap3A = arith.index_cast %scan3A_122 : i32 to index
      %swap3A_123 = arith.constant 0 : index
      %swap3A_124 = tpu.vector_load %arg16[%swap3A, %swap3A_123] {strides = array<i32>} : memref<8x128xf32, #tpu.memory_space<vmem>>, vector<16xf32>,
      tpu.vector_store %arg16[%swap3A, %swap3A_123], %broadcast_in_dim3A_1 {strides = array<i32>} : memref<8x128xf32, #tpu.memory_space<vmem>>, vector<16xf32>,
      %swap3A_125 = arith.index_cast %scan3A_122 : i32 to index
      %swap3A_126 = arith.constant 16 : index
      %swap3A_127 = tpu.vector_load %arg16[%swap3A_125, %swap3A_126] {strides = array<i32>} : memref<8x128xf32, #tpu.memory_space<vmem>>, vector<16xf32>,
      tpu.vector_store %arg16[%swap3A_125, %swap3A_126], %broadcast_in_dim3A_1 {strides = array<i32>} : memref<8x128xf32, #tpu.memory_space<vmem>>, vector<16xf32>,
      %swap3A_128 = arith.index_cast %scan3A_122 : i32 to index
      %swap3A_129 = arith.constant 32 : index
      %swap3A_130 = tpu.vector_load %arg16[%swap3A_128, %swap3A_129] {strides = array<i32>} : memref<8x128xf32, #tpu.memory_space<vmem>>, vector<16xf32>,
      tpu.vector_store %arg16[%swap3A_128, %swap3A_129], %broadcast_in_dim3A_1 {strides = array<i32>} : memref<8x128xf32, #tpu.memory_space<vmem>>, vector<16xf32>,
      %swap3A_131 = arith.index_cast %scan3A_122 : i32 to index
      %swap3A_132 = arith.constant 48 : index
      %swap3A_133 = tpu.vector_load %arg16[%swap3A_131, %swap3A_132] {strides = array<i32>} : memref<8x128xf32, #tpu.memory_space<vmem>>, vector<16xf32>,
      tpu.vector_store %arg16[%swap3A_131, %swap3A_132], %broadcast_in_dim3A_1 {strides = array<i32>} : memref<8x128xf32, #tpu.memory_space<vmem>>, vector<16xf32>,
      %swap3A_134 = arith.index_cast %scan3A_122 : i32 to index
      %swap3A_135 = arith.constant 64 : index
      %swap3A_136 = tpu.vector_load %arg16[%swap3A_134, %swap3A_135] {strides = array<i32>} : memref<8x128xf32, #tpu.memory_space<vmem>>, vector<16xf32>,
      tpu.vector_store %arg16[%swap3A_134, %swap3A_135], %broadcast_in_dim3A_1 {strides = array<i32>} : memref<8x128xf32, #tpu.memory_space<vmem>>, vector<16xf32>,
      %swap3A_137 = arith.index_cast %scan3A_122 : i32 to index
      %swap3A_138 = arith.constant 80 : index
      %swap3A_139 = tpu.vector_load %arg16[%swap3A_137, %swap3A_138] {strides = array<i32>} : memref<8x128xf32, #tpu.memory_space<vmem>>, vector<16xf32>,
      tpu.vector_store %arg16[%swap3A_137, %swap3A_138], %broadcast_in_dim3A_1 {strides = array<i32>} : memref<8x128xf32, #tpu.memory_space<vmem>>, vector<16xf32>,
      %swap3A_140 = arith.index_cast %scan3A_122 : i32 to index
      %swap3A_141 = arith.constant 96 : index
      %swap3A_142 = tpu.vector_load %arg16[%swap3A_140, %swap3A_141] {strides = array<i32>} : memref<8x128xf32, #tpu.memory_space<vmem>>, vector<16xf32>,
      tpu.vector_store %arg16[%swap3A_140, %swap3A_141], %broadcast_in_dim3A_1 {strides = array<i32>} : memref<8x128xf32, #tpu.memory_space<vmem>>, vector<16xf32>,
      %swap3A_143 = arith.index_cast %scan3A_122 : i32 to index
      %swap3A_144 = arith.constant 112 : index
      %swap3A_145 = tpu.vector_load %arg16[%swap3A_143, %swap3A_144] {strides = array<i32>} : memref<8x128xf32, #tpu.memory_space<vmem>>, vector<16xf32>,
      tpu.vector_store %arg16[%swap3A_143, %swap3A_144], %broadcast_in_dim3A_1 {strides = array<i32>} : memref<8x128xf32, #tpu.memory_space<vmem>>, vector<16xf32>,
    }
    %scan3A_6 = arith.constant 8 : i32
    %iota3A = tpu.iota {dimensions = array<i32: 0>} : vector<16xi32>
    %add3A_7 = arith.constant 4 : i32
    %add3A_8 = vector.broadcast %add3A_7 : i32 to vector<16xi32>
    %add3A_9 = arith.addi %iota3A, %add3A_8 : vector<16xi32>
    %jit3A = arith.constant 16 : i32
    %eq3A = arith.constant 0 : i32
    %eq3A_10 = arith.cmpi eq, %jit3A, %eq3A : i32
    %jit3A_11 = arith.constant 1 : i32
    %select_n3A = arith.select %eq3A_10, %jit3A_11, %jit3A : i32
    %rem3A = vector.broadcast %select_n3A : i32 to vector<16xi32>
    %rem3A_12 = arith.remsi %add3A_9, %rem3A : vector<16xi32>
    %ne3A = arith.constant 0 : i32
    %ne3A_13 = vector.broadcast %ne3A : i32 to vector<16xi32>
    %ne3A_14 = arith.cmpi ne, %rem3A_12, %ne3A_13 : vector<16xi32>
    %lt3A = arith.constant 0 : i32
    %lt3A_15 = vector.broadcast %lt3A : i32 to vector<16xi32>
    %lt3A_16 = arith.cmpi slt, %rem3A_12, %lt3A_15 : vector<16xi32>
    %lt3A_17 = arith.constant 0 : i32
    %lt3A_18 = arith.cmpi slt, %select_n3A, %lt3A_17 : i32
    %ne3A_19 = vector.broadcast %lt3A_18 : i1 to vector<16xi1>
    %ne3A_20 = vector.broadcast %ne3A_19 : vector<16xi1> to vector<16xi1>
    %ne3A_21 = arith.xori %lt3A_16, %ne3A_20 : vector<16xi1>
    %and3A = arith.andi %ne3A_21, %ne3A_14 : vector<16xi1>
    %add3A_22 = vector.broadcast %select_n3A : i32 to vector<16xi32>
    %add3A_23 = arith.addi %rem3A_12, %add3A_22 : vector<16xi32>
    %select_n3A_24 = arith.select %and3A, %add3A_23, %rem3A_12 : vector<16xi1>, vector<16xi32>
    %reshape3A = vector.shape_cast %select_n3A_24 : vector<16xi32> to vector<16x1xi32>
    %broadcast_in_dim3A_25 = arith.constant 0 : i32
    %broadcast_in_dim3A_26 = vector.broadcast %broadcast_in_dim3A_25 : i32 to vector<16x1xi32>
    %broadcast_in_dim3A_27 = arith.constant 1 : i32
    %broadcast_in_dim3A_28 = vector.broadcast %broadcast_in_dim3A_27 : i32 to vector<16x1xi32>
    %broadcast_in_dim3A_29 = arith.constant 2 : i32
    %broadcast_in_dim3A_30 = vector.broadcast %broadcast_in_dim3A_29 : i32 to vector<16x1xi32>
    %broadcast_in_dim3A_31 = arith.constant 3 : i32
    %broadcast_in_dim3A_32 = vector.broadcast %broadcast_in_dim3A_31 : i32 to vector<16x1xi32>
    %scan3A_33 = arith.constant 0 : i32
    %scan3A_34 = arith.constant 0 : i32
    %scan3A_35 = arith.constant 80 : i32
    %scan3A_36 = arith.addi %scan3A_34, %scan3A_35 : i32
    %scan3A_37 = arith.constant 1 : i32
    scf.for %scan3A_122 = %scan3A_34 to %scan3A_36 step %scan3A_37  : i32 {
      %mul3A_123 = arith.constant 640 : i32
      %mul3A_124 = arith.muli %arg1, %mul3A_123 : i32
      %mul3A_125 = arith.constant 8 : i32
      %mul3A_126 = arith.muli %scan3A_122, %mul3A_125 : i32
      %add3A_127 = arith.addi %mul3A_124, %mul3A_126 : i32
      "tpu.region"() ({
        %run_scoped3A_128 = tpu.sem_alloc : memref<!tpu.dma_semaphore, #tpu.memory_space<semaphore_mem>>
        %dma_start3A = arith.constant 0 : i32
        %dma_start3A_129 = tpu.memref_slice %arg17[%add3A_127, %dma_start3A] : memref<10240x128xf32, #tpu.memory_space<vmem_shared>> -> memref<8x128xf32, #tpu.memory_space<vmem_shared>>
        %dma_start3A_130 = arith.constant 0 : i32
        %dma_start3A_131 = tpu.memref_slice %arg17[%add3A_127, %dma_start3A_130] : memref<10240x128xf32, #tpu.memory_space<vmem_shared>> -> memref<8x128xf32, #tpu.memory_space<vmem_shared>>
        tpu.enqueue_dma source(%arg16 : memref<8x128xf32, #tpu.memory_space<vmem>>) target(%dma_start3A_131 : memref<8x128xf32, #tpu.memory_space<vmem_shared>>) target_semaphore(%run_scoped3A_128 : memref<!tpu.dma_semaphore, #tpu.memory_space<semaphore_mem>>)
        %dma_wait3A = arith.constant 0 : i32
        %dma_wait3A_132 = tpu.memref_slice %arg17[%add3A_127, %dma_wait3A] : memref<10240x128xf32, #tpu.memory_space<vmem_shared>> -> memref<8x128xf32, #tpu.memory_space<vmem_shared>>
        %dma_wait3A_133 = arith.constant 0 : i32
        %dma_wait3A_134 = tpu.memref_slice %arg17[%add3A_127, %dma_wait3A_133] : memref<10240x128xf32, #tpu.memory_space<vmem_shared>> -> memref<8x128xf32, #tpu.memory_space<vmem_shared>>
        tpu.wait_dma2 semaphore(%run_scoped3A_128 : memref<!tpu.dma_semaphore, #tpu.memory_space<semaphore_mem>>) src(%arg16 : memref<8x128xf32, #tpu.memory_space<vmem>>) dst(%dma_wait3A_134 : memref<8x128xf32, #tpu.memory_space<vmem_shared>>)
        tpu.yield
      }) : () -> ()
    }
    %scan3A_38 = arith.constant 80 : i32
    %barrier3A = arith.constant 0 : index
    tpu.barrier barrier_id(%barrier3A)
    %scan3A_39 = arith.constant 0 : i32
    %scan3A_40 = arith.constant 0 : i32
    %scan3A_41 = arith.constant 100 : i32
    %scan3A_42 = arith.addi %scan3A_40, %scan3A_41 : i32
    %scan3A_43 = arith.constant 1 : i32
    scf.for %scan3A_122 = %scan3A_40 to %scan3A_42 step %scan3A_43  : i32 {
      %dma_start3A = arith.constant 0 : i32
      %dma_start3A_123 = arith.constant 0 : i32
      %dma_start3A_124 = tpu.memref_slice %arg2[%dma_start3A, %add3A, %scan3A_122, %dma_start3A_123] : memref<3x32x100x64xi32, #tpu.memory_space<hbm>> -> memref<1x1x1x64xi32, #tpu.memory_space<hbm>>
      %dma_start3A_125 = tpu.memref_squeeze %dma_start3A_124 : memref<1x1x1x64xi32, #tpu.memory_space<hbm>> -> memref<64xi32, #tpu.memory_space<hbm>>
      %dma_start3A_126 = arith.constant 0 : i32
      %dma_start3A_127 = tpu.memref_slice %arg2[%dma_start3A, %add3A, %scan3A_122, %dma_start3A_126] : memref<3x32x100x64xi32, #tpu.memory_space<hbm>> -> memref<1x1x1x64xi32, #tpu.memory_space<hbm>>
      %dma_start3A_128 = tpu.memref_squeeze %dma_start3A_127 : memref<1x1x1x64xi32, #tpu.memory_space<hbm>> -> memref<64xi32, #tpu.memory_space<hbm>>
      tpu.enqueue_dma source(%dma_start3A_128 : memref<64xi32, #tpu.memory_space<hbm>>) target(%arg9 : memref<64xi32, #tpu.memory_space<vmem>>) target_semaphore(%arg18 : memref<!tpu.dma_semaphore, #tpu.memory_space<semaphore_mem>>)
      %dma_start3A_129 = arith.constant 0 : i32
      %dma_start3A_130 = arith.constant 0 : i32
      %dma_start3A_131 = tpu.memref_slice %arg3[%dma_start3A_129, %add3A, %scan3A_122, %dma_start3A_130] : memref<3x32x100x64xi32, #tpu.memory_space<hbm>> -> memref<1x1x1x64xi32, #tpu.memory_space<hbm>>
      %dma_start3A_132 = tpu.memref_squeeze %dma_start3A_131 : memref<1x1x1x64xi32, #tpu.memory_space<hbm>> -> memref<64xi32, #tpu.memory_space<hbm>>
      %dma_start3A_133 = arith.constant 0 : i32
      %dma_start3A_134 = tpu.memref_slice %arg3[%dma_start3A_129, %add3A, %scan3A_122, %dma_start3A_133] : memref<3x32x100x64xi32, #tpu.memory_space<hbm>> -> memref<1x1x1x64xi32, #tpu.memory_space<hbm>>
      %dma_start3A_135 = tpu.memref_squeeze %dma_start3A_134 : memref<1x1x1x64xi32, #tpu.memory_space<hbm>> -> memref<64xi32, #tpu.memory_space<hbm>>
      tpu.enqueue_dma source(%dma_start3A_135 : memref<64xi32, #tpu.memory_space<hbm>>) target(%arg11 : memref<64xi32, #tpu.memory_space<vmem>>) target_semaphore(%arg19 : memref<!tpu.dma_semaphore, #tpu.memory_space<semaphore_mem>>)
      %dma_start3A_136 = arith.constant 0 : i32
      %dma_start3A_137 = arith.constant 0 : i32
      %dma_start3A_138 = tpu.memref_slice %arg4[%dma_start3A_136, %add3A, %scan3A_122, %dma_start3A_137] : memref<3x32x100x64xi32, #tpu.memory_space<hbm>> -> memref<1x1x1x64xi32, #tpu.memory_space<hbm>>
      %dma_start3A_139 = tpu.memref_squeeze %dma_start3A_138 : memref<1x1x1x64xi32, #tpu.memory_space<hbm>> -> memref<1x64xi32, #tpu.memory_space<hbm>>
      %dma_start3A_140 = arith.constant 0 : i32
      %dma_start3A_141 = tpu.memref_slice %arg4[%dma_start3A_136, %add3A, %scan3A_122, %dma_start3A_140] : memref<3x32x100x64xi32, #tpu.memory_space<hbm>> -> memref<1x1x1x64xi32, #tpu.memory_space<hbm>>
      %dma_start3A_142 = tpu.memref_squeeze %dma_start3A_141 : memref<1x1x1x64xi32, #tpu.memory_space<hbm>> -> memref<1x64xi32, #tpu.memory_space<hbm>>
      tpu.enqueue_dma source(%dma_start3A_142 : memref<1x64xi32, #tpu.memory_space<hbm>>) target(%arg10 : memref<1x64xi32, #tpu.memory_space<vmem>>) target_semaphore(%arg20 : memref<!tpu.dma_semaphore, #tpu.memory_space<semaphore_mem>>)
      %dma_wait3A = arith.constant 0 : i32
      %dma_wait3A_143 = arith.constant 0 : i32
      %dma_wait3A_144 = tpu.memref_slice %arg2[%dma_wait3A, %add3A, %scan3A_122, %dma_wait3A_143] : memref<3x32x100x64xi32, #tpu.memory_space<hbm>> -> memref<1x1x1x64xi32, #tpu.memory_space<hbm>>
      %dma_wait3A_145 = tpu.memref_squeeze %dma_wait3A_144 : memref<1x1x1x64xi32, #tpu.memory_space<hbm>> -> memref<64xi32, #tpu.memory_space<hbm>>
      %dma_wait3A_146 = arith.constant 0 : i32
      %dma_wait3A_147 = tpu.memref_slice %arg2[%dma_wait3A, %add3A, %scan3A_122, %dma_wait3A_146] : memref<3x32x100x64xi32, #tpu.memory_space<hbm>> -> memref<1x1x1x64xi32, #tpu.memory_space<hbm>>
      %dma_wait3A_148 = tpu.memref_squeeze %dma_wait3A_147 : memref<1x1x1x64xi32, #tpu.memory_space<hbm>> -> memref<64xi32, #tpu.memory_space<hbm>>
      tpu.wait_dma2 semaphore(%arg18 : memref<!tpu.dma_semaphore, #tpu.memory_space<semaphore_mem>>) src(%dma_wait3A_148 : memref<64xi32, #tpu.memory_space<hbm>>) dst(%arg9 : memref<64xi32, #tpu.memory_space<vmem>>)
      %dma_wait3A_149 = arith.constant 0 : i32
      %dma_wait3A_150 = arith.constant 0 : i32
      %dma_wait3A_151 = tpu.memref_slice %arg3[%dma_wait3A_149, %add3A, %scan3A_122, %dma_wait3A_150] : memref<3x32x100x64xi32, #tpu.memory_space<hbm>> -> memref<1x1x1x64xi32, #tpu.memory_space<hbm>>
      %dma_wait3A_152 = tpu.memref_squeeze %dma_wait3A_151 : memref<1x1x1x64xi32, #tpu.memory_space<hbm>> -> memref<64xi32, #tpu.memory_space<hbm>>
      %dma_wait3A_153 = arith.constant 0 : i32
      %dma_wait3A_154 = tpu.memref_slice %arg3[%dma_wait3A_149, %add3A, %scan3A_122, %dma_wait3A_153] : memref<3x32x100x64xi32, #tpu.memory_space<hbm>> -> memref<1x1x1x64xi32, #tpu.memory_space<hbm>>
      %dma_wait3A_155 = tpu.memref_squeeze %dma_wait3A_154 : memref<1x1x1x64xi32, #tpu.memory_space<hbm>> -> memref<64xi32, #tpu.memory_space<hbm>>
      tpu.wait_dma2 semaphore(%arg19 : memref<!tpu.dma_semaphore, #tpu.memory_space<semaphore_mem>>) src(%dma_wait3A_155 : memref<64xi32, #tpu.memory_space<hbm>>) dst(%arg11 : memref<64xi32, #tpu.memory_space<vmem>>)
      %dma_wait3A_156 = arith.constant 0 : i32
      %dma_wait3A_157 = arith.constant 0 : i32
      %dma_wait3A_158 = tpu.memref_slice %arg4[%dma_wait3A_156, %add3A, %scan3A_122, %dma_wait3A_157] : memref<3x32x100x64xi32, #tpu.memory_space<hbm>> -> memref<1x1x1x64xi32, #tpu.memory_space<hbm>>
      %dma_wait3A_159 = tpu.memref_squeeze %dma_wait3A_158 : memref<1x1x1x64xi32, #tpu.memory_space<hbm>> -> memref<1x64xi32, #tpu.memory_space<hbm>>
      %dma_wait3A_160 = arith.constant 0 : i32
      %dma_wait3A_161 = tpu.memref_slice %arg4[%dma_wait3A_156, %add3A, %scan3A_122, %dma_wait3A_160] : memref<3x32x100x64xi32, #tpu.memory_space<hbm>> -> memref<1x1x1x64xi32, #tpu.memory_space<hbm>>
      %dma_wait3A_162 = tpu.memref_squeeze %dma_wait3A_161 : memref<1x1x1x64xi32, #tpu.memory_space<hbm>> -> memref<1x64xi32, #tpu.memory_space<hbm>>
      tpu.wait_dma2 semaphore(%arg20 : memref<!tpu.dma_semaphore, #tpu.memory_space<semaphore_mem>>) src(%dma_wait3A_162 : memref<1x64xi32, #tpu.memory_space<hbm>>) dst(%arg10 : memref<1x64xi32, #tpu.memory_space<vmem>>)
      %dma_start3A_163 = arith.constant 0 : i32
      %dma_start3A_164 = arith.constant 0 : i32
      %dma_start3A_165 = tpu.memref_slice %arg5[%dma_start3A_163, %dma_start3A_164] : memref<30000x128xf32, #tpu.memory_space<hbm>> -> memref<30000x128xf32, #tpu.memory_space<hbm>>
      tpu.enqueue_indirect_dma source(%dma_start3A_165 : memref<30000x128xf32, #tpu.memory_space<hbm>>) target(%arg12 : memref<64x128xf32, #tpu.memory_space<vmem>>) offsets(%arg9 : memref<64xi32, #tpu.memory_space<vmem>>) semaphore(%arg18 : memref<!tpu.dma_semaphore, #tpu.memory_space<semaphore_mem>>)
      %dma_start3A_166 = arith.constant 0 : i32
      %dma_start3A_167 = arith.constant 0 : i32
      %dma_start3A_168 = tpu.memref_slice %arg6[%dma_start3A_166, %dma_start3A_167] : memref<30000x128xf32, #tpu.memory_space<hbm>> -> memref<30000x128xf32, #tpu.memory_space<hbm>>
      tpu.enqueue_indirect_dma source(%dma_start3A_168 : memref<30000x128xf32, #tpu.memory_space<hbm>>) target(%arg13 : memref<64x128xf32, #tpu.memory_space<vmem>>) offsets(%arg9 : memref<64xi32, #tpu.memory_space<vmem>>) semaphore(%arg19 : memref<!tpu.dma_semaphore, #tpu.memory_space<semaphore_mem>>)
      %dma_start3A_169 = arith.constant 0 : i32
      %dma_start3A_170 = arith.constant 0 : i32
      %dma_start3A_171 = tpu.memref_slice %arg6[%dma_start3A_169, %dma_start3A_170] : memref<30000x128xf32, #tpu.memory_space<hbm>> -> memref<30000x128xf32, #tpu.memory_space<hbm>>
      tpu.enqueue_indirect_dma source(%dma_start3A_171 : memref<30000x128xf32, #tpu.memory_space<hbm>>) target(%arg14 : memref<64x128xf32, #tpu.memory_space<vmem>>) offsets(%arg11 : memref<64xi32, #tpu.memory_space<vmem>>) semaphore(%arg20 : memref<!tpu.dma_semaphore, #tpu.memory_space<semaphore_mem>>)
      %dma_wait3A_172 = arith.constant 0 : i32
      %dma_wait3A_173 = arith.constant 0 : i32
      %dma_wait3A_174 = tpu.memref_slice %arg5[%dma_wait3A_172, %dma_wait3A_173] : memref<30000x128xf32, #tpu.memory_space<hbm>> -> memref<30000x128xf32, #tpu.memory_space<hbm>>
      tpu.wait_indirect_dma semaphore(%arg18 : memref<!tpu.dma_semaphore, #tpu.memory_space<semaphore_mem>>) src(%dma_wait3A_174 : memref<30000x128xf32, #tpu.memory_space<hbm>>) dst(%arg12 : memref<64x128xf32, #tpu.memory_space<vmem>>)
      %dma_wait3A_175 = arith.constant 0 : i32
      %dma_wait3A_176 = arith.constant 0 : i32
      %dma_wait3A_177 = tpu.memref_slice %arg6[%dma_wait3A_175, %dma_wait3A_176] : memref<30000x128xf32, #tpu.memory_space<hbm>> -> memref<30000x128xf32, #tpu.memory_space<hbm>>
      tpu.wait_indirect_dma semaphore(%arg19 : memref<!tpu.dma_semaphore, #tpu.memory_space<semaphore_mem>>) src(%dma_wait3A_177 : memref<30000x128xf32, #tpu.memory_space<hbm>>) dst(%arg13 : memref<64x128xf32, #tpu.memory_space<vmem>>)
      %dma_wait3A_178 = arith.constant 0 : i32
      %dma_wait3A_179 = arith.constant 0 : i32
      %dma_wait3A_180 = tpu.memref_slice %arg6[%dma_wait3A_178, %dma_wait3A_179] : memref<30000x128xf32, #tpu.memory_space<hbm>> -> memref<30000x128xf32, #tpu.memory_space<hbm>>
      tpu.wait_indirect_dma semaphore(%arg20 : memref<!tpu.dma_semaphore, #tpu.memory_space<semaphore_mem>>) src(%dma_wait3A_180 : memref<30000x128xf32, #tpu.memory_space<hbm>>) dst(%arg14 : memref<64x128xf32, #tpu.memory_space<vmem>>)
      %scan3A_181 = arith.constant 0 : i32
      %scan3A_182 = arith.constant 0 : i32
      %scan3A_183 = arith.constant 64 : i32
      %scan3A_184 = arith.addi %scan3A_182, %scan3A_183 : i32
      %scan3A_185 = arith.constant 1 : i32
      scf.for %scan3A_219 = %scan3A_182 to %scan3A_184 step %scan3A_185  : i32 {
        %get3A = arith.index_cast %scan3A_219 : i32 to index
        %get3A_220 = arith.constant 0 : index
        %get3A_221 = tpu.vector_load %arg13[%get3A, %get3A_220] {strides = array<i32>} : memref<64x128xf32, #tpu.memory_space<vmem>>, vector<16xf32>,
        %get3A_222 = arith.index_cast %scan3A_219 : i32 to index
        %get3A_223 = arith.constant 0 : index
        %get3A_224 = tpu.vector_load %arg14[%get3A_222, %get3A_223] {strides = array<i32>} : memref<64x128xf32, #tpu.memory_space<vmem>>, vector<16xf32>,
        %gather3A = vector.shape_cast %reshape3A : vector<16x1xi32> to vector<16xi32>
        %gather3A_225 = tpu.dynamic_gather %get3A_224[%gather3A] in [0] : vector<16xf32>, vector<16xi32> -> vector<16xf32>
        %add3A_226 = arith.addf %get3A_221, %gather3A_225 : vector<16xf32>
        %ge3A = arith.constant 0.000000e+00 : f32
        %ge3A_227 = vector.broadcast %ge3A : f32 to vector<16xf32>
        %ge3A_228 = arith.cmpf oge, %add3A_226, %ge3A_227 : vector<16xf32>
        %mul3A_229 = arith.constant 2.000000e-01 : f32
        %mul3A_230 = vector.broadcast %mul3A_229 : f32 to vector<16xf32>
        %mul3A_231 = arith.mulf %mul3A_230, %add3A_226 : vector<16xf32>
        %select_n3A_232 = arith.select %ge3A_228, %add3A_226, %mul3A_231 : vector<16xi1>, vector<16xf32>
        %exp3A = math.exp %select_n3A_232 : vector<16xf32>
        %swap3A = arith.index_cast %scan3A_219 : i32 to index
        %swap3A_233 = arith.constant 0 : index
        %swap3A_234 = tpu.vector_load %arg15[%swap3A, %swap3A_233] {strides = array<i32>} : memref<64x16xf32, #tpu.memory_space<vmem>>, vector<16xf32>,
        tpu.vector_store %arg15[%swap3A, %swap3A_233], %exp3A {strides = array<i32>} : memref<64x16xf32, #tpu.memory_space<vmem>>, vector<16xf32>,
        %gather3A_235 = vector.shape_cast %broadcast_in_dim3A_26 : vector<16x1xi32> to vector<16xi32>
        %gather3A_236 = tpu.dynamic_gather %exp3A[%gather3A_235] in [0] : vector<16xf32>, vector<16xi32> -> vector<16xf32>
        %get3A_237 = arith.index_cast %scan3A_219 : i32 to index
        %get3A_238 = arith.constant 0 : index
        %get3A_239 = tpu.vector_load %arg12[%get3A_237, %get3A_238] {strides = array<i32>} : memref<64x128xf32, #tpu.memory_space<vmem>>, vector<16xf32>,
        %mul3A_240 = arith.mulf %get3A_239, %gather3A_236 : vector<16xf32>
        %swap3A_241 = arith.index_cast %scan3A_219 : i32 to index
        %swap3A_242 = arith.constant 0 : index
        %swap3A_243 = tpu.vector_load %arg12[%swap3A_241, %swap3A_242] {strides = array<i32>} : memref<64x128xf32, #tpu.memory_space<vmem>>, vector<16xf32>,
        tpu.vector_store %arg12[%swap3A_241, %swap3A_242], %mul3A_240 {strides = array<i32>} : memref<64x128xf32, #tpu.memory_space<vmem>>, vector<16xf32>,
        %gather3A_244 = vector.shape_cast %broadcast_in_dim3A_26 : vector<16x1xi32> to vector<16xi32>
        %gather3A_245 = tpu.dynamic_gather %exp3A[%gather3A_244] in [0] : vector<16xf32>, vector<16xi32> -> vector<16xf32>
        %get3A_246 = arith.index_cast %scan3A_219 : i32 to index
        %get3A_247 = arith.constant 16 : index
        %get3A_248 = tpu.vector_load %arg12[%get3A_246, %get3A_247] {strides = array<i32>} : memref<64x128xf32, #tpu.memory_space<vmem>>, vector<16xf32>,
        %mul3A_249 = arith.mulf %get3A_248, %gather3A_245 : vector<16xf32>
        %swap3A_250 = arith.index_cast %scan3A_219 : i32 to index
        %swap3A_251 = arith.constant 16 : index
        %swap3A_252 = tpu.vector_load %arg12[%swap3A_250, %swap3A_251] {strides = array<i32>} : memref<64x128xf32, #tpu.memory_space<vmem>>, vector<16xf32>,
        tpu.vector_store %arg12[%swap3A_250, %swap3A_251], %mul3A_249 {strides = array<i32>} : memref<64x128xf32, #tpu.memory_space<vmem>>, vector<16xf32>,
        %gather3A_253 = vector.shape_cast %broadcast_in_dim3A_28 : vector<16x1xi32> to vector<16xi32>
        %gather3A_254 = tpu.dynamic_gather %exp3A[%gather3A_253] in [0] : vector<16xf32>, vector<16xi32> -> vector<16xf32>
        %get3A_255 = arith.index_cast %scan3A_219 : i32 to index
        %get3A_256 = arith.constant 32 : index
        %get3A_257 = tpu.vector_load %arg12[%get3A_255, %get3A_256] {strides = array<i32>} : memref<64x128xf32, #tpu.memory_space<vmem>>, vector<16xf32>,
        %mul3A_258 = arith.mulf %get3A_257, %gather3A_254 : vector<16xf32>
        %swap3A_259 = arith.index_cast %scan3A_219 : i32 to index
        %swap3A_260 = arith.constant 32 : index
        %swap3A_261 = tpu.vector_load %arg12[%swap3A_259, %swap3A_260] {strides = array<i32>} : memref<64x128xf32, #tpu.memory_space<vmem>>, vector<16xf32>,
        tpu.vector_store %arg12[%swap3A_259, %swap3A_260], %mul3A_258 {strides = array<i32>} : memref<64x128xf32, #tpu.memory_space<vmem>>, vector<16xf32>,
        %gather3A_262 = vector.shape_cast %broadcast_in_dim3A_28 : vector<16x1xi32> to vector<16xi32>
        %gather3A_263 = tpu.dynamic_gather %exp3A[%gather3A_262] in [0] : vector<16xf32>, vector<16xi32> -> vector<16xf32>
        %get3A_264 = arith.index_cast %scan3A_219 : i32 to index
        %get3A_265 = arith.constant 48 : index
        %get3A_266 = tpu.vector_load %arg12[%get3A_264, %get3A_265] {strides = array<i32>} : memref<64x128xf32, #tpu.memory_space<vmem>>, vector<16xf32>,
        %mul3A_267 = arith.mulf %get3A_266, %gather3A_263 : vector<16xf32>
        %swap3A_268 = arith.index_cast %scan3A_219 : i32 to index
        %swap3A_269 = arith.constant 48 : index
        %swap3A_270 = tpu.vector_load %arg12[%swap3A_268, %swap3A_269] {strides = array<i32>} : memref<64x128xf32, #tpu.memory_space<vmem>>, vector<16xf32>,
        tpu.vector_store %arg12[%swap3A_268, %swap3A_269], %mul3A_267 {strides = array<i32>} : memref<64x128xf32, #tpu.memory_space<vmem>>, vector<16xf32>,
        %gather3A_271 = vector.shape_cast %broadcast_in_dim3A_30 : vector<16x1xi32> to vector<16xi32>
        %gather3A_272 = tpu.dynamic_gather %exp3A[%gather3A_271] in [0] : vector<16xf32>, vector<16xi32> -> vector<16xf32>
        %get3A_273 = arith.index_cast %scan3A_219 : i32 to index
        %get3A_274 = arith.constant 64 : index
        %get3A_275 = tpu.vector_load %arg12[%get3A_273, %get3A_274] {strides = array<i32>} : memref<64x128xf32, #tpu.memory_space<vmem>>, vector<16xf32>,
        %mul3A_276 = arith.mulf %get3A_275, %gather3A_272 : vector<16xf32>
        %swap3A_277 = arith.index_cast %scan3A_219 : i32 to index
        %swap3A_278 = arith.constant 64 : index
        %swap3A_279 = tpu.vector_load %arg12[%swap3A_277, %swap3A_278] {strides = array<i32>} : memref<64x128xf32, #tpu.memory_space<vmem>>, vector<16xf32>,
        tpu.vector_store %arg12[%swap3A_277, %swap3A_278], %mul3A_276 {strides = array<i32>} : memref<64x128xf32, #tpu.memory_space<vmem>>, vector<16xf32>,
        %gather3A_280 = vector.shape_cast %broadcast_in_dim3A_30 : vector<16x1xi32> to vector<16xi32>
        %gather3A_281 = tpu.dynamic_gather %exp3A[%gather3A_280] in [0] : vector<16xf32>, vector<16xi32> -> vector<16xf32>
        %get3A_282 = arith.index_cast %scan3A_219 : i32 to index
        %get3A_283 = arith.constant 80 : index
        %get3A_284 = tpu.vector_load %arg12[%get3A_282, %get3A_283] {strides = array<i32>} : memref<64x128xf32, #tpu.memory_space<vmem>>, vector<16xf32>,
        %mul3A_285 = arith.mulf %get3A_284, %gather3A_281 : vector<16xf32>
        %swap3A_286 = arith.index_cast %scan3A_219 : i32 to index
        %swap3A_287 = arith.constant 80 : index
        %swap3A_288 = tpu.vector_load %arg12[%swap3A_286, %swap3A_287] {strides = array<i32>} : memref<64x128xf32, #tpu.memory_space<vmem>>, vector<16xf32>,
        tpu.vector_store %arg12[%swap3A_286, %swap3A_287], %mul3A_285 {strides = array<i32>} : memref<64x128xf32, #tpu.memory_space<vmem>>, vector<16xf32>,
        %gather3A_289 = vector.shape_cast %broadcast_in_dim3A_32 : vector<16x1xi32> to vector<16xi32>
        %gather3A_290 = tpu.dynamic_gather %exp3A[%gather3A_289] in [0] : vector<16xf32>, vector<16xi32> -> vector<16xf32>
        %get3A_291 = arith.index_cast %scan3A_219 : i32 to index
        %get3A_292 = arith.constant 96 : index
        %get3A_293 = tpu.vector_load %arg12[%get3A_291, %get3A_292] {strides = array<i32>} : memref<64x128xf32, #tpu.memory_space<vmem>>, vector<16xf32>,
        %mul3A_294 = arith.mulf %get3A_293, %gather3A_290 : vector<16xf32>
        %swap3A_295 = arith.index_cast %scan3A_219 : i32 to index
        %swap3A_296 = arith.constant 96 : index
        %swap3A_297 = tpu.vector_load %arg12[%swap3A_295, %swap3A_296] {strides = array<i32>} : memref<64x128xf32, #tpu.memory_space<vmem>>, vector<16xf32>,
        tpu.vector_store %arg12[%swap3A_295, %swap3A_296], %mul3A_294 {strides = array<i32>} : memref<64x128xf32, #tpu.memory_space<vmem>>, vector<16xf32>,
        %gather3A_298 = vector.shape_cast %broadcast_in_dim3A_32 : vector<16x1xi32> to vector<16xi32>
        %gather3A_299 = tpu.dynamic_gather %exp3A[%gather3A_298] in [0] : vector<16xf32>, vector<16xi32> -> vector<16xf32>
        %get3A_300 = arith.index_cast %scan3A_219 : i32 to index
        %get3A_301 = arith.constant 112 : index
        %get3A_302 = tpu.vector_load %arg12[%get3A_300, %get3A_301] {strides = array<i32>} : memref<64x128xf32, #tpu.memory_space<vmem>>, vector<16xf32>,
        %mul3A_303 = arith.mulf %get3A_302, %gather3A_299 : vector<16xf32>
        %swap3A_304 = arith.index_cast %scan3A_219 : i32 to index
        %swap3A_305 = arith.constant 112 : index
        %swap3A_306 = tpu.vector_load %arg12[%swap3A_304, %swap3A_305] {strides = array<i32>} : memref<64x128xf32, #tpu.memory_space<vmem>>, vector<16xf32>,
        tpu.vector_store %arg12[%swap3A_304, %swap3A_305], %mul3A_303 {strides = array<i32>} : memref<64x128xf32, #tpu.memory_space<vmem>>, vector<16xf32>,
      }
      %scan3A_186 = arith.constant 64 : i32
      %dma_start3A_187 = arith.constant 0 : i32
      %dma_start3A_188 = arith.constant 0 : i32
      %dma_start3A_189 = tpu.memref_slice %arg10[%dma_start3A_187, %dma_start3A_188] : memref<1x64xi32, #tpu.memory_space<vmem>> -> memref<1x64xi32, #tpu.memory_space<vmem>>
      %dma_start3A_190 = tpu.memref_squeeze %dma_start3A_189 : memref<1x64xi32, #tpu.memory_space<vmem>> -> memref<64xi32, #tpu.memory_space<vmem>>
      %dma_start3A_191 = arith.constant 0 : i32
      %dma_start3A_192 = arith.constant 0 : i32
      %dma_start3A_193 = tpu.memref_slice %arg17[%dma_start3A_191, %dma_start3A_192] : memref<10240x128xf32, #tpu.memory_space<vmem_shared>> -> memref<10240x128xf32, #tpu.memory_space<vmem_shared>>
      tpu.enqueue_indirect_dma source(%arg12 : memref<64x128xf32, #tpu.memory_space<vmem>>) target(%dma_start3A_193 : memref<10240x128xf32, #tpu.memory_space<vmem_shared>>) offsets(%dma_start3A_190 : memref<64xi32, #tpu.memory_space<vmem>>) semaphore(%arg18 : memref<!tpu.dma_semaphore, #tpu.memory_space<semaphore_mem>>) {add = true}
      %dma_start3A_194 = arith.constant 0 : i32
      %dma_start3A_195 = arith.constant 0 : i32
      %dma_start3A_196 = arith.constant 0 : i32
      %dma_start3A_197 = tpu.memref_slice %arg8[%dma_start3A_194, %add3A, %scan3A_122, %dma_start3A_195, %dma_start3A_196] : memref<3x32x100x64x16xf32, #tpu.memory_space<hbm>> -> memref<1x1x1x64x16xf32, #tpu.memory_space<hbm>>
      %dma_start3A_198 = tpu.memref_squeeze %dma_start3A_197 : memref<1x1x1x64x16xf32, #tpu.memory_space<hbm>> -> memref<64x16xf32, #tpu.memory_space<hbm>>
      %dma_start3A_199 = arith.constant 0 : i32
      %dma_start3A_200 = arith.constant 0 : i32
      %dma_start3A_201 = tpu.memref_slice %arg8[%dma_start3A_194, %add3A, %scan3A_122, %dma_start3A_199, %dma_start3A_200] : memref<3x32x100x64x16xf32, #tpu.memory_space<hbm>> -> memref<1x1x1x64x16xf32, #tpu.memory_space<hbm>>
      %dma_start3A_202 = tpu.memref_squeeze %dma_start3A_201 : memref<1x1x1x64x16xf32, #tpu.memory_space<hbm>> -> memref<64x16xf32, #tpu.memory_space<hbm>>
      tpu.enqueue_dma source(%arg15 : memref<64x16xf32, #tpu.memory_space<vmem>>) target(%dma_start3A_202 : memref<64x16xf32, #tpu.memory_space<hbm>>) target_semaphore(%arg19 : memref<!tpu.dma_semaphore, #tpu.memory_space<semaphore_mem>>)
      %dma_wait3A_203 = arith.constant 0 : i32
      %dma_wait3A_204 = arith.constant 0 : i32
      %dma_wait3A_205 = tpu.memref_slice %arg10[%dma_wait3A_203, %dma_wait3A_204] : memref<1x64xi32, #tpu.memory_space<vmem>> -> memref<1x64xi32, #tpu.memory_space<vmem>>
      %dma_wait3A_206 = tpu.memref_squeeze %dma_wait3A_205 : memref<1x64xi32, #tpu.memory_space<vmem>> -> memref<64xi32, #tpu.memory_space<vmem>>
      %dma_wait3A_207 = arith.constant 0 : i32
      %dma_wait3A_208 = arith.constant 0 : i32
      %dma_wait3A_209 = tpu.memref_slice %arg17[%dma_wait3A_207, %dma_wait3A_208] : memref<10240x128xf32, #tpu.memory_space<vmem_shared>> -> memref<10240x128xf32, #tpu.memory_space<vmem_shared>>
      tpu.wait_indirect_dma semaphore(%arg18 : memref<!tpu.dma_semaphore, #tpu.memory_space<semaphore_mem>>) src(%arg12 : memref<64x128xf32, #tpu.memory_space<vmem>>) dst(%dma_wait3A_209 : memref<10240x128xf32, #tpu.memory_space<vmem_shared>>)
      %dma_wait3A_210 = arith.constant 0 : i32
      %dma_wait3A_211 = arith.constant 0 : i32
      %dma_wait3A_212 = arith.constant 0 : i32
      %dma_wait3A_213 = tpu.memref_slice %arg8[%dma_wait3A_210, %add3A, %scan3A_122, %dma_wait3A_211, %dma_wait3A_212] : memref<3x32x100x64x16xf32, #tpu.memory_space<hbm>> -> memref<1x1x1x64x16xf32, #tpu.memory_space<hbm>>
      %dma_wait3A_214 = tpu.memref_squeeze %dma_wait3A_213 : memref<1x1x1x64x16xf32, #tpu.memory_space<hbm>> -> memref<64x16xf32, #tpu.memory_space<hbm>>
      %dma_wait3A_215 = arith.constant 0 : i32
      %dma_wait3A_216 = arith.constant 0 : i32
      %dma_wait3A_217 = tpu.memref_slice %arg8[%dma_wait3A_210, %add3A, %scan3A_122, %dma_wait3A_215, %dma_wait3A_216] : memref<3x32x100x64x16xf32, #tpu.memory_space<hbm>> -> memref<1x1x1x64x16xf32, #tpu.memory_space<hbm>>
      %dma_wait3A_218 = tpu.memref_squeeze %dma_wait3A_217 : memref<1x1x1x64x16xf32, #tpu.memory_space<hbm>> -> memref<64x16xf32, #tpu.memory_space<hbm>>
      tpu.wait_dma2 semaphore(%arg19 : memref<!tpu.dma_semaphore, #tpu.memory_space<semaphore_mem>>) src(%arg15 : memref<64x16xf32, #tpu.memory_space<vmem>>) dst(%dma_wait3A_218 : memref<64x16xf32, #tpu.memory_space<hbm>>)
    }
    %scan3A_44 = arith.constant 100 : i32
    %barrier3A_45 = arith.constant 0 : index
    tpu.barrier barrier_id(%barrier3A_45)
    %mul3A_46 = arith.constant 640 : i32
    %mul3A_47 = arith.muli %arg1, %mul3A_46 : i32
    %scan3A_48 = arith.constant 0 : i32
    %scan3A_49 = arith.constant 0 : i32
    %scan3A_50 = arith.constant 6 : i32
    %scan3A_51 = arith.addi %scan3A_49, %scan3A_50 : i32
    %scan3A_52 = arith.constant 1 : i32
    scf.for %scan3A_122 = %scan3A_49 to %scan3A_51 step %scan3A_52  : i32 {
      %mul3A_123 = arith.constant 64 : i32
      %mul3A_124 = arith.muli %scan3A_122, %mul3A_123 : i32
      %add3A_125 = arith.addi %mul3A_47, %mul3A_124 : i32
      "tpu.region"() ({
        %run_scoped3A_130 = tpu.sem_alloc : memref<!tpu.dma_semaphore, #tpu.memory_space<semaphore_mem>>
        %dma_start3A = arith.constant 0 : i32
        %dma_start3A_131 = tpu.memref_slice %arg17[%add3A_125, %dma_start3A] : memref<10240x128xf32, #tpu.memory_space<vmem_shared>> -> memref<64x128xf32, #tpu.memory_space<vmem_shared>>
        %dma_start3A_132 = arith.constant 0 : i32
        %dma_start3A_133 = tpu.memref_slice %arg17[%add3A_125, %dma_start3A_132] : memref<10240x128xf32, #tpu.memory_space<vmem_shared>> -> memref<64x128xf32, #tpu.memory_space<vmem_shared>>
        tpu.enqueue_dma source(%dma_start3A_133 : memref<64x128xf32, #tpu.memory_space<vmem_shared>>) target(%arg12 : memref<64x128xf32, #tpu.memory_space<vmem>>) target_semaphore(%run_scoped3A_130 : memref<!tpu.dma_semaphore, #tpu.memory_space<semaphore_mem>>)
        %dma_wait3A = arith.constant 0 : i32
        %dma_wait3A_134 = tpu.memref_slice %arg17[%add3A_125, %dma_wait3A] : memref<10240x128xf32, #tpu.memory_space<vmem_shared>> -> memref<64x128xf32, #tpu.memory_space<vmem_shared>>
        %dma_wait3A_135 = arith.constant 0 : i32
        %dma_wait3A_136 = tpu.memref_slice %arg17[%add3A_125, %dma_wait3A_135] : memref<10240x128xf32, #tpu.memory_space<vmem_shared>> -> memref<64x128xf32, #tpu.memory_space<vmem_shared>>
        tpu.wait_dma2 semaphore(%run_scoped3A_130 : memref<!tpu.dma_semaphore, #tpu.memory_space<semaphore_mem>>) src(%dma_wait3A_136 : memref<64x128xf32, #tpu.memory_space<vmem_shared>>) dst(%arg12 : memref<64x128xf32, #tpu.memory_space<vmem>>)
        tpu.yield
      }) : () -> ()
      %mul3A_126 = arith.constant 64 : i32
      %mul3A_127 = arith.muli %scan3A_122, %mul3A_126 : i32
      %add3A_128 = arith.addi %mul3A_47, %mul3A_127 : i32
      %run_scoped3A_129 = arith.constant 0 : i32
      "tpu.region"() ({
        %run_scoped3A_130 = tpu.sem_alloc : memref<!tpu.dma_semaphore, #tpu.memory_space<semaphore_mem>>
        %dma_start3A = arith.constant 0 : i32
        %dma_start3A_131 = tpu.memref_slice %arg7[%arg0, %run_scoped3A_129, %add3A_128, %dma_start3A] : memref<2x3x10000x128xf32, #tpu.memory_space<hbm>> -> memref<1x1x64x128xf32, #tpu.memory_space<hbm>>
        %dma_start3A_132 = tpu.memref_squeeze %dma_start3A_131 : memref<1x1x64x128xf32, #tpu.memory_space<hbm>> -> memref<64x128xf32, #tpu.memory_space<hbm>>
        %dma_start3A_133 = arith.constant 0 : i32
        %dma_start3A_134 = tpu.memref_slice %arg7[%arg0, %run_scoped3A_129, %add3A_128, %dma_start3A_133] : memref<2x3x10000x128xf32, #tpu.memory_space<hbm>> -> memref<1x1x64x128xf32, #tpu.memory_space<hbm>>
        %dma_start3A_135 = tpu.memref_squeeze %dma_start3A_134 : memref<1x1x64x128xf32, #tpu.memory_space<hbm>> -> memref<64x128xf32, #tpu.memory_space<hbm>>
        tpu.enqueue_dma source(%arg12 : memref<64x128xf32, #tpu.memory_space<vmem>>) target(%dma_start3A_135 : memref<64x128xf32, #tpu.memory_space<hbm>>) target_semaphore(%run_scoped3A_130 : memref<!tpu.dma_semaphore, #tpu.memory_space<semaphore_mem>>)
        %dma_wait3A = arith.constant 0 : i32
        %dma_wait3A_136 = tpu.memref_slice %arg7[%arg0, %run_scoped3A_129, %add3A_128, %dma_wait3A] : memref<2x3x10000x128xf32, #tpu.memory_space<hbm>> -> memref<1x1x64x128xf32, #tpu.memory_space<hbm>>
        %dma_wait3A_137 = tpu.memref_squeeze %dma_wait3A_136 : memref<1x1x64x128xf32, #tpu.memory_space<hbm>> -> memref<64x128xf32, #tpu.memory_space<hbm>>
        %dma_wait3A_138 = arith.constant 0 : i32
        %dma_wait3A_139 = tpu.memref_slice %arg7[%arg0, %run_scoped3A_129, %add3A_128, %dma_wait3A_138] : memref<2x3x10000x128xf32, #tpu.memory_space<hbm>> -> memref<1x1x64x128xf32, #tpu.memory_space<hbm>>
        %dma_wait3A_140 = tpu.memref_squeeze %dma_wait3A_139 : memref<1x1x64x128xf32, #tpu.memory_space<hbm>> -> memref<64x128xf32, #tpu.memory_space<hbm>>
        tpu.wait_dma2 semaphore(%run_scoped3A_130 : memref<!tpu.dma_semaphore, #tpu.memory_space<semaphore_mem>>) src(%arg12 : memref<64x128xf32, #tpu.memory_space<vmem>>) dst(%dma_wait3A_140 : memref<64x128xf32, #tpu.memory_space<hbm>>)
        tpu.yield
      }) : () -> ()
    }
    %scan3A_53 = arith.constant 6 : i32
    %add3A_54 = arith.constant 384 : i32
    %add3A_55 = arith.addi %mul3A_47, %add3A_54 : i32
    "tpu.region"() ({
      %run_scoped3A_122 = tpu.sem_alloc : memref<!tpu.dma_semaphore, #tpu.memory_space<semaphore_mem>>
      %dma_start3A = arith.constant 0 : i32
      %dma_start3A_123 = arith.constant 0 : i32
      %dma_start3A_124 = tpu.memref_slice %arg12[%dma_start3A, %dma_start3A_123] : memref<64x128xf32, #tpu.memory_space<vmem>> -> memref<16x128xf32, #tpu.memory_space<vmem>>
      %dma_start3A_125 = arith.constant 0 : i32
      %dma_start3A_126 = tpu.memref_slice %arg17[%add3A_55, %dma_start3A_125] : memref<10240x128xf32, #tpu.memory_space<vmem_shared>> -> memref<16x128xf32, #tpu.memory_space<vmem_shared>>
      %dma_start3A_127 = arith.constant 0 : i32
      %dma_start3A_128 = arith.constant 0 : i32
      %dma_start3A_129 = tpu.memref_slice %arg12[%dma_start3A_127, %dma_start3A_128] : memref<64x128xf32, #tpu.memory_space<vmem>> -> memref<16x128xf32, #tpu.memory_space<vmem>>
      %dma_start3A_130 = arith.constant 0 : i32
      %dma_start3A_131 = tpu.memref_slice %arg17[%add3A_55, %dma_start3A_130] : memref<10240x128xf32, #tpu.memory_space<vmem_shared>> -> memref<16x128xf32, #tpu.memory_space<vmem_shared>>
      tpu.enqueue_dma source(%dma_start3A_131 : memref<16x128xf32, #tpu.memory_space<vmem_shared>>) target(%dma_start3A_129 : memref<16x128xf32, #tpu.memory_space<vmem>>) target_semaphore(%run_scoped3A_122 : memref<!tpu.dma_semaphore, #tpu.memory_space<semaphore_mem>>)
      %dma_wait3A = arith.constant 0 : i32
      %dma_wait3A_132 = arith.constant 0 : i32
      %dma_wait3A_133 = tpu.memref_slice %arg12[%dma_wait3A, %dma_wait3A_132] : memref<64x128xf32, #tpu.memory_space<vmem>> -> memref<16x128xf32, #tpu.memory_space<vmem>>
      %dma_wait3A_134 = arith.constant 0 : i32
      %dma_wait3A_135 = tpu.memref_slice %arg17[%add3A_55, %dma_wait3A_134] : memref<10240x128xf32, #tpu.memory_space<vmem_shared>> -> memref<16x128xf32, #tpu.memory_space<vmem_shared>>
      %dma_wait3A_136 = arith.constant 0 : i32
      %dma_wait3A_137 = arith.constant 0 : i32
      %dma_wait3A_138 = tpu.memref_slice %arg12[%dma_wait3A_136, %dma_wait3A_137] : memref<64x128xf32, #tpu.memory_space<vmem>> -> memref<16x128xf32, #tpu.memory_space<vmem>>
      %dma_wait3A_139 = arith.constant 0 : i32
      %dma_wait3A_140 = tpu.memref_slice %arg17[%add3A_55, %dma_wait3A_139] : memref<10240x128xf32, #tpu.memory_space<vmem_shared>> -> memref<16x128xf32, #tpu.memory_space<vmem_shared>>
      tpu.wait_dma2 semaphore(%run_scoped3A_122 : memref<!tpu.dma_semaphore, #tpu.memory_space<semaphore_mem>>) src(%dma_wait3A_140 : memref<16x128xf32, #tpu.memory_space<vmem_shared>>) dst(%dma_wait3A_138 : memref<16x128xf32, #tpu.memory_space<vmem>>)
      tpu.yield
    }) : () -> ()
    %run_scoped3A = arith.constant 0 : i32
    "tpu.region"() ({
      %run_scoped3A_122 = tpu.sem_alloc : memref<!tpu.dma_semaphore, #tpu.memory_space<semaphore_mem>>
      %dma_start3A = arith.constant 0 : i32
      %dma_start3A_123 = arith.constant 0 : i32
      %dma_start3A_124 = tpu.memref_slice %arg12[%dma_start3A, %dma_start3A_123] : memref<64x128xf32, #tpu.memory_space<vmem>> -> memref<16x128xf32, #tpu.memory_space<vmem>>
      %dma_start3A_125 = arith.constant 0 : i32
      %dma_start3A_126 = tpu.memref_slice %arg7[%arg0, %run_scoped3A, %add3A_55, %dma_start3A_125] : memref<2x3x10000x128xf32, #tpu.memory_space<hbm>> -> memref<1x1x16x128xf32, #tpu.memory_space<hbm>>
      %dma_start3A_127 = tpu.memref_squeeze %dma_start3A_126 : memref<1x1x16x128xf32, #tpu.memory_space<hbm>> -> memref<16x128xf32, #tpu.memory_space<hbm>>
      %dma_start3A_128 = arith.constant 0 : i32
      %dma_start3A_129 = tpu.memref_slice %arg7[%arg0, %run_scoped3A, %add3A_55, %dma_start3A_128] : memref<2x3x10000x128xf32, #tpu.memory_space<hbm>> -> memref<1x1x16x128xf32, #tpu.memory_space<hbm>>
      %dma_start3A_130 = tpu.memref_squeeze %dma_start3A_129 : memref<1x1x16x128xf32, #tpu.memory_space<hbm>> -> memref<16x128xf32, #tpu.memory_space<hbm>>
      %dma_start3A_131 = arith.constant 0 : i32
      %dma_start3A_132 = arith.constant 0 : i32
      %dma_start3A_133 = tpu.memref_slice %arg12[%dma_start3A_131, %dma_start3A_132] : memref<64x128xf32, #tpu.memory_space<vmem>> -> memref<16x128xf32, #tpu.memory_space<vmem>>
      tpu.enqueue_dma source(%dma_start3A_133 : memref<16x128xf32, #tpu.memory_space<vmem>>) target(%dma_start3A_130 : memref<16x128xf32, #tpu.memory_space<hbm>>) target_semaphore(%run_scoped3A_122 : memref<!tpu.dma_semaphore, #tpu.memory_space<semaphore_mem>>)
      %dma_wait3A = arith.constant 0 : i32
      %dma_wait3A_134 = arith.constant 0 : i32
      %dma_wait3A_135 = tpu.memref_slice %arg12[%dma_wait3A, %dma_wait3A_134] : memref<64x128xf32, #tpu.memory_space<vmem>> -> memref<16x128xf32, #tpu.memory_space<vmem>>
      %dma_wait3A_136 = arith.constant 0 : i32
      %dma_wait3A_137 = tpu.memref_slice %arg7[%arg0, %run_scoped3A, %add3A_55, %dma_wait3A_136] : memref<2x3x10000x128xf32, #tpu.memory_space<hbm>> -> memref<1x1x16x128xf32, #tpu.memory_space<hbm>>
      %dma_wait3A_138 = tpu.memref_squeeze %dma_wait3A_137 : memref<1x1x16x128xf32, #tpu.memory_space<hbm>> -> memref<16x128xf32, #tpu.memory_space<hbm>>
      %dma_wait3A_139 = arith.constant 0 : i32
      %dma_wait3A_140 = tpu.memref_slice %arg7[%arg0, %run_scoped3A, %add3A_55, %dma_wait3A_139] : memref<2x3x10000x128xf32, #tpu.memory_space<hbm>> -> memref<1x1x16x128xf32, #tpu.memory_space<hbm>>
      %dma_wait3A_141 = tpu.memref_squeeze %dma_wait3A_140 : memref<1x1x16x128xf32, #tpu.memory_space<hbm>> -> memref<16x128xf32, #tpu.memory_space<hbm>>
      %dma_wait3A_142 = arith.constant 0 : i32
      %dma_wait3A_143 = arith.constant 0 : i32
      %dma_wait3A_144 = tpu.memref_slice %arg12[%dma_wait3A_142, %dma_wait3A_143] : memref<64x128xf32, #tpu.memory_space<vmem>> -> memref<16x128xf32, #tpu.memory_space<vmem>>
      tpu.wait_dma2 semaphore(%run_scoped3A_122 : memref<!tpu.dma_semaphore, #tpu.memory_space<semaphore_mem>>) src(%dma_wait3A_144 : memref<16x128xf32, #tpu.memory_space<vmem>>) dst(%dma_wait3A_141 : memref<16x128xf32, #tpu.memory_space<hbm>>)
      tpu.yield
    }) : () -> ()
    %lt3A_56 = arith.constant 15 : i32
    %lt3A_57 = arith.cmpi slt, %arg1, %lt3A_56 : i32
    %convert_element_type3A = arith.extui %lt3A_57 : i1 to i32
    %cond3A = arith.constant 0 : i32
    %cond3A_58 = arith.cmpi ne, %convert_element_type3A, %cond3A : i32
    scf.if %cond3A_58 {
      %add3A_122 = arith.constant 384 : i32
      %add3A_123 = arith.addi %mul3A_47, %add3A_122 : i32
      %add3A_124 = arith.constant 16 : i32
      %add3A_125 = arith.addi %add3A_123, %add3A_124 : i32
      %scan3A_126 = arith.constant 0 : i32
      %scan3A_127 = arith.constant 0 : i32
      %scan3A_128 = arith.constant 3 : i32
      %scan3A_129 = arith.addi %scan3A_127, %scan3A_128 : i32
      %scan3A_130 = arith.constant 1 : i32
      scf.for %scan3A_135 = %scan3A_127 to %scan3A_129 step %scan3A_130  : i32 {
        %mul3A_136 = arith.constant 64 : i32
        %mul3A_137 = arith.muli %scan3A_135, %mul3A_136 : i32
        %add3A_138 = arith.addi %add3A_125, %mul3A_137 : i32
        "tpu.region"() ({
          %run_scoped3A_143 = tpu.sem_alloc : memref<!tpu.dma_semaphore, #tpu.memory_space<semaphore_mem>>
          %dma_start3A = arith.constant 0 : i32
          %dma_start3A_144 = tpu.memref_slice %arg17[%add3A_138, %dma_start3A] : memref<10240x128xf32, #tpu.memory_space<vmem_shared>> -> memref<64x128xf32, #tpu.memory_space<vmem_shared>>
          %dma_start3A_145 = arith.constant 0 : i32
          %dma_start3A_146 = tpu.memref_slice %arg17[%add3A_138, %dma_start3A_145] : memref<10240x128xf32, #tpu.memory_space<vmem_shared>> -> memref<64x128xf32, #tpu.memory_space<vmem_shared>>
          tpu.enqueue_dma source(%dma_start3A_146 : memref<64x128xf32, #tpu.memory_space<vmem_shared>>) target(%arg12 : memref<64x128xf32, #tpu.memory_space<vmem>>) target_semaphore(%run_scoped3A_143 : memref<!tpu.dma_semaphore, #tpu.memory_space<semaphore_mem>>)
          %dma_wait3A = arith.constant 0 : i32
          %dma_wait3A_147 = tpu.memref_slice %arg17[%add3A_138, %dma_wait3A] : memref<10240x128xf32, #tpu.memory_space<vmem_shared>> -> memref<64x128xf32, #tpu.memory_space<vmem_shared>>
          %dma_wait3A_148 = arith.constant 0 : i32
          %dma_wait3A_149 = tpu.memref_slice %arg17[%add3A_138, %dma_wait3A_148] : memref<10240x128xf32, #tpu.memory_space<vmem_shared>> -> memref<64x128xf32, #tpu.memory_space<vmem_shared>>
          tpu.wait_dma2 semaphore(%run_scoped3A_143 : memref<!tpu.dma_semaphore, #tpu.memory_space<semaphore_mem>>) src(%dma_wait3A_149 : memref<64x128xf32, #tpu.memory_space<vmem_shared>>) dst(%arg12 : memref<64x128xf32, #tpu.memory_space<vmem>>)
          tpu.yield
        }) : () -> ()
        %mul3A_139 = arith.constant 64 : i32
        %mul3A_140 = arith.muli %scan3A_135, %mul3A_139 : i32
        %add3A_141 = arith.addi %add3A_125, %mul3A_140 : i32
        %run_scoped3A_142 = arith.constant 0 : i32
        "tpu.region"() ({
          %run_scoped3A_143 = tpu.sem_alloc : memref<!tpu.dma_semaphore, #tpu.memory_space<semaphore_mem>>
          %dma_start3A = arith.constant 0 : i32
          %dma_start3A_144 = tpu.memref_slice %arg7[%arg0, %run_scoped3A_142, %add3A_141, %dma_start3A] : memref<2x3x10000x128xf32, #tpu.memory_space<hbm>> -> memref<1x1x64x128xf32, #tpu.memory_space<hbm>>
          %dma_start3A_145 = tpu.memref_squeeze %dma_start3A_144 : memref<1x1x64x128xf32, #tpu.memory_space<hbm>> -> memref<64x128xf32, #tpu.memory_space<hbm>>
          %dma_start3A_146 = arith.constant 0 : i32
          %dma_start3A_147 = tpu.memref_slice %arg7[%arg0, %run_scoped3A_142, %add3A_141, %dma_start3A_146] : memref<2x3x10000x128xf32, #tpu.memory_space<hbm>> -> memref<1x1x64x128xf32, #tpu.memory_space<hbm>>
          %dma_start3A_148 = tpu.memref_squeeze %dma_start3A_147 : memref<1x1x64x128xf32, #tpu.memory_space<hbm>> -> memref<64x128xf32, #tpu.memory_space<hbm>>
          tpu.enqueue_dma source(%arg12 : memref<64x128xf32, #tpu.memory_space<vmem>>) target(%dma_start3A_148 : memref<64x128xf32, #tpu.memory_space<hbm>>) target_semaphore(%run_scoped3A_143 : memref<!tpu.dma_semaphore, #tpu.memory_space<semaphore_mem>>)
          %dma_wait3A = arith.constant 0 : i32
          %dma_wait3A_149 = tpu.memref_slice %arg7[%arg0, %run_scoped3A_142, %add3A_141, %dma_wait3A] : memref<2x3x10000x128xf32, #tpu.memory_space<hbm>> -> memref<1x1x64x128xf32, #tpu.memory_space<hbm>>
          %dma_wait3A_150 = tpu.memref_squeeze %dma_wait3A_149 : memref<1x1x64x128xf32, #tpu.memory_space<hbm>> -> memref<64x128xf32, #tpu.memory_space<hbm>>
          %dma_wait3A_151 = arith.constant 0 : i32
          %dma_wait3A_152 = tpu.memref_slice %arg7[%arg0, %run_scoped3A_142, %add3A_141, %dma_wait3A_151] : memref<2x3x10000x128xf32, #tpu.memory_space<hbm>> -> memref<1x1x64x128xf32, #tpu.memory_space<hbm>>
          %dma_wait3A_153 = tpu.memref_squeeze %dma_wait3A_152 : memref<1x1x64x128xf32, #tpu.memory_space<hbm>> -> memref<64x128xf32, #tpu.memory_space<hbm>>
          tpu.wait_dma2 semaphore(%run_scoped3A_143 : memref<!tpu.dma_semaphore, #tpu.memory_space<semaphore_mem>>) src(%arg12 : memref<64x128xf32, #tpu.memory_space<vmem>>) dst(%dma_wait3A_153 : memref<64x128xf32, #tpu.memory_space<hbm>>)
          tpu.yield
        }) : () -> ()
      }
      %scan3A_131 = arith.constant 3 : i32
      %add3A_132 = arith.constant 192 : i32
      %add3A_133 = arith.addi %add3A_125, %add3A_132 : i32
      "tpu.region"() ({
        %run_scoped3A_135 = tpu.sem_alloc : memref<!tpu.dma_semaphore, #tpu.memory_space<semaphore_mem>>
        %dma_start3A = arith.constant 0 : i32
        %dma_start3A_136 = arith.constant 0 : i32
        %dma_start3A_137 = tpu.memref_slice %arg12[%dma_start3A, %dma_start3A_136] : memref<64x128xf32, #tpu.memory_space<vmem>> -> memref<48x128xf32, #tpu.memory_space<vmem>>
        %dma_start3A_138 = arith.constant 0 : i32
        %dma_start3A_139 = tpu.memref_slice %arg17[%add3A_133, %dma_start3A_138] : memref<10240x128xf32, #tpu.memory_space<vmem_shared>> -> memref<48x128xf32, #tpu.memory_space<vmem_shared>>
        %dma_start3A_140 = arith.constant 0 : i32
        %dma_start3A_141 = arith.constant 0 : i32
        %dma_start3A_142 = tpu.memref_slice %arg12[%dma_start3A_140, %dma_start3A_141] : memref<64x128xf32, #tpu.memory_space<vmem>> -> memref<48x128xf32, #tpu.memory_space<vmem>>
        %dma_start3A_143 = arith.constant 0 : i32
        %dma_start3A_144 = tpu.memref_slice %arg17[%add3A_133, %dma_start3A_143] : memref<10240x128xf32, #tpu.memory_space<vmem_shared>> -> memref<48x128xf32, #tpu.memory_space<vmem_shared>>
        tpu.enqueue_dma source(%dma_start3A_144 : memref<48x128xf32, #tpu.memory_space<vmem_shared>>) target(%dma_start3A_142 : memref<48x128xf32, #tpu.memory_space<vmem>>) target_semaphore(%run_scoped3A_135 : memref<!tpu.dma_semaphore, #tpu.memory_space<semaphore_mem>>)
        %dma_wait3A = arith.constant 0 : i32
        %dma_wait3A_145 = arith.constant 0 : i32
        %dma_wait3A_146 = tpu.memref_slice %arg12[%dma_wait3A, %dma_wait3A_145] : memref<64x128xf32, #tpu.memory_space<vmem>> -> memref<48x128xf32, #tpu.memory_space<vmem>>
        %dma_wait3A_147 = arith.constant 0 : i32
        %dma_wait3A_148 = tpu.memref_slice %arg17[%add3A_133, %dma_wait3A_147] : memref<10240x128xf32, #tpu.memory_space<vmem_shared>> -> memref<48x128xf32, #tpu.memory_space<vmem_shared>>
        %dma_wait3A_149 = arith.constant 0 : i32
        %dma_wait3A_150 = arith.constant 0 : i32
        %dma_wait3A_151 = tpu.memref_slice %arg12[%dma_wait3A_149, %dma_wait3A_150] : memref<64x128xf32, #tpu.memory_space<vmem>> -> memref<48x128xf32, #tpu.memory_space<vmem>>
        %dma_wait3A_152 = arith.constant 0 : i32
        %dma_wait3A_153 = tpu.memref_slice %arg17[%add3A_133, %dma_wait3A_152] : memref<10240x128xf32, #tpu.memory_space<vmem_shared>> -> memref<48x128xf32, #tpu.memory_space<vmem_shared>>
        tpu.wait_dma2 semaphore(%run_scoped3A_135 : memref<!tpu.dma_semaphore, #tpu.memory_space<semaphore_mem>>) src(%dma_wait3A_153 : memref<48x128xf32, #tpu.memory_space<vmem_shared>>) dst(%dma_wait3A_151 : memref<48x128xf32, #tpu.memory_space<vmem>>)
        tpu.yield
      }) : () -> ()
      %run_scoped3A_134 = arith.constant 0 : i32
      "tpu.region"() ({
        %run_scoped3A_135 = tpu.sem_alloc : memref<!tpu.dma_semaphore, #tpu.memory_space<semaphore_mem>>
        %dma_start3A = arith.constant 0 : i32
        %dma_start3A_136 = arith.constant 0 : i32
        %dma_start3A_137 = tpu.memref_slice %arg12[%dma_start3A, %dma_start3A_136] : memref<64x128xf32, #tpu.memory_space<vmem>> -> memref<48x128xf32, #tpu.memory_space<vmem>>
        %dma_start3A_138 = arith.constant 0 : i32
        %dma_start3A_139 = tpu.memref_slice %arg7[%arg0, %run_scoped3A_134, %add3A_133, %dma_start3A_138] : memref<2x3x10000x128xf32, #tpu.memory_space<hbm>> -> memref<1x1x48x128xf32, #tpu.memory_space<hbm>>
        %dma_start3A_140 = tpu.memref_squeeze %dma_start3A_139 : memref<1x1x48x128xf32, #tpu.memory_space<hbm>> -> memref<48x128xf32, #tpu.memory_space<hbm>>
        %dma_start3A_141 = arith.constant 0 : i32
        %dma_start3A_142 = tpu.memref_slice %arg7[%arg0, %run_scoped3A_134, %add3A_133, %dma_start3A_141] : memref<2x3x10000x128xf32, #tpu.memory_space<hbm>> -> memref<1x1x48x128xf32, #tpu.memory_space<hbm>>
        %dma_start3A_143 = tpu.memref_squeeze %dma_start3A_142 : memref<1x1x48x128xf32, #tpu.memory_space<hbm>> -> memref<48x128xf32, #tpu.memory_space<hbm>>
        %dma_start3A_144 = arith.constant 0 : i32
        %dma_start3A_145 = arith.constant 0 : i32
        %dma_start3A_146 = tpu.memref_slice %arg12[%dma_start3A_144, %dma_start3A_145] : memref<64x128xf32, #tpu.memory_space<vmem>> -> memref<48x128xf32, #tpu.memory_space<vmem>>
        tpu.enqueue_dma source(%dma_start3A_146 : memref<48x128xf32, #tpu.memory_space<vmem>>) target(%dma_start3A_143 : memref<48x128xf32, #tpu.memory_space<hbm>>) target_semaphore(%run_scoped3A_135 : memref<!tpu.dma_semaphore, #tpu.memory_space<semaphore_mem>>)
        %dma_wait3A = arith.constant 0 : i32
        %dma_wait3A_147 = arith.constant 0 : i32
        %dma_wait3A_148 = tpu.memref_slice %arg12[%dma_wait3A, %dma_wait3A_147] : memref<64x128xf32, #tpu.memory_space<vmem>> -> memref<48x128xf32, #tpu.memory_space<vmem>>
        %dma_wait3A_149 = arith.constant 0 : i32
        %dma_wait3A_150 = tpu.memref_slice %arg7[%arg0, %run_scoped3A_134, %add3A_133, %dma_wait3A_149] : memref<2x3x10000x128xf32, #tpu.memory_space<hbm>> -> memref<1x1x48x128xf32, #tpu.memory_space<hbm>>
        %dma_wait3A_151 = tpu.memref_squeeze %dma_wait3A_150 : memref<1x1x48x128xf32, #tpu.memory_space<hbm>> -> memref<48x128xf32, #tpu.memory_space<hbm>>
        %dma_wait3A_152 = arith.constant 0 : i32
        %dma_wait3A_153 = tpu.memref_slice %arg7[%arg0, %run_scoped3A_134, %add3A_133, %dma_wait3A_152] : memref<2x3x10000x128xf32, #tpu.memory_space<hbm>> -> memref<1x1x48x128xf32, #tpu.memory_space<hbm>>
        %dma_wait3A_154 = tpu.memref_squeeze %dma_wait3A_153 : memref<1x1x48x128xf32, #tpu.memory_space<hbm>> -> memref<48x128xf32, #tpu.memory_space<hbm>>
        %dma_wait3A_155 = arith.constant 0 : i32
        %dma_wait3A_156 = arith.constant 0 : i32
        %dma_wait3A_157 = tpu.memref_slice %arg12[%dma_wait3A_155, %dma_wait3A_156] : memref<64x128xf32, #tpu.memory_space<vmem>> -> memref<48x128xf32, #tpu.memory_space<vmem>>
        tpu.wait_dma2 semaphore(%run_scoped3A_135 : memref<!tpu.dma_semaphore, #tpu.memory_space<semaphore_mem>>) src(%dma_wait3A_157 : memref<48x128xf32, #tpu.memory_space<vmem>>) dst(%dma_wait3A_154 : memref<48x128xf32, #tpu.memory_space<hbm>>)
        tpu.yield
      }) : () -> ()
    } else {
    }
    %barrier3A_59 = arith.constant 0 : index
    tpu.barrier barrier_id(%barrier3A_59)
    %scan3A_60 = arith.constant 0 : i32
    %scan3A_61 = arith.constant 0 : i32
    %scan3A_62 = arith.constant 80 : i32
    %scan3A_63 = arith.addi %scan3A_61, %scan3A_62 : i32
    %scan3A_64 = arith.constant 1 : i32
    scf.for %scan3A_122 = %scan3A_61 to %scan3A_63 step %scan3A_64  : i32 {
      %mul3A_123 = arith.constant 640 : i32
      %mul3A_124 = arith.muli %arg1, %mul3A_123 : i32
      %mul3A_125 = arith.constant 8 : i32
      %mul3A_126 = arith.muli %scan3A_122, %mul3A_125 : i32
      %add3A_127 = arith.addi %mul3A_124, %mul3A_126 : i32
      "tpu.region"() ({
        %run_scoped3A_128 = tpu.sem_alloc : memref<!tpu.dma_semaphore, #tpu.memory_space<semaphore_mem>>
        %dma_start3A = arith.constant 0 : i32
        %dma_start3A_129 = tpu.memref_slice %arg17[%add3A_127, %dma_start3A] : memref<10240x128xf32, #tpu.memory_space<vmem_shared>> -> memref<8x128xf32, #tpu.memory_space<vmem_shared>>
        %dma_start3A_130 = arith.constant 0 : i32
        %dma_start3A_131 = tpu.memref_slice %arg17[%add3A_127, %dma_start3A_130] : memref<10240x128xf32, #tpu.memory_space<vmem_shared>> -> memref<8x128xf32, #tpu.memory_space<vmem_shared>>
        tpu.enqueue_dma source(%arg16 : memref<8x128xf32, #tpu.memory_space<vmem>>) target(%dma_start3A_131 : memref<8x128xf32, #tpu.memory_space<vmem_shared>>) target_semaphore(%run_scoped3A_128 : memref<!tpu.dma_semaphore, #tpu.memory_space<semaphore_mem>>)
        %dma_wait3A = arith.constant 0 : i32
        %dma_wait3A_132 = tpu.memref_slice %arg17[%add3A_127, %dma_wait3A] : memref<10240x128xf32, #tpu.memory_space<vmem_shared>> -> memref<8x128xf32, #tpu.memory_space<vmem_shared>>
        %dma_wait3A_133 = arith.constant 0 : i32
        %dma_wait3A_134 = tpu.memref_slice %arg17[%add3A_127, %dma_wait3A_133] : memref<10240x128xf32, #tpu.memory_space<vmem_shared>> -> memref<8x128xf32, #tpu.memory_space<vmem_shared>>
        tpu.wait_dma2 semaphore(%run_scoped3A_128 : memref<!tpu.dma_semaphore, #tpu.memory_space<semaphore_mem>>) src(%arg16 : memref<8x128xf32, #tpu.memory_space<vmem>>) dst(%dma_wait3A_134 : memref<8x128xf32, #tpu.memory_space<vmem_shared>>)
        tpu.yield
      }) : () -> ()
    }
    %scan3A_65 = arith.constant 80 : i32
    %barrier3A_66 = arith.constant 0 : index
    tpu.barrier barrier_id(%barrier3A_66)
    %scan3A_67 = arith.constant 0 : i32
    %scan3A_68 = arith.constant 0 : i32
    %scan3A_69 = arith.constant 100 : i32
    %scan3A_70 = arith.addi %scan3A_68, %scan3A_69 : i32
    %scan3A_71 = arith.constant 1 : i32
    scf.for %scan3A_122 = %scan3A_68 to %scan3A_70 step %scan3A_71  : i32 {
      %dma_start3A = arith.constant 1 : i32
      %dma_start3A_123 = arith.constant 0 : i32
      %dma_start3A_124 = tpu.memref_slice %arg2[%dma_start3A, %add3A, %scan3A_122, %dma_start3A_123] : memref<3x32x100x64xi32, #tpu.memory_space<hbm>> -> memref<1x1x1x64xi32, #tpu.memory_space<hbm>>
      %dma_start3A_125 = tpu.memref_squeeze %dma_start3A_124 : memref<1x1x1x64xi32, #tpu.memory_space<hbm>> -> memref<64xi32, #tpu.memory_space<hbm>>
      %dma_start3A_126 = arith.constant 0 : i32
      %dma_start3A_127 = tpu.memref_slice %arg2[%dma_start3A, %add3A, %scan3A_122, %dma_start3A_126] : memref<3x32x100x64xi32, #tpu.memory_space<hbm>> -> memref<1x1x1x64xi32, #tpu.memory_space<hbm>>
      %dma_start3A_128 = tpu.memref_squeeze %dma_start3A_127 : memref<1x1x1x64xi32, #tpu.memory_space<hbm>> -> memref<64xi32, #tpu.memory_space<hbm>>
      tpu.enqueue_dma source(%dma_start3A_128 : memref<64xi32, #tpu.memory_space<hbm>>) target(%arg9 : memref<64xi32, #tpu.memory_space<vmem>>) target_semaphore(%arg18 : memref<!tpu.dma_semaphore, #tpu.memory_space<semaphore_mem>>)
      %dma_start3A_129 = arith.constant 1 : i32
      %dma_start3A_130 = arith.constant 0 : i32
      %dma_start3A_131 = tpu.memref_slice %arg3[%dma_start3A_129, %add3A, %scan3A_122, %dma_start3A_130] : memref<3x32x100x64xi32, #tpu.memory_space<hbm>> -> memref<1x1x1x64xi32, #tpu.memory_space<hbm>>
      %dma_start3A_132 = tpu.memref_squeeze %dma_start3A_131 : memref<1x1x1x64xi32, #tpu.memory_space<hbm>> -> memref<64xi32, #tpu.memory_space<hbm>>
      %dma_start3A_133 = arith.constant 0 : i32
      %dma_start3A_134 = tpu.memref_slice %arg3[%dma_start3A_129, %add3A, %scan3A_122, %dma_start3A_133] : memref<3x32x100x64xi32, #tpu.memory_space<hbm>> -> memref<1x1x1x64xi32, #tpu.memory_space<hbm>>
      %dma_start3A_135 = tpu.memref_squeeze %dma_start3A_134 : memref<1x1x1x64xi32, #tpu.memory_space<hbm>> -> memref<64xi32, #tpu.memory_space<hbm>>
      tpu.enqueue_dma source(%dma_start3A_135 : memref<64xi32, #tpu.memory_space<hbm>>) target(%arg11 : memref<64xi32, #tpu.memory_space<vmem>>) target_semaphore(%arg19 : memref<!tpu.dma_semaphore, #tpu.memory_space<semaphore_mem>>)
      %dma_start3A_136 = arith.constant 1 : i32
      %dma_start3A_137 = arith.constant 0 : i32
      %dma_start3A_138 = tpu.memref_slice %arg4[%dma_start3A_136, %add3A, %scan3A_122, %dma_start3A_137] : memref<3x32x100x64xi32, #tpu.memory_space<hbm>> -> memref<1x1x1x64xi32, #tpu.memory_space<hbm>>
      %dma_start3A_139 = tpu.memref_squeeze %dma_start3A_138 : memref<1x1x1x64xi32, #tpu.memory_space<hbm>> -> memref<1x64xi32, #tpu.memory_space<hbm>>
      %dma_start3A_140 = arith.constant 0 : i32
      %dma_start3A_141 = tpu.memref_slice %arg4[%dma_start3A_136, %add3A, %scan3A_122, %dma_start3A_140] : memref<3x32x100x64xi32, #tpu.memory_space<hbm>> -> memref<1x1x1x64xi32, #tpu.memory_space<hbm>>
      %dma_start3A_142 = tpu.memref_squeeze %dma_start3A_141 : memref<1x1x1x64xi32, #tpu.memory_space<hbm>> -> memref<1x64xi32, #tpu.memory_space<hbm>>
      tpu.enqueue_dma source(%dma_start3A_142 : memref<1x64xi32, #tpu.memory_space<hbm>>) target(%arg10 : memref<1x64xi32, #tpu.memory_space<vmem>>) target_semaphore(%arg20 : memref<!tpu.dma_semaphore, #tpu.memory_space<semaphore_mem>>)
      %dma_wait3A = arith.constant 1 : i32
      %dma_wait3A_143 = arith.constant 0 : i32
      %dma_wait3A_144 = tpu.memref_slice %arg2[%dma_wait3A, %add3A, %scan3A_122, %dma_wait3A_143] : memref<3x32x100x64xi32, #tpu.memory_space<hbm>> -> memref<1x1x1x64xi32, #tpu.memory_space<hbm>>
      %dma_wait3A_145 = tpu.memref_squeeze %dma_wait3A_144 : memref<1x1x1x64xi32, #tpu.memory_space<hbm>> -> memref<64xi32, #tpu.memory_space<hbm>>
      %dma_wait3A_146 = arith.constant 0 : i32
      %dma_wait3A_147 = tpu.memref_slice %arg2[%dma_wait3A, %add3A, %scan3A_122, %dma_wait3A_146] : memref<3x32x100x64xi32, #tpu.memory_space<hbm>> -> memref<1x1x1x64xi32, #tpu.memory_space<hbm>>
      %dma_wait3A_148 = tpu.memref_squeeze %dma_wait3A_147 : memref<1x1x1x64xi32, #tpu.memory_space<hbm>> -> memref<64xi32, #tpu.memory_space<hbm>>
      tpu.wait_dma2 semaphore(%arg18 : memref<!tpu.dma_semaphore, #tpu.memory_space<semaphore_mem>>) src(%dma_wait3A_148 : memref<64xi32, #tpu.memory_space<hbm>>) dst(%arg9 : memref<64xi32, #tpu.memory_space<vmem>>)
      %dma_wait3A_149 = arith.constant 1 : i32
      %dma_wait3A_150 = arith.constant 0 : i32
      %dma_wait3A_151 = tpu.memref_slice %arg3[%dma_wait3A_149, %add3A, %scan3A_122, %dma_wait3A_150] : memref<3x32x100x64xi32, #tpu.memory_space<hbm>> -> memref<1x1x1x64xi32, #tpu.memory_space<hbm>>
      %dma_wait3A_152 = tpu.memref_squeeze %dma_wait3A_151 : memref<1x1x1x64xi32, #tpu.memory_space<hbm>> -> memref<64xi32, #tpu.memory_space<hbm>>
      %dma_wait3A_153 = arith.constant 0 : i32
      %dma_wait3A_154 = tpu.memref_slice %arg3[%dma_wait3A_149, %add3A, %scan3A_122, %dma_wait3A_153] : memref<3x32x100x64xi32, #tpu.memory_space<hbm>> -> memref<1x1x1x64xi32, #tpu.memory_space<hbm>>
      %dma_wait3A_155 = tpu.memref_squeeze %dma_wait3A_154 : memref<1x1x1x64xi32, #tpu.memory_space<hbm>> -> memref<64xi32, #tpu.memory_space<hbm>>
      tpu.wait_dma2 semaphore(%arg19 : memref<!tpu.dma_semaphore, #tpu.memory_space<semaphore_mem>>) src(%dma_wait3A_155 : memref<64xi32, #tpu.memory_space<hbm>>) dst(%arg11 : memref<64xi32, #tpu.memory_space<vmem>>)
      %dma_wait3A_156 = arith.constant 1 : i32
      %dma_wait3A_157 = arith.constant 0 : i32
      %dma_wait3A_158 = tpu.memref_slice %arg4[%dma_wait3A_156, %add3A, %scan3A_122, %dma_wait3A_157] : memref<3x32x100x64xi32, #tpu.memory_space<hbm>> -> memref<1x1x1x64xi32, #tpu.memory_space<hbm>>
      %dma_wait3A_159 = tpu.memref_squeeze %dma_wait3A_158 : memref<1x1x1x64xi32, #tpu.memory_space<hbm>> -> memref<1x64xi32, #tpu.memory_space<hbm>>
      %dma_wait3A_160 = arith.constant 0 : i32
      %dma_wait3A_161 = tpu.memref_slice %arg4[%dma_wait3A_156, %add3A, %scan3A_122, %dma_wait3A_160] : memref<3x32x100x64xi32, #tpu.memory_space<hbm>> -> memref<1x1x1x64xi32, #tpu.memory_space<hbm>>
      %dma_wait3A_162 = tpu.memref_squeeze %dma_wait3A_161 : memref<1x1x1x64xi32, #tpu.memory_space<hbm>> -> memref<1x64xi32, #tpu.memory_space<hbm>>
      tpu.wait_dma2 semaphore(%arg20 : memref<!tpu.dma_semaphore, #tpu.memory_space<semaphore_mem>>) src(%dma_wait3A_162 : memref<1x64xi32, #tpu.memory_space<hbm>>) dst(%arg10 : memref<1x64xi32, #tpu.memory_space<vmem>>)
      %dma_start3A_163 = arith.constant 0 : i32
      %dma_start3A_164 = arith.constant 0 : i32
      %dma_start3A_165 = tpu.memref_slice %arg5[%dma_start3A_163, %dma_start3A_164] : memref<30000x128xf32, #tpu.memory_space<hbm>> -> memref<30000x128xf32, #tpu.memory_space<hbm>>
      tpu.enqueue_indirect_dma source(%dma_start3A_165 : memref<30000x128xf32, #tpu.memory_space<hbm>>) target(%arg12 : memref<64x128xf32, #tpu.memory_space<vmem>>) offsets(%arg9 : memref<64xi32, #tpu.memory_space<vmem>>) semaphore(%arg18 : memref<!tpu.dma_semaphore, #tpu.memory_space<semaphore_mem>>)
      %dma_start3A_166 = arith.constant 0 : i32
      %dma_start3A_167 = arith.constant 0 : i32
      %dma_start3A_168 = tpu.memref_slice %arg6[%dma_start3A_166, %dma_start3A_167] : memref<30000x128xf32, #tpu.memory_space<hbm>> -> memref<30000x128xf32, #tpu.memory_space<hbm>>
      tpu.enqueue_indirect_dma source(%dma_start3A_168 : memref<30000x128xf32, #tpu.memory_space<hbm>>) target(%arg13 : memref<64x128xf32, #tpu.memory_space<vmem>>) offsets(%arg9 : memref<64xi32, #tpu.memory_space<vmem>>) semaphore(%arg19 : memref<!tpu.dma_semaphore, #tpu.memory_space<semaphore_mem>>)
      %dma_start3A_169 = arith.constant 0 : i32
      %dma_start3A_170 = arith.constant 0 : i32
      %dma_start3A_171 = tpu.memref_slice %arg6[%dma_start3A_169, %dma_start3A_170] : memref<30000x128xf32, #tpu.memory_space<hbm>> -> memref<30000x128xf32, #tpu.memory_space<hbm>>
      tpu.enqueue_indirect_dma source(%dma_start3A_171 : memref<30000x128xf32, #tpu.memory_space<hbm>>) target(%arg14 : memref<64x128xf32, #tpu.memory_space<vmem>>) offsets(%arg11 : memref<64xi32, #tpu.memory_space<vmem>>) semaphore(%arg20 : memref<!tpu.dma_semaphore, #tpu.memory_space<semaphore_mem>>)
      %dma_wait3A_172 = arith.constant 0 : i32
      %dma_wait3A_173 = arith.constant 0 : i32
      %dma_wait3A_174 = tpu.memref_slice %arg5[%dma_wait3A_172, %dma_wait3A_173] : memref<30000x128xf32, #tpu.memory_space<hbm>> -> memref<30000x128xf32, #tpu.memory_space<hbm>>
      tpu.wait_indirect_dma semaphore(%arg18 : memref<!tpu.dma_semaphore, #tpu.memory_space<semaphore_mem>>) src(%dma_wait3A_174 : memref<30000x128xf32, #tpu.memory_space<hbm>>) dst(%arg12 : memref<64x128xf32, #tpu.memory_space<vmem>>)
      %dma_wait3A_175 = arith.constant 0 : i32
      %dma_wait3A_176 = arith.constant 0 : i32
      %dma_wait3A_177 = tpu.memref_slice %arg6[%dma_wait3A_175, %dma_wait3A_176] : memref<30000x128xf32, #tpu.memory_space<hbm>> -> memref<30000x128xf32, #tpu.memory_space<hbm>>
      tpu.wait_indirect_dma semaphore(%arg19 : memref<!tpu.dma_semaphore, #tpu.memory_space<semaphore_mem>>) src(%dma_wait3A_177 : memref<30000x128xf32, #tpu.memory_space<hbm>>) dst(%arg13 : memref<64x128xf32, #tpu.memory_space<vmem>>)
      %dma_wait3A_178 = arith.constant 0 : i32
      %dma_wait3A_179 = arith.constant 0 : i32
      %dma_wait3A_180 = tpu.memref_slice %arg6[%dma_wait3A_178, %dma_wait3A_179] : memref<30000x128xf32, #tpu.memory_space<hbm>> -> memref<30000x128xf32, #tpu.memory_space<hbm>>
      tpu.wait_indirect_dma semaphore(%arg20 : memref<!tpu.dma_semaphore, #tpu.memory_space<semaphore_mem>>) src(%dma_wait3A_180 : memref<30000x128xf32, #tpu.memory_space<hbm>>) dst(%arg14 : memref<64x128xf32, #tpu.memory_space<vmem>>)
      %scan3A_181 = arith.constant 0 : i32
      %scan3A_182 = arith.constant 0 : i32
      %scan3A_183 = arith.constant 64 : i32
      %scan3A_184 = arith.addi %scan3A_182, %scan3A_183 : i32
      %scan3A_185 = arith.constant 1 : i32
      scf.for %scan3A_219 = %scan3A_182 to %scan3A_184 step %scan3A_185  : i32 {
        %get3A = arith.index_cast %scan3A_219 : i32 to index
        %get3A_220 = arith.constant 0 : index
        %get3A_221 = tpu.vector_load %arg13[%get3A, %get3A_220] {strides = array<i32>} : memref<64x128xf32, #tpu.memory_space<vmem>>, vector<16xf32>,
        %get3A_222 = arith.index_cast %scan3A_219 : i32 to index
        %get3A_223 = arith.constant 0 : index
        %get3A_224 = tpu.vector_load %arg14[%get3A_222, %get3A_223] {strides = array<i32>} : memref<64x128xf32, #tpu.memory_space<vmem>>, vector<16xf32>,
        %gather3A = vector.shape_cast %reshape3A : vector<16x1xi32> to vector<16xi32>
        %gather3A_225 = tpu.dynamic_gather %get3A_224[%gather3A] in [0] : vector<16xf32>, vector<16xi32> -> vector<16xf32>
        %add3A_226 = arith.addf %get3A_221, %gather3A_225 : vector<16xf32>
        %ge3A = arith.constant 0.000000e+00 : f32
        %ge3A_227 = vector.broadcast %ge3A : f32 to vector<16xf32>
        %ge3A_228 = arith.cmpf oge, %add3A_226, %ge3A_227 : vector<16xf32>
        %mul3A_229 = arith.constant 2.000000e-01 : f32
        %mul3A_230 = vector.broadcast %mul3A_229 : f32 to vector<16xf32>
        %mul3A_231 = arith.mulf %mul3A_230, %add3A_226 : vector<16xf32>
        %select_n3A_232 = arith.select %ge3A_228, %add3A_226, %mul3A_231 : vector<16xi1>, vector<16xf32>
        %exp3A = math.exp %select_n3A_232 : vector<16xf32>
        %swap3A = arith.index_cast %scan3A_219 : i32 to index
        %swap3A_233 = arith.constant 0 : index
        %swap3A_234 = tpu.vector_load %arg15[%swap3A, %swap3A_233] {strides = array<i32>} : memref<64x16xf32, #tpu.memory_space<vmem>>, vector<16xf32>,
        tpu.vector_store %arg15[%swap3A, %swap3A_233], %exp3A {strides = array<i32>} : memref<64x16xf32, #tpu.memory_space<vmem>>, vector<16xf32>,
        %gather3A_235 = vector.shape_cast %broadcast_in_dim3A_26 : vector<16x1xi32> to vector<16xi32>
        %gather3A_236 = tpu.dynamic_gather %exp3A[%gather3A_235] in [0] : vector<16xf32>, vector<16xi32> -> vector<16xf32>
        %get3A_237 = arith.index_cast %scan3A_219 : i32 to index
        %get3A_238 = arith.constant 0 : index
        %get3A_239 = tpu.vector_load %arg12[%get3A_237, %get3A_238] {strides = array<i32>} : memref<64x128xf32, #tpu.memory_space<vmem>>, vector<16xf32>,
        %mul3A_240 = arith.mulf %get3A_239, %gather3A_236 : vector<16xf32>
        %swap3A_241 = arith.index_cast %scan3A_219 : i32 to index
        %swap3A_242 = arith.constant 0 : index
        %swap3A_243 = tpu.vector_load %arg12[%swap3A_241, %swap3A_242] {strides = array<i32>} : memref<64x128xf32, #tpu.memory_space<vmem>>, vector<16xf32>,
        tpu.vector_store %arg12[%swap3A_241, %swap3A_242], %mul3A_240 {strides = array<i32>} : memref<64x128xf32, #tpu.memory_space<vmem>>, vector<16xf32>,
        %gather3A_244 = vector.shape_cast %broadcast_in_dim3A_26 : vector<16x1xi32> to vector<16xi32>
        %gather3A_245 = tpu.dynamic_gather %exp3A[%gather3A_244] in [0] : vector<16xf32>, vector<16xi32> -> vector<16xf32>
        %get3A_246 = arith.index_cast %scan3A_219 : i32 to index
        %get3A_247 = arith.constant 16 : index
        %get3A_248 = tpu.vector_load %arg12[%get3A_246, %get3A_247] {strides = array<i32>} : memref<64x128xf32, #tpu.memory_space<vmem>>, vector<16xf32>,
        %mul3A_249 = arith.mulf %get3A_248, %gather3A_245 : vector<16xf32>
        %swap3A_250 = arith.index_cast %scan3A_219 : i32 to index
        %swap3A_251 = arith.constant 16 : index
        %swap3A_252 = tpu.vector_load %arg12[%swap3A_250, %swap3A_251] {strides = array<i32>} : memref<64x128xf32, #tpu.memory_space<vmem>>, vector<16xf32>,
        tpu.vector_store %arg12[%swap3A_250, %swap3A_251], %mul3A_249 {strides = array<i32>} : memref<64x128xf32, #tpu.memory_space<vmem>>, vector<16xf32>,
        %gather3A_253 = vector.shape_cast %broadcast_in_dim3A_28 : vector<16x1xi32> to vector<16xi32>
        %gather3A_254 = tpu.dynamic_gather %exp3A[%gather3A_253] in [0] : vector<16xf32>, vector<16xi32> -> vector<16xf32>
        %get3A_255 = arith.index_cast %scan3A_219 : i32 to index
        %get3A_256 = arith.constant 32 : index
        %get3A_257 = tpu.vector_load %arg12[%get3A_255, %get3A_256] {strides = array<i32>} : memref<64x128xf32, #tpu.memory_space<vmem>>, vector<16xf32>,
        %mul3A_258 = arith.mulf %get3A_257, %gather3A_254 : vector<16xf32>
        %swap3A_259 = arith.index_cast %scan3A_219 : i32 to index
        %swap3A_260 = arith.constant 32 : index
        %swap3A_261 = tpu.vector_load %arg12[%swap3A_259, %swap3A_260] {strides = array<i32>} : memref<64x128xf32, #tpu.memory_space<vmem>>, vector<16xf32>,
        tpu.vector_store %arg12[%swap3A_259, %swap3A_260], %mul3A_258 {strides = array<i32>} : memref<64x128xf32, #tpu.memory_space<vmem>>, vector<16xf32>,
        %gather3A_262 = vector.shape_cast %broadcast_in_dim3A_28 : vector<16x1xi32> to vector<16xi32>
        %gather3A_263 = tpu.dynamic_gather %exp3A[%gather3A_262] in [0] : vector<16xf32>, vector<16xi32> -> vector<16xf32>
        %get3A_264 = arith.index_cast %scan3A_219 : i32 to index
        %get3A_265 = arith.constant 48 : index
        %get3A_266 = tpu.vector_load %arg12[%get3A_264, %get3A_265] {strides = array<i32>} : memref<64x128xf32, #tpu.memory_space<vmem>>, vector<16xf32>,
        %mul3A_267 = arith.mulf %get3A_266, %gather3A_263 : vector<16xf32>
        %swap3A_268 = arith.index_cast %scan3A_219 : i32 to index
        %swap3A_269 = arith.constant 48 : index
        %swap3A_270 = tpu.vector_load %arg12[%swap3A_268, %swap3A_269] {strides = array<i32>} : memref<64x128xf32, #tpu.memory_space<vmem>>, vector<16xf32>,
        tpu.vector_store %arg12[%swap3A_268, %swap3A_269], %mul3A_267 {strides = array<i32>} : memref<64x128xf32, #tpu.memory_space<vmem>>, vector<16xf32>,
        %gather3A_271 = vector.shape_cast %broadcast_in_dim3A_30 : vector<16x1xi32> to vector<16xi32>
        %gather3A_272 = tpu.dynamic_gather %exp3A[%gather3A_271] in [0] : vector<16xf32>, vector<16xi32> -> vector<16xf32>
        %get3A_273 = arith.index_cast %scan3A_219 : i32 to index
        %get3A_274 = arith.constant 64 : index
        %get3A_275 = tpu.vector_load %arg12[%get3A_273, %get3A_274] {strides = array<i32>} : memref<64x128xf32, #tpu.memory_space<vmem>>, vector<16xf32>,
        %mul3A_276 = arith.mulf %get3A_275, %gather3A_272 : vector<16xf32>
        %swap3A_277 = arith.index_cast %scan3A_219 : i32 to index
        %swap3A_278 = arith.constant 64 : index
        %swap3A_279 = tpu.vector_load %arg12[%swap3A_277, %swap3A_278] {strides = array<i32>} : memref<64x128xf32, #tpu.memory_space<vmem>>, vector<16xf32>,
        tpu.vector_store %arg12[%swap3A_277, %swap3A_278], %mul3A_276 {strides = array<i32>} : memref<64x128xf32, #tpu.memory_space<vmem>>, vector<16xf32>,
        %gather3A_280 = vector.shape_cast %broadcast_in_dim3A_30 : vector<16x1xi32> to vector<16xi32>
        %gather3A_281 = tpu.dynamic_gather %exp3A[%gather3A_280] in [0] : vector<16xf32>, vector<16xi32> -> vector<16xf32>
        %get3A_282 = arith.index_cast %scan3A_219 : i32 to index
        %get3A_283 = arith.constant 80 : index
        %get3A_284 = tpu.vector_load %arg12[%get3A_282, %get3A_283] {strides = array<i32>} : memref<64x128xf32, #tpu.memory_space<vmem>>, vector<16xf32>,
        %mul3A_285 = arith.mulf %get3A_284, %gather3A_281 : vector<16xf32>
        %swap3A_286 = arith.index_cast %scan3A_219 : i32 to index
        %swap3A_287 = arith.constant 80 : index
        %swap3A_288 = tpu.vector_load %arg12[%swap3A_286, %swap3A_287] {strides = array<i32>} : memref<64x128xf32, #tpu.memory_space<vmem>>, vector<16xf32>,
        tpu.vector_store %arg12[%swap3A_286, %swap3A_287], %mul3A_285 {strides = array<i32>} : memref<64x128xf32, #tpu.memory_space<vmem>>, vector<16xf32>,
        %gather3A_289 = vector.shape_cast %broadcast_in_dim3A_32 : vector<16x1xi32> to vector<16xi32>
        %gather3A_290 = tpu.dynamic_gather %exp3A[%gather3A_289] in [0] : vector<16xf32>, vector<16xi32> -> vector<16xf32>
        %get3A_291 = arith.index_cast %scan3A_219 : i32 to index
        %get3A_292 = arith.constant 96 : index
        %get3A_293 = tpu.vector_load %arg12[%get3A_291, %get3A_292] {strides = array<i32>} : memref<64x128xf32, #tpu.memory_space<vmem>>, vector<16xf32>,
        %mul3A_294 = arith.mulf %get3A_293, %gather3A_290 : vector<16xf32>
        %swap3A_295 = arith.index_cast %scan3A_219 : i32 to index
        %swap3A_296 = arith.constant 96 : index
        %swap3A_297 = tpu.vector_load %arg12[%swap3A_295, %swap3A_296] {strides = array<i32>} : memref<64x128xf32, #tpu.memory_space<vmem>>, vector<16xf32>,
        tpu.vector_store %arg12[%swap3A_295, %swap3A_296], %mul3A_294 {strides = array<i32>} : memref<64x128xf32, #tpu.memory_space<vmem>>, vector<16xf32>,
        %gather3A_298 = vector.shape_cast %broadcast_in_dim3A_32 : vector<16x1xi32> to vector<16xi32>
        %gather3A_299 = tpu.dynamic_gather %exp3A[%gather3A_298] in [0] : vector<16xf32>, vector<16xi32> -> vector<16xf32>
        %get3A_300 = arith.index_cast %scan3A_219 : i32 to index
        %get3A_301 = arith.constant 112 : index
        %get3A_302 = tpu.vector_load %arg12[%get3A_300, %get3A_301] {strides = array<i32>} : memref<64x128xf32, #tpu.memory_space<vmem>>, vector<16xf32>,
        %mul3A_303 = arith.mulf %get3A_302, %gather3A_299 : vector<16xf32>
        %swap3A_304 = arith.index_cast %scan3A_219 : i32 to index
        %swap3A_305 = arith.constant 112 : index
        %swap3A_306 = tpu.vector_load %arg12[%swap3A_304, %swap3A_305] {strides = array<i32>} : memref<64x128xf32, #tpu.memory_space<vmem>>, vector<16xf32>,
        tpu.vector_store %arg12[%swap3A_304, %swap3A_305], %mul3A_303 {strides = array<i32>} : memref<64x128xf32, #tpu.memory_space<vmem>>, vector<16xf32>,
      }
      %scan3A_186 = arith.constant 64 : i32
      %dma_start3A_187 = arith.constant 0 : i32
      %dma_start3A_188 = arith.constant 0 : i32
      %dma_start3A_189 = tpu.memref_slice %arg10[%dma_start3A_187, %dma_start3A_188] : memref<1x64xi32, #tpu.memory_space<vmem>> -> memref<1x64xi32, #tpu.memory_space<vmem>>
      %dma_start3A_190 = tpu.memref_squeeze %dma_start3A_189 : memref<1x64xi32, #tpu.memory_space<vmem>> -> memref<64xi32, #tpu.memory_space<vmem>>
      %dma_start3A_191 = arith.constant 0 : i32
      %dma_start3A_192 = arith.constant 0 : i32
      %dma_start3A_193 = tpu.memref_slice %arg17[%dma_start3A_191, %dma_start3A_192] : memref<10240x128xf32, #tpu.memory_space<vmem_shared>> -> memref<10240x128xf32, #tpu.memory_space<vmem_shared>>
      tpu.enqueue_indirect_dma source(%arg12 : memref<64x128xf32, #tpu.memory_space<vmem>>) target(%dma_start3A_193 : memref<10240x128xf32, #tpu.memory_space<vmem_shared>>) offsets(%dma_start3A_190 : memref<64xi32, #tpu.memory_space<vmem>>) semaphore(%arg18 : memref<!tpu.dma_semaphore, #tpu.memory_space<semaphore_mem>>) {add = true}
      %dma_start3A_194 = arith.constant 1 : i32
      %dma_start3A_195 = arith.constant 0 : i32
      %dma_start3A_196 = arith.constant 0 : i32
      %dma_start3A_197 = tpu.memref_slice %arg8[%dma_start3A_194, %add3A, %scan3A_122, %dma_start3A_195, %dma_start3A_196] : memref<3x32x100x64x16xf32, #tpu.memory_space<hbm>> -> memref<1x1x1x64x16xf32, #tpu.memory_space<hbm>>
      %dma_start3A_198 = tpu.memref_squeeze %dma_start3A_197 : memref<1x1x1x64x16xf32, #tpu.memory_space<hbm>> -> memref<64x16xf32, #tpu.memory_space<hbm>>
      %dma_start3A_199 = arith.constant 0 : i32
      %dma_start3A_200 = arith.constant 0 : i32
      %dma_start3A_201 = tpu.memref_slice %arg8[%dma_start3A_194, %add3A, %scan3A_122, %dma_start3A_199, %dma_start3A_200] : memref<3x32x100x64x16xf32, #tpu.memory_space<hbm>> -> memref<1x1x1x64x16xf32, #tpu.memory_space<hbm>>
      %dma_start3A_202 = tpu.memref_squeeze %dma_start3A_201 : memref<1x1x1x64x16xf32, #tpu.memory_space<hbm>> -> memref<64x16xf32, #tpu.memory_space<hbm>>
      tpu.enqueue_dma source(%arg15 : memref<64x16xf32, #tpu.memory_space<vmem>>) target(%dma_start3A_202 : memref<64x16xf32, #tpu.memory_space<hbm>>) target_semaphore(%arg19 : memref<!tpu.dma_semaphore, #tpu.memory_space<semaphore_mem>>)
      %dma_wait3A_203 = arith.constant 0 : i32
      %dma_wait3A_204 = arith.constant 0 : i32
      %dma_wait3A_205 = tpu.memref_slice %arg10[%dma_wait3A_203, %dma_wait3A_204] : memref<1x64xi32, #tpu.memory_space<vmem>> -> memref<1x64xi32, #tpu.memory_space<vmem>>
      %dma_wait3A_206 = tpu.memref_squeeze %dma_wait3A_205 : memref<1x64xi32, #tpu.memory_space<vmem>> -> memref<64xi32, #tpu.memory_space<vmem>>
      %dma_wait3A_207 = arith.constant 0 : i32
      %dma_wait3A_208 = arith.constant 0 : i32
      %dma_wait3A_209 = tpu.memref_slice %arg17[%dma_wait3A_207, %dma_wait3A_208] : memref<10240x128xf32, #tpu.memory_space<vmem_shared>> -> memref<10240x128xf32, #tpu.memory_space<vmem_shared>>
      tpu.wait_indirect_dma semaphore(%arg18 : memref<!tpu.dma_semaphore, #tpu.memory_space<semaphore_mem>>) src(%arg12 : memref<64x128xf32, #tpu.memory_space<vmem>>) dst(%dma_wait3A_209 : memref<10240x128xf32, #tpu.memory_space<vmem_shared>>)
      %dma_wait3A_210 = arith.constant 1 : i32
      %dma_wait3A_211 = arith.constant 0 : i32
      %dma_wait3A_212 = arith.constant 0 : i32
      %dma_wait3A_213 = tpu.memref_slice %arg8[%dma_wait3A_210, %add3A, %scan3A_122, %dma_wait3A_211, %dma_wait3A_212] : memref<3x32x100x64x16xf32, #tpu.memory_space<hbm>> -> memref<1x1x1x64x16xf32, #tpu.memory_space<hbm>>
      %dma_wait3A_214 = tpu.memref_squeeze %dma_wait3A_213 : memref<1x1x1x64x16xf32, #tpu.memory_space<hbm>> -> memref<64x16xf32, #tpu.memory_space<hbm>>
      %dma_wait3A_215 = arith.constant 0 : i32
      %dma_wait3A_216 = arith.constant 0 : i32
      %dma_wait3A_217 = tpu.memref_slice %arg8[%dma_wait3A_210, %add3A, %scan3A_122, %dma_wait3A_215, %dma_wait3A_216] : memref<3x32x100x64x16xf32, #tpu.memory_space<hbm>> -> memref<1x1x1x64x16xf32, #tpu.memory_space<hbm>>
      %dma_wait3A_218 = tpu.memref_squeeze %dma_wait3A_217 : memref<1x1x1x64x16xf32, #tpu.memory_space<hbm>> -> memref<64x16xf32, #tpu.memory_space<hbm>>
      tpu.wait_dma2 semaphore(%arg19 : memref<!tpu.dma_semaphore, #tpu.memory_space<semaphore_mem>>) src(%arg15 : memref<64x16xf32, #tpu.memory_space<vmem>>) dst(%dma_wait3A_218 : memref<64x16xf32, #tpu.memory_space<hbm>>)
    }
    %scan3A_72 = arith.constant 100 : i32
    %barrier3A_73 = arith.constant 0 : index
    tpu.barrier barrier_id(%barrier3A_73)
    %mul3A_74 = arith.constant 640 : i32
    %mul3A_75 = arith.muli %arg1, %mul3A_74 : i32
    %scan3A_76 = arith.constant 0 : i32
    %scan3A_77 = arith.constant 0 : i32
    %scan3A_78 = arith.constant 6 : i32
    %scan3A_79 = arith.addi %scan3A_77, %scan3A_78 : i32
    %scan3A_80 = arith.constant 1 : i32
    scf.for %scan3A_122 = %scan3A_77 to %scan3A_79 step %scan3A_80  : i32 {
      %mul3A_123 = arith.constant 64 : i32
      %mul3A_124 = arith.muli %scan3A_122, %mul3A_123 : i32
      %add3A_125 = arith.addi %mul3A_75, %mul3A_124 : i32
      "tpu.region"() ({
        %run_scoped3A_130 = tpu.sem_alloc : memref<!tpu.dma_semaphore, #tpu.memory_space<semaphore_mem>>
        %dma_start3A = arith.constant 0 : i32
        %dma_start3A_131 = tpu.memref_slice %arg17[%add3A_125, %dma_start3A] : memref<10240x128xf32, #tpu.memory_space<vmem_shared>> -> memref<64x128xf32, #tpu.memory_space<vmem_shared>>
        %dma_start3A_132 = arith.constant 0 : i32
        %dma_start3A_133 = tpu.memref_slice %arg17[%add3A_125, %dma_start3A_132] : memref<10240x128xf32, #tpu.memory_space<vmem_shared>> -> memref<64x128xf32, #tpu.memory_space<vmem_shared>>
        tpu.enqueue_dma source(%dma_start3A_133 : memref<64x128xf32, #tpu.memory_space<vmem_shared>>) target(%arg12 : memref<64x128xf32, #tpu.memory_space<vmem>>) target_semaphore(%run_scoped3A_130 : memref<!tpu.dma_semaphore, #tpu.memory_space<semaphore_mem>>)
        %dma_wait3A = arith.constant 0 : i32
        %dma_wait3A_134 = tpu.memref_slice %arg17[%add3A_125, %dma_wait3A] : memref<10240x128xf32, #tpu.memory_space<vmem_shared>> -> memref<64x128xf32, #tpu.memory_space<vmem_shared>>
        %dma_wait3A_135 = arith.constant 0 : i32
        %dma_wait3A_136 = tpu.memref_slice %arg17[%add3A_125, %dma_wait3A_135] : memref<10240x128xf32, #tpu.memory_space<vmem_shared>> -> memref<64x128xf32, #tpu.memory_space<vmem_shared>>
        tpu.wait_dma2 semaphore(%run_scoped3A_130 : memref<!tpu.dma_semaphore, #tpu.memory_space<semaphore_mem>>) src(%dma_wait3A_136 : memref<64x128xf32, #tpu.memory_space<vmem_shared>>) dst(%arg12 : memref<64x128xf32, #tpu.memory_space<vmem>>)
        tpu.yield
      }) : () -> ()
      %mul3A_126 = arith.constant 64 : i32
      %mul3A_127 = arith.muli %scan3A_122, %mul3A_126 : i32
      %add3A_128 = arith.addi %mul3A_75, %mul3A_127 : i32
      %run_scoped3A_129 = arith.constant 1 : i32
      "tpu.region"() ({
        %run_scoped3A_130 = tpu.sem_alloc : memref<!tpu.dma_semaphore, #tpu.memory_space<semaphore_mem>>
        %dma_start3A = arith.constant 0 : i32
        %dma_start3A_131 = tpu.memref_slice %arg7[%arg0, %run_scoped3A_129, %add3A_128, %dma_start3A] : memref<2x3x10000x128xf32, #tpu.memory_space<hbm>> -> memref<1x1x64x128xf32, #tpu.memory_space<hbm>>
        %dma_start3A_132 = tpu.memref_squeeze %dma_start3A_131 : memref<1x1x64x128xf32, #tpu.memory_space<hbm>> -> memref<64x128xf32, #tpu.memory_space<hbm>>
        %dma_start3A_133 = arith.constant 0 : i32
        %dma_start3A_134 = tpu.memref_slice %arg7[%arg0, %run_scoped3A_129, %add3A_128, %dma_start3A_133] : memref<2x3x10000x128xf32, #tpu.memory_space<hbm>> -> memref<1x1x64x128xf32, #tpu.memory_space<hbm>>
        %dma_start3A_135 = tpu.memref_squeeze %dma_start3A_134 : memref<1x1x64x128xf32, #tpu.memory_space<hbm>> -> memref<64x128xf32, #tpu.memory_space<hbm>>
        tpu.enqueue_dma source(%arg12 : memref<64x128xf32, #tpu.memory_space<vmem>>) target(%dma_start3A_135 : memref<64x128xf32, #tpu.memory_space<hbm>>) target_semaphore(%run_scoped3A_130 : memref<!tpu.dma_semaphore, #tpu.memory_space<semaphore_mem>>)
        %dma_wait3A = arith.constant 0 : i32
        %dma_wait3A_136 = tpu.memref_slice %arg7[%arg0, %run_scoped3A_129, %add3A_128, %dma_wait3A] : memref<2x3x10000x128xf32, #tpu.memory_space<hbm>> -> memref<1x1x64x128xf32, #tpu.memory_space<hbm>>
        %dma_wait3A_137 = tpu.memref_squeeze %dma_wait3A_136 : memref<1x1x64x128xf32, #tpu.memory_space<hbm>> -> memref<64x128xf32, #tpu.memory_space<hbm>>
        %dma_wait3A_138 = arith.constant 0 : i32
        %dma_wait3A_139 = tpu.memref_slice %arg7[%arg0, %run_scoped3A_129, %add3A_128, %dma_wait3A_138] : memref<2x3x10000x128xf32, #tpu.memory_space<hbm>> -> memref<1x1x64x128xf32, #tpu.memory_space<hbm>>
        %dma_wait3A_140 = tpu.memref_squeeze %dma_wait3A_139 : memref<1x1x64x128xf32, #tpu.memory_space<hbm>> -> memref<64x128xf32, #tpu.memory_space<hbm>>
        tpu.wait_dma2 semaphore(%run_scoped3A_130 : memref<!tpu.dma_semaphore, #tpu.memory_space<semaphore_mem>>) src(%arg12 : memref<64x128xf32, #tpu.memory_space<vmem>>) dst(%dma_wait3A_140 : memref<64x128xf32, #tpu.memory_space<hbm>>)
        tpu.yield
      }) : () -> ()
    }
    %scan3A_81 = arith.constant 6 : i32
    %add3A_82 = arith.constant 384 : i32
    %add3A_83 = arith.addi %mul3A_75, %add3A_82 : i32
    "tpu.region"() ({
      %run_scoped3A_122 = tpu.sem_alloc : memref<!tpu.dma_semaphore, #tpu.memory_space<semaphore_mem>>
      %dma_start3A = arith.constant 0 : i32
      %dma_start3A_123 = arith.constant 0 : i32
      %dma_start3A_124 = tpu.memref_slice %arg12[%dma_start3A, %dma_start3A_123] : memref<64x128xf32, #tpu.memory_space<vmem>> -> memref<16x128xf32, #tpu.memory_space<vmem>>
      %dma_start3A_125 = arith.constant 0 : i32
      %dma_start3A_126 = tpu.memref_slice %arg17[%add3A_83, %dma_start3A_125] : memref<10240x128xf32, #tpu.memory_space<vmem_shared>> -> memref<16x128xf32, #tpu.memory_space<vmem_shared>>
      %dma_start3A_127 = arith.constant 0 : i32
      %dma_start3A_128 = arith.constant 0 : i32
      %dma_start3A_129 = tpu.memref_slice %arg12[%dma_start3A_127, %dma_start3A_128] : memref<64x128xf32, #tpu.memory_space<vmem>> -> memref<16x128xf32, #tpu.memory_space<vmem>>
      %dma_start3A_130 = arith.constant 0 : i32
      %dma_start3A_131 = tpu.memref_slice %arg17[%add3A_83, %dma_start3A_130] : memref<10240x128xf32, #tpu.memory_space<vmem_shared>> -> memref<16x128xf32, #tpu.memory_space<vmem_shared>>
      tpu.enqueue_dma source(%dma_start3A_131 : memref<16x128xf32, #tpu.memory_space<vmem_shared>>) target(%dma_start3A_129 : memref<16x128xf32, #tpu.memory_space<vmem>>) target_semaphore(%run_scoped3A_122 : memref<!tpu.dma_semaphore, #tpu.memory_space<semaphore_mem>>)
      %dma_wait3A = arith.constant 0 : i32
      %dma_wait3A_132 = arith.constant 0 : i32
      %dma_wait3A_133 = tpu.memref_slice %arg12[%dma_wait3A, %dma_wait3A_132] : memref<64x128xf32, #tpu.memory_space<vmem>> -> memref<16x128xf32, #tpu.memory_space<vmem>>
      %dma_wait3A_134 = arith.constant 0 : i32
      %dma_wait3A_135 = tpu.memref_slice %arg17[%add3A_83, %dma_wait3A_134] : memref<10240x128xf32, #tpu.memory_space<vmem_shared>> -> memref<16x128xf32, #tpu.memory_space<vmem_shared>>
      %dma_wait3A_136 = arith.constant 0 : i32
      %dma_wait3A_137 = arith.constant 0 : i32
      %dma_wait3A_138 = tpu.memref_slice %arg12[%dma_wait3A_136, %dma_wait3A_137] : memref<64x128xf32, #tpu.memory_space<vmem>> -> memref<16x128xf32, #tpu.memory_space<vmem>>
      %dma_wait3A_139 = arith.constant 0 : i32
      %dma_wait3A_140 = tpu.memref_slice %arg17[%add3A_83, %dma_wait3A_139] : memref<10240x128xf32, #tpu.memory_space<vmem_shared>> -> memref<16x128xf32, #tpu.memory_space<vmem_shared>>
      tpu.wait_dma2 semaphore(%run_scoped3A_122 : memref<!tpu.dma_semaphore, #tpu.memory_space<semaphore_mem>>) src(%dma_wait3A_140 : memref<16x128xf32, #tpu.memory_space<vmem_shared>>) dst(%dma_wait3A_138 : memref<16x128xf32, #tpu.memory_space<vmem>>)
      tpu.yield
    }) : () -> ()
    %run_scoped3A_84 = arith.constant 1 : i32
    "tpu.region"() ({
      %run_scoped3A_122 = tpu.sem_alloc : memref<!tpu.dma_semaphore, #tpu.memory_space<semaphore_mem>>
      %dma_start3A = arith.constant 0 : i32
      %dma_start3A_123 = arith.constant 0 : i32
      %dma_start3A_124 = tpu.memref_slice %arg12[%dma_start3A, %dma_start3A_123] : memref<64x128xf32, #tpu.memory_space<vmem>> -> memref<16x128xf32, #tpu.memory_space<vmem>>
      %dma_start3A_125 = arith.constant 0 : i32
      %dma_start3A_126 = tpu.memref_slice %arg7[%arg0, %run_scoped3A_84, %add3A_83, %dma_start3A_125] : memref<2x3x10000x128xf32, #tpu.memory_space<hbm>> -> memref<1x1x16x128xf32, #tpu.memory_space<hbm>>
      %dma_start3A_127 = tpu.memref_squeeze %dma_start3A_126 : memref<1x1x16x128xf32, #tpu.memory_space<hbm>> -> memref<16x128xf32, #tpu.memory_space<hbm>>
      %dma_start3A_128 = arith.constant 0 : i32
      %dma_start3A_129 = tpu.memref_slice %arg7[%arg0, %run_scoped3A_84, %add3A_83, %dma_start3A_128] : memref<2x3x10000x128xf32, #tpu.memory_space<hbm>> -> memref<1x1x16x128xf32, #tpu.memory_space<hbm>>
      %dma_start3A_130 = tpu.memref_squeeze %dma_start3A_129 : memref<1x1x16x128xf32, #tpu.memory_space<hbm>> -> memref<16x128xf32, #tpu.memory_space<hbm>>
      %dma_start3A_131 = arith.constant 0 : i32
      %dma_start3A_132 = arith.constant 0 : i32
      %dma_start3A_133 = tpu.memref_slice %arg12[%dma_start3A_131, %dma_start3A_132] : memref<64x128xf32, #tpu.memory_space<vmem>> -> memref<16x128xf32, #tpu.memory_space<vmem>>
      tpu.enqueue_dma source(%dma_start3A_133 : memref<16x128xf32, #tpu.memory_space<vmem>>) target(%dma_start3A_130 : memref<16x128xf32, #tpu.memory_space<hbm>>) target_semaphore(%run_scoped3A_122 : memref<!tpu.dma_semaphore, #tpu.memory_space<semaphore_mem>>)
      %dma_wait3A = arith.constant 0 : i32
      %dma_wait3A_134 = arith.constant 0 : i32
      %dma_wait3A_135 = tpu.memref_slice %arg12[%dma_wait3A, %dma_wait3A_134] : memref<64x128xf32, #tpu.memory_space<vmem>> -> memref<16x128xf32, #tpu.memory_space<vmem>>
      %dma_wait3A_136 = arith.constant 0 : i32
      %dma_wait3A_137 = tpu.memref_slice %arg7[%arg0, %run_scoped3A_84, %add3A_83, %dma_wait3A_136] : memref<2x3x10000x128xf32, #tpu.memory_space<hbm>> -> memref<1x1x16x128xf32, #tpu.memory_space<hbm>>
      %dma_wait3A_138 = tpu.memref_squeeze %dma_wait3A_137 : memref<1x1x16x128xf32, #tpu.memory_space<hbm>> -> memref<16x128xf32, #tpu.memory_space<hbm>>
      %dma_wait3A_139 = arith.constant 0 : i32
      %dma_wait3A_140 = tpu.memref_slice %arg7[%arg0, %run_scoped3A_84, %add3A_83, %dma_wait3A_139] : memref<2x3x10000x128xf32, #tpu.memory_space<hbm>> -> memref<1x1x16x128xf32, #tpu.memory_space<hbm>>
      %dma_wait3A_141 = tpu.memref_squeeze %dma_wait3A_140 : memref<1x1x16x128xf32, #tpu.memory_space<hbm>> -> memref<16x128xf32, #tpu.memory_space<hbm>>
      %dma_wait3A_142 = arith.constant 0 : i32
      %dma_wait3A_143 = arith.constant 0 : i32
      %dma_wait3A_144 = tpu.memref_slice %arg12[%dma_wait3A_142, %dma_wait3A_143] : memref<64x128xf32, #tpu.memory_space<vmem>> -> memref<16x128xf32, #tpu.memory_space<vmem>>
      tpu.wait_dma2 semaphore(%run_scoped3A_122 : memref<!tpu.dma_semaphore, #tpu.memory_space<semaphore_mem>>) src(%dma_wait3A_144 : memref<16x128xf32, #tpu.memory_space<vmem>>) dst(%dma_wait3A_141 : memref<16x128xf32, #tpu.memory_space<hbm>>)
      tpu.yield
    }) : () -> ()
    %lt3A_85 = arith.constant 15 : i32
    %lt3A_86 = arith.cmpi slt, %arg1, %lt3A_85 : i32
    %convert_element_type3A_87 = arith.extui %lt3A_86 : i1 to i32
    %cond3A_88 = arith.constant 0 : i32
    %cond3A_89 = arith.cmpi ne, %convert_element_type3A_87, %cond3A_88 : i32
    scf.if %cond3A_89 {
      %add3A_122 = arith.constant 384 : i32
      %add3A_123 = arith.addi %mul3A_75, %add3A_122 : i32
      %add3A_124 = arith.constant 16 : i32
      %add3A_125 = arith.addi %add3A_123, %add3A_124 : i32
      %scan3A_126 = arith.constant 0 : i32
      %scan3A_127 = arith.constant 0 : i32
      %scan3A_128 = arith.constant 3 : i32
      %scan3A_129 = arith.addi %scan3A_127, %scan3A_128 : i32
      %scan3A_130 = arith.constant 1 : i32
      scf.for %scan3A_135 = %scan3A_127 to %scan3A_129 step %scan3A_130  : i32 {
        %mul3A_136 = arith.constant 64 : i32
        %mul3A_137 = arith.muli %scan3A_135, %mul3A_136 : i32
        %add3A_138 = arith.addi %add3A_125, %mul3A_137 : i32
        "tpu.region"() ({
          %run_scoped3A_143 = tpu.sem_alloc : memref<!tpu.dma_semaphore, #tpu.memory_space<semaphore_mem>>
          %dma_start3A = arith.constant 0 : i32
          %dma_start3A_144 = tpu.memref_slice %arg17[%add3A_138, %dma_start3A] : memref<10240x128xf32, #tpu.memory_space<vmem_shared>> -> memref<64x128xf32, #tpu.memory_space<vmem_shared>>
          %dma_start3A_145 = arith.constant 0 : i32
          %dma_start3A_146 = tpu.memref_slice %arg17[%add3A_138, %dma_start3A_145] : memref<10240x128xf32, #tpu.memory_space<vmem_shared>> -> memref<64x128xf32, #tpu.memory_space<vmem_shared>>
          tpu.enqueue_dma source(%dma_start3A_146 : memref<64x128xf32, #tpu.memory_space<vmem_shared>>) target(%arg12 : memref<64x128xf32, #tpu.memory_space<vmem>>) target_semaphore(%run_scoped3A_143 : memref<!tpu.dma_semaphore, #tpu.memory_space<semaphore_mem>>)
          %dma_wait3A = arith.constant 0 : i32
          %dma_wait3A_147 = tpu.memref_slice %arg17[%add3A_138, %dma_wait3A] : memref<10240x128xf32, #tpu.memory_space<vmem_shared>> -> memref<64x128xf32, #tpu.memory_space<vmem_shared>>
          %dma_wait3A_148 = arith.constant 0 : i32
          %dma_wait3A_149 = tpu.memref_slice %arg17[%add3A_138, %dma_wait3A_148] : memref<10240x128xf32, #tpu.memory_space<vmem_shared>> -> memref<64x128xf32, #tpu.memory_space<vmem_shared>>
          tpu.wait_dma2 semaphore(%run_scoped3A_143 : memref<!tpu.dma_semaphore, #tpu.memory_space<semaphore_mem>>) src(%dma_wait3A_149 : memref<64x128xf32, #tpu.memory_space<vmem_shared>>) dst(%arg12 : memref<64x128xf32, #tpu.memory_space<vmem>>)
          tpu.yield
        }) : () -> ()
        %mul3A_139 = arith.constant 64 : i32
        %mul3A_140 = arith.muli %scan3A_135, %mul3A_139 : i32
        %add3A_141 = arith.addi %add3A_125, %mul3A_140 : i32
        %run_scoped3A_142 = arith.constant 1 : i32
        "tpu.region"() ({
          %run_scoped3A_143 = tpu.sem_alloc : memref<!tpu.dma_semaphore, #tpu.memory_space<semaphore_mem>>
          %dma_start3A = arith.constant 0 : i32
          %dma_start3A_144 = tpu.memref_slice %arg7[%arg0, %run_scoped3A_142, %add3A_141, %dma_start3A] : memref<2x3x10000x128xf32, #tpu.memory_space<hbm>> -> memref<1x1x64x128xf32, #tpu.memory_space<hbm>>
          %dma_start3A_145 = tpu.memref_squeeze %dma_start3A_144 : memref<1x1x64x128xf32, #tpu.memory_space<hbm>> -> memref<64x128xf32, #tpu.memory_space<hbm>>
          %dma_start3A_146 = arith.constant 0 : i32
          %dma_start3A_147 = tpu.memref_slice %arg7[%arg0, %run_scoped3A_142, %add3A_141, %dma_start3A_146] : memref<2x3x10000x128xf32, #tpu.memory_space<hbm>> -> memref<1x1x64x128xf32, #tpu.memory_space<hbm>>
          %dma_start3A_148 = tpu.memref_squeeze %dma_start3A_147 : memref<1x1x64x128xf32, #tpu.memory_space<hbm>> -> memref<64x128xf32, #tpu.memory_space<hbm>>
          tpu.enqueue_dma source(%arg12 : memref<64x128xf32, #tpu.memory_space<vmem>>) target(%dma_start3A_148 : memref<64x128xf32, #tpu.memory_space<hbm>>) target_semaphore(%run_scoped3A_143 : memref<!tpu.dma_semaphore, #tpu.memory_space<semaphore_mem>>)
          %dma_wait3A = arith.constant 0 : i32
          %dma_wait3A_149 = tpu.memref_slice %arg7[%arg0, %run_scoped3A_142, %add3A_141, %dma_wait3A] : memref<2x3x10000x128xf32, #tpu.memory_space<hbm>> -> memref<1x1x64x128xf32, #tpu.memory_space<hbm>>
          %dma_wait3A_150 = tpu.memref_squeeze %dma_wait3A_149 : memref<1x1x64x128xf32, #tpu.memory_space<hbm>> -> memref<64x128xf32, #tpu.memory_space<hbm>>
          %dma_wait3A_151 = arith.constant 0 : i32
          %dma_wait3A_152 = tpu.memref_slice %arg7[%arg0, %run_scoped3A_142, %add3A_141, %dma_wait3A_151] : memref<2x3x10000x128xf32, #tpu.memory_space<hbm>> -> memref<1x1x64x128xf32, #tpu.memory_space<hbm>>
          %dma_wait3A_153 = tpu.memref_squeeze %dma_wait3A_152 : memref<1x1x64x128xf32, #tpu.memory_space<hbm>> -> memref<64x128xf32, #tpu.memory_space<hbm>>
          tpu.wait_dma2 semaphore(%run_scoped3A_143 : memref<!tpu.dma_semaphore, #tpu.memory_space<semaphore_mem>>) src(%arg12 : memref<64x128xf32, #tpu.memory_space<vmem>>) dst(%dma_wait3A_153 : memref<64x128xf32, #tpu.memory_space<hbm>>)
          tpu.yield
        }) : () -> ()
      }
      %scan3A_131 = arith.constant 3 : i32
      %add3A_132 = arith.constant 192 : i32
      %add3A_133 = arith.addi %add3A_125, %add3A_132 : i32
      "tpu.region"() ({
        %run_scoped3A_135 = tpu.sem_alloc : memref<!tpu.dma_semaphore, #tpu.memory_space<semaphore_mem>>
        %dma_start3A = arith.constant 0 : i32
        %dma_start3A_136 = arith.constant 0 : i32
        %dma_start3A_137 = tpu.memref_slice %arg12[%dma_start3A, %dma_start3A_136] : memref<64x128xf32, #tpu.memory_space<vmem>> -> memref<48x128xf32, #tpu.memory_space<vmem>>
        %dma_start3A_138 = arith.constant 0 : i32
        %dma_start3A_139 = tpu.memref_slice %arg17[%add3A_133, %dma_start3A_138] : memref<10240x128xf32, #tpu.memory_space<vmem_shared>> -> memref<48x128xf32, #tpu.memory_space<vmem_shared>>
        %dma_start3A_140 = arith.constant 0 : i32
        %dma_start3A_141 = arith.constant 0 : i32
        %dma_start3A_142 = tpu.memref_slice %arg12[%dma_start3A_140, %dma_start3A_141] : memref<64x128xf32, #tpu.memory_space<vmem>> -> memref<48x128xf32, #tpu.memory_space<vmem>>
        %dma_start3A_143 = arith.constant 0 : i32
        %dma_start3A_144 = tpu.memref_slice %arg17[%add3A_133, %dma_start3A_143] : memref<10240x128xf32, #tpu.memory_space<vmem_shared>> -> memref<48x128xf32, #tpu.memory_space<vmem_shared>>
        tpu.enqueue_dma source(%dma_start3A_144 : memref<48x128xf32, #tpu.memory_space<vmem_shared>>) target(%dma_start3A_142 : memref<48x128xf32, #tpu.memory_space<vmem>>) target_semaphore(%run_scoped3A_135 : memref<!tpu.dma_semaphore, #tpu.memory_space<semaphore_mem>>)
        %dma_wait3A = arith.constant 0 : i32
        %dma_wait3A_145 = arith.constant 0 : i32
        %dma_wait3A_146 = tpu.memref_slice %arg12[%dma_wait3A, %dma_wait3A_145] : memref<64x128xf32, #tpu.memory_space<vmem>> -> memref<48x128xf32, #tpu.memory_space<vmem>>
        %dma_wait3A_147 = arith.constant 0 : i32
        %dma_wait3A_148 = tpu.memref_slice %arg17[%add3A_133, %dma_wait3A_147] : memref<10240x128xf32, #tpu.memory_space<vmem_shared>> -> memref<48x128xf32, #tpu.memory_space<vmem_shared>>
        %dma_wait3A_149 = arith.constant 0 : i32
        %dma_wait3A_150 = arith.constant 0 : i32
        %dma_wait3A_151 = tpu.memref_slice %arg12[%dma_wait3A_149, %dma_wait3A_150] : memref<64x128xf32, #tpu.memory_space<vmem>> -> memref<48x128xf32, #tpu.memory_space<vmem>>
        %dma_wait3A_152 = arith.constant 0 : i32
        %dma_wait3A_153 = tpu.memref_slice %arg17[%add3A_133, %dma_wait3A_152] : memref<10240x128xf32, #tpu.memory_space<vmem_shared>> -> memref<48x128xf32, #tpu.memory_space<vmem_shared>>
        tpu.wait_dma2 semaphore(%run_scoped3A_135 : memref<!tpu.dma_semaphore, #tpu.memory_space<semaphore_mem>>) src(%dma_wait3A_153 : memref<48x128xf32, #tpu.memory_space<vmem_shared>>) dst(%dma_wait3A_151 : memref<48x128xf32, #tpu.memory_space<vmem>>)
        tpu.yield
      }) : () -> ()
      %run_scoped3A_134 = arith.constant 1 : i32
      "tpu.region"() ({
        %run_scoped3A_135 = tpu.sem_alloc : memref<!tpu.dma_semaphore, #tpu.memory_space<semaphore_mem>>
        %dma_start3A = arith.constant 0 : i32
        %dma_start3A_136 = arith.constant 0 : i32
        %dma_start3A_137 = tpu.memref_slice %arg12[%dma_start3A, %dma_start3A_136] : memref<64x128xf32, #tpu.memory_space<vmem>> -> memref<48x128xf32, #tpu.memory_space<vmem>>
        %dma_start3A_138 = arith.constant 0 : i32
        %dma_start3A_139 = tpu.memref_slice %arg7[%arg0, %run_scoped3A_134, %add3A_133, %dma_start3A_138] : memref<2x3x10000x128xf32, #tpu.memory_space<hbm>> -> memref<1x1x48x128xf32, #tpu.memory_space<hbm>>
        %dma_start3A_140 = tpu.memref_squeeze %dma_start3A_139 : memref<1x1x48x128xf32, #tpu.memory_space<hbm>> -> memref<48x128xf32, #tpu.memory_space<hbm>>
        %dma_start3A_141 = arith.constant 0 : i32
        %dma_start3A_142 = tpu.memref_slice %arg7[%arg0, %run_scoped3A_134, %add3A_133, %dma_start3A_141] : memref<2x3x10000x128xf32, #tpu.memory_space<hbm>> -> memref<1x1x48x128xf32, #tpu.memory_space<hbm>>
        %dma_start3A_143 = tpu.memref_squeeze %dma_start3A_142 : memref<1x1x48x128xf32, #tpu.memory_space<hbm>> -> memref<48x128xf32, #tpu.memory_space<hbm>>
        %dma_start3A_144 = arith.constant 0 : i32
        %dma_start3A_145 = arith.constant 0 : i32
        %dma_start3A_146 = tpu.memref_slice %arg12[%dma_start3A_144, %dma_start3A_145] : memref<64x128xf32, #tpu.memory_space<vmem>> -> memref<48x128xf32, #tpu.memory_space<vmem>>
        tpu.enqueue_dma source(%dma_start3A_146 : memref<48x128xf32, #tpu.memory_space<vmem>>) target(%dma_start3A_143 : memref<48x128xf32, #tpu.memory_space<hbm>>) target_semaphore(%run_scoped3A_135 : memref<!tpu.dma_semaphore, #tpu.memory_space<semaphore_mem>>)
        %dma_wait3A = arith.constant 0 : i32
        %dma_wait3A_147 = arith.constant 0 : i32
        %dma_wait3A_148 = tpu.memref_slice %arg12[%dma_wait3A, %dma_wait3A_147] : memref<64x128xf32, #tpu.memory_space<vmem>> -> memref<48x128xf32, #tpu.memory_space<vmem>>
        %dma_wait3A_149 = arith.constant 0 : i32
        %dma_wait3A_150 = tpu.memref_slice %arg7[%arg0, %run_scoped3A_134, %add3A_133, %dma_wait3A_149] : memref<2x3x10000x128xf32, #tpu.memory_space<hbm>> -> memref<1x1x48x128xf32, #tpu.memory_space<hbm>>
        %dma_wait3A_151 = tpu.memref_squeeze %dma_wait3A_150 : memref<1x1x48x128xf32, #tpu.memory_space<hbm>> -> memref<48x128xf32, #tpu.memory_space<hbm>>
        %dma_wait3A_152 = arith.constant 0 : i32
        %dma_wait3A_153 = tpu.memref_slice %arg7[%arg0, %run_scoped3A_134, %add3A_133, %dma_wait3A_152] : memref<2x3x10000x128xf32, #tpu.memory_space<hbm>> -> memref<1x1x48x128xf32, #tpu.memory_space<hbm>>
        %dma_wait3A_154 = tpu.memref_squeeze %dma_wait3A_153 : memref<1x1x48x128xf32, #tpu.memory_space<hbm>> -> memref<48x128xf32, #tpu.memory_space<hbm>>
        %dma_wait3A_155 = arith.constant 0 : i32
        %dma_wait3A_156 = arith.constant 0 : i32
        %dma_wait3A_157 = tpu.memref_slice %arg12[%dma_wait3A_155, %dma_wait3A_156] : memref<64x128xf32, #tpu.memory_space<vmem>> -> memref<48x128xf32, #tpu.memory_space<vmem>>
        tpu.wait_dma2 semaphore(%run_scoped3A_135 : memref<!tpu.dma_semaphore, #tpu.memory_space<semaphore_mem>>) src(%dma_wait3A_157 : memref<48x128xf32, #tpu.memory_space<vmem>>) dst(%dma_wait3A_154 : memref<48x128xf32, #tpu.memory_space<hbm>>)
        tpu.yield
      }) : () -> ()
    } else {
    }
    %barrier3A_90 = arith.constant 0 : index
    tpu.barrier barrier_id(%barrier3A_90)
    %scan3A_91 = arith.constant 0 : i32
    %scan3A_92 = arith.constant 0 : i32
    %scan3A_93 = arith.constant 80 : i32
    %scan3A_94 = arith.addi %scan3A_92, %scan3A_93 : i32
    %scan3A_95 = arith.constant 1 : i32
    scf.for %scan3A_122 = %scan3A_92 to %scan3A_94 step %scan3A_95  : i32 {
      %mul3A_123 = arith.constant 640 : i32
      %mul3A_124 = arith.muli %arg1, %mul3A_123 : i32
      %mul3A_125 = arith.constant 8 : i32
      %mul3A_126 = arith.muli %scan3A_122, %mul3A_125 : i32
      %add3A_127 = arith.addi %mul3A_124, %mul3A_126 : i32
      "tpu.region"() ({
        %run_scoped3A_128 = tpu.sem_alloc : memref<!tpu.dma_semaphore, #tpu.memory_space<semaphore_mem>>
        %dma_start3A = arith.constant 0 : i32
        %dma_start3A_129 = tpu.memref_slice %arg17[%add3A_127, %dma_start3A] : memref<10240x128xf32, #tpu.memory_space<vmem_shared>> -> memref<8x128xf32, #tpu.memory_space<vmem_shared>>
        %dma_start3A_130 = arith.constant 0 : i32
        %dma_start3A_131 = tpu.memref_slice %arg17[%add3A_127, %dma_start3A_130] : memref<10240x128xf32, #tpu.memory_space<vmem_shared>> -> memref<8x128xf32, #tpu.memory_space<vmem_shared>>
        tpu.enqueue_dma source(%arg16 : memref<8x128xf32, #tpu.memory_space<vmem>>) target(%dma_start3A_131 : memref<8x128xf32, #tpu.memory_space<vmem_shared>>) target_semaphore(%run_scoped3A_128 : memref<!tpu.dma_semaphore, #tpu.memory_space<semaphore_mem>>)
        %dma_wait3A = arith.constant 0 : i32
        %dma_wait3A_132 = tpu.memref_slice %arg17[%add3A_127, %dma_wait3A] : memref<10240x128xf32, #tpu.memory_space<vmem_shared>> -> memref<8x128xf32, #tpu.memory_space<vmem_shared>>
        %dma_wait3A_133 = arith.constant 0 : i32
        %dma_wait3A_134 = tpu.memref_slice %arg17[%add3A_127, %dma_wait3A_133] : memref<10240x128xf32, #tpu.memory_space<vmem_shared>> -> memref<8x128xf32, #tpu.memory_space<vmem_shared>>
        tpu.wait_dma2 semaphore(%run_scoped3A_128 : memref<!tpu.dma_semaphore, #tpu.memory_space<semaphore_mem>>) src(%arg16 : memref<8x128xf32, #tpu.memory_space<vmem>>) dst(%dma_wait3A_134 : memref<8x128xf32, #tpu.memory_space<vmem_shared>>)
        tpu.yield
      }) : () -> ()
    }
    %scan3A_96 = arith.constant 80 : i32
    %barrier3A_97 = arith.constant 0 : index
    tpu.barrier barrier_id(%barrier3A_97)
    %scan3A_98 = arith.constant 0 : i32
    %scan3A_99 = arith.constant 0 : i32
    %scan3A_100 = arith.constant 100 : i32
    %scan3A_101 = arith.addi %scan3A_99, %scan3A_100 : i32
    %scan3A_102 = arith.constant 1 : i32
    scf.for %scan3A_122 = %scan3A_99 to %scan3A_101 step %scan3A_102  : i32 {
      %dma_start3A = arith.constant 2 : i32
      %dma_start3A_123 = arith.constant 0 : i32
      %dma_start3A_124 = tpu.memref_slice %arg2[%dma_start3A, %add3A, %scan3A_122, %dma_start3A_123] : memref<3x32x100x64xi32, #tpu.memory_space<hbm>> -> memref<1x1x1x64xi32, #tpu.memory_space<hbm>>
      %dma_start3A_125 = tpu.memref_squeeze %dma_start3A_124 : memref<1x1x1x64xi32, #tpu.memory_space<hbm>> -> memref<64xi32, #tpu.memory_space<hbm>>
      %dma_start3A_126 = arith.constant 0 : i32
      %dma_start3A_127 = tpu.memref_slice %arg2[%dma_start3A, %add3A, %scan3A_122, %dma_start3A_126] : memref<3x32x100x64xi32, #tpu.memory_space<hbm>> -> memref<1x1x1x64xi32, #tpu.memory_space<hbm>>
      %dma_start3A_128 = tpu.memref_squeeze %dma_start3A_127 : memref<1x1x1x64xi32, #tpu.memory_space<hbm>> -> memref<64xi32, #tpu.memory_space<hbm>>
      tpu.enqueue_dma source(%dma_start3A_128 : memref<64xi32, #tpu.memory_space<hbm>>) target(%arg9 : memref<64xi32, #tpu.memory_space<vmem>>) target_semaphore(%arg18 : memref<!tpu.dma_semaphore, #tpu.memory_space<semaphore_mem>>)
      %dma_start3A_129 = arith.constant 2 : i32
      %dma_start3A_130 = arith.constant 0 : i32
      %dma_start3A_131 = tpu.memref_slice %arg3[%dma_start3A_129, %add3A, %scan3A_122, %dma_start3A_130] : memref<3x32x100x64xi32, #tpu.memory_space<hbm>> -> memref<1x1x1x64xi32, #tpu.memory_space<hbm>>
      %dma_start3A_132 = tpu.memref_squeeze %dma_start3A_131 : memref<1x1x1x64xi32, #tpu.memory_space<hbm>> -> memref<64xi32, #tpu.memory_space<hbm>>
      %dma_start3A_133 = arith.constant 0 : i32
      %dma_start3A_134 = tpu.memref_slice %arg3[%dma_start3A_129, %add3A, %scan3A_122, %dma_start3A_133] : memref<3x32x100x64xi32, #tpu.memory_space<hbm>> -> memref<1x1x1x64xi32, #tpu.memory_space<hbm>>
      %dma_start3A_135 = tpu.memref_squeeze %dma_start3A_134 : memref<1x1x1x64xi32, #tpu.memory_space<hbm>> -> memref<64xi32, #tpu.memory_space<hbm>>
      tpu.enqueue_dma source(%dma_start3A_135 : memref<64xi32, #tpu.memory_space<hbm>>) target(%arg11 : memref<64xi32, #tpu.memory_space<vmem>>) target_semaphore(%arg19 : memref<!tpu.dma_semaphore, #tpu.memory_space<semaphore_mem>>)
      %dma_start3A_136 = arith.constant 2 : i32
      %dma_start3A_137 = arith.constant 0 : i32
      %dma_start3A_138 = tpu.memref_slice %arg4[%dma_start3A_136, %add3A, %scan3A_122, %dma_start3A_137] : memref<3x32x100x64xi32, #tpu.memory_space<hbm>> -> memref<1x1x1x64xi32, #tpu.memory_space<hbm>>
      %dma_start3A_139 = tpu.memref_squeeze %dma_start3A_138 : memref<1x1x1x64xi32, #tpu.memory_space<hbm>> -> memref<1x64xi32, #tpu.memory_space<hbm>>
      %dma_start3A_140 = arith.constant 0 : i32
      %dma_start3A_141 = tpu.memref_slice %arg4[%dma_start3A_136, %add3A, %scan3A_122, %dma_start3A_140] : memref<3x32x100x64xi32, #tpu.memory_space<hbm>> -> memref<1x1x1x64xi32, #tpu.memory_space<hbm>>
      %dma_start3A_142 = tpu.memref_squeeze %dma_start3A_141 : memref<1x1x1x64xi32, #tpu.memory_space<hbm>> -> memref<1x64xi32, #tpu.memory_space<hbm>>
      tpu.enqueue_dma source(%dma_start3A_142 : memref<1x64xi32, #tpu.memory_space<hbm>>) target(%arg10 : memref<1x64xi32, #tpu.memory_space<vmem>>) target_semaphore(%arg20 : memref<!tpu.dma_semaphore, #tpu.memory_space<semaphore_mem>>)
      %dma_wait3A = arith.constant 2 : i32
      %dma_wait3A_143 = arith.constant 0 : i32
      %dma_wait3A_144 = tpu.memref_slice %arg2[%dma_wait3A, %add3A, %scan3A_122, %dma_wait3A_143] : memref<3x32x100x64xi32, #tpu.memory_space<hbm>> -> memref<1x1x1x64xi32, #tpu.memory_space<hbm>>
      %dma_wait3A_145 = tpu.memref_squeeze %dma_wait3A_144 : memref<1x1x1x64xi32, #tpu.memory_space<hbm>> -> memref<64xi32, #tpu.memory_space<hbm>>
      %dma_wait3A_146 = arith.constant 0 : i32
      %dma_wait3A_147 = tpu.memref_slice %arg2[%dma_wait3A, %add3A, %scan3A_122, %dma_wait3A_146] : memref<3x32x100x64xi32, #tpu.memory_space<hbm>> -> memref<1x1x1x64xi32, #tpu.memory_space<hbm>>
      %dma_wait3A_148 = tpu.memref_squeeze %dma_wait3A_147 : memref<1x1x1x64xi32, #tpu.memory_space<hbm>> -> memref<64xi32, #tpu.memory_space<hbm>>
      tpu.wait_dma2 semaphore(%arg18 : memref<!tpu.dma_semaphore, #tpu.memory_space<semaphore_mem>>) src(%dma_wait3A_148 : memref<64xi32, #tpu.memory_space<hbm>>) dst(%arg9 : memref<64xi32, #tpu.memory_space<vmem>>)
      %dma_wait3A_149 = arith.constant 2 : i32
      %dma_wait3A_150 = arith.constant 0 : i32
      %dma_wait3A_151 = tpu.memref_slice %arg3[%dma_wait3A_149, %add3A, %scan3A_122, %dma_wait3A_150] : memref<3x32x100x64xi32, #tpu.memory_space<hbm>> -> memref<1x1x1x64xi32, #tpu.memory_space<hbm>>
      %dma_wait3A_152 = tpu.memref_squeeze %dma_wait3A_151 : memref<1x1x1x64xi32, #tpu.memory_space<hbm>> -> memref<64xi32, #tpu.memory_space<hbm>>
      %dma_wait3A_153 = arith.constant 0 : i32
      %dma_wait3A_154 = tpu.memref_slice %arg3[%dma_wait3A_149, %add3A, %scan3A_122, %dma_wait3A_153] : memref<3x32x100x64xi32, #tpu.memory_space<hbm>> -> memref<1x1x1x64xi32, #tpu.memory_space<hbm>>
      %dma_wait3A_155 = tpu.memref_squeeze %dma_wait3A_154 : memref<1x1x1x64xi32, #tpu.memory_space<hbm>> -> memref<64xi32, #tpu.memory_space<hbm>>
      tpu.wait_dma2 semaphore(%arg19 : memref<!tpu.dma_semaphore, #tpu.memory_space<semaphore_mem>>) src(%dma_wait3A_155 : memref<64xi32, #tpu.memory_space<hbm>>) dst(%arg11 : memref<64xi32, #tpu.memory_space<vmem>>)
      %dma_wait3A_156 = arith.constant 2 : i32
      %dma_wait3A_157 = arith.constant 0 : i32
      %dma_wait3A_158 = tpu.memref_slice %arg4[%dma_wait3A_156, %add3A, %scan3A_122, %dma_wait3A_157] : memref<3x32x100x64xi32, #tpu.memory_space<hbm>> -> memref<1x1x1x64xi32, #tpu.memory_space<hbm>>
      %dma_wait3A_159 = tpu.memref_squeeze %dma_wait3A_158 : memref<1x1x1x64xi32, #tpu.memory_space<hbm>> -> memref<1x64xi32, #tpu.memory_space<hbm>>
      %dma_wait3A_160 = arith.constant 0 : i32
      %dma_wait3A_161 = tpu.memref_slice %arg4[%dma_wait3A_156, %add3A, %scan3A_122, %dma_wait3A_160] : memref<3x32x100x64xi32, #tpu.memory_space<hbm>> -> memref<1x1x1x64xi32, #tpu.memory_space<hbm>>
      %dma_wait3A_162 = tpu.memref_squeeze %dma_wait3A_161 : memref<1x1x1x64xi32, #tpu.memory_space<hbm>> -> memref<1x64xi32, #tpu.memory_space<hbm>>
      tpu.wait_dma2 semaphore(%arg20 : memref<!tpu.dma_semaphore, #tpu.memory_space<semaphore_mem>>) src(%dma_wait3A_162 : memref<1x64xi32, #tpu.memory_space<hbm>>) dst(%arg10 : memref<1x64xi32, #tpu.memory_space<vmem>>)
      %dma_start3A_163 = arith.constant 0 : i32
      %dma_start3A_164 = arith.constant 0 : i32
      %dma_start3A_165 = tpu.memref_slice %arg5[%dma_start3A_163, %dma_start3A_164] : memref<30000x128xf32, #tpu.memory_space<hbm>> -> memref<30000x128xf32, #tpu.memory_space<hbm>>
      tpu.enqueue_indirect_dma source(%dma_start3A_165 : memref<30000x128xf32, #tpu.memory_space<hbm>>) target(%arg12 : memref<64x128xf32, #tpu.memory_space<vmem>>) offsets(%arg9 : memref<64xi32, #tpu.memory_space<vmem>>) semaphore(%arg18 : memref<!tpu.dma_semaphore, #tpu.memory_space<semaphore_mem>>)
      %dma_start3A_166 = arith.constant 0 : i32
      %dma_start3A_167 = arith.constant 0 : i32
      %dma_start3A_168 = tpu.memref_slice %arg6[%dma_start3A_166, %dma_start3A_167] : memref<30000x128xf32, #tpu.memory_space<hbm>> -> memref<30000x128xf32, #tpu.memory_space<hbm>>
      tpu.enqueue_indirect_dma source(%dma_start3A_168 : memref<30000x128xf32, #tpu.memory_space<hbm>>) target(%arg13 : memref<64x128xf32, #tpu.memory_space<vmem>>) offsets(%arg9 : memref<64xi32, #tpu.memory_space<vmem>>) semaphore(%arg19 : memref<!tpu.dma_semaphore, #tpu.memory_space<semaphore_mem>>)
      %dma_start3A_169 = arith.constant 0 : i32
      %dma_start3A_170 = arith.constant 0 : i32
      %dma_start3A_171 = tpu.memref_slice %arg6[%dma_start3A_169, %dma_start3A_170] : memref<30000x128xf32, #tpu.memory_space<hbm>> -> memref<30000x128xf32, #tpu.memory_space<hbm>>
      tpu.enqueue_indirect_dma source(%dma_start3A_171 : memref<30000x128xf32, #tpu.memory_space<hbm>>) target(%arg14 : memref<64x128xf32, #tpu.memory_space<vmem>>) offsets(%arg11 : memref<64xi32, #tpu.memory_space<vmem>>) semaphore(%arg20 : memref<!tpu.dma_semaphore, #tpu.memory_space<semaphore_mem>>)
      %dma_wait3A_172 = arith.constant 0 : i32
      %dma_wait3A_173 = arith.constant 0 : i32
      %dma_wait3A_174 = tpu.memref_slice %arg5[%dma_wait3A_172, %dma_wait3A_173] : memref<30000x128xf32, #tpu.memory_space<hbm>> -> memref<30000x128xf32, #tpu.memory_space<hbm>>
      tpu.wait_indirect_dma semaphore(%arg18 : memref<!tpu.dma_semaphore, #tpu.memory_space<semaphore_mem>>) src(%dma_wait3A_174 : memref<30000x128xf32, #tpu.memory_space<hbm>>) dst(%arg12 : memref<64x128xf32, #tpu.memory_space<vmem>>)
      %dma_wait3A_175 = arith.constant 0 : i32
      %dma_wait3A_176 = arith.constant 0 : i32
      %dma_wait3A_177 = tpu.memref_slice %arg6[%dma_wait3A_175, %dma_wait3A_176] : memref<30000x128xf32, #tpu.memory_space<hbm>> -> memref<30000x128xf32, #tpu.memory_space<hbm>>
      tpu.wait_indirect_dma semaphore(%arg19 : memref<!tpu.dma_semaphore, #tpu.memory_space<semaphore_mem>>) src(%dma_wait3A_177 : memref<30000x128xf32, #tpu.memory_space<hbm>>) dst(%arg13 : memref<64x128xf32, #tpu.memory_space<vmem>>)
      %dma_wait3A_178 = arith.constant 0 : i32
      %dma_wait3A_179 = arith.constant 0 : i32
      %dma_wait3A_180 = tpu.memref_slice %arg6[%dma_wait3A_178, %dma_wait3A_179] : memref<30000x128xf32, #tpu.memory_space<hbm>> -> memref<30000x128xf32, #tpu.memory_space<hbm>>
      tpu.wait_indirect_dma semaphore(%arg20 : memref<!tpu.dma_semaphore, #tpu.memory_space<semaphore_mem>>) src(%dma_wait3A_180 : memref<30000x128xf32, #tpu.memory_space<hbm>>) dst(%arg14 : memref<64x128xf32, #tpu.memory_space<vmem>>)
      %scan3A_181 = arith.constant 0 : i32
      %scan3A_182 = arith.constant 0 : i32
      %scan3A_183 = arith.constant 64 : i32
      %scan3A_184 = arith.addi %scan3A_182, %scan3A_183 : i32
      %scan3A_185 = arith.constant 1 : i32
      scf.for %scan3A_219 = %scan3A_182 to %scan3A_184 step %scan3A_185  : i32 {
        %get3A = arith.index_cast %scan3A_219 : i32 to index
        %get3A_220 = arith.constant 0 : index
        %get3A_221 = tpu.vector_load %arg13[%get3A, %get3A_220] {strides = array<i32>} : memref<64x128xf32, #tpu.memory_space<vmem>>, vector<16xf32>,
        %get3A_222 = arith.index_cast %scan3A_219 : i32 to index
        %get3A_223 = arith.constant 0 : index
        %get3A_224 = tpu.vector_load %arg14[%get3A_222, %get3A_223] {strides = array<i32>} : memref<64x128xf32, #tpu.memory_space<vmem>>, vector<16xf32>,
        %gather3A = vector.shape_cast %reshape3A : vector<16x1xi32> to vector<16xi32>
        %gather3A_225 = tpu.dynamic_gather %get3A_224[%gather3A] in [0] : vector<16xf32>, vector<16xi32> -> vector<16xf32>
        %add3A_226 = arith.addf %get3A_221, %gather3A_225 : vector<16xf32>
        %ge3A = arith.constant 0.000000e+00 : f32
        %ge3A_227 = vector.broadcast %ge3A : f32 to vector<16xf32>
        %ge3A_228 = arith.cmpf oge, %add3A_226, %ge3A_227 : vector<16xf32>
        %mul3A_229 = arith.constant 2.000000e-01 : f32
        %mul3A_230 = vector.broadcast %mul3A_229 : f32 to vector<16xf32>
        %mul3A_231 = arith.mulf %mul3A_230, %add3A_226 : vector<16xf32>
        %select_n3A_232 = arith.select %ge3A_228, %add3A_226, %mul3A_231 : vector<16xi1>, vector<16xf32>
        %exp3A = math.exp %select_n3A_232 : vector<16xf32>
        %swap3A = arith.index_cast %scan3A_219 : i32 to index
        %swap3A_233 = arith.constant 0 : index
        %swap3A_234 = tpu.vector_load %arg15[%swap3A, %swap3A_233] {strides = array<i32>} : memref<64x16xf32, #tpu.memory_space<vmem>>, vector<16xf32>,
        tpu.vector_store %arg15[%swap3A, %swap3A_233], %exp3A {strides = array<i32>} : memref<64x16xf32, #tpu.memory_space<vmem>>, vector<16xf32>,
        %gather3A_235 = vector.shape_cast %broadcast_in_dim3A_26 : vector<16x1xi32> to vector<16xi32>
        %gather3A_236 = tpu.dynamic_gather %exp3A[%gather3A_235] in [0] : vector<16xf32>, vector<16xi32> -> vector<16xf32>
        %get3A_237 = arith.index_cast %scan3A_219 : i32 to index
        %get3A_238 = arith.constant 0 : index
        %get3A_239 = tpu.vector_load %arg12[%get3A_237, %get3A_238] {strides = array<i32>} : memref<64x128xf32, #tpu.memory_space<vmem>>, vector<16xf32>,
        %mul3A_240 = arith.mulf %get3A_239, %gather3A_236 : vector<16xf32>
        %swap3A_241 = arith.index_cast %scan3A_219 : i32 to index
        %swap3A_242 = arith.constant 0 : index
        %swap3A_243 = tpu.vector_load %arg12[%swap3A_241, %swap3A_242] {strides = array<i32>} : memref<64x128xf32, #tpu.memory_space<vmem>>, vector<16xf32>,
        tpu.vector_store %arg12[%swap3A_241, %swap3A_242], %mul3A_240 {strides = array<i32>} : memref<64x128xf32, #tpu.memory_space<vmem>>, vector<16xf32>,
        %gather3A_244 = vector.shape_cast %broadcast_in_dim3A_26 : vector<16x1xi32> to vector<16xi32>
        %gather3A_245 = tpu.dynamic_gather %exp3A[%gather3A_244] in [0] : vector<16xf32>, vector<16xi32> -> vector<16xf32>
        %get3A_246 = arith.index_cast %scan3A_219 : i32 to index
        %get3A_247 = arith.constant 16 : index
        %get3A_248 = tpu.vector_load %arg12[%get3A_246, %get3A_247] {strides = array<i32>} : memref<64x128xf32, #tpu.memory_space<vmem>>, vector<16xf32>,
        %mul3A_249 = arith.mulf %get3A_248, %gather3A_245 : vector<16xf32>
        %swap3A_250 = arith.index_cast %scan3A_219 : i32 to index
        %swap3A_251 = arith.constant 16 : index
        %swap3A_252 = tpu.vector_load %arg12[%swap3A_250, %swap3A_251] {strides = array<i32>} : memref<64x128xf32, #tpu.memory_space<vmem>>, vector<16xf32>,
        tpu.vector_store %arg12[%swap3A_250, %swap3A_251], %mul3A_249 {strides = array<i32>} : memref<64x128xf32, #tpu.memory_space<vmem>>, vector<16xf32>,
        %gather3A_253 = vector.shape_cast %broadcast_in_dim3A_28 : vector<16x1xi32> to vector<16xi32>
        %gather3A_254 = tpu.dynamic_gather %exp3A[%gather3A_253] in [0] : vector<16xf32>, vector<16xi32> -> vector<16xf32>
        %get3A_255 = arith.index_cast %scan3A_219 : i32 to index
        %get3A_256 = arith.constant 32 : index
        %get3A_257 = tpu.vector_load %arg12[%get3A_255, %get3A_256] {strides = array<i32>} : memref<64x128xf32, #tpu.memory_space<vmem>>, vector<16xf32>,
        %mul3A_258 = arith.mulf %get3A_257, %gather3A_254 : vector<16xf32>
        %swap3A_259 = arith.index_cast %scan3A_219 : i32 to index
        %swap3A_260 = arith.constant 32 : index
        %swap3A_261 = tpu.vector_load %arg12[%swap3A_259, %swap3A_260] {strides = array<i32>} : memref<64x128xf32, #tpu.memory_space<vmem>>, vector<16xf32>,
        tpu.vector_store %arg12[%swap3A_259, %swap3A_260], %mul3A_258 {strides = array<i32>} : memref<64x128xf32, #tpu.memory_space<vmem>>, vector<16xf32>,
        %gather3A_262 = vector.shape_cast %broadcast_in_dim3A_28 : vector<16x1xi32> to vector<16xi32>
        %gather3A_263 = tpu.dynamic_gather %exp3A[%gather3A_262] in [0] : vector<16xf32>, vector<16xi32> -> vector<16xf32>
        %get3A_264 = arith.index_cast %scan3A_219 : i32 to index
        %get3A_265 = arith.constant 48 : index
        %get3A_266 = tpu.vector_load %arg12[%get3A_264, %get3A_265] {strides = array<i32>} : memref<64x128xf32, #tpu.memory_space<vmem>>, vector<16xf32>,
        %mul3A_267 = arith.mulf %get3A_266, %gather3A_263 : vector<16xf32>
        %swap3A_268 = arith.index_cast %scan3A_219 : i32 to index
        %swap3A_269 = arith.constant 48 : index
        %swap3A_270 = tpu.vector_load %arg12[%swap3A_268, %swap3A_269] {strides = array<i32>} : memref<64x128xf32, #tpu.memory_space<vmem>>, vector<16xf32>,
        tpu.vector_store %arg12[%swap3A_268, %swap3A_269], %mul3A_267 {strides = array<i32>} : memref<64x128xf32, #tpu.memory_space<vmem>>, vector<16xf32>,
        %gather3A_271 = vector.shape_cast %broadcast_in_dim3A_30 : vector<16x1xi32> to vector<16xi32>
        %gather3A_272 = tpu.dynamic_gather %exp3A[%gather3A_271] in [0] : vector<16xf32>, vector<16xi32> -> vector<16xf32>
        %get3A_273 = arith.index_cast %scan3A_219 : i32 to index
        %get3A_274 = arith.constant 64 : index
        %get3A_275 = tpu.vector_load %arg12[%get3A_273, %get3A_274] {strides = array<i32>} : memref<64x128xf32, #tpu.memory_space<vmem>>, vector<16xf32>,
        %mul3A_276 = arith.mulf %get3A_275, %gather3A_272 : vector<16xf32>
        %swap3A_277 = arith.index_cast %scan3A_219 : i32 to index
        %swap3A_278 = arith.constant 64 : index
        %swap3A_279 = tpu.vector_load %arg12[%swap3A_277, %swap3A_278] {strides = array<i32>} : memref<64x128xf32, #tpu.memory_space<vmem>>, vector<16xf32>,
        tpu.vector_store %arg12[%swap3A_277, %swap3A_278], %mul3A_276 {strides = array<i32>} : memref<64x128xf32, #tpu.memory_space<vmem>>, vector<16xf32>,
        %gather3A_280 = vector.shape_cast %broadcast_in_dim3A_30 : vector<16x1xi32> to vector<16xi32>
        %gather3A_281 = tpu.dynamic_gather %exp3A[%gather3A_280] in [0] : vector<16xf32>, vector<16xi32> -> vector<16xf32>
        %get3A_282 = arith.index_cast %scan3A_219 : i32 to index
        %get3A_283 = arith.constant 80 : index
        %get3A_284 = tpu.vector_load %arg12[%get3A_282, %get3A_283] {strides = array<i32>} : memref<64x128xf32, #tpu.memory_space<vmem>>, vector<16xf32>,
        %mul3A_285 = arith.mulf %get3A_284, %gather3A_281 : vector<16xf32>
        %swap3A_286 = arith.index_cast %scan3A_219 : i32 to index
        %swap3A_287 = arith.constant 80 : index
        %swap3A_288 = tpu.vector_load %arg12[%swap3A_286, %swap3A_287] {strides = array<i32>} : memref<64x128xf32, #tpu.memory_space<vmem>>, vector<16xf32>,
        tpu.vector_store %arg12[%swap3A_286, %swap3A_287], %mul3A_285 {strides = array<i32>} : memref<64x128xf32, #tpu.memory_space<vmem>>, vector<16xf32>,
        %gather3A_289 = vector.shape_cast %broadcast_in_dim3A_32 : vector<16x1xi32> to vector<16xi32>
        %gather3A_290 = tpu.dynamic_gather %exp3A[%gather3A_289] in [0] : vector<16xf32>, vector<16xi32> -> vector<16xf32>
        %get3A_291 = arith.index_cast %scan3A_219 : i32 to index
        %get3A_292 = arith.constant 96 : index
        %get3A_293 = tpu.vector_load %arg12[%get3A_291, %get3A_292] {strides = array<i32>} : memref<64x128xf32, #tpu.memory_space<vmem>>, vector<16xf32>,
        %mul3A_294 = arith.mulf %get3A_293, %gather3A_290 : vector<16xf32>
        %swap3A_295 = arith.index_cast %scan3A_219 : i32 to index
        %swap3A_296 = arith.constant 96 : index
        %swap3A_297 = tpu.vector_load %arg12[%swap3A_295, %swap3A_296] {strides = array<i32>} : memref<64x128xf32, #tpu.memory_space<vmem>>, vector<16xf32>,
        tpu.vector_store %arg12[%swap3A_295, %swap3A_296], %mul3A_294 {strides = array<i32>} : memref<64x128xf32, #tpu.memory_space<vmem>>, vector<16xf32>,
        %gather3A_298 = vector.shape_cast %broadcast_in_dim3A_32 : vector<16x1xi32> to vector<16xi32>
        %gather3A_299 = tpu.dynamic_gather %exp3A[%gather3A_298] in [0] : vector<16xf32>, vector<16xi32> -> vector<16xf32>
        %get3A_300 = arith.index_cast %scan3A_219 : i32 to index
        %get3A_301 = arith.constant 112 : index
        %get3A_302 = tpu.vector_load %arg12[%get3A_300, %get3A_301] {strides = array<i32>} : memref<64x128xf32, #tpu.memory_space<vmem>>, vector<16xf32>,
        %mul3A_303 = arith.mulf %get3A_302, %gather3A_299 : vector<16xf32>
        %swap3A_304 = arith.index_cast %scan3A_219 : i32 to index
        %swap3A_305 = arith.constant 112 : index
        %swap3A_306 = tpu.vector_load %arg12[%swap3A_304, %swap3A_305] {strides = array<i32>} : memref<64x128xf32, #tpu.memory_space<vmem>>, vector<16xf32>,
        tpu.vector_store %arg12[%swap3A_304, %swap3A_305], %mul3A_303 {strides = array<i32>} : memref<64x128xf32, #tpu.memory_space<vmem>>, vector<16xf32>,
      }
      %scan3A_186 = arith.constant 64 : i32
      %dma_start3A_187 = arith.constant 0 : i32
      %dma_start3A_188 = arith.constant 0 : i32
      %dma_start3A_189 = tpu.memref_slice %arg10[%dma_start3A_187, %dma_start3A_188] : memref<1x64xi32, #tpu.memory_space<vmem>> -> memref<1x64xi32, #tpu.memory_space<vmem>>
      %dma_start3A_190 = tpu.memref_squeeze %dma_start3A_189 : memref<1x64xi32, #tpu.memory_space<vmem>> -> memref<64xi32, #tpu.memory_space<vmem>>
      %dma_start3A_191 = arith.constant 0 : i32
      %dma_start3A_192 = arith.constant 0 : i32
      %dma_start3A_193 = tpu.memref_slice %arg17[%dma_start3A_191, %dma_start3A_192] : memref<10240x128xf32, #tpu.memory_space<vmem_shared>> -> memref<10240x128xf32, #tpu.memory_space<vmem_shared>>
      tpu.enqueue_indirect_dma source(%arg12 : memref<64x128xf32, #tpu.memory_space<vmem>>) target(%dma_start3A_193 : memref<10240x128xf32, #tpu.memory_space<vmem_shared>>) offsets(%dma_start3A_190 : memref<64xi32, #tpu.memory_space<vmem>>) semaphore(%arg18 : memref<!tpu.dma_semaphore, #tpu.memory_space<semaphore_mem>>) {add = true}
      %dma_start3A_194 = arith.constant 2 : i32
      %dma_start3A_195 = arith.constant 0 : i32
      %dma_start3A_196 = arith.constant 0 : i32
      %dma_start3A_197 = tpu.memref_slice %arg8[%dma_start3A_194, %add3A, %scan3A_122, %dma_start3A_195, %dma_start3A_196] : memref<3x32x100x64x16xf32, #tpu.memory_space<hbm>> -> memref<1x1x1x64x16xf32, #tpu.memory_space<hbm>>
      %dma_start3A_198 = tpu.memref_squeeze %dma_start3A_197 : memref<1x1x1x64x16xf32, #tpu.memory_space<hbm>> -> memref<64x16xf32, #tpu.memory_space<hbm>>
      %dma_start3A_199 = arith.constant 0 : i32
      %dma_start3A_200 = arith.constant 0 : i32
      %dma_start3A_201 = tpu.memref_slice %arg8[%dma_start3A_194, %add3A, %scan3A_122, %dma_start3A_199, %dma_start3A_200] : memref<3x32x100x64x16xf32, #tpu.memory_space<hbm>> -> memref<1x1x1x64x16xf32, #tpu.memory_space<hbm>>
      %dma_start3A_202 = tpu.memref_squeeze %dma_start3A_201 : memref<1x1x1x64x16xf32, #tpu.memory_space<hbm>> -> memref<64x16xf32, #tpu.memory_space<hbm>>
      tpu.enqueue_dma source(%arg15 : memref<64x16xf32, #tpu.memory_space<vmem>>) target(%dma_start3A_202 : memref<64x16xf32, #tpu.memory_space<hbm>>) target_semaphore(%arg19 : memref<!tpu.dma_semaphore, #tpu.memory_space<semaphore_mem>>)
      %dma_wait3A_203 = arith.constant 0 : i32
      %dma_wait3A_204 = arith.constant 0 : i32
      %dma_wait3A_205 = tpu.memref_slice %arg10[%dma_wait3A_203, %dma_wait3A_204] : memref<1x64xi32, #tpu.memory_space<vmem>> -> memref<1x64xi32, #tpu.memory_space<vmem>>
      %dma_wait3A_206 = tpu.memref_squeeze %dma_wait3A_205 : memref<1x64xi32, #tpu.memory_space<vmem>> -> memref<64xi32, #tpu.memory_space<vmem>>
      %dma_wait3A_207 = arith.constant 0 : i32
      %dma_wait3A_208 = arith.constant 0 : i32
      %dma_wait3A_209 = tpu.memref_slice %arg17[%dma_wait3A_207, %dma_wait3A_208] : memref<10240x128xf32, #tpu.memory_space<vmem_shared>> -> memref<10240x128xf32, #tpu.memory_space<vmem_shared>>
      tpu.wait_indirect_dma semaphore(%arg18 : memref<!tpu.dma_semaphore, #tpu.memory_space<semaphore_mem>>) src(%arg12 : memref<64x128xf32, #tpu.memory_space<vmem>>) dst(%dma_wait3A_209 : memref<10240x128xf32, #tpu.memory_space<vmem_shared>>)
      %dma_wait3A_210 = arith.constant 2 : i32
      %dma_wait3A_211 = arith.constant 0 : i32
      %dma_wait3A_212 = arith.constant 0 : i32
      %dma_wait3A_213 = tpu.memref_slice %arg8[%dma_wait3A_210, %add3A, %scan3A_122, %dma_wait3A_211, %dma_wait3A_212] : memref<3x32x100x64x16xf32, #tpu.memory_space<hbm>> -> memref<1x1x1x64x16xf32, #tpu.memory_space<hbm>>
      %dma_wait3A_214 = tpu.memref_squeeze %dma_wait3A_213 : memref<1x1x1x64x16xf32, #tpu.memory_space<hbm>> -> memref<64x16xf32, #tpu.memory_space<hbm>>
      %dma_wait3A_215 = arith.constant 0 : i32
      %dma_wait3A_216 = arith.constant 0 : i32
      %dma_wait3A_217 = tpu.memref_slice %arg8[%dma_wait3A_210, %add3A, %scan3A_122, %dma_wait3A_215, %dma_wait3A_216] : memref<3x32x100x64x16xf32, #tpu.memory_space<hbm>> -> memref<1x1x1x64x16xf32, #tpu.memory_space<hbm>>
      %dma_wait3A_218 = tpu.memref_squeeze %dma_wait3A_217 : memref<1x1x1x64x16xf32, #tpu.memory_space<hbm>> -> memref<64x16xf32, #tpu.memory_space<hbm>>
      tpu.wait_dma2 semaphore(%arg19 : memref<!tpu.dma_semaphore, #tpu.memory_space<semaphore_mem>>) src(%arg15 : memref<64x16xf32, #tpu.memory_space<vmem>>) dst(%dma_wait3A_218 : memref<64x16xf32, #tpu.memory_space<hbm>>)
    }
    %scan3A_103 = arith.constant 100 : i32
    %barrier3A_104 = arith.constant 0 : index
    tpu.barrier barrier_id(%barrier3A_104)
    %mul3A_105 = arith.constant 640 : i32
    %mul3A_106 = arith.muli %arg1, %mul3A_105 : i32
    %scan3A_107 = arith.constant 0 : i32
    %scan3A_108 = arith.constant 0 : i32
    %scan3A_109 = arith.constant 6 : i32
    %scan3A_110 = arith.addi %scan3A_108, %scan3A_109 : i32
    %scan3A_111 = arith.constant 1 : i32
    scf.for %scan3A_122 = %scan3A_108 to %scan3A_110 step %scan3A_111  : i32 {
      %mul3A_123 = arith.constant 64 : i32
      %mul3A_124 = arith.muli %scan3A_122, %mul3A_123 : i32
      %add3A_125 = arith.addi %mul3A_106, %mul3A_124 : i32
      "tpu.region"() ({
        %run_scoped3A_130 = tpu.sem_alloc : memref<!tpu.dma_semaphore, #tpu.memory_space<semaphore_mem>>
        %dma_start3A = arith.constant 0 : i32
        %dma_start3A_131 = tpu.memref_slice %arg17[%add3A_125, %dma_start3A] : memref<10240x128xf32, #tpu.memory_space<vmem_shared>> -> memref<64x128xf32, #tpu.memory_space<vmem_shared>>
        %dma_start3A_132 = arith.constant 0 : i32
        %dma_start3A_133 = tpu.memref_slice %arg17[%add3A_125, %dma_start3A_132] : memref<10240x128xf32, #tpu.memory_space<vmem_shared>> -> memref<64x128xf32, #tpu.memory_space<vmem_shared>>
        tpu.enqueue_dma source(%dma_start3A_133 : memref<64x128xf32, #tpu.memory_space<vmem_shared>>) target(%arg12 : memref<64x128xf32, #tpu.memory_space<vmem>>) target_semaphore(%run_scoped3A_130 : memref<!tpu.dma_semaphore, #tpu.memory_space<semaphore_mem>>)
        %dma_wait3A = arith.constant 0 : i32
        %dma_wait3A_134 = tpu.memref_slice %arg17[%add3A_125, %dma_wait3A] : memref<10240x128xf32, #tpu.memory_space<vmem_shared>> -> memref<64x128xf32, #tpu.memory_space<vmem_shared>>
        %dma_wait3A_135 = arith.constant 0 : i32
        %dma_wait3A_136 = tpu.memref_slice %arg17[%add3A_125, %dma_wait3A_135] : memref<10240x128xf32, #tpu.memory_space<vmem_shared>> -> memref<64x128xf32, #tpu.memory_space<vmem_shared>>
        tpu.wait_dma2 semaphore(%run_scoped3A_130 : memref<!tpu.dma_semaphore, #tpu.memory_space<semaphore_mem>>) src(%dma_wait3A_136 : memref<64x128xf32, #tpu.memory_space<vmem_shared>>) dst(%arg12 : memref<64x128xf32, #tpu.memory_space<vmem>>)
        tpu.yield
      }) : () -> ()
      %mul3A_126 = arith.constant 64 : i32
      %mul3A_127 = arith.muli %scan3A_122, %mul3A_126 : i32
      %add3A_128 = arith.addi %mul3A_106, %mul3A_127 : i32
      %run_scoped3A_129 = arith.constant 2 : i32
      "tpu.region"() ({
        %run_scoped3A_130 = tpu.sem_alloc : memref<!tpu.dma_semaphore, #tpu.memory_space<semaphore_mem>>
        %dma_start3A = arith.constant 0 : i32
        %dma_start3A_131 = tpu.memref_slice %arg7[%arg0, %run_scoped3A_129, %add3A_128, %dma_start3A] : memref<2x3x10000x128xf32, #tpu.memory_space<hbm>> -> memref<1x1x64x128xf32, #tpu.memory_space<hbm>>
        %dma_start3A_132 = tpu.memref_squeeze %dma_start3A_131 : memref<1x1x64x128xf32, #tpu.memory_space<hbm>> -> memref<64x128xf32, #tpu.memory_space<hbm>>
        %dma_start3A_133 = arith.constant 0 : i32
        %dma_start3A_134 = tpu.memref_slice %arg7[%arg0, %run_scoped3A_129, %add3A_128, %dma_start3A_133] : memref<2x3x10000x128xf32, #tpu.memory_space<hbm>> -> memref<1x1x64x128xf32, #tpu.memory_space<hbm>>
        %dma_start3A_135 = tpu.memref_squeeze %dma_start3A_134 : memref<1x1x64x128xf32, #tpu.memory_space<hbm>> -> memref<64x128xf32, #tpu.memory_space<hbm>>
        tpu.enqueue_dma source(%arg12 : memref<64x128xf32, #tpu.memory_space<vmem>>) target(%dma_start3A_135 : memref<64x128xf32, #tpu.memory_space<hbm>>) target_semaphore(%run_scoped3A_130 : memref<!tpu.dma_semaphore, #tpu.memory_space<semaphore_mem>>)
        %dma_wait3A = arith.constant 0 : i32
        %dma_wait3A_136 = tpu.memref_slice %arg7[%arg0, %run_scoped3A_129, %add3A_128, %dma_wait3A] : memref<2x3x10000x128xf32, #tpu.memory_space<hbm>> -> memref<1x1x64x128xf32, #tpu.memory_space<hbm>>
        %dma_wait3A_137 = tpu.memref_squeeze %dma_wait3A_136 : memref<1x1x64x128xf32, #tpu.memory_space<hbm>> -> memref<64x128xf32, #tpu.memory_space<hbm>>
        %dma_wait3A_138 = arith.constant 0 : i32
        %dma_wait3A_139 = tpu.memref_slice %arg7[%arg0, %run_scoped3A_129, %add3A_128, %dma_wait3A_138] : memref<2x3x10000x128xf32, #tpu.memory_space<hbm>> -> memref<1x1x64x128xf32, #tpu.memory_space<hbm>>
        %dma_wait3A_140 = tpu.memref_squeeze %dma_wait3A_139 : memref<1x1x64x128xf32, #tpu.memory_space<hbm>> -> memref<64x128xf32, #tpu.memory_space<hbm>>
        tpu.wait_dma2 semaphore(%run_scoped3A_130 : memref<!tpu.dma_semaphore, #tpu.memory_space<semaphore_mem>>) src(%arg12 : memref<64x128xf32, #tpu.memory_space<vmem>>) dst(%dma_wait3A_140 : memref<64x128xf32, #tpu.memory_space<hbm>>)
        tpu.yield
      }) : () -> ()
    }
    %scan3A_112 = arith.constant 6 : i32
    %add3A_113 = arith.constant 384 : i32
    %add3A_114 = arith.addi %mul3A_106, %add3A_113 : i32
    "tpu.region"() ({
      %run_scoped3A_122 = tpu.sem_alloc : memref<!tpu.dma_semaphore, #tpu.memory_space<semaphore_mem>>
      %dma_start3A = arith.constant 0 : i32
      %dma_start3A_123 = arith.constant 0 : i32
      %dma_start3A_124 = tpu.memref_slice %arg12[%dma_start3A, %dma_start3A_123] : memref<64x128xf32, #tpu.memory_space<vmem>> -> memref<16x128xf32, #tpu.memory_space<vmem>>
      %dma_start3A_125 = arith.constant 0 : i32
      %dma_start3A_126 = tpu.memref_slice %arg17[%add3A_114, %dma_start3A_125] : memref<10240x128xf32, #tpu.memory_space<vmem_shared>> -> memref<16x128xf32, #tpu.memory_space<vmem_shared>>
      %dma_start3A_127 = arith.constant 0 : i32
      %dma_start3A_128 = arith.constant 0 : i32
      %dma_start3A_129 = tpu.memref_slice %arg12[%dma_start3A_127, %dma_start3A_128] : memref<64x128xf32, #tpu.memory_space<vmem>> -> memref<16x128xf32, #tpu.memory_space<vmem>>
      %dma_start3A_130 = arith.constant 0 : i32
      %dma_start3A_131 = tpu.memref_slice %arg17[%add3A_114, %dma_start3A_130] : memref<10240x128xf32, #tpu.memory_space<vmem_shared>> -> memref<16x128xf32, #tpu.memory_space<vmem_shared>>
      tpu.enqueue_dma source(%dma_start3A_131 : memref<16x128xf32, #tpu.memory_space<vmem_shared>>) target(%dma_start3A_129 : memref<16x128xf32, #tpu.memory_space<vmem>>) target_semaphore(%run_scoped3A_122 : memref<!tpu.dma_semaphore, #tpu.memory_space<semaphore_mem>>)
      %dma_wait3A = arith.constant 0 : i32
      %dma_wait3A_132 = arith.constant 0 : i32
      %dma_wait3A_133 = tpu.memref_slice %arg12[%dma_wait3A, %dma_wait3A_132] : memref<64x128xf32, #tpu.memory_space<vmem>> -> memref<16x128xf32, #tpu.memory_space<vmem>>
      %dma_wait3A_134 = arith.constant 0 : i32
      %dma_wait3A_135 = tpu.memref_slice %arg17[%add3A_114, %dma_wait3A_134] : memref<10240x128xf32, #tpu.memory_space<vmem_shared>> -> memref<16x128xf32, #tpu.memory_space<vmem_shared>>
      %dma_wait3A_136 = arith.constant 0 : i32
      %dma_wait3A_137 = arith.constant 0 : i32
      %dma_wait3A_138 = tpu.memref_slice %arg12[%dma_wait3A_136, %dma_wait3A_137] : memref<64x128xf32, #tpu.memory_space<vmem>> -> memref<16x128xf32, #tpu.memory_space<vmem>>
      %dma_wait3A_139 = arith.constant 0 : i32
      %dma_wait3A_140 = tpu.memref_slice %arg17[%add3A_114, %dma_wait3A_139] : memref<10240x128xf32, #tpu.memory_space<vmem_shared>> -> memref<16x128xf32, #tpu.memory_space<vmem_shared>>
      tpu.wait_dma2 semaphore(%run_scoped3A_122 : memref<!tpu.dma_semaphore, #tpu.memory_space<semaphore_mem>>) src(%dma_wait3A_140 : memref<16x128xf32, #tpu.memory_space<vmem_shared>>) dst(%dma_wait3A_138 : memref<16x128xf32, #tpu.memory_space<vmem>>)
      tpu.yield
    }) : () -> ()
    %run_scoped3A_115 = arith.constant 2 : i32
    "tpu.region"() ({
      %run_scoped3A_122 = tpu.sem_alloc : memref<!tpu.dma_semaphore, #tpu.memory_space<semaphore_mem>>
      %dma_start3A = arith.constant 0 : i32
      %dma_start3A_123 = arith.constant 0 : i32
      %dma_start3A_124 = tpu.memref_slice %arg12[%dma_start3A, %dma_start3A_123] : memref<64x128xf32, #tpu.memory_space<vmem>> -> memref<16x128xf32, #tpu.memory_space<vmem>>
      %dma_start3A_125 = arith.constant 0 : i32
      %dma_start3A_126 = tpu.memref_slice %arg7[%arg0, %run_scoped3A_115, %add3A_114, %dma_start3A_125] : memref<2x3x10000x128xf32, #tpu.memory_space<hbm>> -> memref<1x1x16x128xf32, #tpu.memory_space<hbm>>
      %dma_start3A_127 = tpu.memref_squeeze %dma_start3A_126 : memref<1x1x16x128xf32, #tpu.memory_space<hbm>> -> memref<16x128xf32, #tpu.memory_space<hbm>>
      %dma_start3A_128 = arith.constant 0 : i32
      %dma_start3A_129 = tpu.memref_slice %arg7[%arg0, %run_scoped3A_115, %add3A_114, %dma_start3A_128] : memref<2x3x10000x128xf32, #tpu.memory_space<hbm>> -> memref<1x1x16x128xf32, #tpu.memory_space<hbm>>
      %dma_start3A_130 = tpu.memref_squeeze %dma_start3A_129 : memref<1x1x16x128xf32, #tpu.memory_space<hbm>> -> memref<16x128xf32, #tpu.memory_space<hbm>>
      %dma_start3A_131 = arith.constant 0 : i32
      %dma_start3A_132 = arith.constant 0 : i32
      %dma_start3A_133 = tpu.memref_slice %arg12[%dma_start3A_131, %dma_start3A_132] : memref<64x128xf32, #tpu.memory_space<vmem>> -> memref<16x128xf32, #tpu.memory_space<vmem>>
      tpu.enqueue_dma source(%dma_start3A_133 : memref<16x128xf32, #tpu.memory_space<vmem>>) target(%dma_start3A_130 : memref<16x128xf32, #tpu.memory_space<hbm>>) target_semaphore(%run_scoped3A_122 : memref<!tpu.dma_semaphore, #tpu.memory_space<semaphore_mem>>)
      %dma_wait3A = arith.constant 0 : i32
      %dma_wait3A_134 = arith.constant 0 : i32
      %dma_wait3A_135 = tpu.memref_slice %arg12[%dma_wait3A, %dma_wait3A_134] : memref<64x128xf32, #tpu.memory_space<vmem>> -> memref<16x128xf32, #tpu.memory_space<vmem>>
      %dma_wait3A_136 = arith.constant 0 : i32
      %dma_wait3A_137 = tpu.memref_slice %arg7[%arg0, %run_scoped3A_115, %add3A_114, %dma_wait3A_136] : memref<2x3x10000x128xf32, #tpu.memory_space<hbm>> -> memref<1x1x16x128xf32, #tpu.memory_space<hbm>>
      %dma_wait3A_138 = tpu.memref_squeeze %dma_wait3A_137 : memref<1x1x16x128xf32, #tpu.memory_space<hbm>> -> memref<16x128xf32, #tpu.memory_space<hbm>>
      %dma_wait3A_139 = arith.constant 0 : i32
      %dma_wait3A_140 = tpu.memref_slice %arg7[%arg0, %run_scoped3A_115, %add3A_114, %dma_wait3A_139] : memref<2x3x10000x128xf32, #tpu.memory_space<hbm>> -> memref<1x1x16x128xf32, #tpu.memory_space<hbm>>
      %dma_wait3A_141 = tpu.memref_squeeze %dma_wait3A_140 : memref<1x1x16x128xf32, #tpu.memory_space<hbm>> -> memref<16x128xf32, #tpu.memory_space<hbm>>
      %dma_wait3A_142 = arith.constant 0 : i32
      %dma_wait3A_143 = arith.constant 0 : i32
      %dma_wait3A_144 = tpu.memref_slice %arg12[%dma_wait3A_142, %dma_wait3A_143] : memref<64x128xf32, #tpu.memory_space<vmem>> -> memref<16x128xf32, #tpu.memory_space<vmem>>
      tpu.wait_dma2 semaphore(%run_scoped3A_122 : memref<!tpu.dma_semaphore, #tpu.memory_space<semaphore_mem>>) src(%dma_wait3A_144 : memref<16x128xf32, #tpu.memory_space<vmem>>) dst(%dma_wait3A_141 : memref<16x128xf32, #tpu.memory_space<hbm>>)
      tpu.yield
    }) : () -> ()
    %lt3A_116 = arith.constant 15 : i32
    %lt3A_117 = arith.cmpi slt, %arg1, %lt3A_116 : i32
    %convert_element_type3A_118 = arith.extui %lt3A_117 : i1 to i32
    %cond3A_119 = arith.constant 0 : i32
    %cond3A_120 = arith.cmpi ne, %convert_element_type3A_118, %cond3A_119 : i32
    scf.if %cond3A_120 {
      %add3A_122 = arith.constant 384 : i32
      %add3A_123 = arith.addi %mul3A_106, %add3A_122 : i32
      %add3A_124 = arith.constant 16 : i32
      %add3A_125 = arith.addi %add3A_123, %add3A_124 : i32
      %scan3A_126 = arith.constant 0 : i32
      %scan3A_127 = arith.constant 0 : i32
      %scan3A_128 = arith.constant 3 : i32
      %scan3A_129 = arith.addi %scan3A_127, %scan3A_128 : i32
      %scan3A_130 = arith.constant 1 : i32
      scf.for %scan3A_135 = %scan3A_127 to %scan3A_129 step %scan3A_130  : i32 {
        %mul3A_136 = arith.constant 64 : i32
        %mul3A_137 = arith.muli %scan3A_135, %mul3A_136 : i32
        %add3A_138 = arith.addi %add3A_125, %mul3A_137 : i32
        "tpu.region"() ({
          %run_scoped3A_143 = tpu.sem_alloc : memref<!tpu.dma_semaphore, #tpu.memory_space<semaphore_mem>>
          %dma_start3A = arith.constant 0 : i32
          %dma_start3A_144 = tpu.memref_slice %arg17[%add3A_138, %dma_start3A] : memref<10240x128xf32, #tpu.memory_space<vmem_shared>> -> memref<64x128xf32, #tpu.memory_space<vmem_shared>>
          %dma_start3A_145 = arith.constant 0 : i32
          %dma_start3A_146 = tpu.memref_slice %arg17[%add3A_138, %dma_start3A_145] : memref<10240x128xf32, #tpu.memory_space<vmem_shared>> -> memref<64x128xf32, #tpu.memory_space<vmem_shared>>
          tpu.enqueue_dma source(%dma_start3A_146 : memref<64x128xf32, #tpu.memory_space<vmem_shared>>) target(%arg12 : memref<64x128xf32, #tpu.memory_space<vmem>>) target_semaphore(%run_scoped3A_143 : memref<!tpu.dma_semaphore, #tpu.memory_space<semaphore_mem>>)
          %dma_wait3A = arith.constant 0 : i32
          %dma_wait3A_147 = tpu.memref_slice %arg17[%add3A_138, %dma_wait3A] : memref<10240x128xf32, #tpu.memory_space<vmem_shared>> -> memref<64x128xf32, #tpu.memory_space<vmem_shared>>
          %dma_wait3A_148 = arith.constant 0 : i32
          %dma_wait3A_149 = tpu.memref_slice %arg17[%add3A_138, %dma_wait3A_148] : memref<10240x128xf32, #tpu.memory_space<vmem_shared>> -> memref<64x128xf32, #tpu.memory_space<vmem_shared>>
          tpu.wait_dma2 semaphore(%run_scoped3A_143 : memref<!tpu.dma_semaphore, #tpu.memory_space<semaphore_mem>>) src(%dma_wait3A_149 : memref<64x128xf32, #tpu.memory_space<vmem_shared>>) dst(%arg12 : memref<64x128xf32, #tpu.memory_space<vmem>>)
          tpu.yield
        }) : () -> ()
        %mul3A_139 = arith.constant 64 : i32
        %mul3A_140 = arith.muli %scan3A_135, %mul3A_139 : i32
        %add3A_141 = arith.addi %add3A_125, %mul3A_140 : i32
        %run_scoped3A_142 = arith.constant 2 : i32
        "tpu.region"() ({
          %run_scoped3A_143 = tpu.sem_alloc : memref<!tpu.dma_semaphore, #tpu.memory_space<semaphore_mem>>
          %dma_start3A = arith.constant 0 : i32
          %dma_start3A_144 = tpu.memref_slice %arg7[%arg0, %run_scoped3A_142, %add3A_141, %dma_start3A] : memref<2x3x10000x128xf32, #tpu.memory_space<hbm>> -> memref<1x1x64x128xf32, #tpu.memory_space<hbm>>
          %dma_start3A_145 = tpu.memref_squeeze %dma_start3A_144 : memref<1x1x64x128xf32, #tpu.memory_space<hbm>> -> memref<64x128xf32, #tpu.memory_space<hbm>>
          %dma_start3A_146 = arith.constant 0 : i32
          %dma_start3A_147 = tpu.memref_slice %arg7[%arg0, %run_scoped3A_142, %add3A_141, %dma_start3A_146] : memref<2x3x10000x128xf32, #tpu.memory_space<hbm>> -> memref<1x1x64x128xf32, #tpu.memory_space<hbm>>
          %dma_start3A_148 = tpu.memref_squeeze %dma_start3A_147 : memref<1x1x64x128xf32, #tpu.memory_space<hbm>> -> memref<64x128xf32, #tpu.memory_space<hbm>>
          tpu.enqueue_dma source(%arg12 : memref<64x128xf32, #tpu.memory_space<vmem>>) target(%dma_start3A_148 : memref<64x128xf32, #tpu.memory_space<hbm>>) target_semaphore(%run_scoped3A_143 : memref<!tpu.dma_semaphore, #tpu.memory_space<semaphore_mem>>)
          %dma_wait3A = arith.constant 0 : i32
          %dma_wait3A_149 = tpu.memref_slice %arg7[%arg0, %run_scoped3A_142, %add3A_141, %dma_wait3A] : memref<2x3x10000x128xf32, #tpu.memory_space<hbm>> -> memref<1x1x64x128xf32, #tpu.memory_space<hbm>>
          %dma_wait3A_150 = tpu.memref_squeeze %dma_wait3A_149 : memref<1x1x64x128xf32, #tpu.memory_space<hbm>> -> memref<64x128xf32, #tpu.memory_space<hbm>>
          %dma_wait3A_151 = arith.constant 0 : i32
          %dma_wait3A_152 = tpu.memref_slice %arg7[%arg0, %run_scoped3A_142, %add3A_141, %dma_wait3A_151] : memref<2x3x10000x128xf32, #tpu.memory_space<hbm>> -> memref<1x1x64x128xf32, #tpu.memory_space<hbm>>
          %dma_wait3A_153 = tpu.memref_squeeze %dma_wait3A_152 : memref<1x1x64x128xf32, #tpu.memory_space<hbm>> -> memref<64x128xf32, #tpu.memory_space<hbm>>
          tpu.wait_dma2 semaphore(%run_scoped3A_143 : memref<!tpu.dma_semaphore, #tpu.memory_space<semaphore_mem>>) src(%arg12 : memref<64x128xf32, #tpu.memory_space<vmem>>) dst(%dma_wait3A_153 : memref<64x128xf32, #tpu.memory_space<hbm>>)
          tpu.yield
        }) : () -> ()
      }
      %scan3A_131 = arith.constant 3 : i32
      %add3A_132 = arith.constant 192 : i32
      %add3A_133 = arith.addi %add3A_125, %add3A_132 : i32
      "tpu.region"() ({
        %run_scoped3A_135 = tpu.sem_alloc : memref<!tpu.dma_semaphore, #tpu.memory_space<semaphore_mem>>
        %dma_start3A = arith.constant 0 : i32
        %dma_start3A_136 = arith.constant 0 : i32
        %dma_start3A_137 = tpu.memref_slice %arg12[%dma_start3A, %dma_start3A_136] : memref<64x128xf32, #tpu.memory_space<vmem>> -> memref<48x128xf32, #tpu.memory_space<vmem>>
        %dma_start3A_138 = arith.constant 0 : i32
        %dma_start3A_139 = tpu.memref_slice %arg17[%add3A_133, %dma_start3A_138] : memref<10240x128xf32, #tpu.memory_space<vmem_shared>> -> memref<48x128xf32, #tpu.memory_space<vmem_shared>>
        %dma_start3A_140 = arith.constant 0 : i32
        %dma_start3A_141 = arith.constant 0 : i32
        %dma_start3A_142 = tpu.memref_slice %arg12[%dma_start3A_140, %dma_start3A_141] : memref<64x128xf32, #tpu.memory_space<vmem>> -> memref<48x128xf32, #tpu.memory_space<vmem>>
        %dma_start3A_143 = arith.constant 0 : i32
        %dma_start3A_144 = tpu.memref_slice %arg17[%add3A_133, %dma_start3A_143] : memref<10240x128xf32, #tpu.memory_space<vmem_shared>> -> memref<48x128xf32, #tpu.memory_space<vmem_shared>>
        tpu.enqueue_dma source(%dma_start3A_144 : memref<48x128xf32, #tpu.memory_space<vmem_shared>>) target(%dma_start3A_142 : memref<48x128xf32, #tpu.memory_space<vmem>>) target_semaphore(%run_scoped3A_135 : memref<!tpu.dma_semaphore, #tpu.memory_space<semaphore_mem>>)
        %dma_wait3A = arith.constant 0 : i32
        %dma_wait3A_145 = arith.constant 0 : i32
        %dma_wait3A_146 = tpu.memref_slice %arg12[%dma_wait3A, %dma_wait3A_145] : memref<64x128xf32, #tpu.memory_space<vmem>> -> memref<48x128xf32, #tpu.memory_space<vmem>>
        %dma_wait3A_147 = arith.constant 0 : i32
        %dma_wait3A_148 = tpu.memref_slice %arg17[%add3A_133, %dma_wait3A_147] : memref<10240x128xf32, #tpu.memory_space<vmem_shared>> -> memref<48x128xf32, #tpu.memory_space<vmem_shared>>
        %dma_wait3A_149 = arith.constant 0 : i32
        %dma_wait3A_150 = arith.constant 0 : i32
        %dma_wait3A_151 = tpu.memref_slice %arg12[%dma_wait3A_149, %dma_wait3A_150] : memref<64x128xf32, #tpu.memory_space<vmem>> -> memref<48x128xf32, #tpu.memory_space<vmem>>
        %dma_wait3A_152 = arith.constant 0 : i32
        %dma_wait3A_153 = tpu.memref_slice %arg17[%add3A_133, %dma_wait3A_152] : memref<10240x128xf32, #tpu.memory_space<vmem_shared>> -> memref<48x128xf32, #tpu.memory_space<vmem_shared>>
        tpu.wait_dma2 semaphore(%run_scoped3A_135 : memref<!tpu.dma_semaphore, #tpu.memory_space<semaphore_mem>>) src(%dma_wait3A_153 : memref<48x128xf32, #tpu.memory_space<vmem_shared>>) dst(%dma_wait3A_151 : memref<48x128xf32, #tpu.memory_space<vmem>>)
        tpu.yield
      }) : () -> ()
      %run_scoped3A_134 = arith.constant 2 : i32
      "tpu.region"() ({
        %run_scoped3A_135 = tpu.sem_alloc : memref<!tpu.dma_semaphore, #tpu.memory_space<semaphore_mem>>
        %dma_start3A = arith.constant 0 : i32
        %dma_start3A_136 = arith.constant 0 : i32
        %dma_start3A_137 = tpu.memref_slice %arg12[%dma_start3A, %dma_start3A_136] : memref<64x128xf32, #tpu.memory_space<vmem>> -> memref<48x128xf32, #tpu.memory_space<vmem>>
        %dma_start3A_138 = arith.constant 0 : i32
        %dma_start3A_139 = tpu.memref_slice %arg7[%arg0, %run_scoped3A_134, %add3A_133, %dma_start3A_138] : memref<2x3x10000x128xf32, #tpu.memory_space<hbm>> -> memref<1x1x48x128xf32, #tpu.memory_space<hbm>>
        %dma_start3A_140 = tpu.memref_squeeze %dma_start3A_139 : memref<1x1x48x128xf32, #tpu.memory_space<hbm>> -> memref<48x128xf32, #tpu.memory_space<hbm>>
        %dma_start3A_141 = arith.constant 0 : i32
        %dma_start3A_142 = tpu.memref_slice %arg7[%arg0, %run_scoped3A_134, %add3A_133, %dma_start3A_141] : memref<2x3x10000x128xf32, #tpu.memory_space<hbm>> -> memref<1x1x48x128xf32, #tpu.memory_space<hbm>>
        %dma_start3A_143 = tpu.memref_squeeze %dma_start3A_142 : memref<1x1x48x128xf32, #tpu.memory_space<hbm>> -> memref<48x128xf32, #tpu.memory_space<hbm>>
        %dma_start3A_144 = arith.constant 0 : i32
        %dma_start3A_145 = arith.constant 0 : i32
        %dma_start3A_146 = tpu.memref_slice %arg12[%dma_start3A_144, %dma_start3A_145] : memref<64x128xf32, #tpu.memory_space<vmem>> -> memref<48x128xf32, #tpu.memory_space<vmem>>
        tpu.enqueue_dma source(%dma_start3A_146 : memref<48x128xf32, #tpu.memory_space<vmem>>) target(%dma_start3A_143 : memref<48x128xf32, #tpu.memory_space<hbm>>) target_semaphore(%run_scoped3A_135 : memref<!tpu.dma_semaphore, #tpu.memory_space<semaphore_mem>>)
        %dma_wait3A = arith.constant 0 : i32
        %dma_wait3A_147 = arith.constant 0 : i32
        %dma_wait3A_148 = tpu.memref_slice %arg12[%dma_wait3A, %dma_wait3A_147] : memref<64x128xf32, #tpu.memory_space<vmem>> -> memref<48x128xf32, #tpu.memory_space<vmem>>
        %dma_wait3A_149 = arith.constant 0 : i32
        %dma_wait3A_150 = tpu.memref_slice %arg7[%arg0, %run_scoped3A_134, %add3A_133, %dma_wait3A_149] : memref<2x3x10000x128xf32, #tpu.memory_space<hbm>> -> memref<1x1x48x128xf32, #tpu.memory_space<hbm>>
        %dma_wait3A_151 = tpu.memref_squeeze %dma_wait3A_150 : memref<1x1x48x128xf32, #tpu.memory_space<hbm>> -> memref<48x128xf32, #tpu.memory_space<hbm>>
        %dma_wait3A_152 = arith.constant 0 : i32
        %dma_wait3A_153 = tpu.memref_slice %arg7[%arg0, %run_scoped3A_134, %add3A_133, %dma_wait3A_152] : memref<2x3x10000x128xf32, #tpu.memory_space<hbm>> -> memref<1x1x48x128xf32, #tpu.memory_space<hbm>>
        %dma_wait3A_154 = tpu.memref_squeeze %dma_wait3A_153 : memref<1x1x48x128xf32, #tpu.memory_space<hbm>> -> memref<48x128xf32, #tpu.memory_space<hbm>>
        %dma_wait3A_155 = arith.constant 0 : i32
        %dma_wait3A_156 = arith.constant 0 : i32
        %dma_wait3A_157 = tpu.memref_slice %arg12[%dma_wait3A_155, %dma_wait3A_156] : memref<64x128xf32, #tpu.memory_space<vmem>> -> memref<48x128xf32, #tpu.memory_space<vmem>>
        tpu.wait_dma2 semaphore(%run_scoped3A_135 : memref<!tpu.dma_semaphore, #tpu.memory_space<semaphore_mem>>) src(%dma_wait3A_157 : memref<48x128xf32, #tpu.memory_space<vmem>>) dst(%dma_wait3A_154 : memref<48x128xf32, #tpu.memory_space<hbm>>)
        tpu.yield
      }) : () -> ()
    } else {
    }
    %barrier3A_121 = arith.constant 0 : index
    tpu.barrier barrier_id(%barrier3A_121)
    return
  }
}

#map = affine_map<(d0, d1) -> (0, 0, 0, 0)>
#map1 = affine_map<(d0, d1) -> (0, 0, 0, 0, 0)>
module attributes {stable_mosaic.version = 14 : i64} {
  func.func @_den_kernel(%arg0: i32, %arg1: i32, %arg2: memref<3x32x100x64xi32, #tpu.memory_space<hbm>>, %arg3: memref<3x32x100x64x16xf32, #tpu.memory_space<hbm>>, %arg4: memref<2x3x10000x128xf32, #tpu.memory_space<hbm>>, %arg5: memref<1x64xi32, #tpu.memory_space<vmem>>, %arg6: memref<64x16xf32, #tpu.memory_space<vmem>>, %arg7: memref<64x128xf32, #tpu.memory_space<vmem>>, %arg8: memref<64x128xf32, #tpu.memory_space<vmem>>, %arg9: memref<8x128xf32, #tpu.memory_space<vmem>>, %arg10: memref<10240x128xf32, #tpu.memory_space<vmem_shared>>, %arg11: memref<!tpu.dma_semaphore, #tpu.memory_space<semaphore_mem>>, %arg12: memref<!tpu.dma_semaphore, #tpu.memory_space<semaphore_mem>>) attributes {dimension_semantics = [#tpu.dimension_semantics<core_parallel>, #tpu.dimension_semantics<subcore_parallel>], iteration_bounds = array<i64: 2, 16>, scalar_prefetch = 0 : i64, scratch_operands = 8 : i64, tpu.core_type = #tpu.core_type<sc_vector_subcore>, window_params = [{transform_indices = #map}, {transform_indices = #map1}, {transform_indices = #map}]} {
    %mul3A = arith.constant 16 : i32
    %mul3A_0 = arith.muli %arg0, %mul3A : i32
    %add3A = arith.addi %mul3A_0, %arg1 : i32
    %broadcast_in_dim3A = arith.constant 0.000000e+00 : f32
    %broadcast_in_dim3A_1 = vector.broadcast %broadcast_in_dim3A : f32 to vector<16xf32>
    %scan3A = arith.constant 0 : i32
    %scan3A_2 = arith.constant 0 : i32
    %scan3A_3 = arith.constant 8 : i32
    %scan3A_4 = arith.addi %scan3A_2, %scan3A_3 : i32
    %scan3A_5 = arith.constant 1 : i32
    scf.for %scan3A_101 = %scan3A_2 to %scan3A_4 step %scan3A_5  : i32 {
      %swap3A = arith.index_cast %scan3A_101 : i32 to index
      %swap3A_102 = arith.constant 0 : index
      %swap3A_103 = tpu.vector_load %arg9[%swap3A, %swap3A_102] {strides = array<i32>} : memref<8x128xf32, #tpu.memory_space<vmem>>, vector<16xf32>,
      tpu.vector_store %arg9[%swap3A, %swap3A_102], %broadcast_in_dim3A_1 {strides = array<i32>} : memref<8x128xf32, #tpu.memory_space<vmem>>, vector<16xf32>,
      %swap3A_104 = arith.index_cast %scan3A_101 : i32 to index
      %swap3A_105 = arith.constant 16 : index
      %swap3A_106 = tpu.vector_load %arg9[%swap3A_104, %swap3A_105] {strides = array<i32>} : memref<8x128xf32, #tpu.memory_space<vmem>>, vector<16xf32>,
      tpu.vector_store %arg9[%swap3A_104, %swap3A_105], %broadcast_in_dim3A_1 {strides = array<i32>} : memref<8x128xf32, #tpu.memory_space<vmem>>, vector<16xf32>,
      %swap3A_107 = arith.index_cast %scan3A_101 : i32 to index
      %swap3A_108 = arith.constant 32 : index
      %swap3A_109 = tpu.vector_load %arg9[%swap3A_107, %swap3A_108] {strides = array<i32>} : memref<8x128xf32, #tpu.memory_space<vmem>>, vector<16xf32>,
      tpu.vector_store %arg9[%swap3A_107, %swap3A_108], %broadcast_in_dim3A_1 {strides = array<i32>} : memref<8x128xf32, #tpu.memory_space<vmem>>, vector<16xf32>,
      %swap3A_110 = arith.index_cast %scan3A_101 : i32 to index
      %swap3A_111 = arith.constant 48 : index
      %swap3A_112 = tpu.vector_load %arg9[%swap3A_110, %swap3A_111] {strides = array<i32>} : memref<8x128xf32, #tpu.memory_space<vmem>>, vector<16xf32>,
      tpu.vector_store %arg9[%swap3A_110, %swap3A_111], %broadcast_in_dim3A_1 {strides = array<i32>} : memref<8x128xf32, #tpu.memory_space<vmem>>, vector<16xf32>,
      %swap3A_113 = arith.index_cast %scan3A_101 : i32 to index
      %swap3A_114 = arith.constant 64 : index
      %swap3A_115 = tpu.vector_load %arg9[%swap3A_113, %swap3A_114] {strides = array<i32>} : memref<8x128xf32, #tpu.memory_space<vmem>>, vector<16xf32>,
      tpu.vector_store %arg9[%swap3A_113, %swap3A_114], %broadcast_in_dim3A_1 {strides = array<i32>} : memref<8x128xf32, #tpu.memory_space<vmem>>, vector<16xf32>,
      %swap3A_116 = arith.index_cast %scan3A_101 : i32 to index
      %swap3A_117 = arith.constant 80 : index
      %swap3A_118 = tpu.vector_load %arg9[%swap3A_116, %swap3A_117] {strides = array<i32>} : memref<8x128xf32, #tpu.memory_space<vmem>>, vector<16xf32>,
      tpu.vector_store %arg9[%swap3A_116, %swap3A_117], %broadcast_in_dim3A_1 {strides = array<i32>} : memref<8x128xf32, #tpu.memory_space<vmem>>, vector<16xf32>,
      %swap3A_119 = arith.index_cast %scan3A_101 : i32 to index
      %swap3A_120 = arith.constant 96 : index
      %swap3A_121 = tpu.vector_load %arg9[%swap3A_119, %swap3A_120] {strides = array<i32>} : memref<8x128xf32, #tpu.memory_space<vmem>>, vector<16xf32>,
      tpu.vector_store %arg9[%swap3A_119, %swap3A_120], %broadcast_in_dim3A_1 {strides = array<i32>} : memref<8x128xf32, #tpu.memory_space<vmem>>, vector<16xf32>,
      %swap3A_122 = arith.index_cast %scan3A_101 : i32 to index
      %swap3A_123 = arith.constant 112 : index
      %swap3A_124 = tpu.vector_load %arg9[%swap3A_122, %swap3A_123] {strides = array<i32>} : memref<8x128xf32, #tpu.memory_space<vmem>>, vector<16xf32>,
      tpu.vector_store %arg9[%swap3A_122, %swap3A_123], %broadcast_in_dim3A_1 {strides = array<i32>} : memref<8x128xf32, #tpu.memory_space<vmem>>, vector<16xf32>,
    }
    %scan3A_6 = arith.constant 8 : i32
    %scan3A_7 = arith.constant 0 : i32
    %scan3A_8 = arith.constant 0 : i32
    %scan3A_9 = arith.constant 64 : i32
    %scan3A_10 = arith.addi %scan3A_8, %scan3A_9 : i32
    %scan3A_11 = arith.constant 1 : i32
    scf.for %scan3A_101 = %scan3A_8 to %scan3A_10 step %scan3A_11  : i32 {
      %swap3A = arith.index_cast %scan3A_101 : i32 to index
      %swap3A_102 = arith.constant 0 : index
      %swap3A_103 = tpu.vector_load %arg7[%swap3A, %swap3A_102] {strides = array<i32>} : memref<64x128xf32, #tpu.memory_space<vmem>>, vector<16xf32>,
      tpu.vector_store %arg7[%swap3A, %swap3A_102], %broadcast_in_dim3A_1 {strides = array<i32>} : memref<64x128xf32, #tpu.memory_space<vmem>>, vector<16xf32>,
      %swap3A_104 = arith.index_cast %scan3A_101 : i32 to index
      %swap3A_105 = arith.constant 16 : index
      %swap3A_106 = tpu.vector_load %arg7[%swap3A_104, %swap3A_105] {strides = array<i32>} : memref<64x128xf32, #tpu.memory_space<vmem>>, vector<16xf32>,
      tpu.vector_store %arg7[%swap3A_104, %swap3A_105], %broadcast_in_dim3A_1 {strides = array<i32>} : memref<64x128xf32, #tpu.memory_space<vmem>>, vector<16xf32>,
      %swap3A_107 = arith.index_cast %scan3A_101 : i32 to index
      %swap3A_108 = arith.constant 32 : index
      %swap3A_109 = tpu.vector_load %arg7[%swap3A_107, %swap3A_108] {strides = array<i32>} : memref<64x128xf32, #tpu.memory_space<vmem>>, vector<16xf32>,
      tpu.vector_store %arg7[%swap3A_107, %swap3A_108], %broadcast_in_dim3A_1 {strides = array<i32>} : memref<64x128xf32, #tpu.memory_space<vmem>>, vector<16xf32>,
      %swap3A_110 = arith.index_cast %scan3A_101 : i32 to index
      %swap3A_111 = arith.constant 48 : index
      %swap3A_112 = tpu.vector_load %arg7[%swap3A_110, %swap3A_111] {strides = array<i32>} : memref<64x128xf32, #tpu.memory_space<vmem>>, vector<16xf32>,
      tpu.vector_store %arg7[%swap3A_110, %swap3A_111], %broadcast_in_dim3A_1 {strides = array<i32>} : memref<64x128xf32, #tpu.memory_space<vmem>>, vector<16xf32>,
      %swap3A_113 = arith.index_cast %scan3A_101 : i32 to index
      %swap3A_114 = arith.constant 64 : index
      %swap3A_115 = tpu.vector_load %arg7[%swap3A_113, %swap3A_114] {strides = array<i32>} : memref<64x128xf32, #tpu.memory_space<vmem>>, vector<16xf32>,
      tpu.vector_store %arg7[%swap3A_113, %swap3A_114], %broadcast_in_dim3A_1 {strides = array<i32>} : memref<64x128xf32, #tpu.memory_space<vmem>>, vector<16xf32>,
      %swap3A_116 = arith.index_cast %scan3A_101 : i32 to index
      %swap3A_117 = arith.constant 80 : index
      %swap3A_118 = tpu.vector_load %arg7[%swap3A_116, %swap3A_117] {strides = array<i32>} : memref<64x128xf32, #tpu.memory_space<vmem>>, vector<16xf32>,
      tpu.vector_store %arg7[%swap3A_116, %swap3A_117], %broadcast_in_dim3A_1 {strides = array<i32>} : memref<64x128xf32, #tpu.memory_space<vmem>>, vector<16xf32>,
      %swap3A_119 = arith.index_cast %scan3A_101 : i32 to index
      %swap3A_120 = arith.constant 96 : index
      %swap3A_121 = tpu.vector_load %arg7[%swap3A_119, %swap3A_120] {strides = array<i32>} : memref<64x128xf32, #tpu.memory_space<vmem>>, vector<16xf32>,
      tpu.vector_store %arg7[%swap3A_119, %swap3A_120], %broadcast_in_dim3A_1 {strides = array<i32>} : memref<64x128xf32, #tpu.memory_space<vmem>>, vector<16xf32>,
      %swap3A_122 = arith.index_cast %scan3A_101 : i32 to index
      %swap3A_123 = arith.constant 112 : index
      %swap3A_124 = tpu.vector_load %arg7[%swap3A_122, %swap3A_123] {strides = array<i32>} : memref<64x128xf32, #tpu.memory_space<vmem>>, vector<16xf32>,
      tpu.vector_store %arg7[%swap3A_122, %swap3A_123], %broadcast_in_dim3A_1 {strides = array<i32>} : memref<64x128xf32, #tpu.memory_space<vmem>>, vector<16xf32>,
    }
    %scan3A_12 = arith.constant 64 : i32
    %scan3A_13 = arith.constant 0 : i32
    %scan3A_14 = arith.constant 0 : i32
    %scan3A_15 = arith.constant 80 : i32
    %scan3A_16 = arith.addi %scan3A_14, %scan3A_15 : i32
    %scan3A_17 = arith.constant 1 : i32
    scf.for %scan3A_101 = %scan3A_14 to %scan3A_16 step %scan3A_17  : i32 {
      %mul3A_102 = arith.constant 640 : i32
      %mul3A_103 = arith.muli %arg1, %mul3A_102 : i32
      %mul3A_104 = arith.constant 8 : i32
      %mul3A_105 = arith.muli %scan3A_101, %mul3A_104 : i32
      %add3A_106 = arith.addi %mul3A_103, %mul3A_105 : i32
      "tpu.region"() ({
        %run_scoped3A_107 = tpu.sem_alloc : memref<!tpu.dma_semaphore, #tpu.memory_space<semaphore_mem>>
        %dma_start3A = arith.constant 0 : i32
        %dma_start3A_108 = tpu.memref_slice %arg10[%add3A_106, %dma_start3A] : memref<10240x128xf32, #tpu.memory_space<vmem_shared>> -> memref<8x128xf32, #tpu.memory_space<vmem_shared>>
        %dma_start3A_109 = arith.constant 0 : i32
        %dma_start3A_110 = tpu.memref_slice %arg10[%add3A_106, %dma_start3A_109] : memref<10240x128xf32, #tpu.memory_space<vmem_shared>> -> memref<8x128xf32, #tpu.memory_space<vmem_shared>>
        tpu.enqueue_dma source(%arg9 : memref<8x128xf32, #tpu.memory_space<vmem>>) target(%dma_start3A_110 : memref<8x128xf32, #tpu.memory_space<vmem_shared>>) target_semaphore(%run_scoped3A_107 : memref<!tpu.dma_semaphore, #tpu.memory_space<semaphore_mem>>)
        %dma_wait3A = arith.constant 0 : i32
        %dma_wait3A_111 = tpu.memref_slice %arg10[%add3A_106, %dma_wait3A] : memref<10240x128xf32, #tpu.memory_space<vmem_shared>> -> memref<8x128xf32, #tpu.memory_space<vmem_shared>>
        %dma_wait3A_112 = arith.constant 0 : i32
        %dma_wait3A_113 = tpu.memref_slice %arg10[%add3A_106, %dma_wait3A_112] : memref<10240x128xf32, #tpu.memory_space<vmem_shared>> -> memref<8x128xf32, #tpu.memory_space<vmem_shared>>
        tpu.wait_dma2 semaphore(%run_scoped3A_107 : memref<!tpu.dma_semaphore, #tpu.memory_space<semaphore_mem>>) src(%arg9 : memref<8x128xf32, #tpu.memory_space<vmem>>) dst(%dma_wait3A_113 : memref<8x128xf32, #tpu.memory_space<vmem_shared>>)
        tpu.yield
      }) : () -> ()
    }
    %scan3A_18 = arith.constant 80 : i32
    %barrier3A = arith.constant 0 : index
    tpu.barrier barrier_id(%barrier3A)
    %scan3A_19 = arith.constant 0 : i32
    %scan3A_20 = arith.constant 0 : i32
    %scan3A_21 = arith.constant 100 : i32
    %scan3A_22 = arith.addi %scan3A_20, %scan3A_21 : i32
    %scan3A_23 = arith.constant 1 : i32
    scf.for %scan3A_101 = %scan3A_20 to %scan3A_22 step %scan3A_23  : i32 {
      %dma_start3A = arith.constant 0 : i32
      %dma_start3A_102 = arith.constant 0 : i32
      %dma_start3A_103 = tpu.memref_slice %arg2[%dma_start3A, %add3A, %scan3A_101, %dma_start3A_102] : memref<3x32x100x64xi32, #tpu.memory_space<hbm>> -> memref<1x1x1x64xi32, #tpu.memory_space<hbm>>
      %dma_start3A_104 = tpu.memref_squeeze %dma_start3A_103 : memref<1x1x1x64xi32, #tpu.memory_space<hbm>> -> memref<1x64xi32, #tpu.memory_space<hbm>>
      %dma_start3A_105 = arith.constant 0 : i32
      %dma_start3A_106 = tpu.memref_slice %arg2[%dma_start3A, %add3A, %scan3A_101, %dma_start3A_105] : memref<3x32x100x64xi32, #tpu.memory_space<hbm>> -> memref<1x1x1x64xi32, #tpu.memory_space<hbm>>
      %dma_start3A_107 = tpu.memref_squeeze %dma_start3A_106 : memref<1x1x1x64xi32, #tpu.memory_space<hbm>> -> memref<1x64xi32, #tpu.memory_space<hbm>>
      tpu.enqueue_dma source(%dma_start3A_107 : memref<1x64xi32, #tpu.memory_space<hbm>>) target(%arg5 : memref<1x64xi32, #tpu.memory_space<vmem>>) target_semaphore(%arg11 : memref<!tpu.dma_semaphore, #tpu.memory_space<semaphore_mem>>)
      %dma_start3A_108 = arith.constant 0 : i32
      %dma_start3A_109 = arith.constant 0 : i32
      %dma_start3A_110 = arith.constant 0 : i32
      %dma_start3A_111 = tpu.memref_slice %arg3[%dma_start3A_108, %add3A, %scan3A_101, %dma_start3A_109, %dma_start3A_110] : memref<3x32x100x64x16xf32, #tpu.memory_space<hbm>> -> memref<1x1x1x64x16xf32, #tpu.memory_space<hbm>>
      %dma_start3A_112 = tpu.memref_squeeze %dma_start3A_111 : memref<1x1x1x64x16xf32, #tpu.memory_space<hbm>> -> memref<64x16xf32, #tpu.memory_space<hbm>>
      %dma_start3A_113 = arith.constant 0 : i32
      %dma_start3A_114 = arith.constant 0 : i32
      %dma_start3A_115 = tpu.memref_slice %arg3[%dma_start3A_108, %add3A, %scan3A_101, %dma_start3A_113, %dma_start3A_114] : memref<3x32x100x64x16xf32, #tpu.memory_space<hbm>> -> memref<1x1x1x64x16xf32, #tpu.memory_space<hbm>>
      %dma_start3A_116 = tpu.memref_squeeze %dma_start3A_115 : memref<1x1x1x64x16xf32, #tpu.memory_space<hbm>> -> memref<64x16xf32, #tpu.memory_space<hbm>>
      tpu.enqueue_dma source(%dma_start3A_116 : memref<64x16xf32, #tpu.memory_space<hbm>>) target(%arg6 : memref<64x16xf32, #tpu.memory_space<vmem>>) target_semaphore(%arg12 : memref<!tpu.dma_semaphore, #tpu.memory_space<semaphore_mem>>)
      %dma_wait3A = arith.constant 0 : i32
      %dma_wait3A_117 = arith.constant 0 : i32
      %dma_wait3A_118 = tpu.memref_slice %arg2[%dma_wait3A, %add3A, %scan3A_101, %dma_wait3A_117] : memref<3x32x100x64xi32, #tpu.memory_space<hbm>> -> memref<1x1x1x64xi32, #tpu.memory_space<hbm>>
      %dma_wait3A_119 = tpu.memref_squeeze %dma_wait3A_118 : memref<1x1x1x64xi32, #tpu.memory_space<hbm>> -> memref<1x64xi32, #tpu.memory_space<hbm>>
      %dma_wait3A_120 = arith.constant 0 : i32
      %dma_wait3A_121 = tpu.memref_slice %arg2[%dma_wait3A, %add3A, %scan3A_101, %dma_wait3A_120] : memref<3x32x100x64xi32, #tpu.memory_space<hbm>> -> memref<1x1x1x64xi32, #tpu.memory_space<hbm>>
      %dma_wait3A_122 = tpu.memref_squeeze %dma_wait3A_121 : memref<1x1x1x64xi32, #tpu.memory_space<hbm>> -> memref<1x64xi32, #tpu.memory_space<hbm>>
      tpu.wait_dma2 semaphore(%arg11 : memref<!tpu.dma_semaphore, #tpu.memory_space<semaphore_mem>>) src(%dma_wait3A_122 : memref<1x64xi32, #tpu.memory_space<hbm>>) dst(%arg5 : memref<1x64xi32, #tpu.memory_space<vmem>>)
      %dma_wait3A_123 = arith.constant 0 : i32
      %dma_wait3A_124 = arith.constant 0 : i32
      %dma_wait3A_125 = arith.constant 0 : i32
      %dma_wait3A_126 = tpu.memref_slice %arg3[%dma_wait3A_123, %add3A, %scan3A_101, %dma_wait3A_124, %dma_wait3A_125] : memref<3x32x100x64x16xf32, #tpu.memory_space<hbm>> -> memref<1x1x1x64x16xf32, #tpu.memory_space<hbm>>
      %dma_wait3A_127 = tpu.memref_squeeze %dma_wait3A_126 : memref<1x1x1x64x16xf32, #tpu.memory_space<hbm>> -> memref<64x16xf32, #tpu.memory_space<hbm>>
      %dma_wait3A_128 = arith.constant 0 : i32
      %dma_wait3A_129 = arith.constant 0 : i32
      %dma_wait3A_130 = tpu.memref_slice %arg3[%dma_wait3A_123, %add3A, %scan3A_101, %dma_wait3A_128, %dma_wait3A_129] : memref<3x32x100x64x16xf32, #tpu.memory_space<hbm>> -> memref<1x1x1x64x16xf32, #tpu.memory_space<hbm>>
      %dma_wait3A_131 = tpu.memref_squeeze %dma_wait3A_130 : memref<1x1x1x64x16xf32, #tpu.memory_space<hbm>> -> memref<64x16xf32, #tpu.memory_space<hbm>>
      tpu.wait_dma2 semaphore(%arg12 : memref<!tpu.dma_semaphore, #tpu.memory_space<semaphore_mem>>) src(%dma_wait3A_131 : memref<64x16xf32, #tpu.memory_space<hbm>>) dst(%arg6 : memref<64x16xf32, #tpu.memory_space<vmem>>)
      %scan3A_132 = arith.constant 0 : i32
      %scan3A_133 = arith.constant 0 : i32
      %scan3A_134 = arith.constant 64 : i32
      %scan3A_135 = arith.addi %scan3A_133, %scan3A_134 : i32
      %scan3A_136 = arith.constant 1 : i32
      scf.for %scan3A_139 = %scan3A_133 to %scan3A_135 step %scan3A_136  : i32 {
        %get3A = arith.index_cast %scan3A_139 : i32 to index
        %get3A_140 = arith.constant 0 : index
        %get3A_141 = tpu.vector_load %arg6[%get3A, %get3A_140] {strides = array<i32>} : memref<64x16xf32, #tpu.memory_space<vmem>>, vector<16xf32>,
        %swap3A = arith.index_cast %scan3A_139 : i32 to index
        %swap3A_142 = arith.constant 0 : index
        %swap3A_143 = tpu.vector_load %arg7[%swap3A, %swap3A_142] {strides = array<i32>} : memref<64x128xf32, #tpu.memory_space<vmem>>, vector<16xf32>,
        tpu.vector_store %arg7[%swap3A, %swap3A_142], %get3A_141 {strides = array<i32>} : memref<64x128xf32, #tpu.memory_space<vmem>>, vector<16xf32>,
      }
      %scan3A_137 = arith.constant 64 : i32
      %run_scoped3A_138 = arith.constant 0 : i32
      "tpu.region"() ({
        %run_scoped3A_139 = tpu.sem_alloc : memref<!tpu.dma_semaphore, #tpu.memory_space<semaphore_mem>>
        %dma_start3A_140 = arith.constant 0 : i32
        %dma_start3A_141 = tpu.memref_slice %arg5[%run_scoped3A_138, %dma_start3A_140] : memref<1x64xi32, #tpu.memory_space<vmem>> -> memref<1x64xi32, #tpu.memory_space<vmem>>
        %dma_start3A_142 = tpu.memref_squeeze %dma_start3A_141 : memref<1x64xi32, #tpu.memory_space<vmem>> -> memref<64xi32, #tpu.memory_space<vmem>>
        %dma_start3A_143 = arith.constant 0 : i32
        %dma_start3A_144 = arith.constant 0 : i32
        %dma_start3A_145 = tpu.memref_slice %arg10[%dma_start3A_143, %dma_start3A_144] : memref<10240x128xf32, #tpu.memory_space<vmem_shared>> -> memref<10240x128xf32, #tpu.memory_space<vmem_shared>>
        tpu.enqueue_indirect_dma source(%arg7 : memref<64x128xf32, #tpu.memory_space<vmem>>) target(%dma_start3A_145 : memref<10240x128xf32, #tpu.memory_space<vmem_shared>>) offsets(%dma_start3A_142 : memref<64xi32, #tpu.memory_space<vmem>>) semaphore(%run_scoped3A_139 : memref<!tpu.dma_semaphore, #tpu.memory_space<semaphore_mem>>) {add = true}
        %dma_wait3A_146 = arith.constant 0 : i32
        %dma_wait3A_147 = tpu.memref_slice %arg5[%run_scoped3A_138, %dma_wait3A_146] : memref<1x64xi32, #tpu.memory_space<vmem>> -> memref<1x64xi32, #tpu.memory_space<vmem>>
        %dma_wait3A_148 = tpu.memref_squeeze %dma_wait3A_147 : memref<1x64xi32, #tpu.memory_space<vmem>> -> memref<64xi32, #tpu.memory_space<vmem>>
        %dma_wait3A_149 = arith.constant 0 : i32
        %dma_wait3A_150 = arith.constant 0 : i32
        %dma_wait3A_151 = tpu.memref_slice %arg10[%dma_wait3A_149, %dma_wait3A_150] : memref<10240x128xf32, #tpu.memory_space<vmem_shared>> -> memref<10240x128xf32, #tpu.memory_space<vmem_shared>>
        tpu.wait_indirect_dma semaphore(%run_scoped3A_139 : memref<!tpu.dma_semaphore, #tpu.memory_space<semaphore_mem>>) src(%arg7 : memref<64x128xf32, #tpu.memory_space<vmem>>) dst(%dma_wait3A_151 : memref<10240x128xf32, #tpu.memory_space<vmem_shared>>)
        tpu.yield
      }) : () -> ()
    }
    %scan3A_24 = arith.constant 100 : i32
    %barrier3A_25 = arith.constant 0 : index
    tpu.barrier barrier_id(%barrier3A_25)
    %mul3A_26 = arith.constant 640 : i32
    %mul3A_27 = arith.muli %arg1, %mul3A_26 : i32
    %scan3A_28 = arith.constant 0 : i32
    %scan3A_29 = arith.constant 0 : i32
    %scan3A_30 = arith.constant 6 : i32
    %scan3A_31 = arith.addi %scan3A_29, %scan3A_30 : i32
    %scan3A_32 = arith.constant 1 : i32
    scf.for %scan3A_101 = %scan3A_29 to %scan3A_31 step %scan3A_32  : i32 {
      %mul3A_102 = arith.constant 64 : i32
      %mul3A_103 = arith.muli %scan3A_101, %mul3A_102 : i32
      %add3A_104 = arith.addi %mul3A_27, %mul3A_103 : i32
      "tpu.region"() ({
        %run_scoped3A_109 = tpu.sem_alloc : memref<!tpu.dma_semaphore, #tpu.memory_space<semaphore_mem>>
        %dma_start3A = arith.constant 0 : i32
        %dma_start3A_110 = tpu.memref_slice %arg10[%add3A_104, %dma_start3A] : memref<10240x128xf32, #tpu.memory_space<vmem_shared>> -> memref<64x128xf32, #tpu.memory_space<vmem_shared>>
        %dma_start3A_111 = arith.constant 0 : i32
        %dma_start3A_112 = tpu.memref_slice %arg10[%add3A_104, %dma_start3A_111] : memref<10240x128xf32, #tpu.memory_space<vmem_shared>> -> memref<64x128xf32, #tpu.memory_space<vmem_shared>>
        tpu.enqueue_dma source(%dma_start3A_112 : memref<64x128xf32, #tpu.memory_space<vmem_shared>>) target(%arg8 : memref<64x128xf32, #tpu.memory_space<vmem>>) target_semaphore(%run_scoped3A_109 : memref<!tpu.dma_semaphore, #tpu.memory_space<semaphore_mem>>)
        %dma_wait3A = arith.constant 0 : i32
        %dma_wait3A_113 = tpu.memref_slice %arg10[%add3A_104, %dma_wait3A] : memref<10240x128xf32, #tpu.memory_space<vmem_shared>> -> memref<64x128xf32, #tpu.memory_space<vmem_shared>>
        %dma_wait3A_114 = arith.constant 0 : i32
        %dma_wait3A_115 = tpu.memref_slice %arg10[%add3A_104, %dma_wait3A_114] : memref<10240x128xf32, #tpu.memory_space<vmem_shared>> -> memref<64x128xf32, #tpu.memory_space<vmem_shared>>
        tpu.wait_dma2 semaphore(%run_scoped3A_109 : memref<!tpu.dma_semaphore, #tpu.memory_space<semaphore_mem>>) src(%dma_wait3A_115 : memref<64x128xf32, #tpu.memory_space<vmem_shared>>) dst(%arg8 : memref<64x128xf32, #tpu.memory_space<vmem>>)
        tpu.yield
      }) : () -> ()
      %mul3A_105 = arith.constant 64 : i32
      %mul3A_106 = arith.muli %scan3A_101, %mul3A_105 : i32
      %add3A_107 = arith.addi %mul3A_27, %mul3A_106 : i32
      %run_scoped3A_108 = arith.constant 0 : i32
      "tpu.region"() ({
        %run_scoped3A_109 = tpu.sem_alloc : memref<!tpu.dma_semaphore, #tpu.memory_space<semaphore_mem>>
        %dma_start3A = arith.constant 0 : i32
        %dma_start3A_110 = tpu.memref_slice %arg4[%arg0, %run_scoped3A_108, %add3A_107, %dma_start3A] : memref<2x3x10000x128xf32, #tpu.memory_space<hbm>> -> memref<1x1x64x128xf32, #tpu.memory_space<hbm>>
        %dma_start3A_111 = tpu.memref_squeeze %dma_start3A_110 : memref<1x1x64x128xf32, #tpu.memory_space<hbm>> -> memref<64x128xf32, #tpu.memory_space<hbm>>
        %dma_start3A_112 = arith.constant 0 : i32
        %dma_start3A_113 = tpu.memref_slice %arg4[%arg0, %run_scoped3A_108, %add3A_107, %dma_start3A_112] : memref<2x3x10000x128xf32, #tpu.memory_space<hbm>> -> memref<1x1x64x128xf32, #tpu.memory_space<hbm>>
        %dma_start3A_114 = tpu.memref_squeeze %dma_start3A_113 : memref<1x1x64x128xf32, #tpu.memory_space<hbm>> -> memref<64x128xf32, #tpu.memory_space<hbm>>
        tpu.enqueue_dma source(%arg8 : memref<64x128xf32, #tpu.memory_space<vmem>>) target(%dma_start3A_114 : memref<64x128xf32, #tpu.memory_space<hbm>>) target_semaphore(%run_scoped3A_109 : memref<!tpu.dma_semaphore, #tpu.memory_space<semaphore_mem>>)
        %dma_wait3A = arith.constant 0 : i32
        %dma_wait3A_115 = tpu.memref_slice %arg4[%arg0, %run_scoped3A_108, %add3A_107, %dma_wait3A] : memref<2x3x10000x128xf32, #tpu.memory_space<hbm>> -> memref<1x1x64x128xf32, #tpu.memory_space<hbm>>
        %dma_wait3A_116 = tpu.memref_squeeze %dma_wait3A_115 : memref<1x1x64x128xf32, #tpu.memory_space<hbm>> -> memref<64x128xf32, #tpu.memory_space<hbm>>
        %dma_wait3A_117 = arith.constant 0 : i32
        %dma_wait3A_118 = tpu.memref_slice %arg4[%arg0, %run_scoped3A_108, %add3A_107, %dma_wait3A_117] : memref<2x3x10000x128xf32, #tpu.memory_space<hbm>> -> memref<1x1x64x128xf32, #tpu.memory_space<hbm>>
        %dma_wait3A_119 = tpu.memref_squeeze %dma_wait3A_118 : memref<1x1x64x128xf32, #tpu.memory_space<hbm>> -> memref<64x128xf32, #tpu.memory_space<hbm>>
        tpu.wait_dma2 semaphore(%run_scoped3A_109 : memref<!tpu.dma_semaphore, #tpu.memory_space<semaphore_mem>>) src(%arg8 : memref<64x128xf32, #tpu.memory_space<vmem>>) dst(%dma_wait3A_119 : memref<64x128xf32, #tpu.memory_space<hbm>>)
        tpu.yield
      }) : () -> ()
    }
    %scan3A_33 = arith.constant 6 : i32
    %add3A_34 = arith.constant 384 : i32
    %add3A_35 = arith.addi %mul3A_27, %add3A_34 : i32
    "tpu.region"() ({
      %run_scoped3A_101 = tpu.sem_alloc : memref<!tpu.dma_semaphore, #tpu.memory_space<semaphore_mem>>
      %dma_start3A = arith.constant 0 : i32
      %dma_start3A_102 = arith.constant 0 : i32
      %dma_start3A_103 = tpu.memref_slice %arg8[%dma_start3A, %dma_start3A_102] : memref<64x128xf32, #tpu.memory_space<vmem>> -> memref<16x128xf32, #tpu.memory_space<vmem>>
      %dma_start3A_104 = arith.constant 0 : i32
      %dma_start3A_105 = tpu.memref_slice %arg10[%add3A_35, %dma_start3A_104] : memref<10240x128xf32, #tpu.memory_space<vmem_shared>> -> memref<16x128xf32, #tpu.memory_space<vmem_shared>>
      %dma_start3A_106 = arith.constant 0 : i32
      %dma_start3A_107 = arith.constant 0 : i32
      %dma_start3A_108 = tpu.memref_slice %arg8[%dma_start3A_106, %dma_start3A_107] : memref<64x128xf32, #tpu.memory_space<vmem>> -> memref<16x128xf32, #tpu.memory_space<vmem>>
      %dma_start3A_109 = arith.constant 0 : i32
      %dma_start3A_110 = tpu.memref_slice %arg10[%add3A_35, %dma_start3A_109] : memref<10240x128xf32, #tpu.memory_space<vmem_shared>> -> memref<16x128xf32, #tpu.memory_space<vmem_shared>>
      tpu.enqueue_dma source(%dma_start3A_110 : memref<16x128xf32, #tpu.memory_space<vmem_shared>>) target(%dma_start3A_108 : memref<16x128xf32, #tpu.memory_space<vmem>>) target_semaphore(%run_scoped3A_101 : memref<!tpu.dma_semaphore, #tpu.memory_space<semaphore_mem>>)
      %dma_wait3A = arith.constant 0 : i32
      %dma_wait3A_111 = arith.constant 0 : i32
      %dma_wait3A_112 = tpu.memref_slice %arg8[%dma_wait3A, %dma_wait3A_111] : memref<64x128xf32, #tpu.memory_space<vmem>> -> memref<16x128xf32, #tpu.memory_space<vmem>>
      %dma_wait3A_113 = arith.constant 0 : i32
      %dma_wait3A_114 = tpu.memref_slice %arg10[%add3A_35, %dma_wait3A_113] : memref<10240x128xf32, #tpu.memory_space<vmem_shared>> -> memref<16x128xf32, #tpu.memory_space<vmem_shared>>
      %dma_wait3A_115 = arith.constant 0 : i32
      %dma_wait3A_116 = arith.constant 0 : i32
      %dma_wait3A_117 = tpu.memref_slice %arg8[%dma_wait3A_115, %dma_wait3A_116] : memref<64x128xf32, #tpu.memory_space<vmem>> -> memref<16x128xf32, #tpu.memory_space<vmem>>
      %dma_wait3A_118 = arith.constant 0 : i32
      %dma_wait3A_119 = tpu.memref_slice %arg10[%add3A_35, %dma_wait3A_118] : memref<10240x128xf32, #tpu.memory_space<vmem_shared>> -> memref<16x128xf32, #tpu.memory_space<vmem_shared>>
      tpu.wait_dma2 semaphore(%run_scoped3A_101 : memref<!tpu.dma_semaphore, #tpu.memory_space<semaphore_mem>>) src(%dma_wait3A_119 : memref<16x128xf32, #tpu.memory_space<vmem_shared>>) dst(%dma_wait3A_117 : memref<16x128xf32, #tpu.memory_space<vmem>>)
      tpu.yield
    }) : () -> ()
    %run_scoped3A = arith.constant 0 : i32
    "tpu.region"() ({
      %run_scoped3A_101 = tpu.sem_alloc : memref<!tpu.dma_semaphore, #tpu.memory_space<semaphore_mem>>
      %dma_start3A = arith.constant 0 : i32
      %dma_start3A_102 = arith.constant 0 : i32
      %dma_start3A_103 = tpu.memref_slice %arg8[%dma_start3A, %dma_start3A_102] : memref<64x128xf32, #tpu.memory_space<vmem>> -> memref<16x128xf32, #tpu.memory_space<vmem>>
      %dma_start3A_104 = arith.constant 0 : i32
      %dma_start3A_105 = tpu.memref_slice %arg4[%arg0, %run_scoped3A, %add3A_35, %dma_start3A_104] : memref<2x3x10000x128xf32, #tpu.memory_space<hbm>> -> memref<1x1x16x128xf32, #tpu.memory_space<hbm>>
      %dma_start3A_106 = tpu.memref_squeeze %dma_start3A_105 : memref<1x1x16x128xf32, #tpu.memory_space<hbm>> -> memref<16x128xf32, #tpu.memory_space<hbm>>
      %dma_start3A_107 = arith.constant 0 : i32
      %dma_start3A_108 = tpu.memref_slice %arg4[%arg0, %run_scoped3A, %add3A_35, %dma_start3A_107] : memref<2x3x10000x128xf32, #tpu.memory_space<hbm>> -> memref<1x1x16x128xf32, #tpu.memory_space<hbm>>
      %dma_start3A_109 = tpu.memref_squeeze %dma_start3A_108 : memref<1x1x16x128xf32, #tpu.memory_space<hbm>> -> memref<16x128xf32, #tpu.memory_space<hbm>>
      %dma_start3A_110 = arith.constant 0 : i32
      %dma_start3A_111 = arith.constant 0 : i32
      %dma_start3A_112 = tpu.memref_slice %arg8[%dma_start3A_110, %dma_start3A_111] : memref<64x128xf32, #tpu.memory_space<vmem>> -> memref<16x128xf32, #tpu.memory_space<vmem>>
      tpu.enqueue_dma source(%dma_start3A_112 : memref<16x128xf32, #tpu.memory_space<vmem>>) target(%dma_start3A_109 : memref<16x128xf32, #tpu.memory_space<hbm>>) target_semaphore(%run_scoped3A_101 : memref<!tpu.dma_semaphore, #tpu.memory_space<semaphore_mem>>)
      %dma_wait3A = arith.constant 0 : i32
      %dma_wait3A_113 = arith.constant 0 : i32
      %dma_wait3A_114 = tpu.memref_slice %arg8[%dma_wait3A, %dma_wait3A_113] : memref<64x128xf32, #tpu.memory_space<vmem>> -> memref<16x128xf32, #tpu.memory_space<vmem>>
      %dma_wait3A_115 = arith.constant 0 : i32
      %dma_wait3A_116 = tpu.memref_slice %arg4[%arg0, %run_scoped3A, %add3A_35, %dma_wait3A_115] : memref<2x3x10000x128xf32, #tpu.memory_space<hbm>> -> memref<1x1x16x128xf32, #tpu.memory_space<hbm>>
      %dma_wait3A_117 = tpu.memref_squeeze %dma_wait3A_116 : memref<1x1x16x128xf32, #tpu.memory_space<hbm>> -> memref<16x128xf32, #tpu.memory_space<hbm>>
      %dma_wait3A_118 = arith.constant 0 : i32
      %dma_wait3A_119 = tpu.memref_slice %arg4[%arg0, %run_scoped3A, %add3A_35, %dma_wait3A_118] : memref<2x3x10000x128xf32, #tpu.memory_space<hbm>> -> memref<1x1x16x128xf32, #tpu.memory_space<hbm>>
      %dma_wait3A_120 = tpu.memref_squeeze %dma_wait3A_119 : memref<1x1x16x128xf32, #tpu.memory_space<hbm>> -> memref<16x128xf32, #tpu.memory_space<hbm>>
      %dma_wait3A_121 = arith.constant 0 : i32
      %dma_wait3A_122 = arith.constant 0 : i32
      %dma_wait3A_123 = tpu.memref_slice %arg8[%dma_wait3A_121, %dma_wait3A_122] : memref<64x128xf32, #tpu.memory_space<vmem>> -> memref<16x128xf32, #tpu.memory_space<vmem>>
      tpu.wait_dma2 semaphore(%run_scoped3A_101 : memref<!tpu.dma_semaphore, #tpu.memory_space<semaphore_mem>>) src(%dma_wait3A_123 : memref<16x128xf32, #tpu.memory_space<vmem>>) dst(%dma_wait3A_120 : memref<16x128xf32, #tpu.memory_space<hbm>>)
      tpu.yield
    }) : () -> ()
    %lt3A = arith.constant 15 : i32
    %lt3A_36 = arith.cmpi slt, %arg1, %lt3A : i32
    %convert_element_type3A = arith.extui %lt3A_36 : i1 to i32
    %cond3A = arith.constant 0 : i32
    %cond3A_37 = arith.cmpi ne, %convert_element_type3A, %cond3A : i32
    scf.if %cond3A_37 {
      %add3A_101 = arith.constant 384 : i32
      %add3A_102 = arith.addi %mul3A_27, %add3A_101 : i32
      %add3A_103 = arith.constant 16 : i32
      %add3A_104 = arith.addi %add3A_102, %add3A_103 : i32
      %scan3A_105 = arith.constant 0 : i32
      %scan3A_106 = arith.constant 0 : i32
      %scan3A_107 = arith.constant 3 : i32
      %scan3A_108 = arith.addi %scan3A_106, %scan3A_107 : i32
      %scan3A_109 = arith.constant 1 : i32
      scf.for %scan3A_114 = %scan3A_106 to %scan3A_108 step %scan3A_109  : i32 {
        %mul3A_115 = arith.constant 64 : i32
        %mul3A_116 = arith.muli %scan3A_114, %mul3A_115 : i32
        %add3A_117 = arith.addi %add3A_104, %mul3A_116 : i32
        "tpu.region"() ({
          %run_scoped3A_122 = tpu.sem_alloc : memref<!tpu.dma_semaphore, #tpu.memory_space<semaphore_mem>>
          %dma_start3A = arith.constant 0 : i32
          %dma_start3A_123 = tpu.memref_slice %arg10[%add3A_117, %dma_start3A] : memref<10240x128xf32, #tpu.memory_space<vmem_shared>> -> memref<64x128xf32, #tpu.memory_space<vmem_shared>>
          %dma_start3A_124 = arith.constant 0 : i32
          %dma_start3A_125 = tpu.memref_slice %arg10[%add3A_117, %dma_start3A_124] : memref<10240x128xf32, #tpu.memory_space<vmem_shared>> -> memref<64x128xf32, #tpu.memory_space<vmem_shared>>
          tpu.enqueue_dma source(%dma_start3A_125 : memref<64x128xf32, #tpu.memory_space<vmem_shared>>) target(%arg8 : memref<64x128xf32, #tpu.memory_space<vmem>>) target_semaphore(%run_scoped3A_122 : memref<!tpu.dma_semaphore, #tpu.memory_space<semaphore_mem>>)
          %dma_wait3A = arith.constant 0 : i32
          %dma_wait3A_126 = tpu.memref_slice %arg10[%add3A_117, %dma_wait3A] : memref<10240x128xf32, #tpu.memory_space<vmem_shared>> -> memref<64x128xf32, #tpu.memory_space<vmem_shared>>
          %dma_wait3A_127 = arith.constant 0 : i32
          %dma_wait3A_128 = tpu.memref_slice %arg10[%add3A_117, %dma_wait3A_127] : memref<10240x128xf32, #tpu.memory_space<vmem_shared>> -> memref<64x128xf32, #tpu.memory_space<vmem_shared>>
          tpu.wait_dma2 semaphore(%run_scoped3A_122 : memref<!tpu.dma_semaphore, #tpu.memory_space<semaphore_mem>>) src(%dma_wait3A_128 : memref<64x128xf32, #tpu.memory_space<vmem_shared>>) dst(%arg8 : memref<64x128xf32, #tpu.memory_space<vmem>>)
          tpu.yield
        }) : () -> ()
        %mul3A_118 = arith.constant 64 : i32
        %mul3A_119 = arith.muli %scan3A_114, %mul3A_118 : i32
        %add3A_120 = arith.addi %add3A_104, %mul3A_119 : i32
        %run_scoped3A_121 = arith.constant 0 : i32
        "tpu.region"() ({
          %run_scoped3A_122 = tpu.sem_alloc : memref<!tpu.dma_semaphore, #tpu.memory_space<semaphore_mem>>
          %dma_start3A = arith.constant 0 : i32
          %dma_start3A_123 = tpu.memref_slice %arg4[%arg0, %run_scoped3A_121, %add3A_120, %dma_start3A] : memref<2x3x10000x128xf32, #tpu.memory_space<hbm>> -> memref<1x1x64x128xf32, #tpu.memory_space<hbm>>
          %dma_start3A_124 = tpu.memref_squeeze %dma_start3A_123 : memref<1x1x64x128xf32, #tpu.memory_space<hbm>> -> memref<64x128xf32, #tpu.memory_space<hbm>>
          %dma_start3A_125 = arith.constant 0 : i32
          %dma_start3A_126 = tpu.memref_slice %arg4[%arg0, %run_scoped3A_121, %add3A_120, %dma_start3A_125] : memref<2x3x10000x128xf32, #tpu.memory_space<hbm>> -> memref<1x1x64x128xf32, #tpu.memory_space<hbm>>
          %dma_start3A_127 = tpu.memref_squeeze %dma_start3A_126 : memref<1x1x64x128xf32, #tpu.memory_space<hbm>> -> memref<64x128xf32, #tpu.memory_space<hbm>>
          tpu.enqueue_dma source(%arg8 : memref<64x128xf32, #tpu.memory_space<vmem>>) target(%dma_start3A_127 : memref<64x128xf32, #tpu.memory_space<hbm>>) target_semaphore(%run_scoped3A_122 : memref<!tpu.dma_semaphore, #tpu.memory_space<semaphore_mem>>)
          %dma_wait3A = arith.constant 0 : i32
          %dma_wait3A_128 = tpu.memref_slice %arg4[%arg0, %run_scoped3A_121, %add3A_120, %dma_wait3A] : memref<2x3x10000x128xf32, #tpu.memory_space<hbm>> -> memref<1x1x64x128xf32, #tpu.memory_space<hbm>>
          %dma_wait3A_129 = tpu.memref_squeeze %dma_wait3A_128 : memref<1x1x64x128xf32, #tpu.memory_space<hbm>> -> memref<64x128xf32, #tpu.memory_space<hbm>>
          %dma_wait3A_130 = arith.constant 0 : i32
          %dma_wait3A_131 = tpu.memref_slice %arg4[%arg0, %run_scoped3A_121, %add3A_120, %dma_wait3A_130] : memref<2x3x10000x128xf32, #tpu.memory_space<hbm>> -> memref<1x1x64x128xf32, #tpu.memory_space<hbm>>
          %dma_wait3A_132 = tpu.memref_squeeze %dma_wait3A_131 : memref<1x1x64x128xf32, #tpu.memory_space<hbm>> -> memref<64x128xf32, #tpu.memory_space<hbm>>
          tpu.wait_dma2 semaphore(%run_scoped3A_122 : memref<!tpu.dma_semaphore, #tpu.memory_space<semaphore_mem>>) src(%arg8 : memref<64x128xf32, #tpu.memory_space<vmem>>) dst(%dma_wait3A_132 : memref<64x128xf32, #tpu.memory_space<hbm>>)
          tpu.yield
        }) : () -> ()
      }
      %scan3A_110 = arith.constant 3 : i32
      %add3A_111 = arith.constant 192 : i32
      %add3A_112 = arith.addi %add3A_104, %add3A_111 : i32
      "tpu.region"() ({
        %run_scoped3A_114 = tpu.sem_alloc : memref<!tpu.dma_semaphore, #tpu.memory_space<semaphore_mem>>
        %dma_start3A = arith.constant 0 : i32
        %dma_start3A_115 = arith.constant 0 : i32
        %dma_start3A_116 = tpu.memref_slice %arg8[%dma_start3A, %dma_start3A_115] : memref<64x128xf32, #tpu.memory_space<vmem>> -> memref<48x128xf32, #tpu.memory_space<vmem>>
        %dma_start3A_117 = arith.constant 0 : i32
        %dma_start3A_118 = tpu.memref_slice %arg10[%add3A_112, %dma_start3A_117] : memref<10240x128xf32, #tpu.memory_space<vmem_shared>> -> memref<48x128xf32, #tpu.memory_space<vmem_shared>>
        %dma_start3A_119 = arith.constant 0 : i32
        %dma_start3A_120 = arith.constant 0 : i32
        %dma_start3A_121 = tpu.memref_slice %arg8[%dma_start3A_119, %dma_start3A_120] : memref<64x128xf32, #tpu.memory_space<vmem>> -> memref<48x128xf32, #tpu.memory_space<vmem>>
        %dma_start3A_122 = arith.constant 0 : i32
        %dma_start3A_123 = tpu.memref_slice %arg10[%add3A_112, %dma_start3A_122] : memref<10240x128xf32, #tpu.memory_space<vmem_shared>> -> memref<48x128xf32, #tpu.memory_space<vmem_shared>>
        tpu.enqueue_dma source(%dma_start3A_123 : memref<48x128xf32, #tpu.memory_space<vmem_shared>>) target(%dma_start3A_121 : memref<48x128xf32, #tpu.memory_space<vmem>>) target_semaphore(%run_scoped3A_114 : memref<!tpu.dma_semaphore, #tpu.memory_space<semaphore_mem>>)
        %dma_wait3A = arith.constant 0 : i32
        %dma_wait3A_124 = arith.constant 0 : i32
        %dma_wait3A_125 = tpu.memref_slice %arg8[%dma_wait3A, %dma_wait3A_124] : memref<64x128xf32, #tpu.memory_space<vmem>> -> memref<48x128xf32, #tpu.memory_space<vmem>>
        %dma_wait3A_126 = arith.constant 0 : i32
        %dma_wait3A_127 = tpu.memref_slice %arg10[%add3A_112, %dma_wait3A_126] : memref<10240x128xf32, #tpu.memory_space<vmem_shared>> -> memref<48x128xf32, #tpu.memory_space<vmem_shared>>
        %dma_wait3A_128 = arith.constant 0 : i32
        %dma_wait3A_129 = arith.constant 0 : i32
        %dma_wait3A_130 = tpu.memref_slice %arg8[%dma_wait3A_128, %dma_wait3A_129] : memref<64x128xf32, #tpu.memory_space<vmem>> -> memref<48x128xf32, #tpu.memory_space<vmem>>
        %dma_wait3A_131 = arith.constant 0 : i32
        %dma_wait3A_132 = tpu.memref_slice %arg10[%add3A_112, %dma_wait3A_131] : memref<10240x128xf32, #tpu.memory_space<vmem_shared>> -> memref<48x128xf32, #tpu.memory_space<vmem_shared>>
        tpu.wait_dma2 semaphore(%run_scoped3A_114 : memref<!tpu.dma_semaphore, #tpu.memory_space<semaphore_mem>>) src(%dma_wait3A_132 : memref<48x128xf32, #tpu.memory_space<vmem_shared>>) dst(%dma_wait3A_130 : memref<48x128xf32, #tpu.memory_space<vmem>>)
        tpu.yield
      }) : () -> ()
      %run_scoped3A_113 = arith.constant 0 : i32
      "tpu.region"() ({
        %run_scoped3A_114 = tpu.sem_alloc : memref<!tpu.dma_semaphore, #tpu.memory_space<semaphore_mem>>
        %dma_start3A = arith.constant 0 : i32
        %dma_start3A_115 = arith.constant 0 : i32
        %dma_start3A_116 = tpu.memref_slice %arg8[%dma_start3A, %dma_start3A_115] : memref<64x128xf32, #tpu.memory_space<vmem>> -> memref<48x128xf32, #tpu.memory_space<vmem>>
        %dma_start3A_117 = arith.constant 0 : i32
        %dma_start3A_118 = tpu.memref_slice %arg4[%arg0, %run_scoped3A_113, %add3A_112, %dma_start3A_117] : memref<2x3x10000x128xf32, #tpu.memory_space<hbm>> -> memref<1x1x48x128xf32, #tpu.memory_space<hbm>>
        %dma_start3A_119 = tpu.memref_squeeze %dma_start3A_118 : memref<1x1x48x128xf32, #tpu.memory_space<hbm>> -> memref<48x128xf32, #tpu.memory_space<hbm>>
        %dma_start3A_120 = arith.constant 0 : i32
        %dma_start3A_121 = tpu.memref_slice %arg4[%arg0, %run_scoped3A_113, %add3A_112, %dma_start3A_120] : memref<2x3x10000x128xf32, #tpu.memory_space<hbm>> -> memref<1x1x48x128xf32, #tpu.memory_space<hbm>>
        %dma_start3A_122 = tpu.memref_squeeze %dma_start3A_121 : memref<1x1x48x128xf32, #tpu.memory_space<hbm>> -> memref<48x128xf32, #tpu.memory_space<hbm>>
        %dma_start3A_123 = arith.constant 0 : i32
        %dma_start3A_124 = arith.constant 0 : i32
        %dma_start3A_125 = tpu.memref_slice %arg8[%dma_start3A_123, %dma_start3A_124] : memref<64x128xf32, #tpu.memory_space<vmem>> -> memref<48x128xf32, #tpu.memory_space<vmem>>
        tpu.enqueue_dma source(%dma_start3A_125 : memref<48x128xf32, #tpu.memory_space<vmem>>) target(%dma_start3A_122 : memref<48x128xf32, #tpu.memory_space<hbm>>) target_semaphore(%run_scoped3A_114 : memref<!tpu.dma_semaphore, #tpu.memory_space<semaphore_mem>>)
        %dma_wait3A = arith.constant 0 : i32
        %dma_wait3A_126 = arith.constant 0 : i32
        %dma_wait3A_127 = tpu.memref_slice %arg8[%dma_wait3A, %dma_wait3A_126] : memref<64x128xf32, #tpu.memory_space<vmem>> -> memref<48x128xf32, #tpu.memory_space<vmem>>
        %dma_wait3A_128 = arith.constant 0 : i32
        %dma_wait3A_129 = tpu.memref_slice %arg4[%arg0, %run_scoped3A_113, %add3A_112, %dma_wait3A_128] : memref<2x3x10000x128xf32, #tpu.memory_space<hbm>> -> memref<1x1x48x128xf32, #tpu.memory_space<hbm>>
        %dma_wait3A_130 = tpu.memref_squeeze %dma_wait3A_129 : memref<1x1x48x128xf32, #tpu.memory_space<hbm>> -> memref<48x128xf32, #tpu.memory_space<hbm>>
        %dma_wait3A_131 = arith.constant 0 : i32
        %dma_wait3A_132 = tpu.memref_slice %arg4[%arg0, %run_scoped3A_113, %add3A_112, %dma_wait3A_131] : memref<2x3x10000x128xf32, #tpu.memory_space<hbm>> -> memref<1x1x48x128xf32, #tpu.memory_space<hbm>>
        %dma_wait3A_133 = tpu.memref_squeeze %dma_wait3A_132 : memref<1x1x48x128xf32, #tpu.memory_space<hbm>> -> memref<48x128xf32, #tpu.memory_space<hbm>>
        %dma_wait3A_134 = arith.constant 0 : i32
        %dma_wait3A_135 = arith.constant 0 : i32
        %dma_wait3A_136 = tpu.memref_slice %arg8[%dma_wait3A_134, %dma_wait3A_135] : memref<64x128xf32, #tpu.memory_space<vmem>> -> memref<48x128xf32, #tpu.memory_space<vmem>>
        tpu.wait_dma2 semaphore(%run_scoped3A_114 : memref<!tpu.dma_semaphore, #tpu.memory_space<semaphore_mem>>) src(%dma_wait3A_136 : memref<48x128xf32, #tpu.memory_space<vmem>>) dst(%dma_wait3A_133 : memref<48x128xf32, #tpu.memory_space<hbm>>)
        tpu.yield
      }) : () -> ()
    } else {
    }
    %barrier3A_38 = arith.constant 0 : index
    tpu.barrier barrier_id(%barrier3A_38)
    %scan3A_39 = arith.constant 0 : i32
    %scan3A_40 = arith.constant 0 : i32
    %scan3A_41 = arith.constant 80 : i32
    %scan3A_42 = arith.addi %scan3A_40, %scan3A_41 : i32
    %scan3A_43 = arith.constant 1 : i32
    scf.for %scan3A_101 = %scan3A_40 to %scan3A_42 step %scan3A_43  : i32 {
      %mul3A_102 = arith.constant 640 : i32
      %mul3A_103 = arith.muli %arg1, %mul3A_102 : i32
      %mul3A_104 = arith.constant 8 : i32
      %mul3A_105 = arith.muli %scan3A_101, %mul3A_104 : i32
      %add3A_106 = arith.addi %mul3A_103, %mul3A_105 : i32
      "tpu.region"() ({
        %run_scoped3A_107 = tpu.sem_alloc : memref<!tpu.dma_semaphore, #tpu.memory_space<semaphore_mem>>
        %dma_start3A = arith.constant 0 : i32
        %dma_start3A_108 = tpu.memref_slice %arg10[%add3A_106, %dma_start3A] : memref<10240x128xf32, #tpu.memory_space<vmem_shared>> -> memref<8x128xf32, #tpu.memory_space<vmem_shared>>
        %dma_start3A_109 = arith.constant 0 : i32
        %dma_start3A_110 = tpu.memref_slice %arg10[%add3A_106, %dma_start3A_109] : memref<10240x128xf32, #tpu.memory_space<vmem_shared>> -> memref<8x128xf32, #tpu.memory_space<vmem_shared>>
        tpu.enqueue_dma source(%arg9 : memref<8x128xf32, #tpu.memory_space<vmem>>) target(%dma_start3A_110 : memref<8x128xf32, #tpu.memory_space<vmem_shared>>) target_semaphore(%run_scoped3A_107 : memref<!tpu.dma_semaphore, #tpu.memory_space<semaphore_mem>>)
        %dma_wait3A = arith.constant 0 : i32
        %dma_wait3A_111 = tpu.memref_slice %arg10[%add3A_106, %dma_wait3A] : memref<10240x128xf32, #tpu.memory_space<vmem_shared>> -> memref<8x128xf32, #tpu.memory_space<vmem_shared>>
        %dma_wait3A_112 = arith.constant 0 : i32
        %dma_wait3A_113 = tpu.memref_slice %arg10[%add3A_106, %dma_wait3A_112] : memref<10240x128xf32, #tpu.memory_space<vmem_shared>> -> memref<8x128xf32, #tpu.memory_space<vmem_shared>>
        tpu.wait_dma2 semaphore(%run_scoped3A_107 : memref<!tpu.dma_semaphore, #tpu.memory_space<semaphore_mem>>) src(%arg9 : memref<8x128xf32, #tpu.memory_space<vmem>>) dst(%dma_wait3A_113 : memref<8x128xf32, #tpu.memory_space<vmem_shared>>)
        tpu.yield
      }) : () -> ()
    }
    %scan3A_44 = arith.constant 80 : i32
    %barrier3A_45 = arith.constant 0 : index
    tpu.barrier barrier_id(%barrier3A_45)
    %scan3A_46 = arith.constant 0 : i32
    %scan3A_47 = arith.constant 0 : i32
    %scan3A_48 = arith.constant 100 : i32
    %scan3A_49 = arith.addi %scan3A_47, %scan3A_48 : i32
    %scan3A_50 = arith.constant 1 : i32
    scf.for %scan3A_101 = %scan3A_47 to %scan3A_49 step %scan3A_50  : i32 {
      %dma_start3A = arith.constant 1 : i32
      %dma_start3A_102 = arith.constant 0 : i32
      %dma_start3A_103 = tpu.memref_slice %arg2[%dma_start3A, %add3A, %scan3A_101, %dma_start3A_102] : memref<3x32x100x64xi32, #tpu.memory_space<hbm>> -> memref<1x1x1x64xi32, #tpu.memory_space<hbm>>
      %dma_start3A_104 = tpu.memref_squeeze %dma_start3A_103 : memref<1x1x1x64xi32, #tpu.memory_space<hbm>> -> memref<1x64xi32, #tpu.memory_space<hbm>>
      %dma_start3A_105 = arith.constant 0 : i32
      %dma_start3A_106 = tpu.memref_slice %arg2[%dma_start3A, %add3A, %scan3A_101, %dma_start3A_105] : memref<3x32x100x64xi32, #tpu.memory_space<hbm>> -> memref<1x1x1x64xi32, #tpu.memory_space<hbm>>
      %dma_start3A_107 = tpu.memref_squeeze %dma_start3A_106 : memref<1x1x1x64xi32, #tpu.memory_space<hbm>> -> memref<1x64xi32, #tpu.memory_space<hbm>>
      tpu.enqueue_dma source(%dma_start3A_107 : memref<1x64xi32, #tpu.memory_space<hbm>>) target(%arg5 : memref<1x64xi32, #tpu.memory_space<vmem>>) target_semaphore(%arg11 : memref<!tpu.dma_semaphore, #tpu.memory_space<semaphore_mem>>)
      %dma_start3A_108 = arith.constant 1 : i32
      %dma_start3A_109 = arith.constant 0 : i32
      %dma_start3A_110 = arith.constant 0 : i32
      %dma_start3A_111 = tpu.memref_slice %arg3[%dma_start3A_108, %add3A, %scan3A_101, %dma_start3A_109, %dma_start3A_110] : memref<3x32x100x64x16xf32, #tpu.memory_space<hbm>> -> memref<1x1x1x64x16xf32, #tpu.memory_space<hbm>>
      %dma_start3A_112 = tpu.memref_squeeze %dma_start3A_111 : memref<1x1x1x64x16xf32, #tpu.memory_space<hbm>> -> memref<64x16xf32, #tpu.memory_space<hbm>>
      %dma_start3A_113 = arith.constant 0 : i32
      %dma_start3A_114 = arith.constant 0 : i32
      %dma_start3A_115 = tpu.memref_slice %arg3[%dma_start3A_108, %add3A, %scan3A_101, %dma_start3A_113, %dma_start3A_114] : memref<3x32x100x64x16xf32, #tpu.memory_space<hbm>> -> memref<1x1x1x64x16xf32, #tpu.memory_space<hbm>>
      %dma_start3A_116 = tpu.memref_squeeze %dma_start3A_115 : memref<1x1x1x64x16xf32, #tpu.memory_space<hbm>> -> memref<64x16xf32, #tpu.memory_space<hbm>>
      tpu.enqueue_dma source(%dma_start3A_116 : memref<64x16xf32, #tpu.memory_space<hbm>>) target(%arg6 : memref<64x16xf32, #tpu.memory_space<vmem>>) target_semaphore(%arg12 : memref<!tpu.dma_semaphore, #tpu.memory_space<semaphore_mem>>)
      %dma_wait3A = arith.constant 1 : i32
      %dma_wait3A_117 = arith.constant 0 : i32
      %dma_wait3A_118 = tpu.memref_slice %arg2[%dma_wait3A, %add3A, %scan3A_101, %dma_wait3A_117] : memref<3x32x100x64xi32, #tpu.memory_space<hbm>> -> memref<1x1x1x64xi32, #tpu.memory_space<hbm>>
      %dma_wait3A_119 = tpu.memref_squeeze %dma_wait3A_118 : memref<1x1x1x64xi32, #tpu.memory_space<hbm>> -> memref<1x64xi32, #tpu.memory_space<hbm>>
      %dma_wait3A_120 = arith.constant 0 : i32
      %dma_wait3A_121 = tpu.memref_slice %arg2[%dma_wait3A, %add3A, %scan3A_101, %dma_wait3A_120] : memref<3x32x100x64xi32, #tpu.memory_space<hbm>> -> memref<1x1x1x64xi32, #tpu.memory_space<hbm>>
      %dma_wait3A_122 = tpu.memref_squeeze %dma_wait3A_121 : memref<1x1x1x64xi32, #tpu.memory_space<hbm>> -> memref<1x64xi32, #tpu.memory_space<hbm>>
      tpu.wait_dma2 semaphore(%arg11 : memref<!tpu.dma_semaphore, #tpu.memory_space<semaphore_mem>>) src(%dma_wait3A_122 : memref<1x64xi32, #tpu.memory_space<hbm>>) dst(%arg5 : memref<1x64xi32, #tpu.memory_space<vmem>>)
      %dma_wait3A_123 = arith.constant 1 : i32
      %dma_wait3A_124 = arith.constant 0 : i32
      %dma_wait3A_125 = arith.constant 0 : i32
      %dma_wait3A_126 = tpu.memref_slice %arg3[%dma_wait3A_123, %add3A, %scan3A_101, %dma_wait3A_124, %dma_wait3A_125] : memref<3x32x100x64x16xf32, #tpu.memory_space<hbm>> -> memref<1x1x1x64x16xf32, #tpu.memory_space<hbm>>
      %dma_wait3A_127 = tpu.memref_squeeze %dma_wait3A_126 : memref<1x1x1x64x16xf32, #tpu.memory_space<hbm>> -> memref<64x16xf32, #tpu.memory_space<hbm>>
      %dma_wait3A_128 = arith.constant 0 : i32
      %dma_wait3A_129 = arith.constant 0 : i32
      %dma_wait3A_130 = tpu.memref_slice %arg3[%dma_wait3A_123, %add3A, %scan3A_101, %dma_wait3A_128, %dma_wait3A_129] : memref<3x32x100x64x16xf32, #tpu.memory_space<hbm>> -> memref<1x1x1x64x16xf32, #tpu.memory_space<hbm>>
      %dma_wait3A_131 = tpu.memref_squeeze %dma_wait3A_130 : memref<1x1x1x64x16xf32, #tpu.memory_space<hbm>> -> memref<64x16xf32, #tpu.memory_space<hbm>>
      tpu.wait_dma2 semaphore(%arg12 : memref<!tpu.dma_semaphore, #tpu.memory_space<semaphore_mem>>) src(%dma_wait3A_131 : memref<64x16xf32, #tpu.memory_space<hbm>>) dst(%arg6 : memref<64x16xf32, #tpu.memory_space<vmem>>)
      %scan3A_132 = arith.constant 0 : i32
      %scan3A_133 = arith.constant 0 : i32
      %scan3A_134 = arith.constant 64 : i32
      %scan3A_135 = arith.addi %scan3A_133, %scan3A_134 : i32
      %scan3A_136 = arith.constant 1 : i32
      scf.for %scan3A_139 = %scan3A_133 to %scan3A_135 step %scan3A_136  : i32 {
        %get3A = arith.index_cast %scan3A_139 : i32 to index
        %get3A_140 = arith.constant 0 : index
        %get3A_141 = tpu.vector_load %arg6[%get3A, %get3A_140] {strides = array<i32>} : memref<64x16xf32, #tpu.memory_space<vmem>>, vector<16xf32>,
        %swap3A = arith.index_cast %scan3A_139 : i32 to index
        %swap3A_142 = arith.constant 0 : index
        %swap3A_143 = tpu.vector_load %arg7[%swap3A, %swap3A_142] {strides = array<i32>} : memref<64x128xf32, #tpu.memory_space<vmem>>, vector<16xf32>,
        tpu.vector_store %arg7[%swap3A, %swap3A_142], %get3A_141 {strides = array<i32>} : memref<64x128xf32, #tpu.memory_space<vmem>>, vector<16xf32>,
      }
      %scan3A_137 = arith.constant 64 : i32
      %run_scoped3A_138 = arith.constant 0 : i32
      "tpu.region"() ({
        %run_scoped3A_139 = tpu.sem_alloc : memref<!tpu.dma_semaphore, #tpu.memory_space<semaphore_mem>>
        %dma_start3A_140 = arith.constant 0 : i32
        %dma_start3A_141 = tpu.memref_slice %arg5[%run_scoped3A_138, %dma_start3A_140] : memref<1x64xi32, #tpu.memory_space<vmem>> -> memref<1x64xi32, #tpu.memory_space<vmem>>
        %dma_start3A_142 = tpu.memref_squeeze %dma_start3A_141 : memref<1x64xi32, #tpu.memory_space<vmem>> -> memref<64xi32, #tpu.memory_space<vmem>>
        %dma_start3A_143 = arith.constant 0 : i32
        %dma_start3A_144 = arith.constant 0 : i32
        %dma_start3A_145 = tpu.memref_slice %arg10[%dma_start3A_143, %dma_start3A_144] : memref<10240x128xf32, #tpu.memory_space<vmem_shared>> -> memref<10240x128xf32, #tpu.memory_space<vmem_shared>>
        tpu.enqueue_indirect_dma source(%arg7 : memref<64x128xf32, #tpu.memory_space<vmem>>) target(%dma_start3A_145 : memref<10240x128xf32, #tpu.memory_space<vmem_shared>>) offsets(%dma_start3A_142 : memref<64xi32, #tpu.memory_space<vmem>>) semaphore(%run_scoped3A_139 : memref<!tpu.dma_semaphore, #tpu.memory_space<semaphore_mem>>) {add = true}
        %dma_wait3A_146 = arith.constant 0 : i32
        %dma_wait3A_147 = tpu.memref_slice %arg5[%run_scoped3A_138, %dma_wait3A_146] : memref<1x64xi32, #tpu.memory_space<vmem>> -> memref<1x64xi32, #tpu.memory_space<vmem>>
        %dma_wait3A_148 = tpu.memref_squeeze %dma_wait3A_147 : memref<1x64xi32, #tpu.memory_space<vmem>> -> memref<64xi32, #tpu.memory_space<vmem>>
        %dma_wait3A_149 = arith.constant 0 : i32
        %dma_wait3A_150 = arith.constant 0 : i32
        %dma_wait3A_151 = tpu.memref_slice %arg10[%dma_wait3A_149, %dma_wait3A_150] : memref<10240x128xf32, #tpu.memory_space<vmem_shared>> -> memref<10240x128xf32, #tpu.memory_space<vmem_shared>>
        tpu.wait_indirect_dma semaphore(%run_scoped3A_139 : memref<!tpu.dma_semaphore, #tpu.memory_space<semaphore_mem>>) src(%arg7 : memref<64x128xf32, #tpu.memory_space<vmem>>) dst(%dma_wait3A_151 : memref<10240x128xf32, #tpu.memory_space<vmem_shared>>)
        tpu.yield
      }) : () -> ()
    }
    %scan3A_51 = arith.constant 100 : i32
    %barrier3A_52 = arith.constant 0 : index
    tpu.barrier barrier_id(%barrier3A_52)
    %mul3A_53 = arith.constant 640 : i32
    %mul3A_54 = arith.muli %arg1, %mul3A_53 : i32
    %scan3A_55 = arith.constant 0 : i32
    %scan3A_56 = arith.constant 0 : i32
    %scan3A_57 = arith.constant 6 : i32
    %scan3A_58 = arith.addi %scan3A_56, %scan3A_57 : i32
    %scan3A_59 = arith.constant 1 : i32
    scf.for %scan3A_101 = %scan3A_56 to %scan3A_58 step %scan3A_59  : i32 {
      %mul3A_102 = arith.constant 64 : i32
      %mul3A_103 = arith.muli %scan3A_101, %mul3A_102 : i32
      %add3A_104 = arith.addi %mul3A_54, %mul3A_103 : i32
      "tpu.region"() ({
        %run_scoped3A_109 = tpu.sem_alloc : memref<!tpu.dma_semaphore, #tpu.memory_space<semaphore_mem>>
        %dma_start3A = arith.constant 0 : i32
        %dma_start3A_110 = tpu.memref_slice %arg10[%add3A_104, %dma_start3A] : memref<10240x128xf32, #tpu.memory_space<vmem_shared>> -> memref<64x128xf32, #tpu.memory_space<vmem_shared>>
        %dma_start3A_111 = arith.constant 0 : i32
        %dma_start3A_112 = tpu.memref_slice %arg10[%add3A_104, %dma_start3A_111] : memref<10240x128xf32, #tpu.memory_space<vmem_shared>> -> memref<64x128xf32, #tpu.memory_space<vmem_shared>>
        tpu.enqueue_dma source(%dma_start3A_112 : memref<64x128xf32, #tpu.memory_space<vmem_shared>>) target(%arg8 : memref<64x128xf32, #tpu.memory_space<vmem>>) target_semaphore(%run_scoped3A_109 : memref<!tpu.dma_semaphore, #tpu.memory_space<semaphore_mem>>)
        %dma_wait3A = arith.constant 0 : i32
        %dma_wait3A_113 = tpu.memref_slice %arg10[%add3A_104, %dma_wait3A] : memref<10240x128xf32, #tpu.memory_space<vmem_shared>> -> memref<64x128xf32, #tpu.memory_space<vmem_shared>>
        %dma_wait3A_114 = arith.constant 0 : i32
        %dma_wait3A_115 = tpu.memref_slice %arg10[%add3A_104, %dma_wait3A_114] : memref<10240x128xf32, #tpu.memory_space<vmem_shared>> -> memref<64x128xf32, #tpu.memory_space<vmem_shared>>
        tpu.wait_dma2 semaphore(%run_scoped3A_109 : memref<!tpu.dma_semaphore, #tpu.memory_space<semaphore_mem>>) src(%dma_wait3A_115 : memref<64x128xf32, #tpu.memory_space<vmem_shared>>) dst(%arg8 : memref<64x128xf32, #tpu.memory_space<vmem>>)
        tpu.yield
      }) : () -> ()
      %mul3A_105 = arith.constant 64 : i32
      %mul3A_106 = arith.muli %scan3A_101, %mul3A_105 : i32
      %add3A_107 = arith.addi %mul3A_54, %mul3A_106 : i32
      %run_scoped3A_108 = arith.constant 1 : i32
      "tpu.region"() ({
        %run_scoped3A_109 = tpu.sem_alloc : memref<!tpu.dma_semaphore, #tpu.memory_space<semaphore_mem>>
        %dma_start3A = arith.constant 0 : i32
        %dma_start3A_110 = tpu.memref_slice %arg4[%arg0, %run_scoped3A_108, %add3A_107, %dma_start3A] : memref<2x3x10000x128xf32, #tpu.memory_space<hbm>> -> memref<1x1x64x128xf32, #tpu.memory_space<hbm>>
        %dma_start3A_111 = tpu.memref_squeeze %dma_start3A_110 : memref<1x1x64x128xf32, #tpu.memory_space<hbm>> -> memref<64x128xf32, #tpu.memory_space<hbm>>
        %dma_start3A_112 = arith.constant 0 : i32
        %dma_start3A_113 = tpu.memref_slice %arg4[%arg0, %run_scoped3A_108, %add3A_107, %dma_start3A_112] : memref<2x3x10000x128xf32, #tpu.memory_space<hbm>> -> memref<1x1x64x128xf32, #tpu.memory_space<hbm>>
        %dma_start3A_114 = tpu.memref_squeeze %dma_start3A_113 : memref<1x1x64x128xf32, #tpu.memory_space<hbm>> -> memref<64x128xf32, #tpu.memory_space<hbm>>
        tpu.enqueue_dma source(%arg8 : memref<64x128xf32, #tpu.memory_space<vmem>>) target(%dma_start3A_114 : memref<64x128xf32, #tpu.memory_space<hbm>>) target_semaphore(%run_scoped3A_109 : memref<!tpu.dma_semaphore, #tpu.memory_space<semaphore_mem>>)
        %dma_wait3A = arith.constant 0 : i32
        %dma_wait3A_115 = tpu.memref_slice %arg4[%arg0, %run_scoped3A_108, %add3A_107, %dma_wait3A] : memref<2x3x10000x128xf32, #tpu.memory_space<hbm>> -> memref<1x1x64x128xf32, #tpu.memory_space<hbm>>
        %dma_wait3A_116 = tpu.memref_squeeze %dma_wait3A_115 : memref<1x1x64x128xf32, #tpu.memory_space<hbm>> -> memref<64x128xf32, #tpu.memory_space<hbm>>
        %dma_wait3A_117 = arith.constant 0 : i32
        %dma_wait3A_118 = tpu.memref_slice %arg4[%arg0, %run_scoped3A_108, %add3A_107, %dma_wait3A_117] : memref<2x3x10000x128xf32, #tpu.memory_space<hbm>> -> memref<1x1x64x128xf32, #tpu.memory_space<hbm>>
        %dma_wait3A_119 = tpu.memref_squeeze %dma_wait3A_118 : memref<1x1x64x128xf32, #tpu.memory_space<hbm>> -> memref<64x128xf32, #tpu.memory_space<hbm>>
        tpu.wait_dma2 semaphore(%run_scoped3A_109 : memref<!tpu.dma_semaphore, #tpu.memory_space<semaphore_mem>>) src(%arg8 : memref<64x128xf32, #tpu.memory_space<vmem>>) dst(%dma_wait3A_119 : memref<64x128xf32, #tpu.memory_space<hbm>>)
        tpu.yield
      }) : () -> ()
    }
    %scan3A_60 = arith.constant 6 : i32
    %add3A_61 = arith.constant 384 : i32
    %add3A_62 = arith.addi %mul3A_54, %add3A_61 : i32
    "tpu.region"() ({
      %run_scoped3A_101 = tpu.sem_alloc : memref<!tpu.dma_semaphore, #tpu.memory_space<semaphore_mem>>
      %dma_start3A = arith.constant 0 : i32
      %dma_start3A_102 = arith.constant 0 : i32
      %dma_start3A_103 = tpu.memref_slice %arg8[%dma_start3A, %dma_start3A_102] : memref<64x128xf32, #tpu.memory_space<vmem>> -> memref<16x128xf32, #tpu.memory_space<vmem>>
      %dma_start3A_104 = arith.constant 0 : i32
      %dma_start3A_105 = tpu.memref_slice %arg10[%add3A_62, %dma_start3A_104] : memref<10240x128xf32, #tpu.memory_space<vmem_shared>> -> memref<16x128xf32, #tpu.memory_space<vmem_shared>>
      %dma_start3A_106 = arith.constant 0 : i32
      %dma_start3A_107 = arith.constant 0 : i32
      %dma_start3A_108 = tpu.memref_slice %arg8[%dma_start3A_106, %dma_start3A_107] : memref<64x128xf32, #tpu.memory_space<vmem>> -> memref<16x128xf32, #tpu.memory_space<vmem>>
      %dma_start3A_109 = arith.constant 0 : i32
      %dma_start3A_110 = tpu.memref_slice %arg10[%add3A_62, %dma_start3A_109] : memref<10240x128xf32, #tpu.memory_space<vmem_shared>> -> memref<16x128xf32, #tpu.memory_space<vmem_shared>>
      tpu.enqueue_dma source(%dma_start3A_110 : memref<16x128xf32, #tpu.memory_space<vmem_shared>>) target(%dma_start3A_108 : memref<16x128xf32, #tpu.memory_space<vmem>>) target_semaphore(%run_scoped3A_101 : memref<!tpu.dma_semaphore, #tpu.memory_space<semaphore_mem>>)
      %dma_wait3A = arith.constant 0 : i32
      %dma_wait3A_111 = arith.constant 0 : i32
      %dma_wait3A_112 = tpu.memref_slice %arg8[%dma_wait3A, %dma_wait3A_111] : memref<64x128xf32, #tpu.memory_space<vmem>> -> memref<16x128xf32, #tpu.memory_space<vmem>>
      %dma_wait3A_113 = arith.constant 0 : i32
      %dma_wait3A_114 = tpu.memref_slice %arg10[%add3A_62, %dma_wait3A_113] : memref<10240x128xf32, #tpu.memory_space<vmem_shared>> -> memref<16x128xf32, #tpu.memory_space<vmem_shared>>
      %dma_wait3A_115 = arith.constant 0 : i32
      %dma_wait3A_116 = arith.constant 0 : i32
      %dma_wait3A_117 = tpu.memref_slice %arg8[%dma_wait3A_115, %dma_wait3A_116] : memref<64x128xf32, #tpu.memory_space<vmem>> -> memref<16x128xf32, #tpu.memory_space<vmem>>
      %dma_wait3A_118 = arith.constant 0 : i32
      %dma_wait3A_119 = tpu.memref_slice %arg10[%add3A_62, %dma_wait3A_118] : memref<10240x128xf32, #tpu.memory_space<vmem_shared>> -> memref<16x128xf32, #tpu.memory_space<vmem_shared>>
      tpu.wait_dma2 semaphore(%run_scoped3A_101 : memref<!tpu.dma_semaphore, #tpu.memory_space<semaphore_mem>>) src(%dma_wait3A_119 : memref<16x128xf32, #tpu.memory_space<vmem_shared>>) dst(%dma_wait3A_117 : memref<16x128xf32, #tpu.memory_space<vmem>>)
      tpu.yield
    }) : () -> ()
    %run_scoped3A_63 = arith.constant 1 : i32
    "tpu.region"() ({
      %run_scoped3A_101 = tpu.sem_alloc : memref<!tpu.dma_semaphore, #tpu.memory_space<semaphore_mem>>
      %dma_start3A = arith.constant 0 : i32
      %dma_start3A_102 = arith.constant 0 : i32
      %dma_start3A_103 = tpu.memref_slice %arg8[%dma_start3A, %dma_start3A_102] : memref<64x128xf32, #tpu.memory_space<vmem>> -> memref<16x128xf32, #tpu.memory_space<vmem>>
      %dma_start3A_104 = arith.constant 0 : i32
      %dma_start3A_105 = tpu.memref_slice %arg4[%arg0, %run_scoped3A_63, %add3A_62, %dma_start3A_104] : memref<2x3x10000x128xf32, #tpu.memory_space<hbm>> -> memref<1x1x16x128xf32, #tpu.memory_space<hbm>>
      %dma_start3A_106 = tpu.memref_squeeze %dma_start3A_105 : memref<1x1x16x128xf32, #tpu.memory_space<hbm>> -> memref<16x128xf32, #tpu.memory_space<hbm>>
      %dma_start3A_107 = arith.constant 0 : i32
      %dma_start3A_108 = tpu.memref_slice %arg4[%arg0, %run_scoped3A_63, %add3A_62, %dma_start3A_107] : memref<2x3x10000x128xf32, #tpu.memory_space<hbm>> -> memref<1x1x16x128xf32, #tpu.memory_space<hbm>>
      %dma_start3A_109 = tpu.memref_squeeze %dma_start3A_108 : memref<1x1x16x128xf32, #tpu.memory_space<hbm>> -> memref<16x128xf32, #tpu.memory_space<hbm>>
      %dma_start3A_110 = arith.constant 0 : i32
      %dma_start3A_111 = arith.constant 0 : i32
      %dma_start3A_112 = tpu.memref_slice %arg8[%dma_start3A_110, %dma_start3A_111] : memref<64x128xf32, #tpu.memory_space<vmem>> -> memref<16x128xf32, #tpu.memory_space<vmem>>
      tpu.enqueue_dma source(%dma_start3A_112 : memref<16x128xf32, #tpu.memory_space<vmem>>) target(%dma_start3A_109 : memref<16x128xf32, #tpu.memory_space<hbm>>) target_semaphore(%run_scoped3A_101 : memref<!tpu.dma_semaphore, #tpu.memory_space<semaphore_mem>>)
      %dma_wait3A = arith.constant 0 : i32
      %dma_wait3A_113 = arith.constant 0 : i32
      %dma_wait3A_114 = tpu.memref_slice %arg8[%dma_wait3A, %dma_wait3A_113] : memref<64x128xf32, #tpu.memory_space<vmem>> -> memref<16x128xf32, #tpu.memory_space<vmem>>
      %dma_wait3A_115 = arith.constant 0 : i32
      %dma_wait3A_116 = tpu.memref_slice %arg4[%arg0, %run_scoped3A_63, %add3A_62, %dma_wait3A_115] : memref<2x3x10000x128xf32, #tpu.memory_space<hbm>> -> memref<1x1x16x128xf32, #tpu.memory_space<hbm>>
      %dma_wait3A_117 = tpu.memref_squeeze %dma_wait3A_116 : memref<1x1x16x128xf32, #tpu.memory_space<hbm>> -> memref<16x128xf32, #tpu.memory_space<hbm>>
      %dma_wait3A_118 = arith.constant 0 : i32
      %dma_wait3A_119 = tpu.memref_slice %arg4[%arg0, %run_scoped3A_63, %add3A_62, %dma_wait3A_118] : memref<2x3x10000x128xf32, #tpu.memory_space<hbm>> -> memref<1x1x16x128xf32, #tpu.memory_space<hbm>>
      %dma_wait3A_120 = tpu.memref_squeeze %dma_wait3A_119 : memref<1x1x16x128xf32, #tpu.memory_space<hbm>> -> memref<16x128xf32, #tpu.memory_space<hbm>>
      %dma_wait3A_121 = arith.constant 0 : i32
      %dma_wait3A_122 = arith.constant 0 : i32
      %dma_wait3A_123 = tpu.memref_slice %arg8[%dma_wait3A_121, %dma_wait3A_122] : memref<64x128xf32, #tpu.memory_space<vmem>> -> memref<16x128xf32, #tpu.memory_space<vmem>>
      tpu.wait_dma2 semaphore(%run_scoped3A_101 : memref<!tpu.dma_semaphore, #tpu.memory_space<semaphore_mem>>) src(%dma_wait3A_123 : memref<16x128xf32, #tpu.memory_space<vmem>>) dst(%dma_wait3A_120 : memref<16x128xf32, #tpu.memory_space<hbm>>)
      tpu.yield
    }) : () -> ()
    %lt3A_64 = arith.constant 15 : i32
    %lt3A_65 = arith.cmpi slt, %arg1, %lt3A_64 : i32
    %convert_element_type3A_66 = arith.extui %lt3A_65 : i1 to i32
    %cond3A_67 = arith.constant 0 : i32
    %cond3A_68 = arith.cmpi ne, %convert_element_type3A_66, %cond3A_67 : i32
    scf.if %cond3A_68 {
      %add3A_101 = arith.constant 384 : i32
      %add3A_102 = arith.addi %mul3A_54, %add3A_101 : i32
      %add3A_103 = arith.constant 16 : i32
      %add3A_104 = arith.addi %add3A_102, %add3A_103 : i32
      %scan3A_105 = arith.constant 0 : i32
      %scan3A_106 = arith.constant 0 : i32
      %scan3A_107 = arith.constant 3 : i32
      %scan3A_108 = arith.addi %scan3A_106, %scan3A_107 : i32
      %scan3A_109 = arith.constant 1 : i32
      scf.for %scan3A_114 = %scan3A_106 to %scan3A_108 step %scan3A_109  : i32 {
        %mul3A_115 = arith.constant 64 : i32
        %mul3A_116 = arith.muli %scan3A_114, %mul3A_115 : i32
        %add3A_117 = arith.addi %add3A_104, %mul3A_116 : i32
        "tpu.region"() ({
          %run_scoped3A_122 = tpu.sem_alloc : memref<!tpu.dma_semaphore, #tpu.memory_space<semaphore_mem>>
          %dma_start3A = arith.constant 0 : i32
          %dma_start3A_123 = tpu.memref_slice %arg10[%add3A_117, %dma_start3A] : memref<10240x128xf32, #tpu.memory_space<vmem_shared>> -> memref<64x128xf32, #tpu.memory_space<vmem_shared>>
          %dma_start3A_124 = arith.constant 0 : i32
          %dma_start3A_125 = tpu.memref_slice %arg10[%add3A_117, %dma_start3A_124] : memref<10240x128xf32, #tpu.memory_space<vmem_shared>> -> memref<64x128xf32, #tpu.memory_space<vmem_shared>>
          tpu.enqueue_dma source(%dma_start3A_125 : memref<64x128xf32, #tpu.memory_space<vmem_shared>>) target(%arg8 : memref<64x128xf32, #tpu.memory_space<vmem>>) target_semaphore(%run_scoped3A_122 : memref<!tpu.dma_semaphore, #tpu.memory_space<semaphore_mem>>)
          %dma_wait3A = arith.constant 0 : i32
          %dma_wait3A_126 = tpu.memref_slice %arg10[%add3A_117, %dma_wait3A] : memref<10240x128xf32, #tpu.memory_space<vmem_shared>> -> memref<64x128xf32, #tpu.memory_space<vmem_shared>>
          %dma_wait3A_127 = arith.constant 0 : i32
          %dma_wait3A_128 = tpu.memref_slice %arg10[%add3A_117, %dma_wait3A_127] : memref<10240x128xf32, #tpu.memory_space<vmem_shared>> -> memref<64x128xf32, #tpu.memory_space<vmem_shared>>
          tpu.wait_dma2 semaphore(%run_scoped3A_122 : memref<!tpu.dma_semaphore, #tpu.memory_space<semaphore_mem>>) src(%dma_wait3A_128 : memref<64x128xf32, #tpu.memory_space<vmem_shared>>) dst(%arg8 : memref<64x128xf32, #tpu.memory_space<vmem>>)
          tpu.yield
        }) : () -> ()
        %mul3A_118 = arith.constant 64 : i32
        %mul3A_119 = arith.muli %scan3A_114, %mul3A_118 : i32
        %add3A_120 = arith.addi %add3A_104, %mul3A_119 : i32
        %run_scoped3A_121 = arith.constant 1 : i32
        "tpu.region"() ({
          %run_scoped3A_122 = tpu.sem_alloc : memref<!tpu.dma_semaphore, #tpu.memory_space<semaphore_mem>>
          %dma_start3A = arith.constant 0 : i32
          %dma_start3A_123 = tpu.memref_slice %arg4[%arg0, %run_scoped3A_121, %add3A_120, %dma_start3A] : memref<2x3x10000x128xf32, #tpu.memory_space<hbm>> -> memref<1x1x64x128xf32, #tpu.memory_space<hbm>>
          %dma_start3A_124 = tpu.memref_squeeze %dma_start3A_123 : memref<1x1x64x128xf32, #tpu.memory_space<hbm>> -> memref<64x128xf32, #tpu.memory_space<hbm>>
          %dma_start3A_125 = arith.constant 0 : i32
          %dma_start3A_126 = tpu.memref_slice %arg4[%arg0, %run_scoped3A_121, %add3A_120, %dma_start3A_125] : memref<2x3x10000x128xf32, #tpu.memory_space<hbm>> -> memref<1x1x64x128xf32, #tpu.memory_space<hbm>>
          %dma_start3A_127 = tpu.memref_squeeze %dma_start3A_126 : memref<1x1x64x128xf32, #tpu.memory_space<hbm>> -> memref<64x128xf32, #tpu.memory_space<hbm>>
          tpu.enqueue_dma source(%arg8 : memref<64x128xf32, #tpu.memory_space<vmem>>) target(%dma_start3A_127 : memref<64x128xf32, #tpu.memory_space<hbm>>) target_semaphore(%run_scoped3A_122 : memref<!tpu.dma_semaphore, #tpu.memory_space<semaphore_mem>>)
          %dma_wait3A = arith.constant 0 : i32
          %dma_wait3A_128 = tpu.memref_slice %arg4[%arg0, %run_scoped3A_121, %add3A_120, %dma_wait3A] : memref<2x3x10000x128xf32, #tpu.memory_space<hbm>> -> memref<1x1x64x128xf32, #tpu.memory_space<hbm>>
          %dma_wait3A_129 = tpu.memref_squeeze %dma_wait3A_128 : memref<1x1x64x128xf32, #tpu.memory_space<hbm>> -> memref<64x128xf32, #tpu.memory_space<hbm>>
          %dma_wait3A_130 = arith.constant 0 : i32
          %dma_wait3A_131 = tpu.memref_slice %arg4[%arg0, %run_scoped3A_121, %add3A_120, %dma_wait3A_130] : memref<2x3x10000x128xf32, #tpu.memory_space<hbm>> -> memref<1x1x64x128xf32, #tpu.memory_space<hbm>>
          %dma_wait3A_132 = tpu.memref_squeeze %dma_wait3A_131 : memref<1x1x64x128xf32, #tpu.memory_space<hbm>> -> memref<64x128xf32, #tpu.memory_space<hbm>>
          tpu.wait_dma2 semaphore(%run_scoped3A_122 : memref<!tpu.dma_semaphore, #tpu.memory_space<semaphore_mem>>) src(%arg8 : memref<64x128xf32, #tpu.memory_space<vmem>>) dst(%dma_wait3A_132 : memref<64x128xf32, #tpu.memory_space<hbm>>)
          tpu.yield
        }) : () -> ()
      }
      %scan3A_110 = arith.constant 3 : i32
      %add3A_111 = arith.constant 192 : i32
      %add3A_112 = arith.addi %add3A_104, %add3A_111 : i32
      "tpu.region"() ({
        %run_scoped3A_114 = tpu.sem_alloc : memref<!tpu.dma_semaphore, #tpu.memory_space<semaphore_mem>>
        %dma_start3A = arith.constant 0 : i32
        %dma_start3A_115 = arith.constant 0 : i32
        %dma_start3A_116 = tpu.memref_slice %arg8[%dma_start3A, %dma_start3A_115] : memref<64x128xf32, #tpu.memory_space<vmem>> -> memref<48x128xf32, #tpu.memory_space<vmem>>
        %dma_start3A_117 = arith.constant 0 : i32
        %dma_start3A_118 = tpu.memref_slice %arg10[%add3A_112, %dma_start3A_117] : memref<10240x128xf32, #tpu.memory_space<vmem_shared>> -> memref<48x128xf32, #tpu.memory_space<vmem_shared>>
        %dma_start3A_119 = arith.constant 0 : i32
        %dma_start3A_120 = arith.constant 0 : i32
        %dma_start3A_121 = tpu.memref_slice %arg8[%dma_start3A_119, %dma_start3A_120] : memref<64x128xf32, #tpu.memory_space<vmem>> -> memref<48x128xf32, #tpu.memory_space<vmem>>
        %dma_start3A_122 = arith.constant 0 : i32
        %dma_start3A_123 = tpu.memref_slice %arg10[%add3A_112, %dma_start3A_122] : memref<10240x128xf32, #tpu.memory_space<vmem_shared>> -> memref<48x128xf32, #tpu.memory_space<vmem_shared>>
        tpu.enqueue_dma source(%dma_start3A_123 : memref<48x128xf32, #tpu.memory_space<vmem_shared>>) target(%dma_start3A_121 : memref<48x128xf32, #tpu.memory_space<vmem>>) target_semaphore(%run_scoped3A_114 : memref<!tpu.dma_semaphore, #tpu.memory_space<semaphore_mem>>)
        %dma_wait3A = arith.constant 0 : i32
        %dma_wait3A_124 = arith.constant 0 : i32
        %dma_wait3A_125 = tpu.memref_slice %arg8[%dma_wait3A, %dma_wait3A_124] : memref<64x128xf32, #tpu.memory_space<vmem>> -> memref<48x128xf32, #tpu.memory_space<vmem>>
        %dma_wait3A_126 = arith.constant 0 : i32
        %dma_wait3A_127 = tpu.memref_slice %arg10[%add3A_112, %dma_wait3A_126] : memref<10240x128xf32, #tpu.memory_space<vmem_shared>> -> memref<48x128xf32, #tpu.memory_space<vmem_shared>>
        %dma_wait3A_128 = arith.constant 0 : i32
        %dma_wait3A_129 = arith.constant 0 : i32
        %dma_wait3A_130 = tpu.memref_slice %arg8[%dma_wait3A_128, %dma_wait3A_129] : memref<64x128xf32, #tpu.memory_space<vmem>> -> memref<48x128xf32, #tpu.memory_space<vmem>>
        %dma_wait3A_131 = arith.constant 0 : i32
        %dma_wait3A_132 = tpu.memref_slice %arg10[%add3A_112, %dma_wait3A_131] : memref<10240x128xf32, #tpu.memory_space<vmem_shared>> -> memref<48x128xf32, #tpu.memory_space<vmem_shared>>
        tpu.wait_dma2 semaphore(%run_scoped3A_114 : memref<!tpu.dma_semaphore, #tpu.memory_space<semaphore_mem>>) src(%dma_wait3A_132 : memref<48x128xf32, #tpu.memory_space<vmem_shared>>) dst(%dma_wait3A_130 : memref<48x128xf32, #tpu.memory_space<vmem>>)
        tpu.yield
      }) : () -> ()
      %run_scoped3A_113 = arith.constant 1 : i32
      "tpu.region"() ({
        %run_scoped3A_114 = tpu.sem_alloc : memref<!tpu.dma_semaphore, #tpu.memory_space<semaphore_mem>>
        %dma_start3A = arith.constant 0 : i32
        %dma_start3A_115 = arith.constant 0 : i32
        %dma_start3A_116 = tpu.memref_slice %arg8[%dma_start3A, %dma_start3A_115] : memref<64x128xf32, #tpu.memory_space<vmem>> -> memref<48x128xf32, #tpu.memory_space<vmem>>
        %dma_start3A_117 = arith.constant 0 : i32
        %dma_start3A_118 = tpu.memref_slice %arg4[%arg0, %run_scoped3A_113, %add3A_112, %dma_start3A_117] : memref<2x3x10000x128xf32, #tpu.memory_space<hbm>> -> memref<1x1x48x128xf32, #tpu.memory_space<hbm>>
        %dma_start3A_119 = tpu.memref_squeeze %dma_start3A_118 : memref<1x1x48x128xf32, #tpu.memory_space<hbm>> -> memref<48x128xf32, #tpu.memory_space<hbm>>
        %dma_start3A_120 = arith.constant 0 : i32
        %dma_start3A_121 = tpu.memref_slice %arg4[%arg0, %run_scoped3A_113, %add3A_112, %dma_start3A_120] : memref<2x3x10000x128xf32, #tpu.memory_space<hbm>> -> memref<1x1x48x128xf32, #tpu.memory_space<hbm>>
        %dma_start3A_122 = tpu.memref_squeeze %dma_start3A_121 : memref<1x1x48x128xf32, #tpu.memory_space<hbm>> -> memref<48x128xf32, #tpu.memory_space<hbm>>
        %dma_start3A_123 = arith.constant 0 : i32
        %dma_start3A_124 = arith.constant 0 : i32
        %dma_start3A_125 = tpu.memref_slice %arg8[%dma_start3A_123, %dma_start3A_124] : memref<64x128xf32, #tpu.memory_space<vmem>> -> memref<48x128xf32, #tpu.memory_space<vmem>>
        tpu.enqueue_dma source(%dma_start3A_125 : memref<48x128xf32, #tpu.memory_space<vmem>>) target(%dma_start3A_122 : memref<48x128xf32, #tpu.memory_space<hbm>>) target_semaphore(%run_scoped3A_114 : memref<!tpu.dma_semaphore, #tpu.memory_space<semaphore_mem>>)
        %dma_wait3A = arith.constant 0 : i32
        %dma_wait3A_126 = arith.constant 0 : i32
        %dma_wait3A_127 = tpu.memref_slice %arg8[%dma_wait3A, %dma_wait3A_126] : memref<64x128xf32, #tpu.memory_space<vmem>> -> memref<48x128xf32, #tpu.memory_space<vmem>>
        %dma_wait3A_128 = arith.constant 0 : i32
        %dma_wait3A_129 = tpu.memref_slice %arg4[%arg0, %run_scoped3A_113, %add3A_112, %dma_wait3A_128] : memref<2x3x10000x128xf32, #tpu.memory_space<hbm>> -> memref<1x1x48x128xf32, #tpu.memory_space<hbm>>
        %dma_wait3A_130 = tpu.memref_squeeze %dma_wait3A_129 : memref<1x1x48x128xf32, #tpu.memory_space<hbm>> -> memref<48x128xf32, #tpu.memory_space<hbm>>
        %dma_wait3A_131 = arith.constant 0 : i32
        %dma_wait3A_132 = tpu.memref_slice %arg4[%arg0, %run_scoped3A_113, %add3A_112, %dma_wait3A_131] : memref<2x3x10000x128xf32, #tpu.memory_space<hbm>> -> memref<1x1x48x128xf32, #tpu.memory_space<hbm>>
        %dma_wait3A_133 = tpu.memref_squeeze %dma_wait3A_132 : memref<1x1x48x128xf32, #tpu.memory_space<hbm>> -> memref<48x128xf32, #tpu.memory_space<hbm>>
        %dma_wait3A_134 = arith.constant 0 : i32
        %dma_wait3A_135 = arith.constant 0 : i32
        %dma_wait3A_136 = tpu.memref_slice %arg8[%dma_wait3A_134, %dma_wait3A_135] : memref<64x128xf32, #tpu.memory_space<vmem>> -> memref<48x128xf32, #tpu.memory_space<vmem>>
        tpu.wait_dma2 semaphore(%run_scoped3A_114 : memref<!tpu.dma_semaphore, #tpu.memory_space<semaphore_mem>>) src(%dma_wait3A_136 : memref<48x128xf32, #tpu.memory_space<vmem>>) dst(%dma_wait3A_133 : memref<48x128xf32, #tpu.memory_space<hbm>>)
        tpu.yield
      }) : () -> ()
    } else {
    }
    %barrier3A_69 = arith.constant 0 : index
    tpu.barrier barrier_id(%barrier3A_69)
    %scan3A_70 = arith.constant 0 : i32
    %scan3A_71 = arith.constant 0 : i32
    %scan3A_72 = arith.constant 80 : i32
    %scan3A_73 = arith.addi %scan3A_71, %scan3A_72 : i32
    %scan3A_74 = arith.constant 1 : i32
    scf.for %scan3A_101 = %scan3A_71 to %scan3A_73 step %scan3A_74  : i32 {
      %mul3A_102 = arith.constant 640 : i32
      %mul3A_103 = arith.muli %arg1, %mul3A_102 : i32
      %mul3A_104 = arith.constant 8 : i32
      %mul3A_105 = arith.muli %scan3A_101, %mul3A_104 : i32
      %add3A_106 = arith.addi %mul3A_103, %mul3A_105 : i32
      "tpu.region"() ({
        %run_scoped3A_107 = tpu.sem_alloc : memref<!tpu.dma_semaphore, #tpu.memory_space<semaphore_mem>>
        %dma_start3A = arith.constant 0 : i32
        %dma_start3A_108 = tpu.memref_slice %arg10[%add3A_106, %dma_start3A] : memref<10240x128xf32, #tpu.memory_space<vmem_shared>> -> memref<8x128xf32, #tpu.memory_space<vmem_shared>>
        %dma_start3A_109 = arith.constant 0 : i32
        %dma_start3A_110 = tpu.memref_slice %arg10[%add3A_106, %dma_start3A_109] : memref<10240x128xf32, #tpu.memory_space<vmem_shared>> -> memref<8x128xf32, #tpu.memory_space<vmem_shared>>
        tpu.enqueue_dma source(%arg9 : memref<8x128xf32, #tpu.memory_space<vmem>>) target(%dma_start3A_110 : memref<8x128xf32, #tpu.memory_space<vmem_shared>>) target_semaphore(%run_scoped3A_107 : memref<!tpu.dma_semaphore, #tpu.memory_space<semaphore_mem>>)
        %dma_wait3A = arith.constant 0 : i32
        %dma_wait3A_111 = tpu.memref_slice %arg10[%add3A_106, %dma_wait3A] : memref<10240x128xf32, #tpu.memory_space<vmem_shared>> -> memref<8x128xf32, #tpu.memory_space<vmem_shared>>
        %dma_wait3A_112 = arith.constant 0 : i32
        %dma_wait3A_113 = tpu.memref_slice %arg10[%add3A_106, %dma_wait3A_112] : memref<10240x128xf32, #tpu.memory_space<vmem_shared>> -> memref<8x128xf32, #tpu.memory_space<vmem_shared>>
        tpu.wait_dma2 semaphore(%run_scoped3A_107 : memref<!tpu.dma_semaphore, #tpu.memory_space<semaphore_mem>>) src(%arg9 : memref<8x128xf32, #tpu.memory_space<vmem>>) dst(%dma_wait3A_113 : memref<8x128xf32, #tpu.memory_space<vmem_shared>>)
        tpu.yield
      }) : () -> ()
    }
    %scan3A_75 = arith.constant 80 : i32
    %barrier3A_76 = arith.constant 0 : index
    tpu.barrier barrier_id(%barrier3A_76)
    %scan3A_77 = arith.constant 0 : i32
    %scan3A_78 = arith.constant 0 : i32
    %scan3A_79 = arith.constant 100 : i32
    %scan3A_80 = arith.addi %scan3A_78, %scan3A_79 : i32
    %scan3A_81 = arith.constant 1 : i32
    scf.for %scan3A_101 = %scan3A_78 to %scan3A_80 step %scan3A_81  : i32 {
      %dma_start3A = arith.constant 2 : i32
      %dma_start3A_102 = arith.constant 0 : i32
      %dma_start3A_103 = tpu.memref_slice %arg2[%dma_start3A, %add3A, %scan3A_101, %dma_start3A_102] : memref<3x32x100x64xi32, #tpu.memory_space<hbm>> -> memref<1x1x1x64xi32, #tpu.memory_space<hbm>>
      %dma_start3A_104 = tpu.memref_squeeze %dma_start3A_103 : memref<1x1x1x64xi32, #tpu.memory_space<hbm>> -> memref<1x64xi32, #tpu.memory_space<hbm>>
      %dma_start3A_105 = arith.constant 0 : i32
      %dma_start3A_106 = tpu.memref_slice %arg2[%dma_start3A, %add3A, %scan3A_101, %dma_start3A_105] : memref<3x32x100x64xi32, #tpu.memory_space<hbm>> -> memref<1x1x1x64xi32, #tpu.memory_space<hbm>>
      %dma_start3A_107 = tpu.memref_squeeze %dma_start3A_106 : memref<1x1x1x64xi32, #tpu.memory_space<hbm>> -> memref<1x64xi32, #tpu.memory_space<hbm>>
      tpu.enqueue_dma source(%dma_start3A_107 : memref<1x64xi32, #tpu.memory_space<hbm>>) target(%arg5 : memref<1x64xi32, #tpu.memory_space<vmem>>) target_semaphore(%arg11 : memref<!tpu.dma_semaphore, #tpu.memory_space<semaphore_mem>>)
      %dma_start3A_108 = arith.constant 2 : i32
      %dma_start3A_109 = arith.constant 0 : i32
      %dma_start3A_110 = arith.constant 0 : i32
      %dma_start3A_111 = tpu.memref_slice %arg3[%dma_start3A_108, %add3A, %scan3A_101, %dma_start3A_109, %dma_start3A_110] : memref<3x32x100x64x16xf32, #tpu.memory_space<hbm>> -> memref<1x1x1x64x16xf32, #tpu.memory_space<hbm>>
      %dma_start3A_112 = tpu.memref_squeeze %dma_start3A_111 : memref<1x1x1x64x16xf32, #tpu.memory_space<hbm>> -> memref<64x16xf32, #tpu.memory_space<hbm>>
      %dma_start3A_113 = arith.constant 0 : i32
      %dma_start3A_114 = arith.constant 0 : i32
      %dma_start3A_115 = tpu.memref_slice %arg3[%dma_start3A_108, %add3A, %scan3A_101, %dma_start3A_113, %dma_start3A_114] : memref<3x32x100x64x16xf32, #tpu.memory_space<hbm>> -> memref<1x1x1x64x16xf32, #tpu.memory_space<hbm>>
      %dma_start3A_116 = tpu.memref_squeeze %dma_start3A_115 : memref<1x1x1x64x16xf32, #tpu.memory_space<hbm>> -> memref<64x16xf32, #tpu.memory_space<hbm>>
      tpu.enqueue_dma source(%dma_start3A_116 : memref<64x16xf32, #tpu.memory_space<hbm>>) target(%arg6 : memref<64x16xf32, #tpu.memory_space<vmem>>) target_semaphore(%arg12 : memref<!tpu.dma_semaphore, #tpu.memory_space<semaphore_mem>>)
      %dma_wait3A = arith.constant 2 : i32
      %dma_wait3A_117 = arith.constant 0 : i32
      %dma_wait3A_118 = tpu.memref_slice %arg2[%dma_wait3A, %add3A, %scan3A_101, %dma_wait3A_117] : memref<3x32x100x64xi32, #tpu.memory_space<hbm>> -> memref<1x1x1x64xi32, #tpu.memory_space<hbm>>
      %dma_wait3A_119 = tpu.memref_squeeze %dma_wait3A_118 : memref<1x1x1x64xi32, #tpu.memory_space<hbm>> -> memref<1x64xi32, #tpu.memory_space<hbm>>
      %dma_wait3A_120 = arith.constant 0 : i32
      %dma_wait3A_121 = tpu.memref_slice %arg2[%dma_wait3A, %add3A, %scan3A_101, %dma_wait3A_120] : memref<3x32x100x64xi32, #tpu.memory_space<hbm>> -> memref<1x1x1x64xi32, #tpu.memory_space<hbm>>
      %dma_wait3A_122 = tpu.memref_squeeze %dma_wait3A_121 : memref<1x1x1x64xi32, #tpu.memory_space<hbm>> -> memref<1x64xi32, #tpu.memory_space<hbm>>
      tpu.wait_dma2 semaphore(%arg11 : memref<!tpu.dma_semaphore, #tpu.memory_space<semaphore_mem>>) src(%dma_wait3A_122 : memref<1x64xi32, #tpu.memory_space<hbm>>) dst(%arg5 : memref<1x64xi32, #tpu.memory_space<vmem>>)
      %dma_wait3A_123 = arith.constant 2 : i32
      %dma_wait3A_124 = arith.constant 0 : i32
      %dma_wait3A_125 = arith.constant 0 : i32
      %dma_wait3A_126 = tpu.memref_slice %arg3[%dma_wait3A_123, %add3A, %scan3A_101, %dma_wait3A_124, %dma_wait3A_125] : memref<3x32x100x64x16xf32, #tpu.memory_space<hbm>> -> memref<1x1x1x64x16xf32, #tpu.memory_space<hbm>>
      %dma_wait3A_127 = tpu.memref_squeeze %dma_wait3A_126 : memref<1x1x1x64x16xf32, #tpu.memory_space<hbm>> -> memref<64x16xf32, #tpu.memory_space<hbm>>
      %dma_wait3A_128 = arith.constant 0 : i32
      %dma_wait3A_129 = arith.constant 0 : i32
      %dma_wait3A_130 = tpu.memref_slice %arg3[%dma_wait3A_123, %add3A, %scan3A_101, %dma_wait3A_128, %dma_wait3A_129] : memref<3x32x100x64x16xf32, #tpu.memory_space<hbm>> -> memref<1x1x1x64x16xf32, #tpu.memory_space<hbm>>
      %dma_wait3A_131 = tpu.memref_squeeze %dma_wait3A_130 : memref<1x1x1x64x16xf32, #tpu.memory_space<hbm>> -> memref<64x16xf32, #tpu.memory_space<hbm>>
      tpu.wait_dma2 semaphore(%arg12 : memref<!tpu.dma_semaphore, #tpu.memory_space<semaphore_mem>>) src(%dma_wait3A_131 : memref<64x16xf32, #tpu.memory_space<hbm>>) dst(%arg6 : memref<64x16xf32, #tpu.memory_space<vmem>>)
      %scan3A_132 = arith.constant 0 : i32
      %scan3A_133 = arith.constant 0 : i32
      %scan3A_134 = arith.constant 64 : i32
      %scan3A_135 = arith.addi %scan3A_133, %scan3A_134 : i32
      %scan3A_136 = arith.constant 1 : i32
      scf.for %scan3A_139 = %scan3A_133 to %scan3A_135 step %scan3A_136  : i32 {
        %get3A = arith.index_cast %scan3A_139 : i32 to index
        %get3A_140 = arith.constant 0 : index
        %get3A_141 = tpu.vector_load %arg6[%get3A, %get3A_140] {strides = array<i32>} : memref<64x16xf32, #tpu.memory_space<vmem>>, vector<16xf32>,
        %swap3A = arith.index_cast %scan3A_139 : i32 to index
        %swap3A_142 = arith.constant 0 : index
        %swap3A_143 = tpu.vector_load %arg7[%swap3A, %swap3A_142] {strides = array<i32>} : memref<64x128xf32, #tpu.memory_space<vmem>>, vector<16xf32>,
        tpu.vector_store %arg7[%swap3A, %swap3A_142], %get3A_141 {strides = array<i32>} : memref<64x128xf32, #tpu.memory_space<vmem>>, vector<16xf32>,
      }
      %scan3A_137 = arith.constant 64 : i32
      %run_scoped3A_138 = arith.constant 0 : i32
      "tpu.region"() ({
        %run_scoped3A_139 = tpu.sem_alloc : memref<!tpu.dma_semaphore, #tpu.memory_space<semaphore_mem>>
        %dma_start3A_140 = arith.constant 0 : i32
        %dma_start3A_141 = tpu.memref_slice %arg5[%run_scoped3A_138, %dma_start3A_140] : memref<1x64xi32, #tpu.memory_space<vmem>> -> memref<1x64xi32, #tpu.memory_space<vmem>>
        %dma_start3A_142 = tpu.memref_squeeze %dma_start3A_141 : memref<1x64xi32, #tpu.memory_space<vmem>> -> memref<64xi32, #tpu.memory_space<vmem>>
        %dma_start3A_143 = arith.constant 0 : i32
        %dma_start3A_144 = arith.constant 0 : i32
        %dma_start3A_145 = tpu.memref_slice %arg10[%dma_start3A_143, %dma_start3A_144] : memref<10240x128xf32, #tpu.memory_space<vmem_shared>> -> memref<10240x128xf32, #tpu.memory_space<vmem_shared>>
        tpu.enqueue_indirect_dma source(%arg7 : memref<64x128xf32, #tpu.memory_space<vmem>>) target(%dma_start3A_145 : memref<10240x128xf32, #tpu.memory_space<vmem_shared>>) offsets(%dma_start3A_142 : memref<64xi32, #tpu.memory_space<vmem>>) semaphore(%run_scoped3A_139 : memref<!tpu.dma_semaphore, #tpu.memory_space<semaphore_mem>>) {add = true}
        %dma_wait3A_146 = arith.constant 0 : i32
        %dma_wait3A_147 = tpu.memref_slice %arg5[%run_scoped3A_138, %dma_wait3A_146] : memref<1x64xi32, #tpu.memory_space<vmem>> -> memref<1x64xi32, #tpu.memory_space<vmem>>
        %dma_wait3A_148 = tpu.memref_squeeze %dma_wait3A_147 : memref<1x64xi32, #tpu.memory_space<vmem>> -> memref<64xi32, #tpu.memory_space<vmem>>
        %dma_wait3A_149 = arith.constant 0 : i32
        %dma_wait3A_150 = arith.constant 0 : i32
        %dma_wait3A_151 = tpu.memref_slice %arg10[%dma_wait3A_149, %dma_wait3A_150] : memref<10240x128xf32, #tpu.memory_space<vmem_shared>> -> memref<10240x128xf32, #tpu.memory_space<vmem_shared>>
        tpu.wait_indirect_dma semaphore(%run_scoped3A_139 : memref<!tpu.dma_semaphore, #tpu.memory_space<semaphore_mem>>) src(%arg7 : memref<64x128xf32, #tpu.memory_space<vmem>>) dst(%dma_wait3A_151 : memref<10240x128xf32, #tpu.memory_space<vmem_shared>>)
        tpu.yield
      }) : () -> ()
    }
    %scan3A_82 = arith.constant 100 : i32
    %barrier3A_83 = arith.constant 0 : index
    tpu.barrier barrier_id(%barrier3A_83)
    %mul3A_84 = arith.constant 640 : i32
    %mul3A_85 = arith.muli %arg1, %mul3A_84 : i32
    %scan3A_86 = arith.constant 0 : i32
    %scan3A_87 = arith.constant 0 : i32
    %scan3A_88 = arith.constant 6 : i32
    %scan3A_89 = arith.addi %scan3A_87, %scan3A_88 : i32
    %scan3A_90 = arith.constant 1 : i32
    scf.for %scan3A_101 = %scan3A_87 to %scan3A_89 step %scan3A_90  : i32 {
      %mul3A_102 = arith.constant 64 : i32
      %mul3A_103 = arith.muli %scan3A_101, %mul3A_102 : i32
      %add3A_104 = arith.addi %mul3A_85, %mul3A_103 : i32
      "tpu.region"() ({
        %run_scoped3A_109 = tpu.sem_alloc : memref<!tpu.dma_semaphore, #tpu.memory_space<semaphore_mem>>
        %dma_start3A = arith.constant 0 : i32
        %dma_start3A_110 = tpu.memref_slice %arg10[%add3A_104, %dma_start3A] : memref<10240x128xf32, #tpu.memory_space<vmem_shared>> -> memref<64x128xf32, #tpu.memory_space<vmem_shared>>
        %dma_start3A_111 = arith.constant 0 : i32
        %dma_start3A_112 = tpu.memref_slice %arg10[%add3A_104, %dma_start3A_111] : memref<10240x128xf32, #tpu.memory_space<vmem_shared>> -> memref<64x128xf32, #tpu.memory_space<vmem_shared>>
        tpu.enqueue_dma source(%dma_start3A_112 : memref<64x128xf32, #tpu.memory_space<vmem_shared>>) target(%arg8 : memref<64x128xf32, #tpu.memory_space<vmem>>) target_semaphore(%run_scoped3A_109 : memref<!tpu.dma_semaphore, #tpu.memory_space<semaphore_mem>>)
        %dma_wait3A = arith.constant 0 : i32
        %dma_wait3A_113 = tpu.memref_slice %arg10[%add3A_104, %dma_wait3A] : memref<10240x128xf32, #tpu.memory_space<vmem_shared>> -> memref<64x128xf32, #tpu.memory_space<vmem_shared>>
        %dma_wait3A_114 = arith.constant 0 : i32
        %dma_wait3A_115 = tpu.memref_slice %arg10[%add3A_104, %dma_wait3A_114] : memref<10240x128xf32, #tpu.memory_space<vmem_shared>> -> memref<64x128xf32, #tpu.memory_space<vmem_shared>>
        tpu.wait_dma2 semaphore(%run_scoped3A_109 : memref<!tpu.dma_semaphore, #tpu.memory_space<semaphore_mem>>) src(%dma_wait3A_115 : memref<64x128xf32, #tpu.memory_space<vmem_shared>>) dst(%arg8 : memref<64x128xf32, #tpu.memory_space<vmem>>)
        tpu.yield
      }) : () -> ()
      %mul3A_105 = arith.constant 64 : i32
      %mul3A_106 = arith.muli %scan3A_101, %mul3A_105 : i32
      %add3A_107 = arith.addi %mul3A_85, %mul3A_106 : i32
      %run_scoped3A_108 = arith.constant 2 : i32
      "tpu.region"() ({
        %run_scoped3A_109 = tpu.sem_alloc : memref<!tpu.dma_semaphore, #tpu.memory_space<semaphore_mem>>
        %dma_start3A = arith.constant 0 : i32
        %dma_start3A_110 = tpu.memref_slice %arg4[%arg0, %run_scoped3A_108, %add3A_107, %dma_start3A] : memref<2x3x10000x128xf32, #tpu.memory_space<hbm>> -> memref<1x1x64x128xf32, #tpu.memory_space<hbm>>
        %dma_start3A_111 = tpu.memref_squeeze %dma_start3A_110 : memref<1x1x64x128xf32, #tpu.memory_space<hbm>> -> memref<64x128xf32, #tpu.memory_space<hbm>>
        %dma_start3A_112 = arith.constant 0 : i32
        %dma_start3A_113 = tpu.memref_slice %arg4[%arg0, %run_scoped3A_108, %add3A_107, %dma_start3A_112] : memref<2x3x10000x128xf32, #tpu.memory_space<hbm>> -> memref<1x1x64x128xf32, #tpu.memory_space<hbm>>
        %dma_start3A_114 = tpu.memref_squeeze %dma_start3A_113 : memref<1x1x64x128xf32, #tpu.memory_space<hbm>> -> memref<64x128xf32, #tpu.memory_space<hbm>>
        tpu.enqueue_dma source(%arg8 : memref<64x128xf32, #tpu.memory_space<vmem>>) target(%dma_start3A_114 : memref<64x128xf32, #tpu.memory_space<hbm>>) target_semaphore(%run_scoped3A_109 : memref<!tpu.dma_semaphore, #tpu.memory_space<semaphore_mem>>)
        %dma_wait3A = arith.constant 0 : i32
        %dma_wait3A_115 = tpu.memref_slice %arg4[%arg0, %run_scoped3A_108, %add3A_107, %dma_wait3A] : memref<2x3x10000x128xf32, #tpu.memory_space<hbm>> -> memref<1x1x64x128xf32, #tpu.memory_space<hbm>>
        %dma_wait3A_116 = tpu.memref_squeeze %dma_wait3A_115 : memref<1x1x64x128xf32, #tpu.memory_space<hbm>> -> memref<64x128xf32, #tpu.memory_space<hbm>>
        %dma_wait3A_117 = arith.constant 0 : i32
        %dma_wait3A_118 = tpu.memref_slice %arg4[%arg0, %run_scoped3A_108, %add3A_107, %dma_wait3A_117] : memref<2x3x10000x128xf32, #tpu.memory_space<hbm>> -> memref<1x1x64x128xf32, #tpu.memory_space<hbm>>
        %dma_wait3A_119 = tpu.memref_squeeze %dma_wait3A_118 : memref<1x1x64x128xf32, #tpu.memory_space<hbm>> -> memref<64x128xf32, #tpu.memory_space<hbm>>
        tpu.wait_dma2 semaphore(%run_scoped3A_109 : memref<!tpu.dma_semaphore, #tpu.memory_space<semaphore_mem>>) src(%arg8 : memref<64x128xf32, #tpu.memory_space<vmem>>) dst(%dma_wait3A_119 : memref<64x128xf32, #tpu.memory_space<hbm>>)
        tpu.yield
      }) : () -> ()
    }
    %scan3A_91 = arith.constant 6 : i32
    %add3A_92 = arith.constant 384 : i32
    %add3A_93 = arith.addi %mul3A_85, %add3A_92 : i32
    "tpu.region"() ({
      %run_scoped3A_101 = tpu.sem_alloc : memref<!tpu.dma_semaphore, #tpu.memory_space<semaphore_mem>>
      %dma_start3A = arith.constant 0 : i32
      %dma_start3A_102 = arith.constant 0 : i32
      %dma_start3A_103 = tpu.memref_slice %arg8[%dma_start3A, %dma_start3A_102] : memref<64x128xf32, #tpu.memory_space<vmem>> -> memref<16x128xf32, #tpu.memory_space<vmem>>
      %dma_start3A_104 = arith.constant 0 : i32
      %dma_start3A_105 = tpu.memref_slice %arg10[%add3A_93, %dma_start3A_104] : memref<10240x128xf32, #tpu.memory_space<vmem_shared>> -> memref<16x128xf32, #tpu.memory_space<vmem_shared>>
      %dma_start3A_106 = arith.constant 0 : i32
      %dma_start3A_107 = arith.constant 0 : i32
      %dma_start3A_108 = tpu.memref_slice %arg8[%dma_start3A_106, %dma_start3A_107] : memref<64x128xf32, #tpu.memory_space<vmem>> -> memref<16x128xf32, #tpu.memory_space<vmem>>
      %dma_start3A_109 = arith.constant 0 : i32
      %dma_start3A_110 = tpu.memref_slice %arg10[%add3A_93, %dma_start3A_109] : memref<10240x128xf32, #tpu.memory_space<vmem_shared>> -> memref<16x128xf32, #tpu.memory_space<vmem_shared>>
      tpu.enqueue_dma source(%dma_start3A_110 : memref<16x128xf32, #tpu.memory_space<vmem_shared>>) target(%dma_start3A_108 : memref<16x128xf32, #tpu.memory_space<vmem>>) target_semaphore(%run_scoped3A_101 : memref<!tpu.dma_semaphore, #tpu.memory_space<semaphore_mem>>)
      %dma_wait3A = arith.constant 0 : i32
      %dma_wait3A_111 = arith.constant 0 : i32
      %dma_wait3A_112 = tpu.memref_slice %arg8[%dma_wait3A, %dma_wait3A_111] : memref<64x128xf32, #tpu.memory_space<vmem>> -> memref<16x128xf32, #tpu.memory_space<vmem>>
      %dma_wait3A_113 = arith.constant 0 : i32
      %dma_wait3A_114 = tpu.memref_slice %arg10[%add3A_93, %dma_wait3A_113] : memref<10240x128xf32, #tpu.memory_space<vmem_shared>> -> memref<16x128xf32, #tpu.memory_space<vmem_shared>>
      %dma_wait3A_115 = arith.constant 0 : i32
      %dma_wait3A_116 = arith.constant 0 : i32
      %dma_wait3A_117 = tpu.memref_slice %arg8[%dma_wait3A_115, %dma_wait3A_116] : memref<64x128xf32, #tpu.memory_space<vmem>> -> memref<16x128xf32, #tpu.memory_space<vmem>>
      %dma_wait3A_118 = arith.constant 0 : i32
      %dma_wait3A_119 = tpu.memref_slice %arg10[%add3A_93, %dma_wait3A_118] : memref<10240x128xf32, #tpu.memory_space<vmem_shared>> -> memref<16x128xf32, #tpu.memory_space<vmem_shared>>
      tpu.wait_dma2 semaphore(%run_scoped3A_101 : memref<!tpu.dma_semaphore, #tpu.memory_space<semaphore_mem>>) src(%dma_wait3A_119 : memref<16x128xf32, #tpu.memory_space<vmem_shared>>) dst(%dma_wait3A_117 : memref<16x128xf32, #tpu.memory_space<vmem>>)
      tpu.yield
    }) : () -> ()
    %run_scoped3A_94 = arith.constant 2 : i32
    "tpu.region"() ({
      %run_scoped3A_101 = tpu.sem_alloc : memref<!tpu.dma_semaphore, #tpu.memory_space<semaphore_mem>>
      %dma_start3A = arith.constant 0 : i32
      %dma_start3A_102 = arith.constant 0 : i32
      %dma_start3A_103 = tpu.memref_slice %arg8[%dma_start3A, %dma_start3A_102] : memref<64x128xf32, #tpu.memory_space<vmem>> -> memref<16x128xf32, #tpu.memory_space<vmem>>
      %dma_start3A_104 = arith.constant 0 : i32
      %dma_start3A_105 = tpu.memref_slice %arg4[%arg0, %run_scoped3A_94, %add3A_93, %dma_start3A_104] : memref<2x3x10000x128xf32, #tpu.memory_space<hbm>> -> memref<1x1x16x128xf32, #tpu.memory_space<hbm>>
      %dma_start3A_106 = tpu.memref_squeeze %dma_start3A_105 : memref<1x1x16x128xf32, #tpu.memory_space<hbm>> -> memref<16x128xf32, #tpu.memory_space<hbm>>
      %dma_start3A_107 = arith.constant 0 : i32
      %dma_start3A_108 = tpu.memref_slice %arg4[%arg0, %run_scoped3A_94, %add3A_93, %dma_start3A_107] : memref<2x3x10000x128xf32, #tpu.memory_space<hbm>> -> memref<1x1x16x128xf32, #tpu.memory_space<hbm>>
      %dma_start3A_109 = tpu.memref_squeeze %dma_start3A_108 : memref<1x1x16x128xf32, #tpu.memory_space<hbm>> -> memref<16x128xf32, #tpu.memory_space<hbm>>
      %dma_start3A_110 = arith.constant 0 : i32
      %dma_start3A_111 = arith.constant 0 : i32
      %dma_start3A_112 = tpu.memref_slice %arg8[%dma_start3A_110, %dma_start3A_111] : memref<64x128xf32, #tpu.memory_space<vmem>> -> memref<16x128xf32, #tpu.memory_space<vmem>>
      tpu.enqueue_dma source(%dma_start3A_112 : memref<16x128xf32, #tpu.memory_space<vmem>>) target(%dma_start3A_109 : memref<16x128xf32, #tpu.memory_space<hbm>>) target_semaphore(%run_scoped3A_101 : memref<!tpu.dma_semaphore, #tpu.memory_space<semaphore_mem>>)
      %dma_wait3A = arith.constant 0 : i32
      %dma_wait3A_113 = arith.constant 0 : i32
      %dma_wait3A_114 = tpu.memref_slice %arg8[%dma_wait3A, %dma_wait3A_113] : memref<64x128xf32, #tpu.memory_space<vmem>> -> memref<16x128xf32, #tpu.memory_space<vmem>>
      %dma_wait3A_115 = arith.constant 0 : i32
      %dma_wait3A_116 = tpu.memref_slice %arg4[%arg0, %run_scoped3A_94, %add3A_93, %dma_wait3A_115] : memref<2x3x10000x128xf32, #tpu.memory_space<hbm>> -> memref<1x1x16x128xf32, #tpu.memory_space<hbm>>
      %dma_wait3A_117 = tpu.memref_squeeze %dma_wait3A_116 : memref<1x1x16x128xf32, #tpu.memory_space<hbm>> -> memref<16x128xf32, #tpu.memory_space<hbm>>
      %dma_wait3A_118 = arith.constant 0 : i32
      %dma_wait3A_119 = tpu.memref_slice %arg4[%arg0, %run_scoped3A_94, %add3A_93, %dma_wait3A_118] : memref<2x3x10000x128xf32, #tpu.memory_space<hbm>> -> memref<1x1x16x128xf32, #tpu.memory_space<hbm>>
      %dma_wait3A_120 = tpu.memref_squeeze %dma_wait3A_119 : memref<1x1x16x128xf32, #tpu.memory_space<hbm>> -> memref<16x128xf32, #tpu.memory_space<hbm>>
      %dma_wait3A_121 = arith.constant 0 : i32
      %dma_wait3A_122 = arith.constant 0 : i32
      %dma_wait3A_123 = tpu.memref_slice %arg8[%dma_wait3A_121, %dma_wait3A_122] : memref<64x128xf32, #tpu.memory_space<vmem>> -> memref<16x128xf32, #tpu.memory_space<vmem>>
      tpu.wait_dma2 semaphore(%run_scoped3A_101 : memref<!tpu.dma_semaphore, #tpu.memory_space<semaphore_mem>>) src(%dma_wait3A_123 : memref<16x128xf32, #tpu.memory_space<vmem>>) dst(%dma_wait3A_120 : memref<16x128xf32, #tpu.memory_space<hbm>>)
      tpu.yield
    }) : () -> ()
    %lt3A_95 = arith.constant 15 : i32
    %lt3A_96 = arith.cmpi slt, %arg1, %lt3A_95 : i32
    %convert_element_type3A_97 = arith.extui %lt3A_96 : i1 to i32
    %cond3A_98 = arith.constant 0 : i32
    %cond3A_99 = arith.cmpi ne, %convert_element_type3A_97, %cond3A_98 : i32
    scf.if %cond3A_99 {
      %add3A_101 = arith.constant 384 : i32
      %add3A_102 = arith.addi %mul3A_85, %add3A_101 : i32
      %add3A_103 = arith.constant 16 : i32
      %add3A_104 = arith.addi %add3A_102, %add3A_103 : i32
      %scan3A_105 = arith.constant 0 : i32
      %scan3A_106 = arith.constant 0 : i32
      %scan3A_107 = arith.constant 3 : i32
      %scan3A_108 = arith.addi %scan3A_106, %scan3A_107 : i32
      %scan3A_109 = arith.constant 1 : i32
      scf.for %scan3A_114 = %scan3A_106 to %scan3A_108 step %scan3A_109  : i32 {
        %mul3A_115 = arith.constant 64 : i32
        %mul3A_116 = arith.muli %scan3A_114, %mul3A_115 : i32
        %add3A_117 = arith.addi %add3A_104, %mul3A_116 : i32
        "tpu.region"() ({
          %run_scoped3A_122 = tpu.sem_alloc : memref<!tpu.dma_semaphore, #tpu.memory_space<semaphore_mem>>
          %dma_start3A = arith.constant 0 : i32
          %dma_start3A_123 = tpu.memref_slice %arg10[%add3A_117, %dma_start3A] : memref<10240x128xf32, #tpu.memory_space<vmem_shared>> -> memref<64x128xf32, #tpu.memory_space<vmem_shared>>
          %dma_start3A_124 = arith.constant 0 : i32
          %dma_start3A_125 = tpu.memref_slice %arg10[%add3A_117, %dma_start3A_124] : memref<10240x128xf32, #tpu.memory_space<vmem_shared>> -> memref<64x128xf32, #tpu.memory_space<vmem_shared>>
          tpu.enqueue_dma source(%dma_start3A_125 : memref<64x128xf32, #tpu.memory_space<vmem_shared>>) target(%arg8 : memref<64x128xf32, #tpu.memory_space<vmem>>) target_semaphore(%run_scoped3A_122 : memref<!tpu.dma_semaphore, #tpu.memory_space<semaphore_mem>>)
          %dma_wait3A = arith.constant 0 : i32
          %dma_wait3A_126 = tpu.memref_slice %arg10[%add3A_117, %dma_wait3A] : memref<10240x128xf32, #tpu.memory_space<vmem_shared>> -> memref<64x128xf32, #tpu.memory_space<vmem_shared>>
          %dma_wait3A_127 = arith.constant 0 : i32
          %dma_wait3A_128 = tpu.memref_slice %arg10[%add3A_117, %dma_wait3A_127] : memref<10240x128xf32, #tpu.memory_space<vmem_shared>> -> memref<64x128xf32, #tpu.memory_space<vmem_shared>>
          tpu.wait_dma2 semaphore(%run_scoped3A_122 : memref<!tpu.dma_semaphore, #tpu.memory_space<semaphore_mem>>) src(%dma_wait3A_128 : memref<64x128xf32, #tpu.memory_space<vmem_shared>>) dst(%arg8 : memref<64x128xf32, #tpu.memory_space<vmem>>)
          tpu.yield
        }) : () -> ()
        %mul3A_118 = arith.constant 64 : i32
        %mul3A_119 = arith.muli %scan3A_114, %mul3A_118 : i32
        %add3A_120 = arith.addi %add3A_104, %mul3A_119 : i32
        %run_scoped3A_121 = arith.constant 2 : i32
        "tpu.region"() ({
          %run_scoped3A_122 = tpu.sem_alloc : memref<!tpu.dma_semaphore, #tpu.memory_space<semaphore_mem>>
          %dma_start3A = arith.constant 0 : i32
          %dma_start3A_123 = tpu.memref_slice %arg4[%arg0, %run_scoped3A_121, %add3A_120, %dma_start3A] : memref<2x3x10000x128xf32, #tpu.memory_space<hbm>> -> memref<1x1x64x128xf32, #tpu.memory_space<hbm>>
          %dma_start3A_124 = tpu.memref_squeeze %dma_start3A_123 : memref<1x1x64x128xf32, #tpu.memory_space<hbm>> -> memref<64x128xf32, #tpu.memory_space<hbm>>
          %dma_start3A_125 = arith.constant 0 : i32
          %dma_start3A_126 = tpu.memref_slice %arg4[%arg0, %run_scoped3A_121, %add3A_120, %dma_start3A_125] : memref<2x3x10000x128xf32, #tpu.memory_space<hbm>> -> memref<1x1x64x128xf32, #tpu.memory_space<hbm>>
          %dma_start3A_127 = tpu.memref_squeeze %dma_start3A_126 : memref<1x1x64x128xf32, #tpu.memory_space<hbm>> -> memref<64x128xf32, #tpu.memory_space<hbm>>
          tpu.enqueue_dma source(%arg8 : memref<64x128xf32, #tpu.memory_space<vmem>>) target(%dma_start3A_127 : memref<64x128xf32, #tpu.memory_space<hbm>>) target_semaphore(%run_scoped3A_122 : memref<!tpu.dma_semaphore, #tpu.memory_space<semaphore_mem>>)
          %dma_wait3A = arith.constant 0 : i32
          %dma_wait3A_128 = tpu.memref_slice %arg4[%arg0, %run_scoped3A_121, %add3A_120, %dma_wait3A] : memref<2x3x10000x128xf32, #tpu.memory_space<hbm>> -> memref<1x1x64x128xf32, #tpu.memory_space<hbm>>
          %dma_wait3A_129 = tpu.memref_squeeze %dma_wait3A_128 : memref<1x1x64x128xf32, #tpu.memory_space<hbm>> -> memref<64x128xf32, #tpu.memory_space<hbm>>
          %dma_wait3A_130 = arith.constant 0 : i32
          %dma_wait3A_131 = tpu.memref_slice %arg4[%arg0, %run_scoped3A_121, %add3A_120, %dma_wait3A_130] : memref<2x3x10000x128xf32, #tpu.memory_space<hbm>> -> memref<1x1x64x128xf32, #tpu.memory_space<hbm>>
          %dma_wait3A_132 = tpu.memref_squeeze %dma_wait3A_131 : memref<1x1x64x128xf32, #tpu.memory_space<hbm>> -> memref<64x128xf32, #tpu.memory_space<hbm>>
          tpu.wait_dma2 semaphore(%run_scoped3A_122 : memref<!tpu.dma_semaphore, #tpu.memory_space<semaphore_mem>>) src(%arg8 : memref<64x128xf32, #tpu.memory_space<vmem>>) dst(%dma_wait3A_132 : memref<64x128xf32, #tpu.memory_space<hbm>>)
          tpu.yield
        }) : () -> ()
      }
      %scan3A_110 = arith.constant 3 : i32
      %add3A_111 = arith.constant 192 : i32
      %add3A_112 = arith.addi %add3A_104, %add3A_111 : i32
      "tpu.region"() ({
        %run_scoped3A_114 = tpu.sem_alloc : memref<!tpu.dma_semaphore, #tpu.memory_space<semaphore_mem>>
        %dma_start3A = arith.constant 0 : i32
        %dma_start3A_115 = arith.constant 0 : i32
        %dma_start3A_116 = tpu.memref_slice %arg8[%dma_start3A, %dma_start3A_115] : memref<64x128xf32, #tpu.memory_space<vmem>> -> memref<48x128xf32, #tpu.memory_space<vmem>>
        %dma_start3A_117 = arith.constant 0 : i32
        %dma_start3A_118 = tpu.memref_slice %arg10[%add3A_112, %dma_start3A_117] : memref<10240x128xf32, #tpu.memory_space<vmem_shared>> -> memref<48x128xf32, #tpu.memory_space<vmem_shared>>
        %dma_start3A_119 = arith.constant 0 : i32
        %dma_start3A_120 = arith.constant 0 : i32
        %dma_start3A_121 = tpu.memref_slice %arg8[%dma_start3A_119, %dma_start3A_120] : memref<64x128xf32, #tpu.memory_space<vmem>> -> memref<48x128xf32, #tpu.memory_space<vmem>>
        %dma_start3A_122 = arith.constant 0 : i32
        %dma_start3A_123 = tpu.memref_slice %arg10[%add3A_112, %dma_start3A_122] : memref<10240x128xf32, #tpu.memory_space<vmem_shared>> -> memref<48x128xf32, #tpu.memory_space<vmem_shared>>
        tpu.enqueue_dma source(%dma_start3A_123 : memref<48x128xf32, #tpu.memory_space<vmem_shared>>) target(%dma_start3A_121 : memref<48x128xf32, #tpu.memory_space<vmem>>) target_semaphore(%run_scoped3A_114 : memref<!tpu.dma_semaphore, #tpu.memory_space<semaphore_mem>>)
        %dma_wait3A = arith.constant 0 : i32
        %dma_wait3A_124 = arith.constant 0 : i32
        %dma_wait3A_125 = tpu.memref_slice %arg8[%dma_wait3A, %dma_wait3A_124] : memref<64x128xf32, #tpu.memory_space<vmem>> -> memref<48x128xf32, #tpu.memory_space<vmem>>
        %dma_wait3A_126 = arith.constant 0 : i32
        %dma_wait3A_127 = tpu.memref_slice %arg10[%add3A_112, %dma_wait3A_126] : memref<10240x128xf32, #tpu.memory_space<vmem_shared>> -> memref<48x128xf32, #tpu.memory_space<vmem_shared>>
        %dma_wait3A_128 = arith.constant 0 : i32
        %dma_wait3A_129 = arith.constant 0 : i32
        %dma_wait3A_130 = tpu.memref_slice %arg8[%dma_wait3A_128, %dma_wait3A_129] : memref<64x128xf32, #tpu.memory_space<vmem>> -> memref<48x128xf32, #tpu.memory_space<vmem>>
        %dma_wait3A_131 = arith.constant 0 : i32
        %dma_wait3A_132 = tpu.memref_slice %arg10[%add3A_112, %dma_wait3A_131] : memref<10240x128xf32, #tpu.memory_space<vmem_shared>> -> memref<48x128xf32, #tpu.memory_space<vmem_shared>>
        tpu.wait_dma2 semaphore(%run_scoped3A_114 : memref<!tpu.dma_semaphore, #tpu.memory_space<semaphore_mem>>) src(%dma_wait3A_132 : memref<48x128xf32, #tpu.memory_space<vmem_shared>>) dst(%dma_wait3A_130 : memref<48x128xf32, #tpu.memory_space<vmem>>)
        tpu.yield
      }) : () -> ()
      %run_scoped3A_113 = arith.constant 2 : i32
      "tpu.region"() ({
        %run_scoped3A_114 = tpu.sem_alloc : memref<!tpu.dma_semaphore, #tpu.memory_space<semaphore_mem>>
        %dma_start3A = arith.constant 0 : i32
        %dma_start3A_115 = arith.constant 0 : i32
        %dma_start3A_116 = tpu.memref_slice %arg8[%dma_start3A, %dma_start3A_115] : memref<64x128xf32, #tpu.memory_space<vmem>> -> memref<48x128xf32, #tpu.memory_space<vmem>>
        %dma_start3A_117 = arith.constant 0 : i32
        %dma_start3A_118 = tpu.memref_slice %arg4[%arg0, %run_scoped3A_113, %add3A_112, %dma_start3A_117] : memref<2x3x10000x128xf32, #tpu.memory_space<hbm>> -> memref<1x1x48x128xf32, #tpu.memory_space<hbm>>
        %dma_start3A_119 = tpu.memref_squeeze %dma_start3A_118 : memref<1x1x48x128xf32, #tpu.memory_space<hbm>> -> memref<48x128xf32, #tpu.memory_space<hbm>>
        %dma_start3A_120 = arith.constant 0 : i32
        %dma_start3A_121 = tpu.memref_slice %arg4[%arg0, %run_scoped3A_113, %add3A_112, %dma_start3A_120] : memref<2x3x10000x128xf32, #tpu.memory_space<hbm>> -> memref<1x1x48x128xf32, #tpu.memory_space<hbm>>
        %dma_start3A_122 = tpu.memref_squeeze %dma_start3A_121 : memref<1x1x48x128xf32, #tpu.memory_space<hbm>> -> memref<48x128xf32, #tpu.memory_space<hbm>>
        %dma_start3A_123 = arith.constant 0 : i32
        %dma_start3A_124 = arith.constant 0 : i32
        %dma_start3A_125 = tpu.memref_slice %arg8[%dma_start3A_123, %dma_start3A_124] : memref<64x128xf32, #tpu.memory_space<vmem>> -> memref<48x128xf32, #tpu.memory_space<vmem>>
        tpu.enqueue_dma source(%dma_start3A_125 : memref<48x128xf32, #tpu.memory_space<vmem>>) target(%dma_start3A_122 : memref<48x128xf32, #tpu.memory_space<hbm>>) target_semaphore(%run_scoped3A_114 : memref<!tpu.dma_semaphore, #tpu.memory_space<semaphore_mem>>)
        %dma_wait3A = arith.constant 0 : i32
        %dma_wait3A_126 = arith.constant 0 : i32
        %dma_wait3A_127 = tpu.memref_slice %arg8[%dma_wait3A, %dma_wait3A_126] : memref<64x128xf32, #tpu.memory_space<vmem>> -> memref<48x128xf32, #tpu.memory_space<vmem>>
        %dma_wait3A_128 = arith.constant 0 : i32
        %dma_wait3A_129 = tpu.memref_slice %arg4[%arg0, %run_scoped3A_113, %add3A_112, %dma_wait3A_128] : memref<2x3x10000x128xf32, #tpu.memory_space<hbm>> -> memref<1x1x48x128xf32, #tpu.memory_space<hbm>>
        %dma_wait3A_130 = tpu.memref_squeeze %dma_wait3A_129 : memref<1x1x48x128xf32, #tpu.memory_space<hbm>> -> memref<48x128xf32, #tpu.memory_space<hbm>>
        %dma_wait3A_131 = arith.constant 0 : i32
        %dma_wait3A_132 = tpu.memref_slice %arg4[%arg0, %run_scoped3A_113, %add3A_112, %dma_wait3A_131] : memref<2x3x10000x128xf32, #tpu.memory_space<hbm>> -> memref<1x1x48x128xf32, #tpu.memory_space<hbm>>
        %dma_wait3A_133 = tpu.memref_squeeze %dma_wait3A_132 : memref<1x1x48x128xf32, #tpu.memory_space<hbm>> -> memref<48x128xf32, #tpu.memory_space<hbm>>
        %dma_wait3A_134 = arith.constant 0 : i32
        %dma_wait3A_135 = arith.constant 0 : i32
        %dma_wait3A_136 = tpu.memref_slice %arg8[%dma_wait3A_134, %dma_wait3A_135] : memref<64x128xf32, #tpu.memory_space<vmem>> -> memref<48x128xf32, #tpu.memory_space<vmem>>
        tpu.wait_dma2 semaphore(%run_scoped3A_114 : memref<!tpu.dma_semaphore, #tpu.memory_space<semaphore_mem>>) src(%dma_wait3A_136 : memref<48x128xf32, #tpu.memory_space<vmem>>) dst(%dma_wait3A_133 : memref<48x128xf32, #tpu.memory_space<hbm>>)
        tpu.yield
      }) : () -> ()
    } else {
    }
    %barrier3A_100 = arith.constant 0 : index
    tpu.barrier barrier_id(%barrier3A_100)
    return
  }
}

module attributes {stable_mosaic.version = 14 : i64} {
  func.func @_tab_body(%arg0: i32, %arg1: memref<1000x128xf32, #tpu.memory_space<vmem>>, %arg2: memref<3x128x128xf32, #tpu.memory_space<vmem>>, %arg3: memref<3x128x128xf32, #tpu.memory_space<vmem>>, %arg4: memref<3x1000x128xf32, #tpu.memory_space<vmem>>, %arg5: memref<3x1000x128xf32, #tpu.memory_space<vmem>>) attributes {dimension_semantics = [#tpu.dimension_semantics<arbitrary>], iteration_bounds = array<i64: 10>, scalar_prefetch = 0 : i64, scratch_operands = 0 : i64, tpu.core_type = #tpu.core_type<tc>, window_params = [{transform_indices = @transform_0, window_bounds = array<i64: 1000, 128>}, {pipeline_mode = #tpu.pipeline_mode<synchronous>, transform_indices = @transform_1, window_bounds = array<i64: 3, 128, 128>}, {pipeline_mode = #tpu.pipeline_mode<synchronous>, transform_indices = @transform_2, window_bounds = array<i64: 3, 128, 128>}, {transform_indices = @transform_3, window_bounds = array<i64: 3, 1000, 128>}, {transform_indices = @transform_4, window_bounds = array<i64: 3, 1000, 128>}]} {
    %get3A = arith.constant 0 : index
    %get3A_0 = arith.constant 0 : index
    %get3A_1 = vector.load %arg1[%get3A, %get3A_0] : memref<1000x128xf32, #tpu.memory_space<vmem>>, vector<1000x128xf32>
    %get3A_2 = arith.constant 0 : index
    %get3A_3 = arith.constant 0 : index
    %get3A_4 = arith.constant 0 : index
    %get3A_5 = vector.load %arg2[%get3A_2, %get3A_3, %get3A_4] : memref<3x128x128xf32, #tpu.memory_space<vmem>>, vector<1x128x128xf32>
    %get3A_6 = vector.shape_cast %get3A_5 : vector<1x128x128xf32> to vector<128x128xf32>
    %dot_general3A = arith.constant dense<0.000000e+00> : vector<1000x128xf32>
    %dot_general3A_7 = tpu.matmul %get3A_1, %get3A_6, %dot_general3A {dimension_numbers = #tpu.dot_dimension_numbers<[1], [0], [0], [1], [0, 0, 1, 1], [], []>, transpose_lhs_hint = false} : vector<1000x128xf32>, vector<128x128xf32>, vector<1000x128xf32> -> vector<1000x128xf32>
    %swap3A = arith.constant 0 : index
    %swap3A_8 = arith.constant 0 : index
    %swap3A_9 = arith.constant 0 : index
    %swap3A_10 = vector.load %arg4[%swap3A, %swap3A_8, %swap3A_9] : memref<3x1000x128xf32, #tpu.memory_space<vmem>>, vector<1x1000x128xf32>
    %swap3A_11 = vector.shape_cast %swap3A_10 : vector<1x1000x128xf32> to vector<1000x128xf32>
    %swap3A_12 = vector.shape_cast %dot_general3A_7 : vector<1000x128xf32> to vector<1x1000x128xf32>
    tpu.vector_store %arg4[%swap3A, %swap3A_8, %swap3A_9], %swap3A_12 {strides = array<i32>} : memref<3x1000x128xf32, #tpu.memory_space<vmem>>, vector<1x1000x128xf32>,
    %get3A_13 = arith.constant 0 : index
    %get3A_14 = arith.constant 0 : index
    %get3A_15 = arith.constant 0 : index
    %get3A_16 = vector.load %arg3[%get3A_13, %get3A_14, %get3A_15] : memref<3x128x128xf32, #tpu.memory_space<vmem>>, vector<1x128x128xf32>
    %get3A_17 = vector.shape_cast %get3A_16 : vector<1x128x128xf32> to vector<128x128xf32>
    %dot_general3A_18 = arith.constant dense<0.000000e+00> : vector<1000x128xf32>
    %dot_general3A_19 = tpu.matmul %dot_general3A_7, %get3A_17, %dot_general3A_18 {dimension_numbers = #tpu.dot_dimension_numbers<[1], [0], [0], [1], [0, 0, 1, 1], [], []>, transpose_lhs_hint = false} : vector<1000x128xf32>, vector<128x128xf32>, vector<1000x128xf32> -> vector<1000x128xf32>
    %swap3A_20 = arith.constant 0 : index
    %swap3A_21 = arith.constant 0 : index
    %swap3A_22 = arith.constant 0 : index
    %swap3A_23 = vector.load %arg5[%swap3A_20, %swap3A_21, %swap3A_22] : memref<3x1000x128xf32, #tpu.memory_space<vmem>>, vector<1x1000x128xf32>
    %swap3A_24 = vector.shape_cast %swap3A_23 : vector<1x1000x128xf32> to vector<1000x128xf32>
    %swap3A_25 = vector.shape_cast %dot_general3A_19 : vector<1000x128xf32> to vector<1x1000x128xf32>
    tpu.vector_store %arg5[%swap3A_20, %swap3A_21, %swap3A_22], %swap3A_25 {strides = array<i32>} : memref<3x1000x128xf32, #tpu.memory_space<vmem>>, vector<1x1000x128xf32>,
    %get3A_26 = arith.constant 1 : index
    %get3A_27 = arith.constant 0 : index
    %get3A_28 = arith.constant 0 : index
    %get3A_29 = vector.load %arg2[%get3A_26, %get3A_27, %get3A_28] : memref<3x128x128xf32, #tpu.memory_space<vmem>>, vector<1x128x128xf32>
    %get3A_30 = vector.shape_cast %get3A_29 : vector<1x128x128xf32> to vector<128x128xf32>
    %dot_general3A_31 = arith.constant dense<0.000000e+00> : vector<1000x128xf32>
    %dot_general3A_32 = tpu.matmul %get3A_1, %get3A_30, %dot_general3A_31 {dimension_numbers = #tpu.dot_dimension_numbers<[1], [0], [0], [1], [0, 0, 1, 1], [], []>, transpose_lhs_hint = false} : vector<1000x128xf32>, vector<128x128xf32>, vector<1000x128xf32> -> vector<1000x128xf32>
    %swap3A_33 = arith.constant 1 : index
    %swap3A_34 = arith.constant 0 : index
    %swap3A_35 = arith.constant 0 : index
    %swap3A_36 = vector.load %arg4[%swap3A_33, %swap3A_34, %swap3A_35] : memref<3x1000x128xf32, #tpu.memory_space<vmem>>, vector<1x1000x128xf32>
    %swap3A_37 = vector.shape_cast %swap3A_36 : vector<1x1000x128xf32> to vector<1000x128xf32>
    %swap3A_38 = vector.shape_cast %dot_general3A_32 : vector<1000x128xf32> to vector<1x1000x128xf32>
    tpu.vector_store %arg4[%swap3A_33, %swap3A_34, %swap3A_35], %swap3A_38 {strides = array<i32>} : memref<3x1000x128xf32, #tpu.memory_space<vmem>>, vector<1x1000x128xf32>,
    %get3A_39 = arith.constant 1 : index
    %get3A_40 = arith.constant 0 : index
    %get3A_41 = arith.constant 0 : index
    %get3A_42 = vector.load %arg3[%get3A_39, %get3A_40, %get3A_41] : memref<3x128x128xf32, #tpu.memory_space<vmem>>, vector<1x128x128xf32>
    %get3A_43 = vector.shape_cast %get3A_42 : vector<1x128x128xf32> to vector<128x128xf32>
    %dot_general3A_44 = arith.constant dense<0.000000e+00> : vector<1000x128xf32>
    %dot_general3A_45 = tpu.matmul %dot_general3A_32, %get3A_43, %dot_general3A_44 {dimension_numbers = #tpu.dot_dimension_numbers<[1], [0], [0], [1], [0, 0, 1, 1], [], []>, transpose_lhs_hint = false} : vector<1000x128xf32>, vector<128x128xf32>, vector<1000x128xf32> -> vector<1000x128xf32>
    %swap3A_46 = arith.constant 1 : index
    %swap3A_47 = arith.constant 0 : index
    %swap3A_48 = arith.constant 0 : index
    %swap3A_49 = vector.load %arg5[%swap3A_46, %swap3A_47, %swap3A_48] : memref<3x1000x128xf32, #tpu.memory_space<vmem>>, vector<1x1000x128xf32>
    %swap3A_50 = vector.shape_cast %swap3A_49 : vector<1x1000x128xf32> to vector<1000x128xf32>
    %swap3A_51 = vector.shape_cast %dot_general3A_45 : vector<1000x128xf32> to vector<1x1000x128xf32>
    tpu.vector_store %arg5[%swap3A_46, %swap3A_47, %swap3A_48], %swap3A_51 {strides = array<i32>} : memref<3x1000x128xf32, #tpu.memory_space<vmem>>, vector<1x1000x128xf32>,
    %get3A_52 = arith.constant 2 : index
    %get3A_53 = arith.constant 0 : index
    %get3A_54 = arith.constant 0 : index
    %get3A_55 = vector.load %arg2[%get3A_52, %get3A_53, %get3A_54] : memref<3x128x128xf32, #tpu.memory_space<vmem>>, vector<1x128x128xf32>
    %get3A_56 = vector.shape_cast %get3A_55 : vector<1x128x128xf32> to vector<128x128xf32>
    %dot_general3A_57 = arith.constant dense<0.000000e+00> : vector<1000x128xf32>
    %dot_general3A_58 = tpu.matmul %get3A_1, %get3A_56, %dot_general3A_57 {dimension_numbers = #tpu.dot_dimension_numbers<[1], [0], [0], [1], [0, 0, 1, 1], [], []>, transpose_lhs_hint = false} : vector<1000x128xf32>, vector<128x128xf32>, vector<1000x128xf32> -> vector<1000x128xf32>
    %swap3A_59 = arith.constant 2 : index
    %swap3A_60 = arith.constant 0 : index
    %swap3A_61 = arith.constant 0 : index
    %swap3A_62 = vector.load %arg4[%swap3A_59, %swap3A_60, %swap3A_61] : memref<3x1000x128xf32, #tpu.memory_space<vmem>>, vector<1x1000x128xf32>
    %swap3A_63 = vector.shape_cast %swap3A_62 : vector<1x1000x128xf32> to vector<1000x128xf32>
    %swap3A_64 = vector.shape_cast %dot_general3A_58 : vector<1000x128xf32> to vector<1x1000x128xf32>
    tpu.vector_store %arg4[%swap3A_59, %swap3A_60, %swap3A_61], %swap3A_64 {strides = array<i32>} : memref<3x1000x128xf32, #tpu.memory_space<vmem>>, vector<1x1000x128xf32>,
    %get3A_65 = arith.constant 2 : index
    %get3A_66 = arith.constant 0 : index
    %get3A_67 = arith.constant 0 : index
    %get3A_68 = vector.load %arg3[%get3A_65, %get3A_66, %get3A_67] : memref<3x128x128xf32, #tpu.memory_space<vmem>>, vector<1x128x128xf32>
    %get3A_69 = vector.shape_cast %get3A_68 : vector<1x128x128xf32> to vector<128x128xf32>
    %dot_general3A_70 = arith.constant dense<0.000000e+00> : vector<1000x128xf32>
    %dot_general3A_71 = tpu.matmul %dot_general3A_58, %get3A_69, %dot_general3A_70 {dimension_numbers = #tpu.dot_dimension_numbers<[1], [0], [0], [1], [0, 0, 1, 1], [], []>, transpose_lhs_hint = false} : vector<1000x128xf32>, vector<128x128xf32>, vector<1000x128xf32> -> vector<1000x128xf32>
    %swap3A_72 = arith.constant 2 : index
    %swap3A_73 = arith.constant 0 : index
    %swap3A_74 = arith.constant 0 : index
    %swap3A_75 = vector.load %arg5[%swap3A_72, %swap3A_73, %swap3A_74] : memref<3x1000x128xf32, #tpu.memory_space<vmem>>, vector<1x1000x128xf32>
    %swap3A_76 = vector.shape_cast %swap3A_75 : vector<1x1000x128xf32> to vector<1000x128xf32>
    %swap3A_77 = vector.shape_cast %dot_general3A_71 : vector<1000x128xf32> to vector<1x1000x128xf32>
    tpu.vector_store %arg5[%swap3A_72, %swap3A_73, %swap3A_74], %swap3A_77 {strides = array<i32>} : memref<3x1000x128xf32, #tpu.memory_space<vmem>>, vector<1x1000x128xf32>,
    return
  }
  func.func @transform_0(%arg0: i32) -> (i32, i32) {
    %c0_i32 = arith.constant 0 : i32
    %c0_i32_0 = arith.constant 0 : i32
    return %arg0, %c0_i32 : i32, i32
  }
  func.func @transform_1(%arg0: i32) -> (i32, i32, i32) {
    %c0_i32 = arith.constant 0 : i32
    %c0_i32_0 = arith.constant 0 : i32
    %c0_i32_1 = arith.constant 0 : i32
    %c0_i32_2 = arith.constant 0 : i32
    return %c0_i32, %c0_i32_0, %c0_i32_1 : i32, i32, i32
  }
  func.func @transform_2(%arg0: i32) -> (i32, i32, i32) {
    %c0_i32 = arith.constant 0 : i32
    %c0_i32_0 = arith.constant 0 : i32
    %c0_i32_1 = arith.constant 0 : i32
    %c0_i32_2 = arith.constant 0 : i32
    return %c0_i32, %c0_i32_0, %c0_i32_1 : i32, i32, i32
  }
  func.func @transform_3(%arg0: i32) -> (i32, i32, i32) {
    %c0_i32 = arith.constant 0 : i32
    %c0_i32_0 = arith.constant 0 : i32
    %c0_i32_1 = arith.constant 0 : i32
    return %c0_i32, %arg0, %c0_i32_0 : i32, i32, i32
  }
  func.func @transform_4(%arg0: i32) -> (i32, i32, i32) {
    %c0_i32 = arith.constant 0 : i32
    %c0_i32_0 = arith.constant 0 : i32
    %c0_i32_1 = arith.constant 0 : i32
    return %c0_i32, %arg0, %c0_i32_0 : i32, i32, i32
  }
}

module attributes {stable_mosaic.version = 14 : i64} {
  func.func @_att_body(%arg0: i32, %arg1: memref<2x3x400x128xf32, #tpu.memory_space<vmem>>, %arg2: memref<2x3x400x128xf32, #tpu.memory_space<vmem>>, %arg3: memref<400x128xf32, #tpu.memory_space<vmem>>, %arg4: memref<400x160xf32, #tpu.memory_space<vmem>>, %arg5: memref<12x12xf32, #tpu.memory_space<vmem>>) attributes {dimension_semantics = [#tpu.dimension_semantics<arbitrary>], iteration_bounds = array<i64: 25>, scalar_prefetch = 0 : i64, scratch_operands = 0 : i64, tpu.core_type = #tpu.core_type<tc>, window_params = [{transform_indices = @transform_0, window_bounds = array<i64: 2, 3, 400, 128>}, {transform_indices = @transform_1, window_bounds = array<i64: 2, 3, 400, 128>}, {transform_indices = @transform_2, window_bounds = array<i64: 400, 128>}, {transform_indices = @transform_3, window_bounds = array<i64: 400, 160>}, {pipeline_mode = #tpu.pipeline_mode<synchronous>, transform_indices = @transform_4, window_bounds = array<i64: 12, 12>}]} {
    %get3A = arith.constant 0 : index
    %get3A_0 = arith.constant 0 : index
    %get3A_1 = arith.constant 0 : index
    %get3A_2 = arith.constant 0 : index
    %get3A_3 = vector.load %arg1[%get3A, %get3A_0, %get3A_1, %get3A_2] : memref<2x3x400x128xf32, #tpu.memory_space<vmem>>, vector<1x3x400x128xf32>
    %get3A_4 = vector.shape_cast %get3A_3 : vector<1x3x400x128xf32> to vector<3x400x128xf32>
    %get3A_5 = arith.constant 1 : index
    %get3A_6 = arith.constant 0 : index
    %get3A_7 = arith.constant 0 : index
    %get3A_8 = arith.constant 0 : index
    %get3A_9 = vector.load %arg1[%get3A_5, %get3A_6, %get3A_7, %get3A_8] : memref<2x3x400x128xf32, #tpu.memory_space<vmem>>, vector<1x3x400x128xf32>
    %get3A_10 = vector.shape_cast %get3A_9 : vector<1x3x400x128xf32> to vector<3x400x128xf32>
    %add3A = arith.addf %get3A_4, %get3A_10 : vector<3x400x128xf32>
    %get3A_11 = arith.constant 0 : index
    %get3A_12 = arith.constant 0 : index
    %get3A_13 = arith.constant 0 : index
    %get3A_14 = arith.constant 0 : index
    %get3A_15 = vector.load %arg2[%get3A_11, %get3A_12, %get3A_13, %get3A_14] : memref<2x3x400x128xf32, #tpu.memory_space<vmem>>, vector<1x3x400x128xf32>
    %get3A_16 = vector.shape_cast %get3A_15 : vector<1x3x400x128xf32> to vector<3x400x128xf32>
    %get3A_17 = arith.constant 1 : index
    %get3A_18 = arith.constant 0 : index
    %get3A_19 = arith.constant 0 : index
    %get3A_20 = arith.constant 0 : index
    %get3A_21 = vector.load %arg2[%get3A_17, %get3A_18, %get3A_19, %get3A_20] : memref<2x3x400x128xf32, #tpu.memory_space<vmem>>, vector<1x3x400x128xf32>
    %get3A_22 = vector.shape_cast %get3A_21 : vector<1x3x400x128xf32> to vector<3x400x128xf32>
    %add3A_23 = arith.addf %get3A_16, %get3A_22 : vector<3x400x128xf32>
    %slice3A = vector.extract_strided_slice %add3A {offsets = [0, 0, 0], sizes = [1, 400, 32], strides = [1, 1, 1]} : vector<3x400x128xf32> to vector<1x400x32xf32>
    %squeeze3A = vector.shape_cast %slice3A : vector<1x400x32xf32> to vector<400x32xf32>
    %slice3A_24 = vector.extract_strided_slice %add3A_23 {offsets = [0, 0, 0], sizes = [1, 400, 1], strides = [1, 1, 1]} : vector<3x400x128xf32> to vector<1x400x1xf32>
    %squeeze3A_25 = vector.shape_cast %slice3A_24 : vector<1x400x1xf32> to vector<400x1xf32>
    %gt3A = arith.constant 0.000000e+00 : f32
    %gt3A_26 = vector.broadcast %gt3A : f32 to vector<400x1xf32>
    %gt3A_27 = arith.cmpf ogt, %squeeze3A_25, %gt3A_26 : vector<400x1xf32>
    %div3A = vector.broadcast %squeeze3A_25 : vector<400x1xf32> to vector<400x32xf32>
    %div3A_28 = arith.divf %squeeze3A, %div3A : vector<400x32xf32>
    %jit3A = arith.constant 0.000000e+00 : f32
    %broadcast_in_dim3A = vector.shape_cast %gt3A_27 : vector<400x1xi1> to vector<400x1xi1>
    %broadcast_in_dim3A_29 = vector.broadcast %broadcast_in_dim3A : vector<400x1xi1> to vector<400x32xi1>
    %broadcast_in_dim3A_30 = vector.broadcast %jit3A : f32 to vector<400x32xf32>
    %select_n3A = arith.select %broadcast_in_dim3A_29, %div3A_28, %broadcast_in_dim3A_30 : vector<400x32xi1>, vector<400x32xf32>
    %slice3A_31 = vector.extract_strided_slice %add3A {offsets = [0, 0, 32], sizes = [1, 400, 32], strides = [1, 1, 1]} : vector<3x400x128xf32> to vector<1x400x32xf32>
    %squeeze3A_32 = vector.shape_cast %slice3A_31 : vector<1x400x32xf32> to vector<400x32xf32>
    %slice3A_33 = vector.extract_strided_slice %add3A_23 {offsets = [0, 0, 1], sizes = [1, 400, 1], strides = [1, 1, 1]} : vector<3x400x128xf32> to vector<1x400x1xf32>
    %squeeze3A_34 = vector.shape_cast %slice3A_33 : vector<1x400x1xf32> to vector<400x1xf32>
    %gt3A_35 = arith.constant 0.000000e+00 : f32
    %gt3A_36 = vector.broadcast %gt3A_35 : f32 to vector<400x1xf32>
    %gt3A_37 = arith.cmpf ogt, %squeeze3A_34, %gt3A_36 : vector<400x1xf32>
    %div3A_38 = vector.broadcast %squeeze3A_34 : vector<400x1xf32> to vector<400x32xf32>
    %div3A_39 = arith.divf %squeeze3A_32, %div3A_38 : vector<400x32xf32>
    %jit3A_40 = arith.constant 0.000000e+00 : f32
    %broadcast_in_dim3A_41 = vector.shape_cast %gt3A_37 : vector<400x1xi1> to vector<400x1xi1>
    %broadcast_in_dim3A_42 = vector.broadcast %broadcast_in_dim3A_41 : vector<400x1xi1> to vector<400x32xi1>
    %broadcast_in_dim3A_43 = vector.broadcast %jit3A_40 : f32 to vector<400x32xf32>
    %select_n3A_44 = arith.select %broadcast_in_dim3A_42, %div3A_39, %broadcast_in_dim3A_43 : vector<400x32xi1>, vector<400x32xf32>
    %slice3A_45 = vector.extract_strided_slice %add3A {offsets = [0, 0, 64], sizes = [1, 400, 32], strides = [1, 1, 1]} : vector<3x400x128xf32> to vector<1x400x32xf32>
    %squeeze3A_46 = vector.shape_cast %slice3A_45 : vector<1x400x32xf32> to vector<400x32xf32>
    %slice3A_47 = vector.extract_strided_slice %add3A_23 {offsets = [0, 0, 2], sizes = [1, 400, 1], strides = [1, 1, 1]} : vector<3x400x128xf32> to vector<1x400x1xf32>
    %squeeze3A_48 = vector.shape_cast %slice3A_47 : vector<1x400x1xf32> to vector<400x1xf32>
    %gt3A_49 = arith.constant 0.000000e+00 : f32
    %gt3A_50 = vector.broadcast %gt3A_49 : f32 to vector<400x1xf32>
    %gt3A_51 = arith.cmpf ogt, %squeeze3A_48, %gt3A_50 : vector<400x1xf32>
    %div3A_52 = vector.broadcast %squeeze3A_48 : vector<400x1xf32> to vector<400x32xf32>
    %div3A_53 = arith.divf %squeeze3A_46, %div3A_52 : vector<400x32xf32>
    %jit3A_54 = arith.constant 0.000000e+00 : f32
    %broadcast_in_dim3A_55 = vector.shape_cast %gt3A_51 : vector<400x1xi1> to vector<400x1xi1>
    %broadcast_in_dim3A_56 = vector.broadcast %broadcast_in_dim3A_55 : vector<400x1xi1> to vector<400x32xi1>
    %broadcast_in_dim3A_57 = vector.broadcast %jit3A_54 : f32 to vector<400x32xf32>
    %select_n3A_58 = arith.select %broadcast_in_dim3A_56, %div3A_53, %broadcast_in_dim3A_57 : vector<400x32xi1>, vector<400x32xf32>
    %slice3A_59 = vector.extract_strided_slice %add3A {offsets = [0, 0, 96], sizes = [1, 400, 32], strides = [1, 1, 1]} : vector<3x400x128xf32> to vector<1x400x32xf32>
    %squeeze3A_60 = vector.shape_cast %slice3A_59 : vector<1x400x32xf32> to vector<400x32xf32>
    %slice3A_61 = vector.extract_strided_slice %add3A_23 {offsets = [0, 0, 3], sizes = [1, 400, 1], strides = [1, 1, 1]} : vector<3x400x128xf32> to vector<1x400x1xf32>
    %squeeze3A_62 = vector.shape_cast %slice3A_61 : vector<1x400x1xf32> to vector<400x1xf32>
    %gt3A_63 = arith.constant 0.000000e+00 : f32
    %gt3A_64 = vector.broadcast %gt3A_63 : f32 to vector<400x1xf32>
    %gt3A_65 = arith.cmpf ogt, %squeeze3A_62, %gt3A_64 : vector<400x1xf32>
    %div3A_66 = vector.broadcast %squeeze3A_62 : vector<400x1xf32> to vector<400x32xf32>
    %div3A_67 = arith.divf %squeeze3A_60, %div3A_66 : vector<400x32xf32>
    %jit3A_68 = arith.constant 0.000000e+00 : f32
    %broadcast_in_dim3A_69 = vector.shape_cast %gt3A_65 : vector<400x1xi1> to vector<400x1xi1>
    %broadcast_in_dim3A_70 = vector.broadcast %broadcast_in_dim3A_69 : vector<400x1xi1> to vector<400x32xi1>
    %broadcast_in_dim3A_71 = vector.broadcast %jit3A_68 : f32 to vector<400x32xf32>
    %select_n3A_72 = arith.select %broadcast_in_dim3A_70, %div3A_67, %broadcast_in_dim3A_71 : vector<400x32xi1>, vector<400x32xf32>
    %slice3A_73 = vector.extract_strided_slice %add3A {offsets = [1, 0, 0], sizes = [1, 400, 32], strides = [1, 1, 1]} : vector<3x400x128xf32> to vector<1x400x32xf32>
    %squeeze3A_74 = vector.shape_cast %slice3A_73 : vector<1x400x32xf32> to vector<400x32xf32>
    %slice3A_75 = vector.extract_strided_slice %add3A_23 {offsets = [1, 0, 0], sizes = [1, 400, 1], strides = [1, 1, 1]} : vector<3x400x128xf32> to vector<1x400x1xf32>
    %squeeze3A_76 = vector.shape_cast %slice3A_75 : vector<1x400x1xf32> to vector<400x1xf32>
    %gt3A_77 = arith.constant 0.000000e+00 : f32
    %gt3A_78 = vector.broadcast %gt3A_77 : f32 to vector<400x1xf32>
    %gt3A_79 = arith.cmpf ogt, %squeeze3A_76, %gt3A_78 : vector<400x1xf32>
    %div3A_80 = vector.broadcast %squeeze3A_76 : vector<400x1xf32> to vector<400x32xf32>
    %div3A_81 = arith.divf %squeeze3A_74, %div3A_80 : vector<400x32xf32>
    %jit3A_82 = arith.constant 0.000000e+00 : f32
    %broadcast_in_dim3A_83 = vector.shape_cast %gt3A_79 : vector<400x1xi1> to vector<400x1xi1>
    %broadcast_in_dim3A_84 = vector.broadcast %broadcast_in_dim3A_83 : vector<400x1xi1> to vector<400x32xi1>
    %broadcast_in_dim3A_85 = vector.broadcast %jit3A_82 : f32 to vector<400x32xf32>
    %select_n3A_86 = arith.select %broadcast_in_dim3A_84, %div3A_81, %broadcast_in_dim3A_85 : vector<400x32xi1>, vector<400x32xf32>
    %slice3A_87 = vector.extract_strided_slice %add3A {offsets = [1, 0, 32], sizes = [1, 400, 32], strides = [1, 1, 1]} : vector<3x400x128xf32> to vector<1x400x32xf32>
    %squeeze3A_88 = vector.shape_cast %slice3A_87 : vector<1x400x32xf32> to vector<400x32xf32>
    %slice3A_89 = vector.extract_strided_slice %add3A_23 {offsets = [1, 0, 1], sizes = [1, 400, 1], strides = [1, 1, 1]} : vector<3x400x128xf32> to vector<1x400x1xf32>
    %squeeze3A_90 = vector.shape_cast %slice3A_89 : vector<1x400x1xf32> to vector<400x1xf32>
    %gt3A_91 = arith.constant 0.000000e+00 : f32
    %gt3A_92 = vector.broadcast %gt3A_91 : f32 to vector<400x1xf32>
    %gt3A_93 = arith.cmpf ogt, %squeeze3A_90, %gt3A_92 : vector<400x1xf32>
    %div3A_94 = vector.broadcast %squeeze3A_90 : vector<400x1xf32> to vector<400x32xf32>
    %div3A_95 = arith.divf %squeeze3A_88, %div3A_94 : vector<400x32xf32>
    %jit3A_96 = arith.constant 0.000000e+00 : f32
    %broadcast_in_dim3A_97 = vector.shape_cast %gt3A_93 : vector<400x1xi1> to vector<400x1xi1>
    %broadcast_in_dim3A_98 = vector.broadcast %broadcast_in_dim3A_97 : vector<400x1xi1> to vector<400x32xi1>
    %broadcast_in_dim3A_99 = vector.broadcast %jit3A_96 : f32 to vector<400x32xf32>
    %select_n3A_100 = arith.select %broadcast_in_dim3A_98, %div3A_95, %broadcast_in_dim3A_99 : vector<400x32xi1>, vector<400x32xf32>
    %slice3A_101 = vector.extract_strided_slice %add3A {offsets = [1, 0, 64], sizes = [1, 400, 32], strides = [1, 1, 1]} : vector<3x400x128xf32> to vector<1x400x32xf32>
    %squeeze3A_102 = vector.shape_cast %slice3A_101 : vector<1x400x32xf32> to vector<400x32xf32>
    %slice3A_103 = vector.extract_strided_slice %add3A_23 {offsets = [1, 0, 2], sizes = [1, 400, 1], strides = [1, 1, 1]} : vector<3x400x128xf32> to vector<1x400x1xf32>
    %squeeze3A_104 = vector.shape_cast %slice3A_103 : vector<1x400x1xf32> to vector<400x1xf32>
    %gt3A_105 = arith.constant 0.000000e+00 : f32
    %gt3A_106 = vector.broadcast %gt3A_105 : f32 to vector<400x1xf32>
    %gt3A_107 = arith.cmpf ogt, %squeeze3A_104, %gt3A_106 : vector<400x1xf32>
    %div3A_108 = vector.broadcast %squeeze3A_104 : vector<400x1xf32> to vector<400x32xf32>
    %div3A_109 = arith.divf %squeeze3A_102, %div3A_108 : vector<400x32xf32>
    %jit3A_110 = arith.constant 0.000000e+00 : f32
    %broadcast_in_dim3A_111 = vector.shape_cast %gt3A_107 : vector<400x1xi1> to vector<400x1xi1>
    %broadcast_in_dim3A_112 = vector.broadcast %broadcast_in_dim3A_111 : vector<400x1xi1> to vector<400x32xi1>
    %broadcast_in_dim3A_113 = vector.broadcast %jit3A_110 : f32 to vector<400x32xf32>
    %select_n3A_114 = arith.select %broadcast_in_dim3A_112, %div3A_109, %broadcast_in_dim3A_113 : vector<400x32xi1>, vector<400x32xf32>
    %slice3A_115 = vector.extract_strided_slice %add3A {offsets = [1, 0, 96], sizes = [1, 400, 32], strides = [1, 1, 1]} : vector<3x400x128xf32> to vector<1x400x32xf32>
    %squeeze3A_116 = vector.shape_cast %slice3A_115 : vector<1x400x32xf32> to vector<400x32xf32>
    %slice3A_117 = vector.extract_strided_slice %add3A_23 {offsets = [1, 0, 3], sizes = [1, 400, 1], strides = [1, 1, 1]} : vector<3x400x128xf32> to vector<1x400x1xf32>
    %squeeze3A_118 = vector.shape_cast %slice3A_117 : vector<1x400x1xf32> to vector<400x1xf32>
    %gt3A_119 = arith.constant 0.000000e+00 : f32
    %gt3A_120 = vector.broadcast %gt3A_119 : f32 to vector<400x1xf32>
    %gt3A_121 = arith.cmpf ogt, %squeeze3A_118, %gt3A_120 : vector<400x1xf32>
    %div3A_122 = vector.broadcast %squeeze3A_118 : vector<400x1xf32> to vector<400x32xf32>
    %div3A_123 = arith.divf %squeeze3A_116, %div3A_122 : vector<400x32xf32>
    %jit3A_124 = arith.constant 0.000000e+00 : f32
    %broadcast_in_dim3A_125 = vector.shape_cast %gt3A_121 : vector<400x1xi1> to vector<400x1xi1>
    %broadcast_in_dim3A_126 = vector.broadcast %broadcast_in_dim3A_125 : vector<400x1xi1> to vector<400x32xi1>
    %broadcast_in_dim3A_127 = vector.broadcast %jit3A_124 : f32 to vector<400x32xf32>
    %select_n3A_128 = arith.select %broadcast_in_dim3A_126, %div3A_123, %broadcast_in_dim3A_127 : vector<400x32xi1>, vector<400x32xf32>
    %slice3A_129 = vector.extract_strided_slice %add3A {offsets = [2, 0, 0], sizes = [1, 400, 32], strides = [1, 1, 1]} : vector<3x400x128xf32> to vector<1x400x32xf32>
    %squeeze3A_130 = vector.shape_cast %slice3A_129 : vector<1x400x32xf32> to vector<400x32xf32>
    %slice3A_131 = vector.extract_strided_slice %add3A_23 {offsets = [2, 0, 0], sizes = [1, 400, 1], strides = [1, 1, 1]} : vector<3x400x128xf32> to vector<1x400x1xf32>
    %squeeze3A_132 = vector.shape_cast %slice3A_131 : vector<1x400x1xf32> to vector<400x1xf32>
    %gt3A_133 = arith.constant 0.000000e+00 : f32
    %gt3A_134 = vector.broadcast %gt3A_133 : f32 to vector<400x1xf32>
    %gt3A_135 = arith.cmpf ogt, %squeeze3A_132, %gt3A_134 : vector<400x1xf32>
    %div3A_136 = vector.broadcast %squeeze3A_132 : vector<400x1xf32> to vector<400x32xf32>
    %div3A_137 = arith.divf %squeeze3A_130, %div3A_136 : vector<400x32xf32>
    %jit3A_138 = arith.constant 0.000000e+00 : f32
    %broadcast_in_dim3A_139 = vector.shape_cast %gt3A_135 : vector<400x1xi1> to vector<400x1xi1>
    %broadcast_in_dim3A_140 = vector.broadcast %broadcast_in_dim3A_139 : vector<400x1xi1> to vector<400x32xi1>
    %broadcast_in_dim3A_141 = vector.broadcast %jit3A_138 : f32 to vector<400x32xf32>
    %select_n3A_142 = arith.select %broadcast_in_dim3A_140, %div3A_137, %broadcast_in_dim3A_141 : vector<400x32xi1>, vector<400x32xf32>
    %slice3A_143 = vector.extract_strided_slice %add3A {offsets = [2, 0, 32], sizes = [1, 400, 32], strides = [1, 1, 1]} : vector<3x400x128xf32> to vector<1x400x32xf32>
    %squeeze3A_144 = vector.shape_cast %slice3A_143 : vector<1x400x32xf32> to vector<400x32xf32>
    %slice3A_145 = vector.extract_strided_slice %add3A_23 {offsets = [2, 0, 1], sizes = [1, 400, 1], strides = [1, 1, 1]} : vector<3x400x128xf32> to vector<1x400x1xf32>
    %squeeze3A_146 = vector.shape_cast %slice3A_145 : vector<1x400x1xf32> to vector<400x1xf32>
    %gt3A_147 = arith.constant 0.000000e+00 : f32
    %gt3A_148 = vector.broadcast %gt3A_147 : f32 to vector<400x1xf32>
    %gt3A_149 = arith.cmpf ogt, %squeeze3A_146, %gt3A_148 : vector<400x1xf32>
    %div3A_150 = vector.broadcast %squeeze3A_146 : vector<400x1xf32> to vector<400x32xf32>
    %div3A_151 = arith.divf %squeeze3A_144, %div3A_150 : vector<400x32xf32>
    %jit3A_152 = arith.constant 0.000000e+00 : f32
    %broadcast_in_dim3A_153 = vector.shape_cast %gt3A_149 : vector<400x1xi1> to vector<400x1xi1>
    %broadcast_in_dim3A_154 = vector.broadcast %broadcast_in_dim3A_153 : vector<400x1xi1> to vector<400x32xi1>
    %broadcast_in_dim3A_155 = vector.broadcast %jit3A_152 : f32 to vector<400x32xf32>
    %select_n3A_156 = arith.select %broadcast_in_dim3A_154, %div3A_151, %broadcast_in_dim3A_155 : vector<400x32xi1>, vector<400x32xf32>
    %slice3A_157 = vector.extract_strided_slice %add3A {offsets = [2, 0, 64], sizes = [1, 400, 32], strides = [1, 1, 1]} : vector<3x400x128xf32> to vector<1x400x32xf32>
    %squeeze3A_158 = vector.shape_cast %slice3A_157 : vector<1x400x32xf32> to vector<400x32xf32>
    %slice3A_159 = vector.extract_strided_slice %add3A_23 {offsets = [2, 0, 2], sizes = [1, 400, 1], strides = [1, 1, 1]} : vector<3x400x128xf32> to vector<1x400x1xf32>
    %squeeze3A_160 = vector.shape_cast %slice3A_159 : vector<1x400x1xf32> to vector<400x1xf32>
    %gt3A_161 = arith.constant 0.000000e+00 : f32
    %gt3A_162 = vector.broadcast %gt3A_161 : f32 to vector<400x1xf32>
    %gt3A_163 = arith.cmpf ogt, %squeeze3A_160, %gt3A_162 : vector<400x1xf32>
    %div3A_164 = vector.broadcast %squeeze3A_160 : vector<400x1xf32> to vector<400x32xf32>
    %div3A_165 = arith.divf %squeeze3A_158, %div3A_164 : vector<400x32xf32>
    %jit3A_166 = arith.constant 0.000000e+00 : f32
    %broadcast_in_dim3A_167 = vector.shape_cast %gt3A_163 : vector<400x1xi1> to vector<400x1xi1>
    %broadcast_in_dim3A_168 = vector.broadcast %broadcast_in_dim3A_167 : vector<400x1xi1> to vector<400x32xi1>
    %broadcast_in_dim3A_169 = vector.broadcast %jit3A_166 : f32 to vector<400x32xf32>
    %select_n3A_170 = arith.select %broadcast_in_dim3A_168, %div3A_165, %broadcast_in_dim3A_169 : vector<400x32xi1>, vector<400x32xf32>
    %slice3A_171 = vector.extract_strided_slice %add3A {offsets = [2, 0, 96], sizes = [1, 400, 32], strides = [1, 1, 1]} : vector<3x400x128xf32> to vector<1x400x32xf32>
    %squeeze3A_172 = vector.shape_cast %slice3A_171 : vector<1x400x32xf32> to vector<400x32xf32>
    %slice3A_173 = vector.extract_strided_slice %add3A_23 {offsets = [2, 0, 3], sizes = [1, 400, 1], strides = [1, 1, 1]} : vector<3x400x128xf32> to vector<1x400x1xf32>
    %squeeze3A_174 = vector.shape_cast %slice3A_173 : vector<1x400x1xf32> to vector<400x1xf32>
    %gt3A_175 = arith.constant 0.000000e+00 : f32
    %gt3A_176 = vector.broadcast %gt3A_175 : f32 to vector<400x1xf32>
    %gt3A_177 = arith.cmpf ogt, %squeeze3A_174, %gt3A_176 : vector<400x1xf32>
    %div3A_178 = vector.broadcast %squeeze3A_174 : vector<400x1xf32> to vector<400x32xf32>
    %div3A_179 = arith.divf %squeeze3A_172, %div3A_178 : vector<400x32xf32>
    %jit3A_180 = arith.constant 0.000000e+00 : f32
    %broadcast_in_dim3A_181 = vector.shape_cast %gt3A_177 : vector<400x1xi1> to vector<400x1xi1>
    %broadcast_in_dim3A_182 = vector.broadcast %broadcast_in_dim3A_181 : vector<400x1xi1> to vector<400x32xi1>
    %broadcast_in_dim3A_183 = vector.broadcast %jit3A_180 : f32 to vector<400x32xf32>
    %select_n3A_184 = arith.select %broadcast_in_dim3A_182, %div3A_179, %broadcast_in_dim3A_183 : vector<400x32xi1>, vector<400x32xf32>
    %stack3A = vector.shape_cast %select_n3A : vector<400x32xf32> to vector<400x1x32xf32>
    %stack3A_185 = vector.shape_cast %select_n3A_44 : vector<400x32xf32> to vector<400x1x32xf32>
    %stack3A_186 = vector.shape_cast %select_n3A_58 : vector<400x32xf32> to vector<400x1x32xf32>
    %stack3A_187 = vector.shape_cast %select_n3A_72 : vector<400x32xf32> to vector<400x1x32xf32>
    %stack3A_188 = vector.shape_cast %select_n3A_86 : vector<400x32xf32> to vector<400x1x32xf32>
    %stack3A_189 = vector.shape_cast %select_n3A_100 : vector<400x32xf32> to vector<400x1x32xf32>
    %stack3A_190 = vector.shape_cast %select_n3A_114 : vector<400x32xf32> to vector<400x1x32xf32>
    %stack3A_191 = vector.shape_cast %select_n3A_128 : vector<400x32xf32> to vector<400x1x32xf32>
    %stack3A_192 = vector.shape_cast %select_n3A_142 : vector<400x32xf32> to vector<400x1x32xf32>
    %stack3A_193 = vector.shape_cast %select_n3A_156 : vector<400x32xf32> to vector<400x1x32xf32>
    %stack3A_194 = vector.shape_cast %select_n3A_170 : vector<400x32xf32> to vector<400x1x32xf32>
    %stack3A_195 = vector.shape_cast %select_n3A_184 : vector<400x32xf32> to vector<400x1x32xf32>
    %stack3A_196 = tpu.concatenate %stack3A, %stack3A_185, %stack3A_186, %stack3A_187, %stack3A_188, %stack3A_189, %stack3A_190, %stack3A_191, %stack3A_192, %stack3A_193, %stack3A_194, %stack3A_195 in 1 : vector<400x1x32xf32>, vector<400x1x32xf32>, vector<400x1x32xf32>, vector<400x1x32xf32>, vector<400x1x32xf32>, vector<400x1x32xf32>, vector<400x1x32xf32>, vector<400x1x32xf32>, vector<400x1x32xf32>, vector<400x1x32xf32>, vector<400x1x32xf32>, vector<400x1x32xf32> -> vector<400x12x32xf32>
    %slice3A_197 = vector.extract_strided_slice %stack3A_196 {offsets = [0, 0, 0], sizes = [400, 1, 32], strides = [1, 1, 1]} : vector<400x12x32xf32> to vector<400x1x32xf32>
    %mul3A = vector.broadcast %slice3A_197 : vector<400x1x32xf32> to vector<400x12x32xf32>
    %mul3A_198 = arith.mulf %stack3A_196, %mul3A : vector<400x12x32xf32>
    %reduce_sum3A = arith.constant dense<0.000000e+00> : vector<400x12xf32>
    %reduce_sum3A_199 = vector.multi_reduction <add>, %mul3A_198, %reduce_sum3A [2] : vector<400x12x32xf32> to vector<400x12xf32>
    %mul3A_200 = arith.constant 0.176776692 : f32
    %mul3A_201 = vector.broadcast %mul3A_200 : f32 to vector<400x12xf32>
    %mul3A_202 = arith.mulf %reduce_sum3A_199, %mul3A_201 : vector<400x12xf32>
    %slice3A_203 = vector.extract_strided_slice %stack3A_196 {offsets = [0, 1, 0], sizes = [400, 1, 32], strides = [1, 1, 1]} : vector<400x12x32xf32> to vector<400x1x32xf32>
    %mul3A_204 = vector.broadcast %slice3A_203 : vector<400x1x32xf32> to vector<400x12x32xf32>
    %mul3A_205 = arith.mulf %stack3A_196, %mul3A_204 : vector<400x12x32xf32>
    %reduce_sum3A_206 = arith.constant dense<0.000000e+00> : vector<400x12xf32>
    %reduce_sum3A_207 = vector.multi_reduction <add>, %mul3A_205, %reduce_sum3A_206 [2] : vector<400x12x32xf32> to vector<400x12xf32>
    %mul3A_208 = arith.constant 0.176776692 : f32
    %mul3A_209 = vector.broadcast %mul3A_208 : f32 to vector<400x12xf32>
    %mul3A_210 = arith.mulf %reduce_sum3A_207, %mul3A_209 : vector<400x12xf32>
    %slice3A_211 = vector.extract_strided_slice %stack3A_196 {offsets = [0, 2, 0], sizes = [400, 1, 32], strides = [1, 1, 1]} : vector<400x12x32xf32> to vector<400x1x32xf32>
    %mul3A_212 = vector.broadcast %slice3A_211 : vector<400x1x32xf32> to vector<400x12x32xf32>
    %mul3A_213 = arith.mulf %stack3A_196, %mul3A_212 : vector<400x12x32xf32>
    %reduce_sum3A_214 = arith.constant dense<0.000000e+00> : vector<400x12xf32>
    %reduce_sum3A_215 = vector.multi_reduction <add>, %mul3A_213, %reduce_sum3A_214 [2] : vector<400x12x32xf32> to vector<400x12xf32>
    %mul3A_216 = arith.constant 0.176776692 : f32
    %mul3A_217 = vector.broadcast %mul3A_216 : f32 to vector<400x12xf32>
    %mul3A_218 = arith.mulf %reduce_sum3A_215, %mul3A_217 : vector<400x12xf32>
    %slice3A_219 = vector.extract_strided_slice %stack3A_196 {offsets = [0, 3, 0], sizes = [400, 1, 32], strides = [1, 1, 1]} : vector<400x12x32xf32> to vector<400x1x32xf32>
    %mul3A_220 = vector.broadcast %slice3A_219 : vector<400x1x32xf32> to vector<400x12x32xf32>
    %mul3A_221 = arith.mulf %stack3A_196, %mul3A_220 : vector<400x12x32xf32>
    %reduce_sum3A_222 = arith.constant dense<0.000000e+00> : vector<400x12xf32>
    %reduce_sum3A_223 = vector.multi_reduction <add>, %mul3A_221, %reduce_sum3A_222 [2] : vector<400x12x32xf32> to vector<400x12xf32>
    %mul3A_224 = arith.constant 0.176776692 : f32
    %mul3A_225 = vector.broadcast %mul3A_224 : f32 to vector<400x12xf32>
    %mul3A_226 = arith.mulf %reduce_sum3A_223, %mul3A_225 : vector<400x12xf32>
    %slice3A_227 = vector.extract_strided_slice %stack3A_196 {offsets = [0, 4, 0], sizes = [400, 1, 32], strides = [1, 1, 1]} : vector<400x12x32xf32> to vector<400x1x32xf32>
    %mul3A_228 = vector.broadcast %slice3A_227 : vector<400x1x32xf32> to vector<400x12x32xf32>
    %mul3A_229 = arith.mulf %stack3A_196, %mul3A_228 : vector<400x12x32xf32>
    %reduce_sum3A_230 = arith.constant dense<0.000000e+00> : vector<400x12xf32>
    %reduce_sum3A_231 = vector.multi_reduction <add>, %mul3A_229, %reduce_sum3A_230 [2] : vector<400x12x32xf32> to vector<400x12xf32>
    %mul3A_232 = arith.constant 0.176776692 : f32
    %mul3A_233 = vector.broadcast %mul3A_232 : f32 to vector<400x12xf32>
    %mul3A_234 = arith.mulf %reduce_sum3A_231, %mul3A_233 : vector<400x12xf32>
    %slice3A_235 = vector.extract_strided_slice %stack3A_196 {offsets = [0, 5, 0], sizes = [400, 1, 32], strides = [1, 1, 1]} : vector<400x12x32xf32> to vector<400x1x32xf32>
    %mul3A_236 = vector.broadcast %slice3A_235 : vector<400x1x32xf32> to vector<400x12x32xf32>
    %mul3A_237 = arith.mulf %stack3A_196, %mul3A_236 : vector<400x12x32xf32>
    %reduce_sum3A_238 = arith.constant dense<0.000000e+00> : vector<400x12xf32>
    %reduce_sum3A_239 = vector.multi_reduction <add>, %mul3A_237, %reduce_sum3A_238 [2] : vector<400x12x32xf32> to vector<400x12xf32>
    %mul3A_240 = arith.constant 0.176776692 : f32
    %mul3A_241 = vector.broadcast %mul3A_240 : f32 to vector<400x12xf32>
    %mul3A_242 = arith.mulf %reduce_sum3A_239, %mul3A_241 : vector<400x12xf32>
    %slice3A_243 = vector.extract_strided_slice %stack3A_196 {offsets = [0, 6, 0], sizes = [400, 1, 32], strides = [1, 1, 1]} : vector<400x12x32xf32> to vector<400x1x32xf32>
    %mul3A_244 = vector.broadcast %slice3A_243 : vector<400x1x32xf32> to vector<400x12x32xf32>
    %mul3A_245 = arith.mulf %stack3A_196, %mul3A_244 : vector<400x12x32xf32>
    %reduce_sum3A_246 = arith.constant dense<0.000000e+00> : vector<400x12xf32>
    %reduce_sum3A_247 = vector.multi_reduction <add>, %mul3A_245, %reduce_sum3A_246 [2] : vector<400x12x32xf32> to vector<400x12xf32>
    %mul3A_248 = arith.constant 0.176776692 : f32
    %mul3A_249 = vector.broadcast %mul3A_248 : f32 to vector<400x12xf32>
    %mul3A_250 = arith.mulf %reduce_sum3A_247, %mul3A_249 : vector<400x12xf32>
    %slice3A_251 = vector.extract_strided_slice %stack3A_196 {offsets = [0, 7, 0], sizes = [400, 1, 32], strides = [1, 1, 1]} : vector<400x12x32xf32> to vector<400x1x32xf32>
    %mul3A_252 = vector.broadcast %slice3A_251 : vector<400x1x32xf32> to vector<400x12x32xf32>
    %mul3A_253 = arith.mulf %stack3A_196, %mul3A_252 : vector<400x12x32xf32>
    %reduce_sum3A_254 = arith.constant dense<0.000000e+00> : vector<400x12xf32>
    %reduce_sum3A_255 = vector.multi_reduction <add>, %mul3A_253, %reduce_sum3A_254 [2] : vector<400x12x32xf32> to vector<400x12xf32>
    %mul3A_256 = arith.constant 0.176776692 : f32
    %mul3A_257 = vector.broadcast %mul3A_256 : f32 to vector<400x12xf32>
    %mul3A_258 = arith.mulf %reduce_sum3A_255, %mul3A_257 : vector<400x12xf32>
    %slice3A_259 = vector.extract_strided_slice %stack3A_196 {offsets = [0, 8, 0], sizes = [400, 1, 32], strides = [1, 1, 1]} : vector<400x12x32xf32> to vector<400x1x32xf32>
    %mul3A_260 = vector.broadcast %slice3A_259 : vector<400x1x32xf32> to vector<400x12x32xf32>
    %mul3A_261 = arith.mulf %stack3A_196, %mul3A_260 : vector<400x12x32xf32>
    %reduce_sum3A_262 = arith.constant dense<0.000000e+00> : vector<400x12xf32>
    %reduce_sum3A_263 = vector.multi_reduction <add>, %mul3A_261, %reduce_sum3A_262 [2] : vector<400x12x32xf32> to vector<400x12xf32>
    %mul3A_264 = arith.constant 0.176776692 : f32
    %mul3A_265 = vector.broadcast %mul3A_264 : f32 to vector<400x12xf32>
    %mul3A_266 = arith.mulf %reduce_sum3A_263, %mul3A_265 : vector<400x12xf32>
    %slice3A_267 = vector.extract_strided_slice %stack3A_196 {offsets = [0, 9, 0], sizes = [400, 1, 32], strides = [1, 1, 1]} : vector<400x12x32xf32> to vector<400x1x32xf32>
    %mul3A_268 = vector.broadcast %slice3A_267 : vector<400x1x32xf32> to vector<400x12x32xf32>
    %mul3A_269 = arith.mulf %stack3A_196, %mul3A_268 : vector<400x12x32xf32>
    %reduce_sum3A_270 = arith.constant dense<0.000000e+00> : vector<400x12xf32>
    %reduce_sum3A_271 = vector.multi_reduction <add>, %mul3A_269, %reduce_sum3A_270 [2] : vector<400x12x32xf32> to vector<400x12xf32>
    %mul3A_272 = arith.constant 0.176776692 : f32
    %mul3A_273 = vector.broadcast %mul3A_272 : f32 to vector<400x12xf32>
    %mul3A_274 = arith.mulf %reduce_sum3A_271, %mul3A_273 : vector<400x12xf32>
    %slice3A_275 = vector.extract_strided_slice %stack3A_196 {offsets = [0, 10, 0], sizes = [400, 1, 32], strides = [1, 1, 1]} : vector<400x12x32xf32> to vector<400x1x32xf32>
    %mul3A_276 = vector.broadcast %slice3A_275 : vector<400x1x32xf32> to vector<400x12x32xf32>
    %mul3A_277 = arith.mulf %stack3A_196, %mul3A_276 : vector<400x12x32xf32>
    %reduce_sum3A_278 = arith.constant dense<0.000000e+00> : vector<400x12xf32>
    %reduce_sum3A_279 = vector.multi_reduction <add>, %mul3A_277, %reduce_sum3A_278 [2] : vector<400x12x32xf32> to vector<400x12xf32>
    %mul3A_280 = arith.constant 0.176776692 : f32
    %mul3A_281 = vector.broadcast %mul3A_280 : f32 to vector<400x12xf32>
    %mul3A_282 = arith.mulf %reduce_sum3A_279, %mul3A_281 : vector<400x12xf32>
    %slice3A_283 = vector.extract_strided_slice %stack3A_196 {offsets = [0, 11, 0], sizes = [400, 1, 32], strides = [1, 1, 1]} : vector<400x12x32xf32> to vector<400x1x32xf32>
    %mul3A_284 = vector.broadcast %slice3A_283 : vector<400x1x32xf32> to vector<400x12x32xf32>
    %mul3A_285 = arith.mulf %stack3A_196, %mul3A_284 : vector<400x12x32xf32>
    %reduce_sum3A_286 = arith.constant dense<0.000000e+00> : vector<400x12xf32>
    %reduce_sum3A_287 = vector.multi_reduction <add>, %mul3A_285, %reduce_sum3A_286 [2] : vector<400x12x32xf32> to vector<400x12xf32>
    %mul3A_288 = arith.constant 0.176776692 : f32
    %mul3A_289 = vector.broadcast %mul3A_288 : f32 to vector<400x12xf32>
    %mul3A_290 = arith.mulf %reduce_sum3A_287, %mul3A_289 : vector<400x12xf32>
    %stack3A_291 = vector.shape_cast %mul3A_202 : vector<400x12xf32> to vector<400x1x12xf32>
    %stack3A_292 = vector.shape_cast %mul3A_210 : vector<400x12xf32> to vector<400x1x12xf32>
    %stack3A_293 = vector.shape_cast %mul3A_218 : vector<400x12xf32> to vector<400x1x12xf32>
    %stack3A_294 = vector.shape_cast %mul3A_226 : vector<400x12xf32> to vector<400x1x12xf32>
    %stack3A_295 = vector.shape_cast %mul3A_234 : vector<400x12xf32> to vector<400x1x12xf32>
    %stack3A_296 = vector.shape_cast %mul3A_242 : vector<400x12xf32> to vector<400x1x12xf32>
    %stack3A_297 = vector.shape_cast %mul3A_250 : vector<400x12xf32> to vector<400x1x12xf32>
    %stack3A_298 = vector.shape_cast %mul3A_258 : vector<400x12xf32> to vector<400x1x12xf32>
    %stack3A_299 = vector.shape_cast %mul3A_266 : vector<400x12xf32> to vector<400x1x12xf32>
    %stack3A_300 = vector.shape_cast %mul3A_274 : vector<400x12xf32> to vector<400x1x12xf32>
    %stack3A_301 = vector.shape_cast %mul3A_282 : vector<400x12xf32> to vector<400x1x12xf32>
    %stack3A_302 = vector.shape_cast %mul3A_290 : vector<400x12xf32> to vector<400x1x12xf32>
    %stack3A_303 = tpu.concatenate %stack3A_291, %stack3A_292, %stack3A_293, %stack3A_294, %stack3A_295, %stack3A_296, %stack3A_297, %stack3A_298, %stack3A_299, %stack3A_300, %stack3A_301, %stack3A_302 in 1 : vector<400x1x12xf32>, vector<400x1x12xf32>, vector<400x1x12xf32>, vector<400x1x12xf32>, vector<400x1x12xf32>, vector<400x1x12xf32>, vector<400x1x12xf32>, vector<400x1x12xf32>, vector<400x1x12xf32>, vector<400x1x12xf32>, vector<400x1x12xf32>, vector<400x1x12xf32> -> vector<400x12x12xf32>
    %reduce_max3A = arith.constant dense<0xFF800000> : vector<400x12xf32>
    %reduce_max3A_304 = vector.multi_reduction <maximumf>, %stack3A_303, %reduce_max3A [2] : vector<400x12x12xf32> to vector<400x12xf32>
    %broadcast_in_dim3A_305 = vector.shape_cast %reduce_max3A_304 : vector<400x12xf32> to vector<400x12x1xf32>
    %sub3A = vector.broadcast %broadcast_in_dim3A_305 : vector<400x12x1xf32> to vector<400x12x12xf32>
    %sub3A_306 = arith.subf %stack3A_303, %sub3A : vector<400x12x12xf32>
    %exp3A = math.exp %sub3A_306 : vector<400x12x12xf32>
    %reduce_sum3A_307 = arith.constant dense<0.000000e+00> : vector<400x12xf32>
    %reduce_sum3A_308 = vector.multi_reduction <add>, %exp3A, %reduce_sum3A_307 [2] : vector<400x12x12xf32> to vector<400x12xf32>
    %broadcast_in_dim3A_309 = vector.shape_cast %reduce_sum3A_308 : vector<400x12xf32> to vector<400x12x1xf32>
    %div3A_310 = vector.broadcast %broadcast_in_dim3A_309 : vector<400x12x1xf32> to vector<400x12x12xf32>
    %div3A_311 = arith.divf %exp3A, %div3A_310 : vector<400x12x12xf32>
    %reduce_sum3A_312 = arith.constant dense<0.000000e+00> : vector<400x12xf32>
    %reduce_sum3A_313 = vector.multi_reduction <add>, %div3A_311, %reduce_sum3A_312 [1] : vector<400x12x12xf32> to vector<400x12xf32>
    %div3A_314 = arith.constant 1.200000e+01 : f32
    %div3A_315 = vector.broadcast %div3A_314 : f32 to vector<400x12xf32>
    %div3A_316 = arith.divf %reduce_sum3A_313, %div3A_315 : vector<400x12xf32>
    %broadcast_in_dim3A_317 = arith.constant 0.000000e+00 : f32
    %broadcast_in_dim3A_318 = vector.broadcast %broadcast_in_dim3A_317 : f32 to vector<400x32xf32>
    %slice3A_319 = vector.extract_strided_slice %div3A_316 {offsets = [0, 0], sizes = [400, 1], strides = [1, 1]} : vector<400x12xf32> to vector<400x1xf32>
    %slice3A_320 = vector.extract_strided_slice %stack3A_196 {offsets = [0, 0, 0], sizes = [400, 1, 32], strides = [1, 1, 1]} : vector<400x12x32xf32> to vector<400x1x32xf32>
    %squeeze3A_321 = vector.shape_cast %slice3A_320 : vector<400x1x32xf32> to vector<400x32xf32>
    %mul3A_322 = vector.broadcast %slice3A_319 : vector<400x1xf32> to vector<400x32xf32>
    %mul3A_323 = arith.mulf %mul3A_322, %squeeze3A_321 : vector<400x32xf32>
    %add3A_324 = arith.addf %broadcast_in_dim3A_318, %mul3A_323 : vector<400x32xf32>
    %slice3A_325 = vector.extract_strided_slice %div3A_316 {offsets = [0, 1], sizes = [400, 1], strides = [1, 1]} : vector<400x12xf32> to vector<400x1xf32>
    %slice3A_326 = vector.extract_strided_slice %stack3A_196 {offsets = [0, 1, 0], sizes = [400, 1, 32], strides = [1, 1, 1]} : vector<400x12x32xf32> to vector<400x1x32xf32>
    %squeeze3A_327 = vector.shape_cast %slice3A_326 : vector<400x1x32xf32> to vector<400x32xf32>
    %mul3A_328 = vector.broadcast %slice3A_325 : vector<400x1xf32> to vector<400x32xf32>
    %mul3A_329 = arith.mulf %mul3A_328, %squeeze3A_327 : vector<400x32xf32>
    %add3A_330 = arith.addf %add3A_324, %mul3A_329 : vector<400x32xf32>
    %slice3A_331 = vector.extract_strided_slice %div3A_316 {offsets = [0, 2], sizes = [400, 1], strides = [1, 1]} : vector<400x12xf32> to vector<400x1xf32>
    %slice3A_332 = vector.extract_strided_slice %stack3A_196 {offsets = [0, 2, 0], sizes = [400, 1, 32], strides = [1, 1, 1]} : vector<400x12x32xf32> to vector<400x1x32xf32>
    %squeeze3A_333 = vector.shape_cast %slice3A_332 : vector<400x1x32xf32> to vector<400x32xf32>
    %mul3A_334 = vector.broadcast %slice3A_331 : vector<400x1xf32> to vector<400x32xf32>
    %mul3A_335 = arith.mulf %mul3A_334, %squeeze3A_333 : vector<400x32xf32>
    %add3A_336 = arith.addf %add3A_330, %mul3A_335 : vector<400x32xf32>
    %slice3A_337 = vector.extract_strided_slice %div3A_316 {offsets = [0, 3], sizes = [400, 1], strides = [1, 1]} : vector<400x12xf32> to vector<400x1xf32>
    %slice3A_338 = vector.extract_strided_slice %stack3A_196 {offsets = [0, 3, 0], sizes = [400, 1, 32], strides = [1, 1, 1]} : vector<400x12x32xf32> to vector<400x1x32xf32>
    %squeeze3A_339 = vector.shape_cast %slice3A_338 : vector<400x1x32xf32> to vector<400x32xf32>
    %mul3A_340 = vector.broadcast %slice3A_337 : vector<400x1xf32> to vector<400x32xf32>
    %mul3A_341 = arith.mulf %mul3A_340, %squeeze3A_339 : vector<400x32xf32>
    %add3A_342 = arith.addf %add3A_336, %mul3A_341 : vector<400x32xf32>
    %slice3A_343 = vector.extract_strided_slice %div3A_316 {offsets = [0, 4], sizes = [400, 1], strides = [1, 1]} : vector<400x12xf32> to vector<400x1xf32>
    %slice3A_344 = vector.extract_strided_slice %stack3A_196 {offsets = [0, 4, 0], sizes = [400, 1, 32], strides = [1, 1, 1]} : vector<400x12x32xf32> to vector<400x1x32xf32>
    %squeeze3A_345 = vector.shape_cast %slice3A_344 : vector<400x1x32xf32> to vector<400x32xf32>
    %mul3A_346 = vector.broadcast %slice3A_343 : vector<400x1xf32> to vector<400x32xf32>
    %mul3A_347 = arith.mulf %mul3A_346, %squeeze3A_345 : vector<400x32xf32>
    %add3A_348 = arith.addf %add3A_342, %mul3A_347 : vector<400x32xf32>
    %slice3A_349 = vector.extract_strided_slice %div3A_316 {offsets = [0, 5], sizes = [400, 1], strides = [1, 1]} : vector<400x12xf32> to vector<400x1xf32>
    %slice3A_350 = vector.extract_strided_slice %stack3A_196 {offsets = [0, 5, 0], sizes = [400, 1, 32], strides = [1, 1, 1]} : vector<400x12x32xf32> to vector<400x1x32xf32>
    %squeeze3A_351 = vector.shape_cast %slice3A_350 : vector<400x1x32xf32> to vector<400x32xf32>
    %mul3A_352 = vector.broadcast %slice3A_349 : vector<400x1xf32> to vector<400x32xf32>
    %mul3A_353 = arith.mulf %mul3A_352, %squeeze3A_351 : vector<400x32xf32>
    %add3A_354 = arith.addf %add3A_348, %mul3A_353 : vector<400x32xf32>
    %slice3A_355 = vector.extract_strided_slice %div3A_316 {offsets = [0, 6], sizes = [400, 1], strides = [1, 1]} : vector<400x12xf32> to vector<400x1xf32>
    %slice3A_356 = vector.extract_strided_slice %stack3A_196 {offsets = [0, 6, 0], sizes = [400, 1, 32], strides = [1, 1, 1]} : vector<400x12x32xf32> to vector<400x1x32xf32>
    %squeeze3A_357 = vector.shape_cast %slice3A_356 : vector<400x1x32xf32> to vector<400x32xf32>
    %mul3A_358 = vector.broadcast %slice3A_355 : vector<400x1xf32> to vector<400x32xf32>
    %mul3A_359 = arith.mulf %mul3A_358, %squeeze3A_357 : vector<400x32xf32>
    %add3A_360 = arith.addf %add3A_354, %mul3A_359 : vector<400x32xf32>
    %slice3A_361 = vector.extract_strided_slice %div3A_316 {offsets = [0, 7], sizes = [400, 1], strides = [1, 1]} : vector<400x12xf32> to vector<400x1xf32>
    %slice3A_362 = vector.extract_strided_slice %stack3A_196 {offsets = [0, 7, 0], sizes = [400, 1, 32], strides = [1, 1, 1]} : vector<400x12x32xf32> to vector<400x1x32xf32>
    %squeeze3A_363 = vector.shape_cast %slice3A_362 : vector<400x1x32xf32> to vector<400x32xf32>
    %mul3A_364 = vector.broadcast %slice3A_361 : vector<400x1xf32> to vector<400x32xf32>
    %mul3A_365 = arith.mulf %mul3A_364, %squeeze3A_363 : vector<400x32xf32>
    %add3A_366 = arith.addf %add3A_360, %mul3A_365 : vector<400x32xf32>
    %slice3A_367 = vector.extract_strided_slice %div3A_316 {offsets = [0, 8], sizes = [400, 1], strides = [1, 1]} : vector<400x12xf32> to vector<400x1xf32>
    %slice3A_368 = vector.extract_strided_slice %stack3A_196 {offsets = [0, 8, 0], sizes = [400, 1, 32], strides = [1, 1, 1]} : vector<400x12x32xf32> to vector<400x1x32xf32>
    %squeeze3A_369 = vector.shape_cast %slice3A_368 : vector<400x1x32xf32> to vector<400x32xf32>
    %mul3A_370 = vector.broadcast %slice3A_367 : vector<400x1xf32> to vector<400x32xf32>
    %mul3A_371 = arith.mulf %mul3A_370, %squeeze3A_369 : vector<400x32xf32>
    %add3A_372 = arith.addf %add3A_366, %mul3A_371 : vector<400x32xf32>
    %slice3A_373 = vector.extract_strided_slice %div3A_316 {offsets = [0, 9], sizes = [400, 1], strides = [1, 1]} : vector<400x12xf32> to vector<400x1xf32>
    %slice3A_374 = vector.extract_strided_slice %stack3A_196 {offsets = [0, 9, 0], sizes = [400, 1, 32], strides = [1, 1, 1]} : vector<400x12x32xf32> to vector<400x1x32xf32>
    %squeeze3A_375 = vector.shape_cast %slice3A_374 : vector<400x1x32xf32> to vector<400x32xf32>
    %mul3A_376 = vector.broadcast %slice3A_373 : vector<400x1xf32> to vector<400x32xf32>
    %mul3A_377 = arith.mulf %mul3A_376, %squeeze3A_375 : vector<400x32xf32>
    %add3A_378 = arith.addf %add3A_372, %mul3A_377 : vector<400x32xf32>
    %slice3A_379 = vector.extract_strided_slice %div3A_316 {offsets = [0, 10], sizes = [400, 1], strides = [1, 1]} : vector<400x12xf32> to vector<400x1xf32>
    %slice3A_380 = vector.extract_strided_slice %stack3A_196 {offsets = [0, 10, 0], sizes = [400, 1, 32], strides = [1, 1, 1]} : vector<400x12x32xf32> to vector<400x1x32xf32>
    %squeeze3A_381 = vector.shape_cast %slice3A_380 : vector<400x1x32xf32> to vector<400x32xf32>
    %mul3A_382 = vector.broadcast %slice3A_379 : vector<400x1xf32> to vector<400x32xf32>
    %mul3A_383 = arith.mulf %mul3A_382, %squeeze3A_381 : vector<400x32xf32>
    %add3A_384 = arith.addf %add3A_378, %mul3A_383 : vector<400x32xf32>
    %slice3A_385 = vector.extract_strided_slice %div3A_316 {offsets = [0, 11], sizes = [400, 1], strides = [1, 1]} : vector<400x12xf32> to vector<400x1xf32>
    %slice3A_386 = vector.extract_strided_slice %stack3A_196 {offsets = [0, 11, 0], sizes = [400, 1, 32], strides = [1, 1, 1]} : vector<400x12x32xf32> to vector<400x1x32xf32>
    %squeeze3A_387 = vector.shape_cast %slice3A_386 : vector<400x1x32xf32> to vector<400x32xf32>
    %mul3A_388 = vector.broadcast %slice3A_385 : vector<400x1xf32> to vector<400x32xf32>
    %mul3A_389 = arith.mulf %mul3A_388, %squeeze3A_387 : vector<400x32xf32>
    %add3A_390 = arith.addf %add3A_384, %mul3A_389 : vector<400x32xf32>
    %get3A_391 = arith.constant 0 : index
    %get3A_392 = arith.constant 0 : index
    %get3A_393 = vector.load %arg3[%get3A_391, %get3A_392] : memref<400x128xf32, #tpu.memory_space<vmem>>, vector<400x128xf32>
    %concatenate3A = tpu.concatenate %get3A_393, %add3A_390 in 1 : vector<400x128xf32>, vector<400x32xf32> -> vector<400x160xf32>
    %swap3A = arith.constant 0 : index
    %swap3A_394 = arith.constant 0 : index
    %swap3A_395 = vector.load %arg4[%swap3A, %swap3A_394] : memref<400x160xf32, #tpu.memory_space<vmem>>, vector<400x160xf32>
    tpu.vector_store %arg4[%swap3A, %swap3A_394], %concatenate3A {strides = array<i32>} : memref<400x160xf32, #tpu.memory_space<vmem>>, vector<400x160xf32>,
    %reduce_sum3A_396 = arith.constant dense<0.000000e+00> : vector<12x12xf32>
    %reduce_sum3A_397 = vector.multi_reduction <add>, %div3A_311, %reduce_sum3A_396 [0] : vector<400x12x12xf32> to vector<12x12xf32>
    %mul3A_398 = arith.constant 9.99999974E-5 : f32
    %mul3A_399 = vector.broadcast %mul3A_398 : f32 to vector<12x12xf32>
    %mul3A_400 = arith.mulf %reduce_sum3A_397, %mul3A_399 : vector<12x12xf32>
    %eq3A = arith.constant 0 : i32
    %eq3A_401 = arith.cmpi eq, %arg0, %eq3A : i32
    %convert_element_type3A = arith.extui %eq3A_401 : i1 to i32
    %cond3A = arith.constant 0 : i32
    %cond3A_402 = arith.cmpi ne, %convert_element_type3A, %cond3A : i32
    scf.if %cond3A_402 {
      %swap3A_408 = arith.constant 0 : index
      %swap3A_409 = arith.constant 0 : index
      %swap3A_410 = vector.load %arg5[%swap3A_408, %swap3A_409] : memref<12x12xf32, #tpu.memory_space<vmem>>, vector<12x12xf32>
      tpu.vector_store %arg5[%swap3A_408, %swap3A_409], %mul3A_400 {strides = array<i32>} : memref<12x12xf32, #tpu.memory_space<vmem>>, vector<12x12xf32>,
    } else {
    }
    %gt3A_403 = arith.constant 0 : i32
    %gt3A_404 = arith.cmpi sgt, %arg0, %gt3A_403 : i32
    %convert_element_type3A_405 = arith.extui %gt3A_404 : i1 to i32
    %cond3A_406 = arith.constant 0 : i32
    %cond3A_407 = arith.cmpi ne, %convert_element_type3A_405, %cond3A_406 : i32
    scf.if %cond3A_407 {
      %get3A_408 = arith.constant 0 : index
      %get3A_409 = arith.constant 0 : index
      %get3A_410 = vector.load %arg5[%get3A_408, %get3A_409] : memref<12x12xf32, #tpu.memory_space<vmem>>, vector<12x12xf32>
      %add3A_411 = arith.addf %get3A_410, %mul3A_400 : vector<12x12xf32>
      %swap3A_412 = arith.constant 0 : index
      %swap3A_413 = arith.constant 0 : index
      %swap3A_414 = vector.load %arg5[%swap3A_412, %swap3A_413] : memref<12x12xf32, #tpu.memory_space<vmem>>, vector<12x12xf32>
      tpu.vector_store %arg5[%swap3A_412, %swap3A_413], %add3A_411 {strides = array<i32>} : memref<12x12xf32, #tpu.memory_space<vmem>>, vector<12x12xf32>,
    } else {
    }
    return
  }
  func.func @transform_0(%arg0: i32) -> (i32, i32, i32, i32) {
    %c0_i32 = arith.constant 0 : i32
    %c0_i32_0 = arith.constant 0 : i32
    %c0_i32_1 = arith.constant 0 : i32
    %c0_i32_2 = arith.constant 0 : i32
    return %c0_i32, %c0_i32_0, %arg0, %c0_i32_1 : i32, i32, i32, i32
  }
  func.func @transform_1(%arg0: i32) -> (i32, i32, i32, i32) {
    %c0_i32 = arith.constant 0 : i32
    %c0_i32_0 = arith.constant 0 : i32
    %c0_i32_1 = arith.constant 0 : i32
    %c0_i32_2 = arith.constant 0 : i32
    return %c0_i32, %c0_i32_0, %arg0, %c0_i32_1 : i32, i32, i32, i32
  }
  func.func @transform_2(%arg0: i32) -> (i32, i32) {
    %c0_i32 = arith.constant 0 : i32
    %c0_i32_0 = arith.constant 0 : i32
    return %arg0, %c0_i32 : i32, i32
  }
  func.func @transform_3(%arg0: i32) -> (i32, i32) {
    %c0_i32 = arith.constant 0 : i32
    %c0_i32_0 = arith.constant 0 : i32
    return %arg0, %c0_i32 : i32, i32
  }
  func.func @transform_4(%arg0: i32) -> (i32, i32) {
    %c0_i32 = arith.constant 0 : i32
    %c0_i32_0 = arith.constant 0 : i32
    %c0_i32_1 = arith.constant 0 : i32
    return %c0_i32, %c0_i32_0 : i32, i32
  }
}

</mosaic_0001>

<sc_bundles>
// kernel: kernel.6.cloned.1.call-start
scs
__scs_entry_jumppad:
0x0: {  	(pc) =	sbr.rel $0x88, $3  }
0x1: {  	(tag) =	ssettag $0x0;
	lr =	simm.s32 $0x1  }
0x2: {  	[smem:$0x3F9C] =	sst lr;
	_ =	strace $0xD0000000  }
0x3: {  	_ = 	snop  }
0x4: {  	_ = 	snop  }
0x5: {  	_ = 	snop  }
0x6: {  	_ = 	snop  }
0x7: {  	_ = 	snop  }
__scs_overlays_trampoline_lowered:
0x8: {  	[smem:$0x3FAB] =	sst s0  }
0x9: {  	[smem:$0x3FAC] =	sst s1  }
0xa: {  	[smem:$0x3FAD] =	sst s2  }
0xb: {  	[smem:$0x3FAE] =	sst s3  }
0xc: {  	[smem:$0x3FAF] =	sst s4  }
0xd: {  	[smem:$0x3FB0] =	sst s5  }
0xe: {  	[smem:$0x3FB1] =	sst s6  }
0xf: {  	[smem:$0x3FB2] =	sst s7  }
0x10: {  	[smem:$0x3FB3] =	sst s8  }
0x11: {  	[smem:$0x3FB4] =	sst s9;
	s0 =	simm.s32 @!p0 $0x0  }
0x12: {  	s1 =	sld [smem:$0x3F9A];
	s0 =	simm.s32 @p0 $0x1  }
0x13: {  	[smem:$0x3FB5] =	sst s0;
	s0 =	simm.s32 @!p1 $0x0  }
0x14: {  	s2 =	sld [smem:$0x3F99];
	s0 =	simm.s32 @p1 $0x1  }
0x15: {  	[smem:$0x3FB6] =	sst s0;
	s0 =	simm.s32 @!p2 $0x0  }
0x16: {  	s3 =	sld [smem:$0x3FDB];
	s0 =	simm.s32 @p2 $0x1  }
0x17: {  	s4 =	simm.s32 $0x1BF5;
	[smem:$0x3FB8] =	sst s0  }
0x18: {  	s0 =	sld [smem:$0x3F9B];
	_ =	swait.ge [sflag:s4], $0x0  }
0x19: {  	s7 =	sld [smem:$0x3F9C]  }
0x1a: {  	s8 =	sadd.s32 $0xFFFFE003, lr  }
0x1b: {  	s9 =	sadd.s32 $0xFFFFFEF7, lr;
	s5 =	simm.s32 $0xFFFFFFFF;
	p2 =	slt.u32 s8, $0xFFFFF086  }
0x1c: {  	p1 =	slt.u32 s9, $0xF7A;
	s5 =	simm.s32 @!p2 $0x0  }
0x1d: {  	s5 =	simm.s32 @p1 $0x1;
	p0 =	seq.s32 s7, s2  }
0x1e: {  	s7 =	smul.u32 @!p0 $0xF7A, s2;
	p2 =	seq.s32 @!p0 s5, $0x0  }
0x1f: {  	s9 =	smul.u32 $0xF7A, s1;
	s8 =	simm.s32 @!p0 $0x1BF5;
	p2 =	por !p2, p0  }
0x20: {  	[sflag:s8] =	ssyncset.s32 @!p0 $0xFFFFF086;
	s6 =	sadd.s32 @!p0 s3, s7;
	s7 =	simm.s32 @!p0 $0x108  }
0x21: {  	s3 =	sadd.s32 s3, s9;
	s6 =	sadd.s32 @!p0 $0x88, s6;
	s7 =	simm.s32 @p2 $0x1082  }
0x22: {  	[simem:s7], [sflag:s8] =	dma.local @!p0 [hbm:s6], $0xF7A  }
0x23: {  	s9 =	sor.u32 $0xD0000000, s2;
	s6 =	simm.s32 $0x108;
	_ =	swait.ge @!p0 [sflag:s8], $0x0  }
0x24: {  	s3 =	sadd.s32 $0x88, s3;
	s6 =	simm.s32 @!p1 $0x1082;
	[sflag:s4] =	ssyncset.s32 $0xFFFFF086  }
0x25: {  	[simem:s6], [sflag:s4] =	dma.local [hbm:s3], $0xF7A  }
0x26: {  	[smem:$0x3F9C] =	sst s1;
	(tag) =	ssettag s2;
	_ =	strace s9  }
0x27: {  	s1 =	sld [smem:$0x3FAC]  }
0x28: {  	s2 =	sld [smem:$0x3FAD]  }
0x29: {  	s4 =	sld [smem:$0x3FAF]  }
0x2a: {  	p0 =	seq.s32 s5, $0x0;
	s5 =	sld [smem:$0x3FB0]  }
0x2b: {  	s6 =	sld [smem:$0x3FB1]  }
0x2c: {  	s7 =	sld [smem:$0x3FB2]  }
0x2d: {  	s3 =	simm.s32 $0x108;
	s8 =	sld [smem:$0x3FB3]  }
0x2e: {  	s3 =	simm.s32 @!p0 $0x1082;
	s9 =	sld [smem:$0x3FB4]  }
0x2f: {  	lr =	sadd.s32 s0, s3;
	s0 =	sld [smem:$0x3FAB]  }
0x30: {  	s3 =	sld [smem:$0x3FAE]  }
0x31: {  	[smem:$0x3FB7] =	sst s10  }
0x32: {  	s10 =	sld [smem:$0x3FB5];
	_ =	sdelay $0x3  }
0x33: {  	p0 =	seq.s32 s10, $0x1;
	s10 =	sld [smem:$0x3FB7];
	_ =	sdelay $0x3  }
0x34: {  	[smem:$0x3FB7] =	sst s10  }
0x35: {  	s10 =	sld [smem:$0x3FB6];
	_ =	sdelay $0x3  }
0x36: {  	p1 =	seq.s32 s10, $0x1;
	s10 =	sld [smem:$0x3FB7];
	_ =	sdelay $0x3  }
0x37: {  	[smem:$0x3FB7] =	sst s10  }
0x38: {  	s10 =	sld [smem:$0x3FB8]  }
0x39: {  	_ = 	snop;
	(pc) =	sbr.ind lr, $3  }
0x3a: {  	_ = 	snop  }
0x3b: {  	_ = 	snop  }
0x3c: {  	p2 =	seq.s32 s10, $0x1;
	s10 =	sld [smem:$0x3FB7]  }
0x3d: {  	_ =	shalt  }
0x3e: {  	_ =	shalt  }
0x3f: {  	_ =	shalt  }
0x40: {  	_ =	shalt  }
0x41: {  	_ =	shalt  }
0x42: {  	_ =	shalt  }
0x43: {  	_ =	shalt  }
0x44: {  	_ =	shalt  }
0x45: {  	_ =	shalt  }
0x46: {  	_ =	shalt  }
0x47: {  	_ =	shalt  }
0x48: {  	_ =	shalt  }
0x49: {  	_ =	shalt  }
0x4a: {  	_ =	shalt  }
0x4b: {  	_ =	shalt  }
0x4c: {  	_ =	shalt  }
0x4d: {  	_ =	shalt  }
0x4e: {  	_ =	shalt  }
0x4f: {  	_ =	shalt  }
0x50: {  	_ =	shalt  }
0x51: {  	_ =	shalt  }
0x52: {  	_ =	shalt  }
0x53: {  	_ =	shalt  }
0x54: {  	_ =	shalt  }
0x55: {  	_ =	shalt  }
0x56: {  	_ =	shalt  }
0x57: {  	_ =	shalt  }
0x58: {  	_ =	shalt  }
0x59: {  	_ =	shalt  }
0x5a: {  	_ =	shalt  }
0x5b: {  	_ =	shalt  }
0x5c: {  	_ =	shalt  }
0x5d: {  	_ =	shalt  }
0x5e: {  	_ =	shalt  }
0x5f: {  	_ =	shalt  }
0x60: {  	_ =	shalt  }
0x61: {  	_ =	shalt  }
0x62: {  	_ =	shalt  }
0x63: {  	_ =	shalt  }
0x64: {  	_ =	shalt  }
0x65: {  	_ =	shalt  }
0x66: {  	_ =	shalt  }
0x67: {  	_ =	shalt  }
0x68: {  	_ =	shalt  }
0x69: {  	_ =	shalt  }
0x6a: {  	_ =	shalt  }
0x6b: {  	_ =	shalt  }
0x6c: {  	_ =	shalt  }
0x6d: {  	_ =	shalt  }
0x6e: {  	_ =	shalt  }
0x6f: {  	_ =	shalt  }
0x70: {  	_ =	shalt  }
0x71: {  	_ =	shalt  }
0x72: {  	_ =	shalt  }
0x73: {  	_ =	shalt  }
0x74: {  	_ =	shalt  }
0x75: {  	_ =	shalt  }
0x76: {  	_ =	shalt  }
0x77: {  	_ =	shalt  }
0x78: {  	_ =	shalt  }
0x79: {  	_ =	shalt  }
0x7a: {  	_ =	shalt  }
0x7b: {  	_ =	shalt  }
0x7c: {  	_ =	shalt  }
0x7d: {  	_ =	shalt  }
0x7e: {  	_ =	shalt  }
0x7f: {  	_ =	shalt  }
0x80: {  	_ =	shalt  }
0x81: {  	_ =	shalt  }
0x82: {  	_ =	shalt  }
0x83: {  	_ =	shalt  }
0x84: {  	_ =	shalt  }
0x85: {  	_ =	shalt  }
0x86: {  	_ =	shalt  }
0x87: {  	_ =	shalt  }
.Lfunc_end0:
.L_simem_size_0:
called_computation_lowered:
.L_overlay_start_0:
0x88: {  	s2 =	sld [smem:$0x3FD9]  }
0x89: {  	s3 =	sld [smem:$0x3FFE];
	_ =	sdelay $0x1  }
0x8a: {  	s1 =	srdreg.scid  }
0x8b: {  	s0 =	sand.u32 $0x1, s1  }
0x8c: {  	s14 =	sshll.u32 s0, $0xA;
	s2 =	sadd.s32 s3, s2  }
0x8d: {  	s2 =	sadd.s32 s2, s14  }
0x8e: {  	[smem:$0x3FC3] =	sst s2  }
0x8f: {  	_ = 	snop  }
0x90: {  	s2 =	sld [smem:$0x3FD0];
	_ =	sdelay $0x2  }
0x91: {  	s15 =	simm.s32 $0xA;
	s4 =	simm.s32 $0x10  }
0x92: {  	[smem:s4], [sflag:s15] =	dma.local [hbm:s2], $0x1  }
0x93: {  	_ =	swait.eq [sflag:s15], $0x1  }
0x94: {  	[sflag:s15] =	ssyncset.done $0x0  }
0x95: {  	[sflag:s15] =	ssyncadd.s32 $0xFFFFFFFF  }
0x96: {  	s16 =	sld [smem:$0x10];
	(tm) =	ssettm $0x1  }
0x97: {  	s17 =	sld [smem:$0x3FFB];
	_ =	sdelay $0x3  }
0x98: {  	_ =	strace s17  }
0x99: {  	s3 =	sld [smem:$0x3FFC];
	_ =	sdelay $0x3  }
0x9a: {  	_ =	strace s3  }
0x9b: {  	s3 =	sld [smem:$0x3FFD];
	_ =	sdelay $0x3  }
0x9c: {  	_ =	strace s3  }
0x9d: {  	_ =	strace $0x8FFFFFFF  }
0x9e: {  	s18 =	sld [smem:$0x3FDB];
	_ =	sdelay $0x1  }
0x9f: {  	s19 =	simm.s32 $_scs_section_size  }
0xa0: {  	s5 =	simm.s32 $_size__tile_overlayer_lowered;
	s6 =	simm.s32 $_tile_overlayer_lowered  }
0xa1: {  	s22 =	simm.s32 $0x1BFF;
	s21 =	sshll.u32 s6, $0x1;
	s3 =	sadd.s32 s19, s18  }
0xa2: {  	s7 =	simm.s32 $0x0;
	s20 =	sshll.u32 s5, $0x1;
	s5 =	sadd.s32 s21, s3  }
0xa3: {  	[timem:s7], [sflag:s22] =	dma.local [hbm:s5], s20  }
0xa4: {  	_ =	swait.ge [sflag:s22], s20  }
0xa5: {  	s4 =	ssub.s32 $0x0, s20;
	[sflag:s22] =	ssyncset.done $0x0  }
0xa6: {  	[sflag:s22] =	ssyncadd.s32 s4;
	_ =	sdelay $0x1  }
0xa7: {  	s23 =	simm.s32 $0x1B8B  }
0xa8: {  	_ =	swait.ge [sflag:s23], $0x1  }
0xa9: {  	[sflag:s23] =	ssyncset.done $0x0  }
0xaa: {  	s25 =	simm.s32 $0x1B8E;
	s24 =	sld [smem:$0x3FFE];
	[sflag:s23] =	ssyncadd.s32 $0xFFFFFFFF  }
0xab: {  	s26 =	simm.s32 $execute0_lowered;
	[smem:$0x3FD2] =	sst s25  }
0xac: {  	s5 =	sshll.u32 s26, $0x1;
	_ =	strace $0x80000046;
	[dreg:$0x1] =	wrdreg $0xFFFFFFFF  }
0xad: {  	s28 =	simm.s32 $_size_execute0_lowered;
	s3 =	sadd.s32 s3, s5;
	[dreg:$0x0] =	wrdreg $0x0  }
0xae: {  	s5 =	sshll.u32 s28, $0x1;
	[dreg:$0x2] =	wrdreg s3  }
0xaf: {  	[dreg:$0x3] =	wrdreg s5  }
0xb0: {  	[dreg:$0x4] =	wrdreg $0xC0  }
0xb1: {  	_ =	task [dreg:s7], $0x5FFFF  }
0xb2: {  	[dreg:$0x1] =	wrdreg $0xFFFFFFFF  }
0xb3: {  	[dreg:$0x0] =	wrdreg $0x60  }
0xb4: {  	[dreg:$0x2] =	wrdreg s16  }
0xb5: {  	[dreg:$0x3] =	wrdreg s24  }
0xb6: {  	[dreg:$0x4] =	wrdreg $0x85800  }
0xb7: {  	[dreg:$0x5] =	wrdreg $0x9  }
0xb8: {  	_ =	task.clear_ibuf [dreg:s7], $0x6FFFF;
	_ =	strace $0x90000046  }
0xb9: {  	s29 =	simm.s32 $0x9;
	_ =	strace $0x80000048  }
0xba: {  	_ =	swait.ge [sflag:s29], $0x1  }
0xbb: {  	[sflag:s29] =	ssyncadd.s32 $0xFFFFFFFF  }
0xbc: {  	_ =	strace $0x90000048  }
0xbd: {  	_ =	sfence  }
0xbe: {  	s30 =	sld [smem:$0x0];
	_ =	sdelay $0x2  }
0xbf: {  	s31 =	sshll.u32 s1, $0xD;
	s1 =	sshrl.u32 s1, $0x2  }
0xc0: {  	s3 =	sand.u32 $0x4000, s31;
	s1 =	sadd.s32 s1, s30  }
0xc1: {  	s0 =	sor.u32 s3, s0;
	s1 =	sshll.u32 s1, $0x11  }
0xc2: {  	s0 =	sor.u32 s1, s0  }
0xc3: {  	s0 =	sadd.s32 $0x8F2B, s0  }
0xc4: {  	[sflag:s0] =	ssyncadd.remote.s32 $0x1  }
0xc5: {  	_ =	sfence.sel $0xFFFF  }
0xc6: {  	[dreg:$0x0] =	wrdreg $0xFFFFFFFF;
	(pc) =	sbr.abs _section_cstart, $3  }
0xc7: {  	[dreg:$0x1] =	wrdreg $0xFFFFFFFF  }
0xc8: {  	_ =	task.clear_ibuf [dreg:s7], $0x2FFFF;
	_ =	strace $0x9FFFFFFF  }
0xc9: {  	(tm) =	ssettm $0x7FFFFFFF  }
tec
execute0_lowered:
.L_overlay_start_1:
0x0: {  	(tag) =	ssettag $0x1  }
0x1: {  	s0 =	srdreg.scid;
	s22 =	stileid.u32  }
0x2: {  	s4 =	rddreg [dreg:$0x1];
	s1 =	simm.s32 $0x0;
	s6 =	sand.u32 $0x1, s0  }
0x3: {  	s0 =	smul.u32 $0x14000, s22;
	[smem:$0x7FF] =	sst s1;
	s7 =	sadd.s32 $0xA9AE00, s4  }
0x4: {  	s9 =	smul.u32 $0x3A9800, s6;
	s3 =	ssub.s32 $0x2, s6;
	s6 =	sshll.u32 s6, $0x4  }
0x5: {  	s2 =	sadd.s32 $0xC000, s0;
	s8 =	sshrl.u32 s3, $0x1;
	s11 =	sadd.s32 $0x12800, s0  }
0x6: {  	s14 =	sor.u32 $0x2000, s0;
	s15 =	sadd.s32 $0x4000, s0;
	s5 =	sadd.s32 s9, s2  }
0x7: {  	s21 =	sadd.s32 s9, s11;
	s16 =	sadd.s32 s9, s15;
	s10 =	sshrl.u32 s5, $0x3  }
0x8: {  	s5 =	ssub.s32 s3, s8;
	s8 =	sadd.s32 $0x138800, s9;
	s3 =	sadd.s32 $0x271000, s9  }
0x9: {  	s23 =	sadd.s32 s7, s10;
	s10 =	sshrl.u32 s21, $0x3;
	s12 =	sadd.s32 s11, s8  }
0xa: {  	s13 =	sadd.s32 s11, s3;
	s10 =	sadd.s32 s7, s10;
	s24 =	sshrl.u32 s12, $0x3  }
0xb: {  	s25 =	sshrl.u32 s13, $0x3;
	[dreg:$0x5] =	wrdreg s10;
	s10 =	sadd.s32 s7, s24  }
0xc: {  	s12 =	sadd.s32 s9, s0;
	s26 =	sadd.s32 s7, s25;
	[dreg:$0x6] =	wrdreg s10  }
0xd: {  	s13 =	sadd.s32 s9, s14;
	[dreg:$0x7] =	wrdreg s26;
	s10 =	sshrl.u32 s12, $0x3  }
0xe: {  	s12 =	sshrl.u32 s16, $0x3;
	s16 =	sadd.s32 $0x6000, s0;
	s10 =	sadd.s32 s7, s10  }
0xf: {  	s26 =	sadd.s32 s0, s8;
	s17 =	sadd.s32 s7, s12;
	[dreg:$0x8] =	wrdreg s10  }
0x10: {  	s18 =	sadd.s32 s9, s16;
	s10 =	sshrl.u32 s13, $0x3;
	[dreg:$0xa] =	wrdreg s17  }
0x11: {  	s17 =	sadd.s32 $0x8000, s0;
	s13 =	sadd.s32 s15, s8;
	s10 =	sadd.s32 s7, s10  }
0x12: {  	[dreg:$0x9] =	wrdreg s10;
	s10 =	sshrl.u32 s18, $0x3;
	s18 =	sadd.s32 $0xA000, s0  }
0x13: {  	s19 =	sadd.s32 s9, s17;
	s10 =	sadd.s32 s7, s10;
	s20 =	sadd.s32 s9, s18  }
0x14: {  	[dreg:$0xb] =	wrdreg s10;
	s10 =	sshrl.u32 s19, $0x3;
	s12 =	sshrl.u32 s20, $0x3  }
0x15: {  	s19 =	sadd.s32 $0xC800, s0;
	s20 =	sadd.s32 $0xE800, s0;
	s10 =	sadd.s32 s7, s10  }
0x16: {  	s21 =	sadd.s32 s7, s12;
	s24 =	sadd.s32 s9, s19;
	[dreg:$0xc] =	wrdreg s10  }
0x17: {  	s25 =	sadd.s32 s9, s20;
	s12 =	sadd.s32 s14, s8;
	[dreg:$0xd] =	wrdreg s21  }
0x18: {  	s10 =	sshrl.u32 s24, $0x3;
	s21 =	sadd.s32 $0x10800, s0;
	s0 =	sadd.s32 s0, s3  }
0x19: {  	s10 =	sadd.s32 s7, s10;
	s9 =	sadd.s32 s9, s21;
	s0 =	sshrl.u32 s0, $0x3  }
0x1a: {  	[dreg:$0xe] =	wrdreg s10;
	s10 =	sshrl.u32 s25, $0x3;
	s0 =	sadd.s32 s7, s0  }
0x1b: {  	s9 =	sshrl.u32 s9, $0x3;
	s10 =	sadd.s32 s7, s10;
	[dreg:$0x1a] =	wrdreg s0  }
0x1c: {  	s24 =	sadd.s32 s16, s8;
	s9 =	sadd.s32 s7, s9;
	[dreg:$0xf] =	wrdreg s10  }
0x1d: {  	[dreg:$0x10] =	wrdreg s9;
	s10 =	sshrl.u32 s26, $0x3;
	s26 =	sshrl.u32 s24, $0x3  }
0x1e: {  	s9 =	sadd.s32 s7, s10;
	s10 =	sshrl.u32 s13, $0x3;
	s13 =	sadd.s32 s19, s8  }
0x1f: {  	[dreg:$0x11] =	wrdreg s9;
	s9 =	sshrl.u32 s12, $0x3;
	s25 =	sadd.s32 s7, s10  }
0x20: {  	s10 =	sadd.s32 s17, s8;
	s9 =	sadd.s32 s7, s9;
	[dreg:$0x13] =	wrdreg s25  }
0x21: {  	s12 =	sadd.s32 s18, s8;
	[dreg:$0x12] =	wrdreg s9;
	s9 =	sadd.s32 s7, s26  }
0x22: {  	s26 =	sadd.s32 s20, s8;
	[dreg:$0x14] =	wrdreg s9;
	s9 =	sshrl.u32 s10, $0x3  }
0x23: {  	s8 =	sadd.s32 s21, s8;
	s10 =	sshrl.u32 s12, $0x3;
	s9 =	sadd.s32 s7, s9  }
0x24: {  	s8 =	sshrl.u32 s8, $0x3;
	s24 =	sadd.s32 s7, s10;
	[dreg:$0x15] =	wrdreg s9  }
0x25: {  	s25 =	sshrl.u32 s13, $0x3;
	s8 =	sadd.s32 s7, s8;
	[dreg:$0x16] =	wrdreg s24  }
0x26: {  	s10 =	sadd.s32 s16, s3;
	s9 =	sadd.s32 s7, s25;
	[dreg:$0x19] =	wrdreg s8  }
0x27: {  	s8 =	sadd.s32 s14, s3;
	s13 =	sshrl.u32 s10, $0x3;
	s24 =	sadd.s32 s17, s3  }
0x28: {  	s25 =	sadd.s32 s18, s3;
	[dreg:$0x17] =	wrdreg s9;
	s9 =	sshrl.u32 s26, $0x3  }
0x29: {  	s0 =	sshrl.u32 s8, $0x3;
	s26 =	sadd.s32 s19, s3;
	s9 =	sadd.s32 s7, s9  }
0x2a: {  	s0 =	sadd.s32 s7, s0;
	[dreg:$0x18] =	wrdreg s9;
	s9 =	sadd.s32 s15, s3  }
0x2b: {  	[dreg:$0x1b] =	wrdreg s0;
	s0 =	sadd.s32 s7, s13;
	s13 =	sadd.s32 s20, s3  }
0x2c: {  	s8 =	sshrl.u32 s9, $0x3;
	[dreg:$0x1d] =	wrdreg s0;
	s0 =	sshrl.u32 s24, $0x3  }
0x2d: {  	s24 =	sadd.s32 s21, s3;
	s3 =	rddreg [dreg:$0x2];
	s9 =	sadd.s32 $0x50600, s4  }
0x2e: {  	s12 =	sadd.s32 s7, s8;
	s8 =	sshrl.u32 s25, $0x3;
	s0 =	sadd.s32 s7, s0  }
0x2f: {  	s25 =	sshrl.u32 s24, $0x3;
	s24 =	smul.u32 $0x50000, s22;
	[dreg:$0x1c] =	wrdreg s12  }
0x30: {  	[dreg:$0x1e] =	wrdreg s0;
	s10 =	sadd.s32 s7, s8;
	s12 =	sshrl.u32 s26, $0x3  }
0x31: {  	s2 =	sadd.s32 s2, s3;
	[dreg:$0x1f] =	wrdreg s10;
	s0 =	sadd.s32 s7, s12  }
0x32: {  	s8 =	sshrl.u32 s13, $0x3;
	s26 =	sor.u32 s22, s6;
	[smem:$0x7EB] =	sst s0  }
0x33: {  	s6 =	sadd.s32 $0x29600, s4;
	s8 =	sadd.s32 s7, s8;
	s0 =	rddreg [dreg:$0x0]  }
0x34: {  	s7 =	sadd.s32 s7, s25;
	s10 =	sadd.s32 $0x13AE00, s4;
	[smem:$0x7EC] =	sst s8  }
0x35: {  	s25 =	sshrl.u32 s24, $0x2;
	s24 =	smul.u32 $0x3400, s26;
	[smem:$0x7ED] =	sst s7  }
0x36: {  	s7 =	sadd.s32 $0x2600, s4;
	s8 =	sadd.s32 $0xC5A00, s4;
	s4 =	smul.u32 $0xC8000, s26  }
0x37: {  	s26 =	sadd.s32 s11, s3;
	_ =	strace $0x80000047;
	[smem:$0x7EE] =	sst s2  }
0x38: {  	s5 =	smax.u32 s5, $0x1;
	[smem:$0x7EF] =	sst s26  }
0x39: {  	s11 =	sadd.s32 s14, s3;
	[smem:$0x7F0] =	sst s5  }
0x3a: {  	s13 =	sadd.s32 s15, s3;
	[smem:$0x7F1] =	sst s11  }
0x3b: {  	s14 =	sadd.s32 s16, s3;
	[smem:$0x7F2] =	sst s13  }
0x3c: {  	s15 =	sadd.s32 s17, s3;
	[smem:$0x7F3] =	sst s14  }
0x3d: {  	s16 =	sadd.s32 s18, s3;
	[smem:$0x7F4] =	sst s15  }
0x3e: {  	s31 =	simm.s32 $0x8180;
	s17 =	sadd.s32 s19, s3;
	[smem:$0x7F5] =	sst s16  }
0x3f: {  	s30 =	simm.s32 $0x2;
	s18 =	sadd.s32 s20, s3;
	[smem:$0x7F6] =	sst s17  }
0x40: {  	p0 =	seq.s32 s22, $0xF;
	s19 =	sadd.s32 s21, s3;
	[smem:$0x7F7] =	sst s18  }
0x41: {  	s22 =	sadd.s32 $0x27100, s23;
	s12 =	sadd.s32 s25, s3;
	[smem:$0x7F8] =	sst s19  }
0x42: {  	s20 =	sadd.s32 $0x68000, s24;
	[smem:$0x7FB] =	sst s22;
	s25 =	smov.u32 s24  }
0x43: {  	s24 =	sadd.s32 $0xD0000, s24;
	[dreg:$0x4] =	wrdreg s23;
	s26 =	sadd.s32 $0x4E200, s23  }
0x44: {  	v0 =	vimm.s32 $0x3210FEDC;
	v1 =	vimm.s32 $0xBA987654;
	s5 =	simm.s32 $0x100;
	s16 =	simm.s32 $0x80;
	s14 =	simm.s32 $0x3  }
0x45: {  	v0 =	vunpack.c.l.s4.s8 v0;
	v1 =	vunpack.c.l.s4.s8 v1;
	s15 =	simm.s32 $0x40;
	s17 =	simm.s32 $0x180;
	s18 =	simm.s32 $0x2180  }
0x46: {  	s19 =	simm.s32 $0x4180;
	s13 =	simm.s32 $0x0;
	[smem:$0x7F9] =	sst s20  }
0x47: {  	v2 =	vunpack.c.0.s8.s32 v0;
	v1 =	vunpack.c.0.s8.s32 v1;
	s21 =	sadd.s32 $0x1900000, s4;
	[smem:$0x7FC] =	sst s24;
	s28 =	smov.u32 s4  }
0x48: {  	v3 =	vimm.s32 $0x1;
	v4 =	vimm.s32 $0x2;
	v5 =	vimm.s32 $0x3;
	s29 =	sadd.s32 $0x3200000, s4;
	[smem:$0x7FD] =	sst s26;
	s4 =	simm.s32 $0x4  }
0x49: {  	v0 =	vimm.f32 $0.0e+00;
	v1 =	vcombine.low v1, v2;
	v2 =	vimm.s32 $0x0;
	s26 =	simm.s32 $0x1;
	s20 =	simm.s32 $0x6180;
	[smem:$0x7FA] =	sst s21  }
.LBB2_1:
0x4a: {  	[tilespmem:$0x8180] =	vst v0  }
0x4b: {  	[tilespmem:$0x8190] =	vst v0  }
0x4c: {  	[tilespmem:$0x81A0] =	vst v0  }
0x4d: {  	[tilespmem:$0x81B0] =	vst v0  }
0x4e: {  	[tilespmem:$0x81C0] =	vst v0  }
0x4f: {  	[tilespmem:$0x81D0] =	vst v0  }
0x50: {  	[tilespmem:$0x81E0] =	vst v0  }
0x51: {  	[tilespmem:$0x81F0] =	vst v0  }
0x52: {  	[tilespmem:$0x8200] =	vst v0  }
0x53: {  	[tilespmem:$0x8210] =	vst v0  }
0x54: {  	[tilespmem:$0x8220] =	vst v0  }
0x55: {  	[tilespmem:$0x8230] =	vst v0  }
0x56: {  	[tilespmem:$0x8240] =	vst v0  }
0x57: {  	[tilespmem:$0x8250] =	vst v0  }
0x58: {  	[tilespmem:$0x8260] =	vst v0  }
0x59: {  	[tilespmem:$0x8270] =	vst v0  }
0x5a: {  	[tilespmem:$0x8280] =	vst v0  }
0x5b: {  	[tilespmem:$0x8290] =	vst v0  }
0x5c: {  	[tilespmem:$0x82A0] =	vst v0  }
0x5d: {  	[tilespmem:$0x82B0] =	vst v0  }
0x5e: {  	[tilespmem:$0x82C0] =	vst v0  }
0x5f: {  	[tilespmem:$0x82D0] =	vst v0  }
0x60: {  	[tilespmem:$0x82E0] =	vst v0  }
0x61: {  	[tilespmem:$0x82F0] =	vst v0  }
0x62: {  	[tilespmem:$0x8300] =	vst v0  }
0x63: {  	[tilespmem:$0x8310] =	vst v0  }
0x64: {  	[tilespmem:$0x8320] =	vst v0  }
0x65: {  	[tilespmem:$0x8330] =	vst v0  }
0x66: {  	[tilespmem:$0x8340] =	vst v0  }
0x67: {  	[tilespmem:$0x8350] =	vst v0  }
0x68: {  	[tilespmem:$0x8360] =	vst v0  }
0x69: {  	[tilespmem:$0x8370] =	vst v0  }
0x6a: {  	[tilespmem:$0x8380] =	vst v0  }
0x6b: {  	[tilespmem:$0x8390] =	vst v0  }
0x6c: {  	[tilespmem:$0x83A0] =	vst v0  }
0x6d: {  	[tilespmem:$0x83B0] =	vst v0  }
0x6e: {  	[tilespmem:$0x83C0] =	vst v0  }
0x6f: {  	[tilespmem:$0x83D0] =	vst v0  }
0x70: {  	[tilespmem:$0x83E0] =	vst v0  }
0x71: {  	[tilespmem:$0x83F0] =	vst v0  }
0x72: {  	[tilespmem:$0x8400] =	vst v0  }
0x73: {  	[tilespmem:$0x8410] =	vst v0  }
0x74: {  	[tilespmem:$0x8420] =	vst v0  }
0x75: {  	[tilespmem:$0x8430] =	vst v0  }
0x76: {  	[tilespmem:$0x8440] =	vst v0  }
0x77: {  	[tilespmem:$0x8450] =	vst v0  }
0x78: {  	[tilespmem:$0x8460] =	vst v0  }
0x79: {  	[tilespmem:$0x8470] =	vst v0  }
0x7a: {  	[tilespmem:$0x8480] =	vst v0  }
0x7b: {  	[tilespmem:$0x8490] =	vst v0  }
0x7c: {  	[tilespmem:$0x84A0] =	vst v0  }
0x7d: {  	[tilespmem:$0x84B0] =	vst v0  }
0x7e: {  	[tilespmem:$0x84C0] =	vst v0  }
0x7f: {  	[tilespmem:$0x84D0] =	vst v0  }
0x80: {  	[tilespmem:$0x84E0] =	vst v0  }
0x81: {  	[tilespmem:$0x84F0] =	vst v0  }
0x82: {  	[tilespmem:$0x8500] =	vst v0  }
0x83: {  	[tilespmem:$0x8510] =	vst v0  }
0x84: {  	[tilespmem:$0x8520] =	vst v0  }
0x85: {  	[tilespmem:$0x8530] =	vst v0  }
0x86: {  	[tilespmem:$0x8540] =	vst v0  }
0x87: {  	[tilespmem:$0x8550] =	vst v0  }
0x88: {  	[tilespmem:$0x8560] =	vst v0  }
0x89: {  	[smem:$0x7EA] =	sst s13;
	[tilespmem:$0x8570] =	vst v0;
	s2 =	sadd.s32 $0x0, s12  }
0x8a: {  	[spmem:s2] =	stream.linear.scatter [tilespmem:s31], [sflag:$0x4], $0x400, $0x38;
	[tilespmem:$0x1C580] =	vst v63  }
0x8b: {  	s2 =	simm.s32 $0x1000;
	_ =	swait.ge [sflag:s4], $0x400  }
.LBB2_2:
0x8c: {  	s11 =	sshra.s32 s2, $0x2;
	[sflag:s4] =	ssyncset.done $0x0;
	p1 =	sne.s32 s2, $0x4F000  }
.Ltmp0:
0x8d: {  	s11 =	sadd.s32 s11, s12;
	[sflag:s4] =	ssyncadd.s32 $0xFFFFFC00;
	(pc) =	sbr.rel @p1 .LBB2_2-.Ltmp0, $3  }
0x8e: {  	[spmem:s11] =	stream.linear.scatter [tilespmem:s31], [sflag:$0x4], $0x400, $0x38;
	[tilespmem:$0x1C580] =	vst v63  }
0x8f: {  	s2 =	sadd.s32 $0x1000, s2;
	_ =	sdelay $0x1  }
0x90: {  	_ =	swait.ge [sflag:s4], $0x400  }
0x91: {  	[sflag:s4] =	ssyncset.done $0x0  }
0x92: {  	[sflag:s4] =	ssyncadd.s32 $0xFFFFFC00  }
0x93: {  	s22 =	simm.s32 $0x0;
	s2 =	simm.s32 $0x0;
	[bflag:$0x0] =	sbarrier.arrive $0xFFFF  }
.LBB2_4:
0x94: {  	s11 =	sshll.u32 s2, $0x7  }
0x95: {  	s13 =	sand.u32 $0x3C00, s11  }
0x96: {  	s11 =	sand.u32 $0x380, s11;
	s13 =	sadd.s32 s25, s13  }
0x97: {  	s11 =	sor.u32 s11, s13  }
0x98: {  	s11 =	sshrl.u32 s11, $0x3  }
0x99: {  	s23 =	sadd.s32 s0, s11  }
0x9a: {  	[tilespmem:s22], [sflag:$0x1] =	stream.linear.gather [hbm4b:s23+s22], $0x80, $0x38;
	[tilespmem:$0x1C580] =	vst v63  }
0x9b: {  	s24 =	sadd.s32 s6, s11  }
0x9c: {  	[tilespmem:s5], [sflag:$0x2] =	stream.linear.gather [hbm4b:s24+s22], $0x80, $0x38;
	[tilespmem:$0x1C580] =	vst v63  }
0x9d: {  	s11 =	sadd.s32 s7, s11  }
0x9e: {  	[tilespmem:s16], [sflag:$0x3] =	stream.linear.gather [hbm4b:s11+s22], $0x80, $0x38;
	[tilespmem:$0x1C580] =	vst v63  }
0x9f: {  	_ =	swait.ge [sflag:s26], $0x80  }
0xa0: {  	[sflag:s26] =	ssyncset.done $0x0  }
0xa1: {  	[sflag:s26] =	ssyncadd.s32 $0xFFFFFF80  }
0xa2: {  	_ =	swait.ge [sflag:s30], $0x80  }
0xa3: {  	[sflag:s30] =	ssyncset.done $0x0  }
0xa4: {  	[sflag:s30] =	ssyncadd.s32 $0xFFFFFF80  }
0xa5: {  	_ =	swait.ge [sflag:s14], $0x80  }
0xa6: {  	[sflag:s14] =	ssyncset.done $0x0  }
0xa7: {  	[sflag:s14] =	ssyncadd.s32 $0xFFFFFF80  }
0xa8: {  	[tilespmem:s17], [sflag:$0x1] =	stream.indirect.gather [hbm4b:s8+s15], $0x80, s22, s15, $0xb8;
	[tilespmem:$0x1C580] =	vst v63  }
0xa9: {  	_ = 	snop  }
0xaa: {  	[tilespmem:s18], [sflag:$0x2] =	stream.indirect.gather [hbm4b:s9+s15], $0x80, s22, s15, $0xb8;
	[tilespmem:$0x1C580] =	vst v63  }
0xab: {  	_ = 	snop  }
0xac: {  	[tilespmem:s19], [sflag:$0x3] =	stream.indirect.gather [hbm4b:s9+s15], $0x80, s5, s15, $0xb8;
	[tilespmem:$0x1C580] =	vst v63  }
0xad: {  	_ =	swait.ge [sflag:s26], $0x2000  }
0xae: {  	[sflag:s26] =	ssyncset.done $0x0  }
0xaf: {  	[sflag:s26] =	ssyncadd.s32 $0xFFFFE000  }
0xb0: {  	_ =	swait.ge [sflag:s30], $0x2000  }
0xb1: {  	[sflag:s30] =	ssyncset.done $0x0  }
0xb2: {  	[sflag:s30] =	ssyncadd.s32 $0xFFFFE000  }
0xb3: {  	_ =	swait.ge [sflag:s14], $0x2000  }
0xb4: {  	[sflag:s14] =	ssyncset.done $0x0  }
0xb5: {  	s11 =	simm.s32 $0x0;
	[sflag:s14] =	ssyncadd.s32 $0xFFFFE000  }
0xb6: {  	v6 =	vld [tilespmem:s11+$0x4180];
	_ =	sdelay $0x1  }
0xb7: {  	v7 =	vld [tilespmem:s11+$0x2180];
	_ =	sdelay $0x2  }
0xb8: {  	v6 =	vperm.xlane v6, v1;
	_ =	sdelay $0x1  }
0xb9: {  	v6 =	vadd.f32 v6, v7  }
0xba: {  	s21 =	simm.s32 $0x80  }
0xbb: {  	v8 =	vld [tilespmem:s21+$0x4180];
	v7 =	vmul.f32 $2.000000030e-01, v6  }
0xbc: {  	vm0 =	vge.f32 v6, $0.0e+00  }
0xbd: {  	v6 =	vsel vm0, v6, v7;
	v7 =	vld [tilespmem:s21+$0x2180]  }
0xbe: {  	v6 =	vmul.f32 $1.442695020e+00, v6;
	_ =	sdelay $0x1  }
0xbf: {  	(erf) = vpow2.f32 v6;
	v6 =	vperm.xlane v8, v1;
	_ =	sdelay $0x1  }
0xc0: {  	v7 =	vadd.f32 v6, v7;
	_ =	sdelay $0x1  }
0xc1: {  	s23 =	simm.s32 $0x100;
	v8 =	vmul.f32 $2.000000030e-01, v7  }
0xc2: {  	v12 =	vld [tilespmem:s23+$0x4180];
	vm15 =	vge.f32 v7, $0.0e+00  }
0xc3: {  	v13 =	vld [tilespmem:s11+$0x180];
	v7 =	vsel vm15, v7, v8  }
0xc4: {  	v11 =	vld [tilespmem:s11+$0x190]  }
0xc5: {  	v6 =	vld [tilespmem:s23+$0x2180];
	v15 =	vmul.f32 $1.442695020e+00, v7  }
0xc6: {  	v10 =	vld [tilespmem:s11+$0x1A0];
	v7 =	vpop (erf)  }
0xc7: {  	v9 =	vld [tilespmem:s11+$0x1B0];
	(erf) = vpow2.f32 v15;
	v14 =	vperm.xlane v7, v2  }
0xc8: {  	v12 =	vperm.xlane v12, v1;
	v8 =	vld [tilespmem:s11+$0x1C0]  }
0xc9: {  	s13 =	simm.s32 $0x600;
	[tilespmem:s11+$0x6180] =	vst v7;
	v15 =	vperm.xlane v7, v3;
	v16 =	vmul.f32 v13, v14;
	v13 =	vld [tilespmem:s11+$0x1D0]  }
.LBB2_5:
0xca: {  	p1 =	sne.s32 s13, $0x7E00;
	v12 =	vadd.f32 v12, v6;
	v11 =	vmul.f32 v11, v14;
	v14 =	vld [tilespmem:s11+$0x1E0]  }
0xcb: {  	s24 =	sshra.s32 s13, $0x2;
	[tilespmem:s11+$0x180] =	vst v16;
	v10 =	vmul.f32 v10, v15;
	v16 =	vperm.xlane v7, v4;
	v17 =	vld [tilespmem:s11+$0x1F0]  }
0xcc: {  	v6 =	vld [tilespmem:s24+$0x2180];
	v18 =	vmul.f32 $2.000000030e-01, v12;
	[tilespmem:s11+$0x190] =	vst v11;
	v9 =	vmul.f32 v9, v15  }
0xcd: {  	v19 =	vperm.xlane v7, v5;
	vm0 =	vge.f32 v12, $0.0e+00;
	v15 =	vld [tilespmem:s24+$0x4180];
	[tilespmem:s11+$0x1A0] =	vst v10;
	v8 =	vmul.f32 v8, v16  }
0xce: {  	v20 =	vsel vm0, v12, v18;
	v18 =	vld [tilespmem:s21+$0x180];
	[tilespmem:s11+$0x1B0] =	vst v9;
	v9 =	vmul.f32 v13, v16  }
.Ltmp1:
0xcf: {  	v12 =	vmul.f32 $1.442695020e+00, v20;
	v11 =	vld [tilespmem:s21+$0x190];
	[tilespmem:s11+$0x1C0] =	vst v8;
	v8 =	vmul.f32 v14, v19;
	(pc) =	sbr.rel @p1 .LBB2_5-.Ltmp1, $4  }
0xd0: {  	v10 =	vld [tilespmem:s21+$0x1A0];
	v7 =	vpop (erf);
	[tilespmem:s11+$0x1D0] =	vst v9;
	v13 =	vmul.f32 v17, v19  }
0xd1: {  	(erf) = vpow2.f32 v12;
	v14 =	vperm.xlane v7, v2;
	v9 =	vld [tilespmem:s21+$0x1B0];
	[tilespmem:s11+$0x1E0] =	vst v8  }
0xd2: {  	v12 =	vperm.xlane v15, v1;
	v8 =	vld [tilespmem:s21+$0x1C0];
	[tilespmem:s11+$0x1F0] =	vst v13;
	s11 =	smov.u32 s21;
	s21 =	smov.u32 s23;
	s23 =	smov.u32 s24  }
0xd3: {  	s13 =	sadd.s32 $0x200, s13;
	v15 =	vperm.xlane v7, v3;
	[tilespmem:s11+$0x6180] =	vst v7;
	v16 =	vmul.f32 v18, v14;
	v13 =	vld [tilespmem:s11+$0x1D0]  }
0xd4: {  	v17 =	vld [tilespmem:s11+$0x1E0];
	v11 =	vmul.f32 v11, v14  }
0xd5: {  	v47 =	vld [tilespmem:s11+$0x1F0];
	v48 =	vperm.xlane v7, v4;
	[tilespmem:s11+$0x180] =	vst v16;
	v10 =	vmul.f32 v10, v15  }
0xd6: {  	[tilespmem:s11+$0x190] =	vst v11;
	v9 =	vmul.f32 v9, v15  }
0xd7: {  	v7 =	vperm.xlane v7, v5;
	[tilespmem:s11+$0x1A0] =	vst v10;
	v8 =	vmul.f32 v8, v48  }
0xd8: {  	v10 =	vld [tilespmem:s21+$0x180];
	[tilespmem:s11+$0x1B0] =	vst v9;
	v11 =	vmul.f32 v13, v48  }
0xd9: {  	v9 =	vld [tilespmem:s21+$0x190];
	[tilespmem:s11+$0x1C0] =	vst v8;
	v49 =	vmul.f32 v17, v7  }
0xda: {  	v6 =	vadd.f32 v12, v6;
	v7 =	vmul.f32 v47, v7;
	v8 =	vld [tilespmem:s21+$0x1A0];
	[tilespmem:s11+$0x1D0] =	vst v11  }
0xdb: {  	v11 =	vld [tilespmem:s21+$0x1B0];
	[tilespmem:s11+$0x1E0] =	vst v49  }
0xdc: {  	v13 =	vld [tilespmem:s21+$0x1C0];
	[tilespmem:s11+$0x1F0] =	vst v7;
	v7 =	vmul.f32 $2.000000030e-01, v6  }
0xdd: {  	vm0 =	vge.f32 v6, $0.0e+00  }
0xde: {  	v6 =	vsel vm0, v6, v7  }
0xdf: {  	v6 =	vmul.f32 $1.442695020e+00, v6  }
0xe0: {  	v50 =	vpop (erf)  }
0xe1: {  	v51 =	vperm.xlane v50, v2;
	(erf) = vpow2.f32 v6;
	_ =	sdelay $0x1  }
0xe2: {  	v10 =	vmul.f32 v10, v51;
	v52 =	vld [tilespmem:s21+$0x1D0];
	v7 =	vperm.xlane v50, v3  }
0xe3: {  	[tilespmem:s21+$0x6180] =	vst v50;
	v16 =	vld [tilespmem:s21+$0x1E0];
	v9 =	vmul.f32 v9, v51  }
0xe4: {  	v53 =	vld [tilespmem:s21+$0x1F0];
	[tilespmem:s21+$0x180] =	vst v10;
	v8 =	vmul.f32 v8, v7;
	v6 =	vperm.xlane v50, v4  }
0xe5: {  	[tilespmem:s21+$0x190] =	vst v9;
	v7 =	vmul.f32 v11, v7  }
0xe6: {  	v55 =	vperm.xlane v50, v5;
	[tilespmem:s21+$0x1A0] =	vst v8;
	v54 =	vmul.f32 v13, v6  }
0xe7: {  	v8 =	vld [tilespmem:s23+$0x180];
	[tilespmem:s21+$0x1B0] =	vst v7;
	v6 =	vmul.f32 v52, v6  }
0xe8: {  	v12 =	vmul.f32 v16, v55;
	v7 =	vld [tilespmem:s23+$0x190];
	[tilespmem:s21+$0x1C0] =	vst v54  }
0xe9: {  	v10 =	vmul.f32 v53, v55;
	v9 =	vld [tilespmem:s23+$0x1A0];
	[tilespmem:s21+$0x1D0] =	vst v6;
	v56 =	vpop (erf)  }
0xea: {  	v6 =	vld [tilespmem:s23+$0x1B0];
	[tilespmem:s21+$0x1E0] =	vst v12;
	v57 =	vperm.xlane v56, v2  }
0xeb: {  	v12 =	vld [tilespmem:s23+$0x1C0];
	[tilespmem:s21+$0x1F0] =	vst v10  }
0xec: {  	v10 =	vld [tilespmem:s23+$0x1D0];
	v58 =	vperm.xlane v56, v3;
	v8 =	vmul.f32 v8, v57  }
0xed: {  	v59 =	vld [tilespmem:s23+$0x1E0];
	[tilespmem:s23+$0x6180] =	vst v56;
	v7 =	vmul.f32 v7, v57  }
0xee: {  	v62 =	vld [tilespmem:s23+$0x1F0];
	v61 =	vperm.xlane v56, v4;
	v60 =	vmul.f32 v9, v58;
	[tilespmem:s23+$0x180] =	vst v8  }
0xef: {  	v6 =	vmul.f32 v6, v58;
	[tilespmem:s23+$0x190] =	vst v7  }
0xf0: {  	v63 =	vperm.xlane v56, v5;
	[tilespmem:s23+$0x1A0] =	vst v60;
	v7 =	vmul.f32 v12, v61  }
0xf1: {  	[tilespmem:s23+$0x1B0] =	vst v6;
	v6 =	vmul.f32 v10, v61  }
0xf2: {  	[tilespmem:s23+$0x1C0] =	vst v7;
	v7 =	vmul.f32 v59, v63  }
0xf3: {  	s24 =	sshll.u32 s2, $0xD;
	[tilespmem:s23+$0x1D0] =	vst v6;
	v6 =	vmul.f32 v62, v63  }
0xf4: {  	s11 =	sadd.s32 s28, s24;
	[tilespmem:s23+$0x1E0] =	vst v7  }
0xf5: {  	s11 =	sshrl.u32 s11, $0x3;
	[tilespmem:s23+$0x1F0] =	vst v6  }
0xf6: {  	[spmem:s3] =	stream.indirect.scatter.add.f32 [tilespmem:s17], [sflag:$0x1], $0x80, s16, s15, $0xb8;
	[tilespmem:$0x1C580] =	vst v63  }
0xf7: {  	s2 =	sadd.s32 $0x1, s2;
	s11 =	sadd.s32 s10, s11  }
0xf8: {  	[hbm4b:s11+s1] =	stream.linear.scatter [tilespmem:s20], [sflag:$0x2], $0x2000, $0x38;
	[tilespmem:$0x1C580] =	vst v63  }
0xf9: {  	p1 =	sne.s32 s2, $0x64;
	_ =	swait.ge [sflag:s26], $0x2000  }
.Ltmp2:
0xfa: {  	[sflag:s26] =	ssyncset.done $0x0;
	(pc) =	sbr.rel @p1 .LBB2_4-.Ltmp2, $4  }
0xfb: {  	[sflag:s26] =	ssyncadd.s32 $0xFFFFE000  }
0xfc: {  	_ =	swait.ge [sflag:s30], $0x2000  }
0xfd: {  	[sflag:s30] =	ssyncset.done $0x0  }
0xfe: {  	[sflag:s30] =	ssyncadd.s32 $0xFFFFE000  }
0xff: {  	[bflag:$0x0] =	sbarrier.arrive $0xFFFF  }
0x100: {  	[tilespmem:s17], [sflag:$0x4] =	stream.linear.gather [spmem:s12], $0x2000, $0x38;
	[tilespmem:$0x1C580] =	vst v63  }
0x101: {  	_ =	swait.ge [sflag:s4], $0x2000  }
0x102: {  	[sflag:s4] =	ssyncset.done $0x0  }
0x103: {  	s2 =	rddreg [dreg:$0x8];
	[sflag:s4] =	ssyncadd.s32 $0xFFFFE000  }
0x104: {  	[hbm4b:s2+s1] =	stream.linear.scatter [tilespmem:s17], [sflag:$0x4], $0x2000, $0x38;
	[tilespmem:$0x1C580] =	vst v63  }
0x105: {  	_ =	swait.ge [sflag:s4], $0x2000  }
0x106: {  	s24 =	sld [smem:$0x7F1]  }
0x107: {  	[sflag:s4] =	ssyncset.done $0x0  }
0x108: {  	[sflag:s4] =	ssyncadd.s32 $0xFFFFE000  }
0x109: {  	[tilespmem:s17], [sflag:$0x4] =	stream.linear.gather [spmem:s24], $0x2000, $0x38;
	[tilespmem:$0x1C580] =	vst v63  }
0x10a: {  	_ =	swait.ge [sflag:s4], $0x2000  }
0x10b: {  	[sflag:s4] =	ssyncset.done $0x0  }
0x10c: {  	s11 =	rddreg [dreg:$0x9];
	[sflag:s4] =	ssyncadd.s32 $0xFFFFE000  }
0x10d: {  	[hbm4b:s11+s1] =	stream.linear.scatter [tilespmem:s17], [sflag:$0x4], $0x2000, $0x38;
	[tilespmem:$0x1C580] =	vst v63  }
0x10e: {  	_ =	swait.ge [sflag:s4], $0x2000  }
0x10f: {  	s13 =	sld [smem:$0x7F2]  }
0x110: {  	[sflag:s4] =	ssyncset.done $0x0  }
0x111: {  	[sflag:s4] =	ssyncadd.s32 $0xFFFFE000  }
0x112: {  	[tilespmem:s17], [sflag:$0x4] =	stream.linear.gather [spmem:s13], $0x2000, $0x38;
	[tilespmem:$0x1C580] =	vst v63  }
0x113: {  	_ =	swait.ge [sflag:s4], $0x2000  }
0x114: {  	[sflag:s4] =	ssyncset.done $0x0  }
0x115: {  	s21 =	rddreg [dreg:$0xa];
	[sflag:s4] =	ssyncadd.s32 $0xFFFFE000  }
0x116: {  	[hbm4b:s21+s1] =	stream.linear.scatter [tilespmem:s17], [sflag:$0x4], $0x2000, $0x38;
	[tilespmem:$0x1C580] =	vst v63  }
0x117: {  	_ =	swait.ge [sflag:s4], $0x2000  }
0x118: {  	s22 =	sld [smem:$0x7F3]  }
0x119: {  	[sflag:s4] =	ssyncset.done $0x0  }
0x11a: {  	[sflag:s4] =	ssyncadd.s32 $0xFFFFE000  }
0x11b: {  	[tilespmem:s17], [sflag:$0x4] =	stream.linear.gather [spmem:s22], $0x2000, $0x38;
	[tilespmem:$0x1C580] =	vst v63  }
0x11c: {  	_ =	swait.ge [sflag:s4], $0x2000  }
0x11d: {  	[sflag:s4] =	ssyncset.done $0x0  }
0x11e: {  	s23 =	rddreg [dreg:$0xb];
	[sflag:s4] =	ssyncadd.s32 $0xFFFFE000  }
0x11f: {  	[hbm4b:s23+s1] =	stream.linear.scatter [tilespmem:s17], [sflag:$0x4], $0x2000, $0x38;
	[tilespmem:$0x1C580] =	vst v63  }
0x120: {  	_ =	swait.ge [sflag:s4], $0x2000  }
0x121: {  	s24 =	sld [smem:$0x7F4]  }
0x122: {  	[sflag:s4] =	ssyncset.done $0x0  }
0x123: {  	[sflag:s4] =	ssyncadd.s32 $0xFFFFE000  }
0x124: {  	[tilespmem:s17], [sflag:$0x4] =	stream.linear.gather [spmem:s24], $0x2000, $0x38;
	[tilespmem:$0x1C580] =	vst v63  }
0x125: {  	_ =	swait.ge [sflag:s4], $0x2000  }
0x126: {  	[sflag:s4] =	ssyncset.done $0x0  }
0x127: {  	s11 =	rddreg [dreg:$0xc];
	[sflag:s4] =	ssyncadd.s32 $0xFFFFE000  }
0x128: {  	[hbm4b:s11+s1] =	stream.linear.scatter [tilespmem:s17], [sflag:$0x4], $0x2000, $0x38;
	[tilespmem:$0x1C580] =	vst v63  }
0x129: {  	_ =	swait.ge [sflag:s4], $0x2000  }
0x12a: {  	s13 =	sld [smem:$0x7F5]  }
0x12b: {  	[sflag:s4] =	ssyncset.done $0x0  }
0x12c: {  	[sflag:s4] =	ssyncadd.s32 $0xFFFFE000  }
0x12d: {  	[tilespmem:s17], [sflag:$0x4] =	stream.linear.gather [spmem:s13], $0x2000, $0x38;
	[tilespmem:$0x1C580] =	vst v63  }
0x12e: {  	_ =	swait.ge [sflag:s4], $0x2000  }
0x12f: {  	[sflag:s4] =	ssyncset.done $0x0  }
0x130: {  	s21 =	rddreg [dreg:$0xd];
	[sflag:s4] =	ssyncadd.s32 $0xFFFFE000  }
0x131: {  	[hbm4b:s21+s1] =	stream.linear.scatter [tilespmem:s17], [sflag:$0x4], $0x2000, $0x38;
	[tilespmem:$0x1C580] =	vst v63  }
0x132: {  	_ =	swait.ge [sflag:s4], $0x2000  }
0x133: {  	s22 =	sld [smem:$0x7EE]  }
0x134: {  	[sflag:s4] =	ssyncset.done $0x0  }
0x135: {  	[sflag:s4] =	ssyncadd.s32 $0xFFFFE000  }
0x136: {  	[tilespmem:s17], [sflag:$0x4] =	stream.linear.gather [spmem:s22], $0x800, $0x38;
	[tilespmem:$0x1C580] =	vst v63  }
0x137: {  	_ =	swait.ge [sflag:s4], $0x800  }
0x138: {  	[sflag:s4] =	ssyncset.done $0x0  }
0x139: {  	s23 =	rddreg [dreg:$0x4];
	[sflag:s4] =	ssyncadd.s32 $0xFFFFF800  }
0x13a: {  	[hbm4b:s23+s1] =	stream.linear.scatter [tilespmem:s17], [sflag:$0x4], $0x800, $0x38;
	[tilespmem:$0x1C580] =	vst v63  }
0x13b: {  	_ =	swait.ge [sflag:s4], $0x800  }
0x13c: {  	s11 =	sld [smem:$0x7F6]  }
0x13d: {  	[sflag:s4] =	ssyncset.done $0x0  }
0x13e: {  	s2 =	simm.s32 @!p0 $0x180;
	[sflag:s4] =	ssyncadd.s32 $0xFFFFF800  }
0x13f: {  	[tilespmem:s2], [sflag:$0x4] =	stream.linear.gather @!p0 [spmem:s11], $0x2000, $0x38;
	[tilespmem:$0x1C580] =	vst v63  }
0x140: {  	s11 =	simm.s32 @!p0 $0x4  }
0x141: {  	_ =	swait.ge @!p0 [sflag:s11], $0x2000  }
0x142: {  	[sflag:s11] =	ssyncset.done @!p0 $0x0  }
0x143: {  	s13 =	simm.s32 @!p0 $0x0;
	s21 =	rddreg [dreg:$0xe];
	[sflag:s11] =	ssyncadd.s32 @!p0 $0xFFFFE000  }
0x144: {  	[hbm4b:s21+s13] =	stream.linear.scatter @!p0 [tilespmem:s2], [sflag:$0x4], $0x2000, $0x38;
	[tilespmem:$0x1C580] =	vst v63  }
0x145: {  	_ =	swait.ge @!p0 [sflag:s11], $0x2000  }
0x146: {  	s21 =	sld [smem:$0x7F7]  }
0x147: {  	[sflag:s11] =	ssyncset.done @!p0 $0x0  }
0x148: {  	[sflag:s11] =	ssyncadd.s32 @!p0 $0xFFFFE000  }
0x149: {  	[tilespmem:s2], [sflag:$0x4] =	stream.linear.gather @!p0 [spmem:s21], $0x2000, $0x38;
	[tilespmem:$0x1C580] =	vst v63  }
0x14a: {  	_ =	swait.ge @!p0 [sflag:s11], $0x2000  }
0x14b: {  	[sflag:s11] =	ssyncset.done @!p0 $0x0  }
0x14c: {  	s21 =	rddreg [dreg:$0xf];
	[sflag:s11] =	ssyncadd.s32 @!p0 $0xFFFFE000  }
0x14d: {  	[hbm4b:s21+s13] =	stream.linear.scatter @!p0 [tilespmem:s2], [sflag:$0x4], $0x2000, $0x38;
	[tilespmem:$0x1C580] =	vst v63  }
0x14e: {  	_ =	swait.ge @!p0 [sflag:s11], $0x2000  }
0x14f: {  	s21 =	sld [smem:$0x7F8]  }
0x150: {  	[sflag:s11] =	ssyncset.done @!p0 $0x0  }
0x151: {  	[sflag:s11] =	ssyncadd.s32 @!p0 $0xFFFFE000  }
0x152: {  	[tilespmem:s2], [sflag:$0x4] =	stream.linear.gather @!p0 [spmem:s21], $0x2000, $0x38;
	[tilespmem:$0x1C580] =	vst v63  }
0x153: {  	_ =	swait.ge @!p0 [sflag:s11], $0x2000  }
0x154: {  	[sflag:s11] =	ssyncset.done @!p0 $0x0  }
0x155: {  	s21 =	rddreg [dreg:$0x10];
	[sflag:s11] =	ssyncadd.s32 @!p0 $0xFFFFE000  }
0x156: {  	[hbm4b:s21+s13] =	stream.linear.scatter @!p0 [tilespmem:s2], [sflag:$0x4], $0x2000, $0x38;
	[tilespmem:$0x1C580] =	vst v63  }
0x157: {  	_ =	swait.ge @!p0 [sflag:s11], $0x2000  }
0x158: {  	s21 =	sld [smem:$0x7EF]  }
0x159: {  	[sflag:s11] =	ssyncset.done @!p0 $0x0  }
0x15a: {  	[sflag:s11] =	ssyncadd.s32 @!p0 $0xFFFFE000  }
0x15b: {  	[tilespmem:s2], [sflag:$0x4] =	stream.linear.gather @!p0 [spmem:s21], $0x1800, $0x38;
	[tilespmem:$0x1C580] =	vst v63  }
0x15c: {  	_ =	swait.ge @!p0 [sflag:s11], $0x1800  }
0x15d: {  	[sflag:s11] =	ssyncset.done @!p0 $0x0  }
0x15e: {  	s21 =	rddreg [dreg:$0x5];
	[sflag:s11] =	ssyncadd.s32 @!p0 $0xFFFFE800  }
0x15f: {  	[hbm4b:s21+s13] =	stream.linear.scatter @!p0 [tilespmem:s2], [sflag:$0x4], $0x1800, $0x38;
	[tilespmem:$0x1C580] =	vst v63  }
0x160: {  	_ =	swait.ge @!p0 [sflag:s11], $0x1800  }
0x161: {  	[sflag:s11] =	ssyncset.done @!p0 $0x0  }
0x162: {  	[sflag:s11] =	ssyncadd.s32 @!p0 $0xFFFFE800  }
0x163: {  	s24 =	sadd.s32 $0x0, s12;
	[bflag:$0x0] =	sbarrier.arrive $0xFFFF  }
0x164: {  	[spmem:s24] =	stream.linear.scatter [tilespmem:s31], [sflag:$0x4], $0x400, $0x38;
	[tilespmem:$0x1C580] =	vst v63  }
0x165: {  	s2 =	simm.s32 $0x1000;
	_ =	swait.ge [sflag:s4], $0x400  }
.LBB2_8:
0x166: {  	s11 =	sshra.s32 s2, $0x2;
	[sflag:s4] =	ssyncset.done $0x0;
	p1 =	sne.s32 s2, $0x4F000  }
.Ltmp3:
0x167: {  	s11 =	sadd.s32 s11, s12;
	[sflag:s4] =	ssyncadd.s32 $0xFFFFFC00;
	(pc) =	sbr.rel @p1 .LBB2_8-.Ltmp3, $3  }
0x168: {  	[spmem:s11] =	stream.linear.scatter [tilespmem:s31], [sflag:$0x4], $0x400, $0x38;
	[tilespmem:$0x1C580] =	vst v63  }
0x169: {  	s2 =	sadd.s32 $0x1000, s2;
	_ =	sdelay $0x1  }
0x16a: {  	_ =	swait.ge [sflag:s4], $0x400  }
0x16b: {  	[sflag:s4] =	ssyncset.done $0x0  }
0x16c: {  	[sflag:s4] =	ssyncadd.s32 $0xFFFFFC00  }
0x16d: {  	s22 =	simm.s32 $0x0;
	s2 =	simm.s32 $0x0;
	[bflag:$0x0] =	sbarrier.arrive $0xFFFF  }
.LBB2_10:
0x16e: {  	s21 =	sld [smem:$0x7F9]  }
0x16f: {  	s11 =	sshll.u32 s2, $0x7  }
0x170: {  	s13 =	sand.u32 $0x3C00, s11  }
0x171: {  	s11 =	sand.u32 $0x380, s11;
	s13 =	sadd.s32 s13, s21  }
0x172: {  	s11 =	sor.u32 s11, s13  }
0x173: {  	s11 =	sshrl.u32 s11, $0x3  }
0x174: {  	s23 =	sadd.s32 s0, s11  }
0x175: {  	[tilespmem:s22], [sflag:$0x1] =	stream.linear.gather [hbm4b:s23+s22], $0x80, $0x38;
	[tilespmem:$0x1C580] =	vst v63  }
0x176: {  	s24 =	sadd.s32 s6, s11  }
0x177: {  	[tilespmem:s5], [sflag:$0x2] =	stream.linear.gather [hbm4b:s24+s22], $0x80, $0x38;
	[tilespmem:$0x1C580] =	vst v63  }
0x178: {  	s11 =	sadd.s32 s7, s11  }
0x179: {  	[tilespmem:s16], [sflag:$0x3] =	stream.linear.gather [hbm4b:s11+s22], $0x80, $0x38;
	[tilespmem:$0x1C580] =	vst v63  }
0x17a: {  	_ =	swait.ge [sflag:s26], $0x80  }
0x17b: {  	[sflag:s26] =	ssyncset.done $0x0  }
0x17c: {  	[sflag:s26] =	ssyncadd.s32 $0xFFFFFF80  }
0x17d: {  	_ =	swait.ge [sflag:s30], $0x80  }
0x17e: {  	[sflag:s30] =	ssyncset.done $0x0  }
0x17f: {  	[sflag:s30] =	ssyncadd.s32 $0xFFFFFF80  }
0x180: {  	_ =	swait.ge [sflag:s14], $0x80  }
0x181: {  	[sflag:s14] =	ssyncset.done $0x0  }
0x182: {  	[sflag:s14] =	ssyncadd.s32 $0xFFFFFF80  }
0x183: {  	[tilespmem:s17], [sflag:$0x1] =	stream.indirect.gather [hbm4b:s8+s15], $0x80, s22, s15, $0xb8;
	[tilespmem:$0x1C580] =	vst v63  }
0x184: {  	_ = 	snop  }
0x185: {  	[tilespmem:s18], [sflag:$0x2] =	stream.indirect.gather [hbm4b:s9+s15], $0x80, s22, s15, $0xb8;
	[tilespmem:$0x1C580] =	vst v63  }
0x186: {  	_ = 	snop  }
0x187: {  	[tilespmem:s19], [sflag:$0x3] =	stream.indirect.gather [hbm4b:s9+s15], $0x80, s5, s15, $0xb8;
	[tilespmem:$0x1C580] =	vst v63  }
0x188: {  	_ =	swait.ge [sflag:s26], $0x2000  }
0x189: {  	[sflag:s26] =	ssyncset.done $0x0  }
0x18a: {  	[sflag:s26] =	ssyncadd.s32 $0xFFFFE000  }
0x18b: {  	_ =	swait.ge [sflag:s30], $0x2000  }
0x18c: {  	[sflag:s30] =	ssyncset.done $0x0  }
0x18d: {  	[sflag:s30] =	ssyncadd.s32 $0xFFFFE000  }
0x18e: {  	_ =	swait.ge [sflag:s14], $0x2000  }
0x18f: {  	[sflag:s14] =	ssyncset.done $0x0  }
0x190: {  	s11 =	simm.s32 $0x0;
	[sflag:s14] =	ssyncadd.s32 $0xFFFFE000  }
0x191: {  	v6 =	vld [tilespmem:s11+$0x4180];
	_ =	sdelay $0x1  }
0x192: {  	v7 =	vld [tilespmem:s11+$0x2180];
	_ =	sdelay $0x2  }
0x193: {  	v6 =	vperm.xlane v6, v1;
	_ =	sdelay $0x1  }
0x194: {  	v6 =	vadd.f32 v6, v7  }
0x195: {  	s21 =	simm.s32 $0x80  }
0x196: {  	v8 =	vld [tilespmem:s21+$0x4180];
	v7 =	vmul.f32 $2.000000030e-01, v6  }
0x197: {  	vm0 =	vge.f32 v6, $0.0e+00  }
0x198: {  	v6 =	vsel vm0, v6, v7;
	v7 =	vld [tilespmem:s21+$0x2180]  }
0x199: {  	v6 =	vmul.f32 $1.442695020e+00, v6;
	_ =	sdelay $0x1  }
0x19a: {  	(erf) = vpow2.f32 v6;
	v6 =	vperm.xlane v8, v1;
	_ =	sdelay $0x1  }
0x19b: {  	v7 =	vadd.f32 v6, v7;
	_ =	sdelay $0x1  }
0x19c: {  	s23 =	simm.s32 $0x100;
	v8 =	vmul.f32 $2.000000030e-01, v7  }
0x19d: {  	v12 =	vld [tilespmem:s23+$0x4180];
	vm15 =	vge.f32 v7, $0.0e+00  }
0x19e: {  	v13 =	vld [tilespmem:s11+$0x180];
	v7 =	vsel vm15, v7, v8  }
0x19f: {  	v11 =	vld [tilespmem:s11+$0x190]  }
0x1a0: {  	v6 =	vld [tilespmem:s23+$0x2180];
	v15 =	vmul.f32 $1.442695020e+00, v7  }
0x1a1: {  	v10 =	vld [tilespmem:s11+$0x1A0];
	v7 =	vpop (erf)  }
0x1a2: {  	v9 =	vld [tilespmem:s11+$0x1B0];
	(erf) = vpow2.f32 v15;
	v14 =	vperm.xlane v7, v2  }
0x1a3: {  	v12 =	vperm.xlane v12, v1;
	v8 =	vld [tilespmem:s11+$0x1C0]  }
0x1a4: {  	s13 =	simm.s32 $0x600;
	[tilespmem:s11+$0x6180] =	vst v7;
	v15 =	vperm.xlane v7, v3;
	v16 =	vmul.f32 v13, v14;
	v13 =	vld [tilespmem:s11+$0x1D0]  }
.LBB2_11:
0x1a5: {  	p1 =	sne.s32 s13, $0x7E00;
	v12 =	vadd.f32 v12, v6;
	v11 =	vmul.f32 v11, v14;
	v14 =	vld [tilespmem:s11+$0x1E0]  }
0x1a6: {  	s24 =	sshra.s32 s13, $0x2;
	[tilespmem:s11+$0x180] =	vst v16;
	v10 =	vmul.f32 v10, v15;
	v16 =	vperm.xlane v7, v4;
	v17 =	vld [tilespmem:s11+$0x1F0]  }
0x1a7: {  	v6 =	vld [tilespmem:s24+$0x2180];
	v18 =	vmul.f32 $2.000000030e-01, v12;
	[tilespmem:s11+$0x190] =	vst v11;
	v9 =	vmul.f32 v9, v15  }
0x1a8: {  	v19 =	vperm.xlane v7, v5;
	vm0 =	vge.f32 v12, $0.0e+00;
	v15 =	vld [tilespmem:s24+$0x4180];
	[tilespmem:s11+$0x1A0] =	vst v10;
	v8 =	vmul.f32 v8, v16  }
0x1a9: {  	v20 =	vsel vm0, v12, v18;
	v18 =	vld [tilespmem:s21+$0x180];
	[tilespmem:s11+$0x1B0] =	vst v9;
	v9 =	vmul.f32 v13, v16  }
.Ltmp4:
0x1aa: {  	v12 =	vmul.f32 $1.442695020e+00, v20;
	v11 =	vld [tilespmem:s21+$0x190];
	[tilespmem:s11+$0x1C0] =	vst v8;
	v8 =	vmul.f32 v14, v19;
	(pc) =	sbr.rel @p1 .LBB2_11-.Ltmp4, $4  }
0x1ab: {  	v10 =	vld [tilespmem:s21+$0x1A0];
	v7 =	vpop (erf);
	[tilespmem:s11+$0x1D0] =	vst v9;
	v13 =	vmul.f32 v17, v19  }
0x1ac: {  	(erf) = vpow2.f32 v12;
	v14 =	vperm.xlane v7, v2;
	v9 =	vld [tilespmem:s21+$0x1B0];
	[tilespmem:s11+$0x1E0] =	vst v8  }
0x1ad: {  	v12 =	vperm.xlane v15, v1;
	v8 =	vld [tilespmem:s21+$0x1C0];
	[tilespmem:s11+$0x1F0] =	vst v13;
	s11 =	smov.u32 s21;
	s21 =	smov.u32 s23;
	s23 =	smov.u32 s24  }
0x1ae: {  	s13 =	sadd.s32 $0x200, s13;
	v15 =	vperm.xlane v7, v3;
	[tilespmem:s11+$0x6180] =	vst v7;
	v16 =	vmul.f32 v18, v14;
	v13 =	vld [tilespmem:s11+$0x1D0]  }
0x1af: {  	v17 =	vld [tilespmem:s11+$0x1E0];
	v11 =	vmul.f32 v11, v14  }
0x1b0: {  	v47 =	vld [tilespmem:s11+$0x1F0];
	v48 =	vperm.xlane v7, v4;
	[tilespmem:s11+$0x180] =	vst v16;
	v10 =	vmul.f32 v10, v15  }
0x1b1: {  	[tilespmem:s11+$0x190] =	vst v11;
	v9 =	vmul.f32 v9, v15  }
0x1b2: {  	v7 =	vperm.xlane v7, v5;
	[tilespmem:s11+$0x1A0] =	vst v10;
	v8 =	vmul.f32 v8, v48  }
0x1b3: {  	v10 =	vld [tilespmem:s21+$0x180];
	[tilespmem:s11+$0x1B0] =	vst v9;
	v11 =	vmul.f32 v13, v48  }
0x1b4: {  	v9 =	vld [tilespmem:s21+$0x190];
	[tilespmem:s11+$0x1C0] =	vst v8;
	v49 =	vmul.f32 v17, v7  }
0x1b5: {  	v6 =	vadd.f32 v12, v6;
	v7 =	vmul.f32 v47, v7;
	v8 =	vld [tilespmem:s21+$0x1A0];
	[tilespmem:s11+$0x1D0] =	vst v11  }
0x1b6: {  	v11 =	vld [tilespmem:s21+$0x1B0];
	[tilespmem:s11+$0x1E0] =	vst v49  }
0x1b7: {  	v13 =	vld [tilespmem:s21+$0x1C0];
	[tilespmem:s11+$0x1F0] =	vst v7;
	v7 =	vmul.f32 $2.000000030e-01, v6  }
0x1b8: {  	vm0 =	vge.f32 v6, $0.0e+00  }
0x1b9: {  	v6 =	vsel vm0, v6, v7  }
0x1ba: {  	v6 =	vmul.f32 $1.442695020e+00, v6  }
0x1bb: {  	v50 =	vpop (erf)  }
0x1bc: {  	v51 =	vperm.xlane v50, v2;
	(erf) = vpow2.f32 v6;
	_ =	sdelay $0x1  }
0x1bd: {  	v10 =	vmul.f32 v10, v51;
	v52 =	vld [tilespmem:s21+$0x1D0];
	v7 =	vperm.xlane v50, v3  }
0x1be: {  	[tilespmem:s21+$0x6180] =	vst v50;
	v16 =	vld [tilespmem:s21+$0x1E0];
	v9 =	vmul.f32 v9, v51  }
0x1bf: {  	v53 =	vld [tilespmem:s21+$0x1F0];
	[tilespmem:s21+$0x180] =	vst v10;
	v8 =	vmul.f32 v8, v7;
	v6 =	vperm.xlane v50, v4  }
0x1c0: {  	[tilespmem:s21+$0x190] =	vst v9;
	v7 =	vmul.f32 v11, v7  }
0x1c1: {  	v55 =	vperm.xlane v50, v5;
	[tilespmem:s21+$0x1A0] =	vst v8;
	v54 =	vmul.f32 v13, v6  }
0x1c2: {  	v8 =	vld [tilespmem:s23+$0x180];
	[tilespmem:s21+$0x1B0] =	vst v7;
	v6 =	vmul.f32 v52, v6  }
0x1c3: {  	v12 =	vmul.f32 v16, v55;
	v7 =	vld [tilespmem:s23+$0x190];
	[tilespmem:s21+$0x1C0] =	vst v54  }
0x1c4: {  	v10 =	vmul.f32 v53, v55;
	v9 =	vld [tilespmem:s23+$0x1A0];
	[tilespmem:s21+$0x1D0] =	vst v6;
	v56 =	vpop (erf)  }
0x1c5: {  	v6 =	vld [tilespmem:s23+$0x1B0];
	[tilespmem:s21+$0x1E0] =	vst v12;
	v57 =	vperm.xlane v56, v2  }
0x1c6: {  	v12 =	vld [tilespmem:s23+$0x1C0];
	[tilespmem:s21+$0x1F0] =	vst v10  }
0x1c7: {  	v10 =	vld [tilespmem:s23+$0x1D0];
	v58 =	vperm.xlane v56, v3;
	v8 =	vmul.f32 v8, v57  }
0x1c8: {  	v59 =	vld [tilespmem:s23+$0x1E0];
	[tilespmem:s23+$0x6180] =	vst v56;
	v7 =	vmul.f32 v7, v57  }
0x1c9: {  	v62 =	vld [tilespmem:s23+$0x1F0];
	v61 =	vperm.xlane v56, v4;
	v60 =	vmul.f32 v9, v58;
	[tilespmem:s23+$0x180] =	vst v8  }
0x1ca: {  	v6 =	vmul.f32 v6, v58;
	[tilespmem:s23+$0x190] =	vst v7  }
0x1cb: {  	v63 =	vperm.xlane v56, v5;
	[tilespmem:s23+$0x1A0] =	vst v60;
	v7 =	vmul.f32 v12, v61  }
0x1cc: {  	s13 =	sld [smem:$0x7FA];
	[tilespmem:s23+$0x1B0] =	vst v6;
	v6 =	vmul.f32 v10, v61  }
0x1cd: {  	[tilespmem:s23+$0x1C0] =	vst v7;
	v7 =	vmul.f32 v59, v63  }
0x1ce: {  	s24 =	sshll.u32 s2, $0xD;
	[tilespmem:s23+$0x1D0] =	vst v6;
	v6 =	vmul.f32 v62, v63  }
0x1cf: {  	s11 =	sadd.s32 s24, s13;
	[tilespmem:s23+$0x1E0] =	vst v7  }
0x1d0: {  	s11 =	sshrl.u32 s11, $0x3;
	[tilespmem:s23+$0x1F0] =	vst v6  }
0x1d1: {  	[spmem:s3] =	stream.indirect.scatter.add.f32 [tilespmem:s17], [sflag:$0x1], $0x80, s16, s15, $0xb8;
	[tilespmem:$0x1C580] =	vst v63  }
0x1d2: {  	s2 =	sadd.s32 $0x1, s2;
	s11 =	sadd.s32 s10, s11  }
0x1d3: {  	[hbm4b:s11+s1] =	stream.linear.scatter [tilespmem:s20], [sflag:$0x2], $0x2000, $0x38;
	[tilespmem:$0x1C580] =	vst v63  }
0x1d4: {  	p1 =	sne.s32 s2, $0x64;
	_ =	swait.ge [sflag:s26], $0x2000  }
.Ltmp5:
0x1d5: {  	[sflag:s26] =	ssyncset.done $0x0;
	(pc) =	sbr.rel @p1 .LBB2_10-.Ltmp5, $4  }
0x1d6: {  	[sflag:s26] =	ssyncadd.s32 $0xFFFFE000  }
0x1d7: {  	_ =	swait.ge [sflag:s30], $0x2000  }
0x1d8: {  	[sflag:s30] =	ssyncset.done $0x0  }
0x1d9: {  	[sflag:s30] =	ssyncadd.s32 $0xFFFFE000  }
0x1da: {  	[bflag:$0x0] =	sbarrier.arrive $0xFFFF  }
0x1db: {  	[tilespmem:s17], [sflag:$0x4] =	stream.linear.gather [spmem:s12], $0x2000, $0x38;
	[tilespmem:$0x1C580] =	vst v63  }
0x1dc: {  	_ =	swait.ge [sflag:s4], $0x2000  }
0x1dd: {  	[sflag:s4] =	ssyncset.done $0x0  }
0x1de: {  	s2 =	rddreg [dreg:$0x11];
	[sflag:s4] =	ssyncadd.s32 $0xFFFFE000  }
0x1df: {  	[hbm4b:s2+s1] =	stream.linear.scatter [tilespmem:s17], [sflag:$0x4], $0x2000, $0x38;
	[tilespmem:$0x1C580] =	vst v63  }
0x1e0: {  	_ =	swait.ge [sflag:s4], $0x2000  }
0x1e1: {  	s24 =	sld [smem:$0x7F1]  }
0x1e2: {  	[sflag:s4] =	ssyncset.done $0x0  }
0x1e3: {  	[sflag:s4] =	ssyncadd.s32 $0xFFFFE000  }
0x1e4: {  	[tilespmem:s17], [sflag:$0x4] =	stream.linear.gather [spmem:s24], $0x2000, $0x38;
	[tilespmem:$0x1C580] =	vst v63  }
0x1e5: {  	_ =	swait.ge [sflag:s4], $0x2000  }
0x1e6: {  	[sflag:s4] =	ssyncset.done $0x0  }
0x1e7: {  	s11 =	rddreg [dreg:$0x12];
	[sflag:s4] =	ssyncadd.s32 $0xFFFFE000  }
0x1e8: {  	[hbm4b:s11+s1] =	stream.linear.scatter [tilespmem:s17], [sflag:$0x4], $0x2000, $0x38;
	[tilespmem:$0x1C580] =	vst v63  }
0x1e9: {  	_ =	swait.ge [sflag:s4], $0x2000  }
0x1ea: {  	s13 =	sld [smem:$0x7F2]  }
0x1eb: {  	[sflag:s4] =	ssyncset.done $0x0  }
0x1ec: {  	[sflag:s4] =	ssyncadd.s32 $0xFFFFE000  }
0x1ed: {  	[tilespmem:s17], [sflag:$0x4] =	stream.linear.gather [spmem:s13], $0x2000, $0x38;
	[tilespmem:$0x1C580] =	vst v63  }
0x1ee: {  	_ =	swait.ge [sflag:s4], $0x2000  }
0x1ef: {  	[sflag:s4] =	ssyncset.done $0x0  }
0x1f0: {  	s21 =	rddreg [dreg:$0x13];
	[sflag:s4] =	ssyncadd.s32 $0xFFFFE000  }
0x1f1: {  	[hbm4b:s21+s1] =	stream.linear.scatter [tilespmem:s17], [sflag:$0x4], $0x2000, $0x38;
	[tilespmem:$0x1C580] =	vst v63  }
0x1f2: {  	_ =	swait.ge [sflag:s4], $0x2000  }
0x1f3: {  	s22 =	sld [smem:$0x7F3]  }
0x1f4: {  	[sflag:s4] =	ssyncset.done $0x0  }
0x1f5: {  	[sflag:s4] =	ssyncadd.s32 $0xFFFFE000  }
0x1f6: {  	[tilespmem:s17], [sflag:$0x4] =	stream.linear.gather [spmem:s22], $0x2000, $0x38;
	[tilespmem:$0x1C580] =	vst v63  }
0x1f7: {  	_ =	swait.ge [sflag:s4], $0x2000  }
0x1f8: {  	[sflag:s4] =	ssyncset.done $0x0  }
0x1f9: {  	s23 =	rddreg [dreg:$0x14];
	[sflag:s4] =	ssyncadd.s32 $0xFFFFE000  }
0x1fa: {  	[hbm4b:s23+s1] =	stream.linear.scatter [tilespmem:s17], [sflag:$0x4], $0x2000, $0x38;
	[tilespmem:$0x1C580] =	vst v63  }
0x1fb: {  	_ =	swait.ge [sflag:s4], $0x2000  }
0x1fc: {  	s24 =	sld [smem:$0x7F4]  }
0x1fd: {  	[sflag:s4] =	ssyncset.done $0x0  }
0x1fe: {  	[sflag:s4] =	ssyncadd.s32 $0xFFFFE000  }
0x1ff: {  	[tilespmem:s17], [sflag:$0x4] =	stream.linear.gather [spmem:s24], $0x2000, $0x38;
	[tilespmem:$0x1C580] =	vst v63  }
0x200: {  	_ =	swait.ge [sflag:s4], $0x2000  }
0x201: {  	[sflag:s4] =	ssyncset.done $0x0  }
0x202: {  	s11 =	rddreg [dreg:$0x15];
	[sflag:s4] =	ssyncadd.s32 $0xFFFFE000  }
0x203: {  	[hbm4b:s11+s1] =	stream.linear.scatter [tilespmem:s17], [sflag:$0x4], $0x2000, $0x38;
	[tilespmem:$0x1C580] =	vst v63  }
0x204: {  	_ =	swait.ge [sflag:s4], $0x2000  }
0x205: {  	s13 =	sld [smem:$0x7F5]  }
0x206: {  	[sflag:s4] =	ssyncset.done $0x0  }
0x207: {  	[sflag:s4] =	ssyncadd.s32 $0xFFFFE000  }
0x208: {  	[tilespmem:s17], [sflag:$0x4] =	stream.linear.gather [spmem:s13], $0x2000, $0x38;
	[tilespmem:$0x1C580] =	vst v63  }
0x209: {  	_ =	swait.ge [sflag:s4], $0x2000  }
0x20a: {  	[sflag:s4] =	ssyncset.done $0x0  }
0x20b: {  	s21 =	rddreg [dreg:$0x16];
	[sflag:s4] =	ssyncadd.s32 $0xFFFFE000  }
0x20c: {  	[hbm4b:s21+s1] =	stream.linear.scatter [tilespmem:s17], [sflag:$0x4], $0x2000, $0x38;
	[tilespmem:$0x1C580] =	vst v63  }
0x20d: {  	_ =	swait.ge [sflag:s4], $0x2000  }
0x20e: {  	s22 =	sld [smem:$0x7EE]  }
0x20f: {  	[sflag:s4] =	ssyncset.done $0x0  }
0x210: {  	[sflag:s4] =	ssyncadd.s32 $0xFFFFE000  }
0x211: {  	[tilespmem:s17], [sflag:$0x4] =	stream.linear.gather [spmem:s22], $0x800, $0x38;
	[tilespmem:$0x1C580] =	vst v63  }
0x212: {  	_ =	swait.ge [sflag:s4], $0x800  }
0x213: {  	s23 =	sld [smem:$0x7FB]  }
0x214: {  	[sflag:s4] =	ssyncset.done $0x0  }
0x215: {  	[sflag:s4] =	ssyncadd.s32 $0xFFFFF800  }
0x216: {  	[hbm4b:s23+s1] =	stream.linear.scatter [tilespmem:s17], [sflag:$0x4], $0x800, $0x38;
	[tilespmem:$0x1C580] =	vst v63  }
0x217: {  	_ =	swait.ge [sflag:s4], $0x800  }
0x218: {  	s11 =	sld [smem:$0x7F6]  }
0x219: {  	[sflag:s4] =	ssyncset.done $0x0  }
0x21a: {  	s2 =	simm.s32 @!p0 $0x180;
	[sflag:s4] =	ssyncadd.s32 $0xFFFFF800  }
0x21b: {  	[tilespmem:s2], [sflag:$0x4] =	stream.linear.gather @!p0 [spmem:s11], $0x2000, $0x38;
	[tilespmem:$0x1C580] =	vst v63  }
0x21c: {  	s11 =	simm.s32 @!p0 $0x4  }
0x21d: {  	_ =	swait.ge @!p0 [sflag:s11], $0x2000  }
0x21e: {  	[sflag:s11] =	ssyncset.done @!p0 $0x0  }
0x21f: {  	s13 =	simm.s32 @!p0 $0x0;
	s21 =	rddreg [dreg:$0x17];
	[sflag:s11] =	ssyncadd.s32 @!p0 $0xFFFFE000  }
0x220: {  	[hbm4b:s21+s13] =	stream.linear.scatter @!p0 [tilespmem:s2], [sflag:$0x4], $0x2000, $0x38;
	[tilespmem:$0x1C580] =	vst v63  }
0x221: {  	_ =	swait.ge @!p0 [sflag:s11], $0x2000  }
0x222: {  	s21 =	sld [smem:$0x7F7]  }
0x223: {  	[sflag:s11] =	ssyncset.done @!p0 $0x0  }
0x224: {  	[sflag:s11] =	ssyncadd.s32 @!p0 $0xFFFFE000  }
0x225: {  	[tilespmem:s2], [sflag:$0x4] =	stream.linear.gather @!p0 [spmem:s21], $0x2000, $0x38;
	[tilespmem:$0x1C580] =	vst v63  }
0x226: {  	_ =	swait.ge @!p0 [sflag:s11], $0x2000  }
0x227: {  	[sflag:s11] =	ssyncset.done @!p0 $0x0  }
0x228: {  	s21 =	rddreg [dreg:$0x18];
	[sflag:s11] =	ssyncadd.s32 @!p0 $0xFFFFE000  }
0x229: {  	[hbm4b:s21+s13] =	stream.linear.scatter @!p0 [tilespmem:s2], [sflag:$0x4], $0x2000, $0x38;
	[tilespmem:$0x1C580] =	vst v63  }
0x22a: {  	_ =	swait.ge @!p0 [sflag:s11], $0x2000  }
0x22b: {  	s21 =	sld [smem:$0x7F8]  }
0x22c: {  	[sflag:s11] =	ssyncset.done @!p0 $0x0  }
0x22d: {  	[sflag:s11] =	ssyncadd.s32 @!p0 $0xFFFFE000  }
0x22e: {  	[tilespmem:s2], [sflag:$0x4] =	stream.linear.gather @!p0 [spmem:s21], $0x2000, $0x38;
	[tilespmem:$0x1C580] =	vst v63  }
0x22f: {  	_ =	swait.ge @!p0 [sflag:s11], $0x2000  }
0x230: {  	[sflag:s11] =	ssyncset.done @!p0 $0x0  }
0x231: {  	s21 =	rddreg [dreg:$0x19];
	[sflag:s11] =	ssyncadd.s32 @!p0 $0xFFFFE000  }
0x232: {  	[hbm4b:s21+s13] =	stream.linear.scatter @!p0 [tilespmem:s2], [sflag:$0x4], $0x2000, $0x38;
	[tilespmem:$0x1C580] =	vst v63  }
0x233: {  	_ =	swait.ge @!p0 [sflag:s11], $0x2000  }
0x234: {  	s21 =	sld [smem:$0x7EF]  }
0x235: {  	[sflag:s11] =	ssyncset.done @!p0 $0x0  }
0x236: {  	[sflag:s11] =	ssyncadd.s32 @!p0 $0xFFFFE000  }
0x237: {  	[tilespmem:s2], [sflag:$0x4] =	stream.linear.gather @!p0 [spmem:s21], $0x1800, $0x38;
	[tilespmem:$0x1C580] =	vst v63  }
0x238: {  	_ =	swait.ge @!p0 [sflag:s11], $0x1800  }
0x239: {  	[sflag:s11] =	ssyncset.done @!p0 $0x0  }
0x23a: {  	s21 =	rddreg [dreg:$0x6];
	[sflag:s11] =	ssyncadd.s32 @!p0 $0xFFFFE800  }
0x23b: {  	[hbm4b:s21+s13] =	stream.linear.scatter @!p0 [tilespmem:s2], [sflag:$0x4], $0x1800, $0x38;
	[tilespmem:$0x1C580] =	vst v63  }
0x23c: {  	_ =	swait.ge @!p0 [sflag:s11], $0x1800  }
0x23d: {  	[sflag:s11] =	ssyncset.done @!p0 $0x0  }
0x23e: {  	[sflag:s11] =	ssyncadd.s32 @!p0 $0xFFFFE800  }
0x23f: {  	s24 =	sadd.s32 $0x0, s12;
	[bflag:$0x0] =	sbarrier.arrive $0xFFFF  }
0x240: {  	[spmem:s24] =	stream.linear.scatter [tilespmem:s31], [sflag:$0x4], $0x400, $0x38;
	[tilespmem:$0x1C580] =	vst v63  }
0x241: {  	s2 =	simm.s32 $0x1000;
	_ =	swait.ge [sflag:s4], $0x400  }
.LBB2_14:
0x242: {  	s11 =	sshra.s32 s2, $0x2;
	[sflag:s4] =	ssyncset.done $0x0;
	p1 =	sne.s32 s2, $0x4F000  }
.Ltmp6:
0x243: {  	s11 =	sadd.s32 s11, s12;
	[sflag:s4] =	ssyncadd.s32 $0xFFFFFC00;
	(pc) =	sbr.rel @p1 .LBB2_14-.Ltmp6, $3  }
0x244: {  	[spmem:s11] =	stream.linear.scatter [tilespmem:s31], [sflag:$0x4], $0x400, $0x38;
	[tilespmem:$0x1C580] =	vst v63  }
0x245: {  	s2 =	sadd.s32 $0x1000, s2;
	_ =	sdelay $0x1  }
0x246: {  	_ =	swait.ge [sflag:s4], $0x400  }
0x247: {  	[sflag:s4] =	ssyncset.done $0x0  }
0x248: {  	[sflag:s4] =	ssyncadd.s32 $0xFFFFFC00  }
0x249: {  	s22 =	simm.s32 $0x0;
	s2 =	simm.s32 $0x0;
	[bflag:$0x0] =	sbarrier.arrive $0xFFFF  }
.LBB2_16:
0x24a: {  	s21 =	sld [smem:$0x7FC]  }
0x24b: {  	s11 =	sshll.u32 s2, $0x7  }
0x24c: {  	s13 =	sand.u32 $0x3C00, s11  }
0x24d: {  	s11 =	sand.u32 $0x380, s11;
	s13 =	sadd.s32 s13, s21  }
0x24e: {  	s11 =	sor.u32 s11, s13  }
0x24f: {  	s11 =	sshrl.u32 s11, $0x3  }
0x250: {  	s23 =	sadd.s32 s0, s11  }
0x251: {  	[tilespmem:s22], [sflag:$0x1] =	stream.linear.gather [hbm4b:s23+s22], $0x80, $0x38;
	[tilespmem:$0x1C580] =	vst v63  }
0x252: {  	s24 =	sadd.s32 s6, s11  }
0x253: {  	[tilespmem:s5], [sflag:$0x2] =	stream.linear.gather [hbm4b:s24+s22], $0x80, $0x38;
	[tilespmem:$0x1C580] =	vst v63  }
0x254: {  	s11 =	sadd.s32 s7, s11  }
0x255: {  	[tilespmem:s16], [sflag:$0x3] =	stream.linear.gather [hbm4b:s11+s22], $0x80, $0x38;
	[tilespmem:$0x1C580] =	vst v63  }
0x256: {  	_ =	swait.ge [sflag:s26], $0x80  }
0x257: {  	[sflag:s26] =	ssyncset.done $0x0  }
0x258: {  	[sflag:s26] =	ssyncadd.s32 $0xFFFFFF80  }
0x259: {  	_ =	swait.ge [sflag:s30], $0x80  }
0x25a: {  	[sflag:s30] =	ssyncset.done $0x0  }
0x25b: {  	[sflag:s30] =	ssyncadd.s32 $0xFFFFFF80  }
0x25c: {  	_ =	swait.ge [sflag:s14], $0x80  }
0x25d: {  	[sflag:s14] =	ssyncset.done $0x0  }
0x25e: {  	[sflag:s14] =	ssyncadd.s32 $0xFFFFFF80  }
0x25f: {  	[tilespmem:s17], [sflag:$0x1] =	stream.indirect.gather [hbm4b:s8+s15], $0x80, s22, s15, $0xb8;
	[tilespmem:$0x1C580] =	vst v63  }
0x260: {  	_ = 	snop  }
0x261: {  	[tilespmem:s18], [sflag:$0x2] =	stream.indirect.gather [hbm4b:s9+s15], $0x80, s22, s15, $0xb8;
	[tilespmem:$0x1C580] =	vst v63  }
0x262: {  	_ = 	snop  }
0x263: {  	[tilespmem:s19], [sflag:$0x3] =	stream.indirect.gather [hbm4b:s9+s15], $0x80, s5, s15, $0xb8;
	[tilespmem:$0x1C580] =	vst v63  }
0x264: {  	_ =	swait.ge [sflag:s26], $0x2000  }
0x265: {  	[sflag:s26] =	ssyncset.done $0x0  }
0x266: {  	[sflag:s26] =	ssyncadd.s32 $0xFFFFE000  }
0x267: {  	_ =	swait.ge [sflag:s30], $0x2000  }
0x268: {  	[sflag:s30] =	ssyncset.done $0x0  }
0x269: {  	[sflag:s30] =	ssyncadd.s32 $0xFFFFE000  }
0x26a: {  	_ =	swait.ge [sflag:s14], $0x2000  }
0x26b: {  	[sflag:s14] =	ssyncset.done $0x0  }
0x26c: {  	s11 =	simm.s32 $0x0;
	[sflag:s14] =	ssyncadd.s32 $0xFFFFE000  }
0x26d: {  	v6 =	vld [tilespmem:s11+$0x4180];
	_ =	sdelay $0x1  }
0x26e: {  	v7 =	vld [tilespmem:s11+$0x2180];
	_ =	sdelay $0x2  }
0x26f: {  	v6 =	vperm.xlane v6, v1;
	_ =	sdelay $0x1  }
0x270: {  	v6 =	vadd.f32 v6, v7  }
0x271: {  	s21 =	simm.s32 $0x80  }
0x272: {  	v8 =	vld [tilespmem:s21+$0x4180];
	v7 =	vmul.f32 $2.000000030e-01, v6  }
0x273: {  	vm0 =	vge.f32 v6, $0.0e+00  }
0x274: {  	v6 =	vsel vm0, v6, v7;
	v7 =	vld [tilespmem:s21+$0x2180]  }
0x275: {  	v6 =	vmul.f32 $1.442695020e+00, v6;
	_ =	sdelay $0x1  }
0x276: {  	(erf) = vpow2.f32 v6;
	v6 =	vperm.xlane v8, v1;
	_ =	sdelay $0x1  }
0x277: {  	v7 =	vadd.f32 v6, v7;
	_ =	sdelay $0x1  }
0x278: {  	s23 =	simm.s32 $0x100;
	v8 =	vmul.f32 $2.000000030e-01, v7  }
0x279: {  	v12 =	vld [tilespmem:s23+$0x4180];
	vm15 =	vge.f32 v7, $0.0e+00  }
0x27a: {  	v13 =	vld [tilespmem:s11+$0x180];
	v7 =	vsel vm15, v7, v8  }
0x27b: {  	v11 =	vld [tilespmem:s11+$0x190]  }
0x27c: {  	v6 =	vld [tilespmem:s23+$0x2180];
	v15 =	vmul.f32 $1.442695020e+00, v7  }
0x27d: {  	v10 =	vld [tilespmem:s11+$0x1A0];
	v7 =	vpop (erf)  }
0x27e: {  	v9 =	vld [tilespmem:s11+$0x1B0];
	(erf) = vpow2.f32 v15;
	v14 =	vperm.xlane v7, v2  }
0x27f: {  	v12 =	vperm.xlane v12, v1;
	v8 =	vld [tilespmem:s11+$0x1C0]  }
0x280: {  	s13 =	simm.s32 $0x600;
	[tilespmem:s11+$0x6180] =	vst v7;
	v15 =	vperm.xlane v7, v3;
	v16 =	vmul.f32 v13, v14;
	v13 =	vld [tilespmem:s11+$0x1D0]  }
.LBB2_17:
0x281: {  	p1 =	sne.s32 s13, $0x7E00;
	v12 =	vadd.f32 v12, v6;
	v11 =	vmul.f32 v11, v14;
	v14 =	vld [tilespmem:s11+$0x1E0]  }
0x282: {  	s24 =	sshra.s32 s13, $0x2;
	[tilespmem:s11+$0x180] =	vst v16;
	v10 =	vmul.f32 v10, v15;
	v16 =	vperm.xlane v7, v4;
	v17 =	vld [tilespmem:s11+$0x1F0]  }
0x283: {  	v6 =	vld [tilespmem:s24+$0x2180];
	v18 =	vmul.f32 $2.000000030e-01, v12;
	[tilespmem:s11+$0x190] =	vst v11;
	v9 =	vmul.f32 v9, v15  }
0x284: {  	v19 =	vperm.xlane v7, v5;
	vm0 =	vge.f32 v12, $0.0e+00;
	v15 =	vld [tilespmem:s24+$0x4180];
	[tilespmem:s11+$0x1A0] =	vst v10;
	v8 =	vmul.f32 v8, v16  }
0x285: {  	v20 =	vsel vm0, v12, v18;
	v18 =	vld [tilespmem:s21+$0x180];
	[tilespmem:s11+$0x1B0] =	vst v9;
	v9 =	vmul.f32 v13, v16  }
.Ltmp7:
0x286: {  	v12 =	vmul.f32 $1.442695020e+00, v20;
	v11 =	vld [tilespmem:s21+$0x190];
	[tilespmem:s11+$0x1C0] =	vst v8;
	v8 =	vmul.f32 v14, v19;
	(pc) =	sbr.rel @p1 .LBB2_17-.Ltmp7, $4  }
0x287: {  	v10 =	vld [tilespmem:s21+$0x1A0];
	v7 =	vpop (erf);
	[tilespmem:s11+$0x1D0] =	vst v9;
	v13 =	vmul.f32 v17, v19  }
0x288: {  	(erf) = vpow2.f32 v12;
	v14 =	vperm.xlane v7, v2;
	v9 =	vld [tilespmem:s21+$0x1B0];
	[tilespmem:s11+$0x1E0] =	vst v8  }
0x289: {  	v12 =	vperm.xlane v15, v1;
	v8 =	vld [tilespmem:s21+$0x1C0];
	[tilespmem:s11+$0x1F0] =	vst v13;
	s11 =	smov.u32 s21;
	s21 =	smov.u32 s23;
	s23 =	smov.u32 s24  }
0x28a: {  	s13 =	sadd.s32 $0x200, s13;
	v15 =	vperm.xlane v7, v3;
	[tilespmem:s11+$0x6180] =	vst v7;
	v16 =	vmul.f32 v18, v14;
	v13 =	vld [tilespmem:s11+$0x1D0]  }
0x28b: {  	v17 =	vld [tilespmem:s11+$0x1E0];
	v11 =	vmul.f32 v11, v14  }
0x28c: {  	v47 =	vld [tilespmem:s11+$0x1F0];
	v48 =	vperm.xlane v7, v4;
	[tilespmem:s11+$0x180] =	vst v16;
	v10 =	vmul.f32 v10, v15  }
0x28d: {  	[tilespmem:s11+$0x190] =	vst v11;
	v9 =	vmul.f32 v9, v15  }
0x28e: {  	v7 =	vperm.xlane v7, v5;
	[tilespmem:s11+$0x1A0] =	vst v10;
	v8 =	vmul.f32 v8, v48  }
0x28f: {  	v10 =	vld [tilespmem:s21+$0x180];
	[tilespmem:s11+$0x1B0] =	vst v9;
	v11 =	vmul.f32 v13, v48  }
0x290: {  	v9 =	vld [tilespmem:s21+$0x190];
	[tilespmem:s11+$0x1C0] =	vst v8;
	v49 =	vmul.f32 v17, v7  }
0x291: {  	v6 =	vadd.f32 v12, v6;
	v7 =	vmul.f32 v47, v7;
	v8 =	vld [tilespmem:s21+$0x1A0];
	[tilespmem:s11+$0x1D0] =	vst v11  }
0x292: {  	v11 =	vld [tilespmem:s21+$0x1B0];
	[tilespmem:s11+$0x1E0] =	vst v49  }
0x293: {  	v13 =	vld [tilespmem:s21+$0x1C0];
	[tilespmem:s11+$0x1F0] =	vst v7;
	v7 =	vmul.f32 $2.000000030e-01, v6  }
0x294: {  	vm0 =	vge.f32 v6, $0.0e+00  }
0x295: {  	v6 =	vsel vm0, v6, v7  }
0x296: {  	v6 =	vmul.f32 $1.442695020e+00, v6  }
0x297: {  	v50 =	vpop (erf)  }
0x298: {  	v51 =	vperm.xlane v50, v2;
	(erf) = vpow2.f32 v6;
	_ =	sdelay $0x1  }
0x299: {  	v10 =	vmul.f32 v10, v51;
	v52 =	vld [tilespmem:s21+$0x1D0];
	v7 =	vperm.xlane v50, v3  }
0x29a: {  	[tilespmem:s21+$0x6180] =	vst v50;
	v16 =	vld [tilespmem:s21+$0x1E0];
	v9 =	vmul.f32 v9, v51  }
0x29b: {  	v53 =	vld [tilespmem:s21+$0x1F0];
	[tilespmem:s21+$0x180] =	vst v10;
	v8 =	vmul.f32 v8, v7;
	v6 =	vperm.xlane v50, v4  }
0x29c: {  	[tilespmem:s21+$0x190] =	vst v9;
	v7 =	vmul.f32 v11, v7  }
0x29d: {  	v55 =	vperm.xlane v50, v5;
	[tilespmem:s21+$0x1A0] =	vst v8;
	v54 =	vmul.f32 v13, v6  }
0x29e: {  	v8 =	vld [tilespmem:s23+$0x180];
	[tilespmem:s21+$0x1B0] =	vst v7;
	v6 =	vmul.f32 v52, v6  }
0x29f: {  	v12 =	vmul.f32 v16, v55;
	v7 =	vld [tilespmem:s23+$0x190];
	[tilespmem:s21+$0x1C0] =	vst v54  }
0x2a0: {  	v10 =	vmul.f32 v53, v55;
	v9 =	vld [tilespmem:s23+$0x1A0];
	[tilespmem:s21+$0x1D0] =	vst v6;
	v56 =	vpop (erf)  }
0x2a1: {  	v6 =	vld [tilespmem:s23+$0x1B0];
	[tilespmem:s21+$0x1E0] =	vst v12;
	v57 =	vperm.xlane v56, v2  }
0x2a2: {  	v12 =	vld [tilespmem:s23+$0x1C0];
	[tilespmem:s21+$0x1F0] =	vst v10  }
0x2a3: {  	v10 =	vld [tilespmem:s23+$0x1D0];
	v58 =	vperm.xlane v56, v3;
	v8 =	vmul.f32 v8, v57  }
0x2a4: {  	v59 =	vld [tilespmem:s23+$0x1E0];
	[tilespmem:s23+$0x6180] =	vst v56;
	v7 =	vmul.f32 v7, v57  }
0x2a5: {  	v62 =	vld [tilespmem:s23+$0x1F0];
	v61 =	vperm.xlane v56, v4;
	v60 =	vmul.f32 v9, v58;
	[tilespmem:s23+$0x180] =	vst v8  }
0x2a6: {  	v6 =	vmul.f32 v6, v58;
	[tilespmem:s23+$0x190] =	vst v7  }
0x2a7: {  	v63 =	vperm.xlane v56, v5;
	[tilespmem:s23+$0x1A0] =	vst v60;
	v7 =	vmul.f32 v12, v61  }
0x2a8: {  	[tilespmem:s23+$0x1B0] =	vst v6;
	v6 =	vmul.f32 v10, v61  }
0x2a9: {  	[tilespmem:s23+$0x1C0] =	vst v7;
	v7 =	vmul.f32 v59, v63  }
0x2aa: {  	s24 =	sshll.u32 s2, $0xD;
	[tilespmem:s23+$0x1D0] =	vst v6;
	v6 =	vmul.f32 v62, v63  }
0x2ab: {  	s11 =	sadd.s32 s24, s29;
	[tilespmem:s23+$0x1E0] =	vst v7  }
0x2ac: {  	s11 =	sshrl.u32 s11, $0x3;
	[tilespmem:s23+$0x1F0] =	vst v6  }
0x2ad: {  	[spmem:s3] =	stream.indirect.scatter.add.f32 [tilespmem:s17], [sflag:$0x1], $0x80, s16, s15, $0xb8;
	[tilespmem:$0x1C580] =	vst v63  }
0x2ae: {  	s2 =	sadd.s32 $0x1, s2;
	s11 =	sadd.s32 s10, s11  }
0x2af: {  	[hbm4b:s11+s1] =	stream.linear.scatter [tilespmem:s20], [sflag:$0x2], $0x2000, $0x38;
	[tilespmem:$0x1C580] =	vst v63  }
0x2b0: {  	p1 =	sne.s32 s2, $0x64;
	_ =	swait.ge [sflag:s26], $0x2000  }
.Ltmp8:
0x2b1: {  	[sflag:s26] =	ssyncset.done $0x0;
	(pc) =	sbr.rel @p1 .LBB2_16-.Ltmp8, $4  }
0x2b2: {  	[sflag:s26] =	ssyncadd.s32 $0xFFFFE000  }
0x2b3: {  	_ =	swait.ge [sflag:s30], $0x2000  }
0x2b4: {  	[sflag:s30] =	ssyncset.done $0x0  }
0x2b5: {  	[sflag:s30] =	ssyncadd.s32 $0xFFFFE000  }
0x2b6: {  	[bflag:$0x0] =	sbarrier.arrive $0xFFFF  }
0x2b7: {  	[tilespmem:s17], [sflag:$0x4] =	stream.linear.gather [spmem:s12], $0x2000, $0x38;
	[tilespmem:$0x1C580] =	vst v63  }
0x2b8: {  	_ =	swait.ge [sflag:s4], $0x2000  }
0x2b9: {  	[sflag:s4] =	ssyncset.done $0x0  }
0x2ba: {  	s2 =	rddreg [dreg:$0x1a];
	[sflag:s4] =	ssyncadd.s32 $0xFFFFE000  }
0x2bb: {  	[hbm4b:s2+s1] =	stream.linear.scatter [tilespmem:s17], [sflag:$0x4], $0x2000, $0x38;
	[tilespmem:$0x1C580] =	vst v63  }
0x2bc: {  	_ =	swait.ge [sflag:s4], $0x2000  }
0x2bd: {  	s23 =	sld [smem:$0x7F1]  }
0x2be: {  	[sflag:s4] =	ssyncset.done $0x0  }
0x2bf: {  	[sflag:s4] =	ssyncadd.s32 $0xFFFFE000  }
0x2c0: {  	[tilespmem:s17], [sflag:$0x4] =	stream.linear.gather [spmem:s23], $0x2000, $0x38;
	[tilespmem:$0x1C580] =	vst v63  }
0x2c1: {  	_ =	swait.ge [sflag:s4], $0x2000  }
0x2c2: {  	[sflag:s4] =	ssyncset.done $0x0  }
0x2c3: {  	s24 =	rddreg [dreg:$0x1b];
	[sflag:s4] =	ssyncadd.s32 $0xFFFFE000  }
0x2c4: {  	[hbm4b:s24+s1] =	stream.linear.scatter [tilespmem:s17], [sflag:$0x4], $0x2000, $0x38;
	[tilespmem:$0x1C580] =	vst v63  }
0x2c5: {  	_ =	swait.ge [sflag:s4], $0x2000  }
0x2c6: {  	s11 =	sld [smem:$0x7F2]  }
0x2c7: {  	[sflag:s4] =	ssyncset.done $0x0  }
0x2c8: {  	[sflag:s4] =	ssyncadd.s32 $0xFFFFE000  }
0x2c9: {  	[tilespmem:s17], [sflag:$0x4] =	stream.linear.gather [spmem:s11], $0x2000, $0x38;
	[tilespmem:$0x1C580] =	vst v63  }
0x2ca: {  	_ =	swait.ge [sflag:s4], $0x2000  }
0x2cb: {  	[sflag:s4] =	ssyncset.done $0x0  }
0x2cc: {  	s13 =	rddreg [dreg:$0x1c];
	[sflag:s4] =	ssyncadd.s32 $0xFFFFE000  }
0x2cd: {  	[hbm4b:s13+s1] =	stream.linear.scatter [tilespmem:s17], [sflag:$0x4], $0x2000, $0x38;
	[tilespmem:$0x1C580] =	vst v63  }
0x2ce: {  	_ =	swait.ge [sflag:s4], $0x2000  }
0x2cf: {  	s21 =	sld [smem:$0x7F3]  }
0x2d0: {  	[sflag:s4] =	ssyncset.done $0x0  }
0x2d1: {  	[sflag:s4] =	ssyncadd.s32 $0xFFFFE000  }
0x2d2: {  	[tilespmem:s17], [sflag:$0x4] =	stream.linear.gather [spmem:s21], $0x2000, $0x38;
	[tilespmem:$0x1C580] =	vst v63  }
0x2d3: {  	_ =	swait.ge [sflag:s4], $0x2000  }
0x2d4: {  	[sflag:s4] =	ssyncset.done $0x0  }
0x2d5: {  	s22 =	rddreg [dreg:$0x1d];
	[sflag:s4] =	ssyncadd.s32 $0xFFFFE000  }
0x2d6: {  	[hbm4b:s22+s1] =	stream.linear.scatter [tilespmem:s17], [sflag:$0x4], $0x2000, $0x38;
	[tilespmem:$0x1C580] =	vst v63  }
0x2d7: {  	_ =	swait.ge [sflag:s4], $0x2000  }
0x2d8: {  	s23 =	sld [smem:$0x7F4]  }
0x2d9: {  	[sflag:s4] =	ssyncset.done $0x0  }
0x2da: {  	[sflag:s4] =	ssyncadd.s32 $0xFFFFE000  }
0x2db: {  	[tilespmem:s17], [sflag:$0x4] =	stream.linear.gather [spmem:s23], $0x2000, $0x38;
	[tilespmem:$0x1C580] =	vst v63  }
0x2dc: {  	_ =	swait.ge [sflag:s4], $0x2000  }
0x2dd: {  	[sflag:s4] =	ssyncset.done $0x0  }
0x2de: {  	s24 =	rddreg [dreg:$0x1e];
	[sflag:s4] =	ssyncadd.s32 $0xFFFFE000  }
0x2df: {  	[hbm4b:s24+s1] =	stream.linear.scatter [tilespmem:s17], [sflag:$0x4], $0x2000, $0x38;
	[tilespmem:$0x1C580] =	vst v63  }
0x2e0: {  	_ =	swait.ge [sflag:s4], $0x2000  }
0x2e1: {  	s11 =	sld [smem:$0x7F5]  }
0x2e2: {  	[sflag:s4] =	ssyncset.done $0x0  }
0x2e3: {  	[sflag:s4] =	ssyncadd.s32 $0xFFFFE000  }
0x2e4: {  	[tilespmem:s17], [sflag:$0x4] =	stream.linear.gather [spmem:s11], $0x2000, $0x38;
	[tilespmem:$0x1C580] =	vst v63  }
0x2e5: {  	_ =	swait.ge [sflag:s4], $0x2000  }
0x2e6: {  	[sflag:s4] =	ssyncset.done $0x0  }
0x2e7: {  	s13 =	rddreg [dreg:$0x1f];
	[sflag:s4] =	ssyncadd.s32 $0xFFFFE000  }
0x2e8: {  	[hbm4b:s13+s1] =	stream.linear.scatter [tilespmem:s17], [sflag:$0x4], $0x2000, $0x38;
	[tilespmem:$0x1C580] =	vst v63  }
0x2e9: {  	_ =	swait.ge [sflag:s4], $0x2000  }
0x2ea: {  	s21 =	sld [smem:$0x7EE]  }
0x2eb: {  	[sflag:s4] =	ssyncset.done $0x0  }
0x2ec: {  	[sflag:s4] =	ssyncadd.s32 $0xFFFFE000  }
0x2ed: {  	[tilespmem:s17], [sflag:$0x4] =	stream.linear.gather [spmem:s21], $0x800, $0x38;
	[tilespmem:$0x1C580] =	vst v63  }
0x2ee: {  	_ =	swait.ge [sflag:s4], $0x800  }
0x2ef: {  	s22 =	sld [smem:$0x7FD]  }
0x2f0: {  	[sflag:s4] =	ssyncset.done $0x0  }
0x2f1: {  	[sflag:s4] =	ssyncadd.s32 $0xFFFFF800  }
0x2f2: {  	[hbm4b:s22+s1] =	stream.linear.scatter [tilespmem:s17], [sflag:$0x4], $0x800, $0x38;
	[tilespmem:$0x1C580] =	vst v63  }
0x2f3: {  	_ =	swait.ge [sflag:s4], $0x800  }
0x2f4: {  	s11 =	sld [smem:$0x7F6]  }
0x2f5: {  	[sflag:s4] =	ssyncset.done $0x0  }
0x2f6: {  	s2 =	simm.s32 @!p0 $0x180;
	[sflag:s4] =	ssyncadd.s32 $0xFFFFF800  }
0x2f7: {  	[tilespmem:s2], [sflag:$0x4] =	stream.linear.gather @!p0 [spmem:s11], $0x2000, $0x38;
	[tilespmem:$0x1C580] =	vst v63  }
0x2f8: {  	s11 =	simm.s32 @!p0 $0x4  }
0x2f9: {  	_ =	swait.ge @!p0 [sflag:s11], $0x2000  }
0x2fa: {  	s21 =	sld [smem:$0x7EB]  }
0x2fb: {  	[sflag:s11] =	ssyncset.done @!p0 $0x0  }
0x2fc: {  	s13 =	simm.s32 @!p0 $0x0;
	[sflag:s11] =	ssyncadd.s32 @!p0 $0xFFFFE000  }
0x2fd: {  	[hbm4b:s21+s13] =	stream.linear.scatter @!p0 [tilespmem:s2], [sflag:$0x4], $0x2000, $0x38;
	[tilespmem:$0x1C580] =	vst v63  }
0x2fe: {  	_ =	swait.ge @!p0 [sflag:s11], $0x2000  }
0x2ff: {  	s21 =	sld [smem:$0x7F7]  }
0x300: {  	[sflag:s11] =	ssyncset.done @!p0 $0x0  }
0x301: {  	[sflag:s11] =	ssyncadd.s32 @!p0 $0xFFFFE000  }
0x302: {  	[tilespmem:s2], [sflag:$0x4] =	stream.linear.gather @!p0 [spmem:s21], $0x2000, $0x38;
	[tilespmem:$0x1C580] =	vst v63  }
0x303: {  	_ =	swait.ge @!p0 [sflag:s11], $0x2000  }
0x304: {  	s21 =	sld [smem:$0x7EC]  }
0x305: {  	[sflag:s11] =	ssyncset.done @!p0 $0x0  }
0x306: {  	[sflag:s11] =	ssyncadd.s32 @!p0 $0xFFFFE000  }
0x307: {  	[hbm4b:s21+s13] =	stream.linear.scatter @!p0 [tilespmem:s2], [sflag:$0x4], $0x2000, $0x38;
	[tilespmem:$0x1C580] =	vst v63  }
0x308: {  	_ =	swait.ge @!p0 [sflag:s11], $0x2000  }
0x309: {  	s21 =	sld [smem:$0x7F8]  }
0x30a: {  	[sflag:s11] =	ssyncset.done @!p0 $0x0  }
0x30b: {  	[sflag:s11] =	ssyncadd.s32 @!p0 $0xFFFFE000  }
0x30c: {  	[tilespmem:s2], [sflag:$0x4] =	stream.linear.gather @!p0 [spmem:s21], $0x2000, $0x38;
	[tilespmem:$0x1C580] =	vst v63  }
0x30d: {  	_ =	swait.ge @!p0 [sflag:s11], $0x2000  }
0x30e: {  	s21 =	sld [smem:$0x7ED]  }
0x30f: {  	[sflag:s11] =	ssyncset.done @!p0 $0x0  }
0x310: {  	[sflag:s11] =	ssyncadd.s32 @!p0 $0xFFFFE000  }
0x311: {  	[hbm4b:s21+s13] =	stream.linear.scatter @!p0 [tilespmem:s2], [sflag:$0x4], $0x2000, $0x38;
	[tilespmem:$0x1C580] =	vst v63  }
0x312: {  	_ =	swait.ge @!p0 [sflag:s11], $0x2000  }
0x313: {  	s21 =	sld [smem:$0x7EF]  }
0x314: {  	[sflag:s11] =	ssyncset.done @!p0 $0x0  }
0x315: {  	[sflag:s11] =	ssyncadd.s32 @!p0 $0xFFFFE000  }
0x316: {  	[tilespmem:s2], [sflag:$0x4] =	stream.linear.gather @!p0 [spmem:s21], $0x1800, $0x38;
	[tilespmem:$0x1C580] =	vst v63  }
0x317: {  	_ =	swait.ge @!p0 [sflag:s11], $0x1800  }
0x318: {  	[sflag:s11] =	ssyncset.done @!p0 $0x0  }
0x319: {  	s21 =	rddreg [dreg:$0x7];
	[sflag:s11] =	ssyncadd.s32 @!p0 $0xFFFFE800  }
0x31a: {  	[hbm4b:s21+s13] =	stream.linear.scatter @!p0 [tilespmem:s2], [sflag:$0x4], $0x1800, $0x38;
	[tilespmem:$0x1C580] =	vst v63  }
0x31b: {  	_ =	swait.ge @!p0 [sflag:s11], $0x1800  }
0x31c: {  	s23 =	sld [smem:$0x7EA]  }
0x31d: {  	s24 =	sld [smem:$0x7F0];
	_ =	sdelay $0x1  }
0x31e: {  	s13 =	sadd.s32 $0x1, s23  }
0x31f: {  	p1 =	sne.s32 s13, s24  }
.Ltmp9:
0x320: {  	_ = 	snop;
	(pc) =	sbr.rel @p1 .LBB2_1-.Ltmp9, $3  }
0x321: {  	[sflag:s11] =	ssyncset.done @!p0 $0x0  }
0x322: {  	[sflag:s11] =	ssyncadd.s32 @!p0 $0xFFFFE800  }
0x323: {  	[bflag:$0x0] =	sbarrier.arrive $0xFFFF;
	_ =	sdelay $0x1  }
0x324: {  	_ =	sfence.sel $0x180000  }
0x325: {  	[bflag:$0x0] =	sbarrier.arrive $0xFFFF  }
0x326: {  	_ =	strace $0x90000047  }
0x327: {  	s0 =	stileid.u32;
	[bflag:$0x2] =	sbarrier.arrive $0xFFFF  }
0x328: {  	p0 =	sne.s32 s0, $0x0;
	s0 =	rddreg [dreg:$0x3]  }
0x329: {  	s0 =	sadd.s32 @!p0 $0x100000, s0  }
0x32a: {  	[sflag:s0] =	ssyncadd.tile.s32 @!p0 $0x1;
	_ =	shalt  }
.Lfunc_end2:
_tile_overlayer_lowered:
.L_overlay_start_2:
0x32b: {  	(tag) =	ssettag $0x2  }
0x32c: {  	s0 =	rddreg [dreg:$0x0];
	s2 =	stileid.u32  }
0x32d: {  	s1 =	rddreg [dreg:$0x1];
	p0 =	sne.s32 s2, $0x0  }
0x32e: {  	s3 =	rddreg [dreg:$0x2];
	[bflag:$0x3] =	sbarrier.arrive $0xFFFF;
	s2 =	simm.s32 @!p0 $0x1C04  }
0x32f: {  	[timem:s3], [sflag:s2] =	dma.local @!p0 [hbm:s0], s1  }
0x330: {  	s0 =	simm.s32 @!p0 $0x4  }
0x331: {  	_ =	swait.ge @!p0 [sflag:s0], s1  }
0x332: {  	s1 =	ssub.s32 @!p0 $0x0, s1;
	[sflag:s0] =	ssyncset.done @!p0 $0x0  }
0x333: {  	[sflag:s0] =	ssyncadd.s32 @!p0 s1  }
0x334: {  	[bflag:$0x3] =	sbarrier.arrive $0xFFFF  }
0x335: {  	_ =	shalt  }

// kernel: kernel.9.cloned.1.call-start
scs
__scs_entry_jumppad:
0x0: {  	(pc) =	sbr.rel $0x88, $3  }
0x1: {  	(tag) =	ssettag $0x0;
	lr =	simm.s32 $0x1  }
0x2: {  	[smem:$0x3F9C] =	sst lr;
	_ =	strace $0xD0000000  }
0x3: {  	_ = 	snop  }
0x4: {  	_ = 	snop  }
0x5: {  	_ = 	snop  }
0x6: {  	_ = 	snop  }
0x7: {  	_ = 	snop  }
__scs_overlays_trampoline_lowered:
0x8: {  	[smem:$0x3FAB] =	sst s0  }
0x9: {  	[smem:$0x3FAC] =	sst s1  }
0xa: {  	[smem:$0x3FAD] =	sst s2  }
0xb: {  	[smem:$0x3FAE] =	sst s3  }
0xc: {  	[smem:$0x3FAF] =	sst s4  }
0xd: {  	[smem:$0x3FB0] =	sst s5  }
0xe: {  	[smem:$0x3FB1] =	sst s6  }
0xf: {  	[smem:$0x3FB2] =	sst s7  }
0x10: {  	[smem:$0x3FB3] =	sst s8  }
0x11: {  	[smem:$0x3FB4] =	sst s9;
	s0 =	simm.s32 @!p0 $0x0  }
0x12: {  	s1 =	sld [smem:$0x3F9A];
	s0 =	simm.s32 @p0 $0x1  }
0x13: {  	[smem:$0x3FB5] =	sst s0;
	s0 =	simm.s32 @!p1 $0x0  }
0x14: {  	s2 =	sld [smem:$0x3F99];
	s0 =	simm.s32 @p1 $0x1  }
0x15: {  	[smem:$0x3FB6] =	sst s0;
	s0 =	simm.s32 @!p2 $0x0  }
0x16: {  	s3 =	sld [smem:$0x3FDB];
	s0 =	simm.s32 @p2 $0x1  }
0x17: {  	s4 =	simm.s32 $0x1BF5;
	[smem:$0x3FB8] =	sst s0  }
0x18: {  	s0 =	sld [smem:$0x3F9B];
	_ =	swait.ge [sflag:s4], $0x0  }
0x19: {  	s7 =	sld [smem:$0x3F9C]  }
0x1a: {  	s8 =	sadd.s32 $0xFFFFE003, lr  }
0x1b: {  	s9 =	sadd.s32 $0xFFFFFEF7, lr;
	s5 =	simm.s32 $0xFFFFFFFF;
	p2 =	slt.u32 s8, $0xFFFFF086  }
0x1c: {  	p1 =	slt.u32 s9, $0xF7A;
	s5 =	simm.s32 @!p2 $0x0  }
0x1d: {  	s5 =	simm.s32 @p1 $0x1;
	p0 =	seq.s32 s7, s2  }
0x1e: {  	s7 =	smul.u32 @!p0 $0xF7A, s2;
	p2 =	seq.s32 @!p0 s5, $0x0  }
0x1f: {  	s9 =	smul.u32 $0xF7A, s1;
	s8 =	simm.s32 @!p0 $0x1BF5;
	p2 =	por !p2, p0  }
0x20: {  	[sflag:s8] =	ssyncset.s32 @!p0 $0xFFFFF086;
	s6 =	sadd.s32 @!p0 s3, s7;
	s7 =	simm.s32 @!p0 $0x108  }
0x21: {  	s3 =	sadd.s32 s3, s9;
	s6 =	sadd.s32 @!p0 $0x88, s6;
	s7 =	simm.s32 @p2 $0x1082  }
0x22: {  	[simem:s7], [sflag:s8] =	dma.local @!p0 [hbm:s6], $0xF7A  }
0x23: {  	s9 =	sor.u32 $0xD0000000, s2;
	s6 =	simm.s32 $0x108;
	_ =	swait.ge @!p0 [sflag:s8], $0x0  }
0x24: {  	s3 =	sadd.s32 $0x88, s3;
	s6 =	simm.s32 @!p1 $0x1082;
	[sflag:s4] =	ssyncset.s32 $0xFFFFF086  }
0x25: {  	[simem:s6], [sflag:s4] =	dma.local [hbm:s3], $0xF7A  }
0x26: {  	[smem:$0x3F9C] =	sst s1;
	(tag) =	ssettag s2;
	_ =	strace s9  }
0x27: {  	s1 =	sld [smem:$0x3FAC]  }
0x28: {  	s2 =	sld [smem:$0x3FAD]  }
0x29: {  	s4 =	sld [smem:$0x3FAF]  }
0x2a: {  	p0 =	seq.s32 s5, $0x0;
	s5 =	sld [smem:$0x3FB0]  }
0x2b: {  	s6 =	sld [smem:$0x3FB1]  }
0x2c: {  	s7 =	sld [smem:$0x3FB2]  }
0x2d: {  	s3 =	simm.s32 $0x108;
	s8 =	sld [smem:$0x3FB3]  }
0x2e: {  	s3 =	simm.s32 @!p0 $0x1082;
	s9 =	sld [smem:$0x3FB4]  }
0x2f: {  	lr =	sadd.s32 s0, s3;
	s0 =	sld [smem:$0x3FAB]  }
0x30: {  	s3 =	sld [smem:$0x3FAE]  }
0x31: {  	[smem:$0x3FB7] =	sst s10  }
0x32: {  	s10 =	sld [smem:$0x3FB5];
	_ =	sdelay $0x3  }
0x33: {  	p0 =	seq.s32 s10, $0x1;
	s10 =	sld [smem:$0x3FB7];
	_ =	sdelay $0x3  }
0x34: {  	[smem:$0x3FB7] =	sst s10  }
0x35: {  	s10 =	sld [smem:$0x3FB6];
	_ =	sdelay $0x3  }
0x36: {  	p1 =	seq.s32 s10, $0x1;
	s10 =	sld [smem:$0x3FB7];
	_ =	sdelay $0x3  }
0x37: {  	[smem:$0x3FB7] =	sst s10  }
0x38: {  	s10 =	sld [smem:$0x3FB8]  }
0x39: {  	_ = 	snop;
	(pc) =	sbr.ind lr, $3  }
0x3a: {  	_ = 	snop  }
0x3b: {  	_ = 	snop  }
0x3c: {  	p2 =	seq.s32 s10, $0x1;
	s10 =	sld [smem:$0x3FB7]  }
0x3d: {  	_ =	shalt  }
0x3e: {  	_ =	shalt  }
0x3f: {  	_ =	shalt  }
0x40: {  	_ =	shalt  }
0x41: {  	_ =	shalt  }
0x42: {  	_ =	shalt  }
0x43: {  	_ =	shalt  }
0x44: {  	_ =	shalt  }
0x45: {  	_ =	shalt  }
0x46: {  	_ =	shalt  }
0x47: {  	_ =	shalt  }
0x48: {  	_ =	shalt  }
0x49: {  	_ =	shalt  }
0x4a: {  	_ =	shalt  }
0x4b: {  	_ =	shalt  }
0x4c: {  	_ =	shalt  }
0x4d: {  	_ =	shalt  }
0x4e: {  	_ =	shalt  }
0x4f: {  	_ =	shalt  }
0x50: {  	_ =	shalt  }
0x51: {  	_ =	shalt  }
0x52: {  	_ =	shalt  }
0x53: {  	_ =	shalt  }
0x54: {  	_ =	shalt  }
0x55: {  	_ =	shalt  }
0x56: {  	_ =	shalt  }
0x57: {  	_ =	shalt  }
0x58: {  	_ =	shalt  }
0x59: {  	_ =	shalt  }
0x5a: {  	_ =	shalt  }
0x5b: {  	_ =	shalt  }
0x5c: {  	_ =	shalt  }
0x5d: {  	_ =	shalt  }
0x5e: {  	_ =	shalt  }
0x5f: {  	_ =	shalt  }
0x60: {  	_ =	shalt  }
0x61: {  	_ =	shalt  }
0x62: {  	_ =	shalt  }
0x63: {  	_ =	shalt  }
0x64: {  	_ =	shalt  }
0x65: {  	_ =	shalt  }
0x66: {  	_ =	shalt  }
0x67: {  	_ =	shalt  }
0x68: {  	_ =	shalt  }
0x69: {  	_ =	shalt  }
0x6a: {  	_ =	shalt  }
0x6b: {  	_ =	shalt  }
0x6c: {  	_ =	shalt  }
0x6d: {  	_ =	shalt  }
0x6e: {  	_ =	shalt  }
0x6f: {  	_ =	shalt  }
0x70: {  	_ =	shalt  }
0x71: {  	_ =	shalt  }
0x72: {  	_ =	shalt  }
0x73: {  	_ =	shalt  }
0x74: {  	_ =	shalt  }
0x75: {  	_ =	shalt  }
0x76: {  	_ =	shalt  }
0x77: {  	_ =	shalt  }
0x78: {  	_ =	shalt  }
0x79: {  	_ =	shalt  }
0x7a: {  	_ =	shalt  }
0x7b: {  	_ =	shalt  }
0x7c: {  	_ =	shalt  }
0x7d: {  	_ =	shalt  }
0x7e: {  	_ =	shalt  }
0x7f: {  	_ =	shalt  }
0x80: {  	_ =	shalt  }
0x81: {  	_ =	shalt  }
0x82: {  	_ =	shalt  }
0x83: {  	_ =	shalt  }
0x84: {  	_ =	shalt  }
0x85: {  	_ =	shalt  }
0x86: {  	_ =	shalt  }
0x87: {  	_ =	shalt  }
.Lfunc_end0:
.L_simem_size_0:
called_computation.1_lowered:
.L_overlay_start_0:
0x88: {  	s2 =	sld [smem:$0x3FD9]  }
0x89: {  	s3 =	sld [smem:$0x3FFE];
	_ =	sdelay $0x1  }
0x8a: {  	s1 =	srdreg.scid  }
0x8b: {  	s0 =	sand.u32 $0x1, s1  }
0x8c: {  	s16 =	sshll.u32 s0, $0xA;
	s2 =	sadd.s32 s3, s2  }
0x8d: {  	s2 =	sadd.s32 s2, s16  }
0x8e: {  	[smem:$0x3FC3] =	sst s2  }
0x8f: {  	_ = 	snop  }
0x90: {  	(tm) =	ssettm $0x1  }
0x91: {  	s17 =	sld [smem:$0x3FFB];
	_ =	sdelay $0x3  }
0x92: {  	_ =	strace s17  }
0x93: {  	s2 =	sld [smem:$0x3FFC];
	_ =	sdelay $0x3  }
0x94: {  	_ =	strace s2  }
0x95: {  	s2 =	sld [smem:$0x3FFD];
	_ =	sdelay $0x3  }
0x96: {  	_ =	strace s2  }
0x97: {  	_ =	strace $0x8FFFFFFF  }
0x98: {  	s18 =	sld [smem:$0x3FDB];
	_ =	sdelay $0x1  }
0x99: {  	s19 =	simm.s32 $_scs_section_size  }
0x9a: {  	s4 =	simm.s32 $_size__tile_overlayer_lowered;
	s5 =	simm.s32 $_tile_overlayer_lowered  }
0x9b: {  	s22 =	simm.s32 $0x1BFF;
	s21 =	sshll.u32 s5, $0x1;
	s2 =	sadd.s32 s19, s18  }
0x9c: {  	s6 =	simm.s32 $0x0;
	s20 =	sshll.u32 s4, $0x1;
	s4 =	sadd.s32 s21, s2  }
0x9d: {  	[timem:s6], [sflag:s22] =	dma.local [hbm:s4], s20  }
0x9e: {  	_ =	swait.ge [sflag:s22], s20  }
0x9f: {  	s3 =	ssub.s32 $0x0, s20;
	[sflag:s22] =	ssyncset.done $0x0  }
0xa0: {  	[sflag:s22] =	ssyncadd.s32 s3;
	_ =	sdelay $0x1  }
0xa1: {  	s23 =	simm.s32 $0x1B8B  }
0xa2: {  	_ =	swait.ge [sflag:s23], $0x1  }
0xa3: {  	[sflag:s23] =	ssyncset.done $0x0  }
0xa4: {  	s25 =	simm.s32 $0x1B8E;
	s24 =	sld [smem:$0x3FFE];
	[sflag:s23] =	ssyncadd.s32 $0xFFFFFFFF  }
0xa5: {  	s26 =	simm.s32 $execute0_lowered;
	[smem:$0x3FD2] =	sst s25  }
0xa6: {  	s4 =	sshll.u32 s26, $0x1;
	_ =	strace $0x80000049;
	[dreg:$0x1] =	wrdreg $0xFFFFFFFF  }
0xa7: {  	s28 =	simm.s32 $_size_execute0_lowered;
	s2 =	sadd.s32 s2, s4;
	[dreg:$0x0] =	wrdreg $0x0  }
0xa8: {  	s4 =	sshll.u32 s28, $0x1;
	[dreg:$0x2] =	wrdreg s2  }
0xa9: {  	[dreg:$0x3] =	wrdreg s4  }
0xaa: {  	[dreg:$0x4] =	wrdreg $0xC0  }
0xab: {  	_ =	task [dreg:s6], $0x5FFFF  }
0xac: {  	[dreg:$0x1] =	wrdreg $0xFFFFFFFF  }
0xad: {  	[dreg:$0x0] =	wrdreg $0x60  }
0xae: {  	[dreg:$0x2] =	wrdreg s24  }
0xaf: {  	[dreg:$0x3] =	wrdreg $0x64800  }
0xb0: {  	[dreg:$0x4] =	wrdreg $0x9  }
0xb1: {  	_ =	task.clear_ibuf [dreg:s6], $0x5FFFF;
	_ =	strace $0x90000049  }
0xb2: {  	s29 =	simm.s32 $0x9;
	_ =	strace $0x8000004B  }
0xb3: {  	_ =	swait.ge [sflag:s29], $0x1  }
0xb4: {  	[sflag:s29] =	ssyncadd.s32 $0xFFFFFFFF  }
0xb5: {  	_ =	strace $0x9000004B  }
0xb6: {  	_ =	sfence  }
0xb7: {  	s30 =	sld [smem:$0x0];
	_ =	sdelay $0x2  }
0xb8: {  	s31 =	sshll.u32 s1, $0xD;
	s1 =	sshrl.u32 s1, $0x2  }
0xb9: {  	s3 =	sand.u32 $0x4000, s31;
	s1 =	sadd.s32 s1, s30  }
0xba: {  	s0 =	sor.u32 s3, s0;
	s1 =	sshll.u32 s1, $0x11  }
0xbb: {  	s0 =	sor.u32 s1, s0  }
0xbc: {  	s0 =	sadd.s32 $0x8F2B, s0  }
0xbd: {  	[sflag:s0] =	ssyncadd.remote.s32 $0x1  }
0xbe: {  	_ =	sfence.sel $0xFFFF  }
0xbf: {  	[dreg:$0x0] =	wrdreg $0xFFFFFFFF;
	(pc) =	sbr.abs _section_cstart, $3  }
0xc0: {  	[dreg:$0x1] =	wrdreg $0xFFFFFFFF  }
0xc1: {  	_ =	task.clear_ibuf [dreg:s6], $0x2FFFF;
	_ =	strace $0x9FFFFFFF  }
0xc2: {  	(tm) =	ssettm $0x7FFFFFFF  }
0xc3: {  	_ =	shalt  }
tec
execute0_lowered:
.L_overlay_start_1:
0x0: {  	(tag) =	ssettag $0x1  }
0x1: {  	s0 =	rddreg [dreg:$0x0]  }
0x2: {  	s2 =	srdreg.scid;
	s21 =	stileid.u32  }
0x3: {  	s1 =	simm.s32 $0x0;
	s28 =	simm.s32 $0x3;
	s29 =	simm.s32 $0x80  }
0x4: {  	s30 =	simm.s32 $0x1;
	s31 =	simm.s32 $0x2;
	s3 =	sand.u32 $0x1, s2  }
0x5: {  	s7 =	smul.u32 $0x14000, s21;
	[smem:$0x7FF] =	sst s1;
	s5 =	sadd.s32 $0x29600, s0  }
0x6: {  	p0 =	seq.s32 s21, $0xF;
	s2 =	ssub.s32 $0x2, s3;
	s9 =	smul.u32 $0x3A9800, s3  }
0x7: {  	s6 =	sshrl.u32 s2, $0x1;
	s4 =	sadd.s32 $0xC000, s7;
	s11 =	sadd.s32 $0x12800, s7  }
0x8: {  	s2 =	ssub.s32 s2, s6;
	s6 =	sshll.u32 s3, $0x4;
	s12 =	sadd.s32 s9, s4  }
0x9: {  	s8 =	sadd.s32 $0x138800, s9;
	s13 =	sadd.s32 s9, s11;
	s3 =	sshrl.u32 s12, $0x3  }
0xa: {  	s10 =	sadd.s32 s11, s8;
	s12 =	sshrl.u32 s13, $0x3;
	s13 =	sadd.s32 s9, s7  }
0xb: {  	s22 =	sadd.s32 s5, s3;
	s10 =	sshrl.u32 s10, $0x3;
	s12 =	sadd.s32 s5, s12  }
0xc: {  	s3 =	sadd.s32 $0x271000, s9;
	s15 =	sshrl.u32 s13, $0x3;
	[dreg:$0x4] =	wrdreg s12  }
0xd: {  	s10 =	sadd.s32 s5, s10;
	s14 =	sadd.s32 s11, s3;
	s12 =	sor.u32 $0x2000, s7  }
0xe: {  	[dreg:$0x5] =	wrdreg s10;
	s10 =	sshrl.u32 s14, $0x3;
	s16 =	sadd.s32 s9, s12  }
0xf: {  	s14 =	sadd.s32 $0x4000, s7;
	s10 =	sadd.s32 s5, s10;
	s17 =	sshrl.u32 s16, $0x3  }
0x10: {  	s18 =	sadd.s32 s9, s14;
	s16 =	sadd.s32 $0x8000, s7;
	[dreg:$0x6] =	wrdreg s10  }
0x11: {  	s10 =	sadd.s32 s5, s15;
	s15 =	sadd.s32 $0x6000, s7;
	s23 =	sadd.s32 s9, s16  }
0x12: {  	[dreg:$0x7] =	wrdreg s10;
	s10 =	sadd.s32 s5, s17;
	s19 =	sadd.s32 s9, s15  }
0x13: {  	s24 =	sshrl.u32 s23, $0x3;
	s17 =	sadd.s32 $0xA000, s7;
	[dreg:$0x8] =	wrdreg s10  }
0x14: {  	s10 =	sshrl.u32 s18, $0x3;
	s20 =	sshrl.u32 s19, $0x3;
	s25 =	sadd.s32 s9, s17  }
0x15: {  	s18 =	sadd.s32 $0xC800, s7;
	s19 =	sadd.s32 $0xE800, s7;
	s10 =	sadd.s32 s5, s10  }
0x16: {  	s26 =	sadd.s32 s9, s18;
	[dreg:$0x9] =	wrdreg s10;
	s10 =	sadd.s32 s5, s20  }
0x17: {  	s20 =	sadd.s32 s9, s19;
	[dreg:$0xa] =	wrdreg s10;
	s10 =	sadd.s32 s5, s24  }
0x18: {  	s23 =	sshrl.u32 s20, $0x3;
	s20 =	sadd.s32 $0x10800, s7;
	s24 =	sadd.s32 s7, s8  }
0x19: {  	s7 =	sadd.s32 s7, s3;
	[dreg:$0xb] =	wrdreg s10;
	s10 =	sshrl.u32 s25, $0x3  }
0x1a: {  	s13 =	sshrl.u32 s26, $0x3;
	s7 =	sshrl.u32 s7, $0x3;
	s10 =	sadd.s32 s5, s10  }
0x1b: {  	s9 =	sadd.s32 s9, s20;
	s7 =	sadd.s32 s5, s7;
	[dreg:$0xc] =	wrdreg s10  }
0x1c: {  	s9 =	sshrl.u32 s9, $0x3;
	s10 =	sadd.s32 s5, s13;
	[dreg:$0x19] =	wrdreg s7  }
0x1d: {  	s25 =	sadd.s32 s12, s8;
	s9 =	sadd.s32 s5, s9;
	[dreg:$0xd] =	wrdreg s10  }
0x1e: {  	s13 =	sadd.s32 s14, s8;
	s10 =	sadd.s32 s5, s23;
	[dreg:$0xf] =	wrdreg s9  }
0x1f: {  	s23 =	sadd.s32 s15, s8;
	[dreg:$0xe] =	wrdreg s10;
	s10 =	sshrl.u32 s24, $0x3  }
0x20: {  	s24 =	sadd.s32 s16, s8;
	s26 =	sadd.s32 s5, s10;
	s10 =	sshrl.u32 s25, $0x3  }
0x21: {  	[dreg:$0x10] =	wrdreg s26;
	s9 =	sadd.s32 s5, s10;
	s10 =	sshrl.u32 s23, $0x3  }
0x22: {  	s26 =	sshrl.u32 s24, $0x3;
	s23 =	sadd.s32 s19, s8;
	[dreg:$0x11] =	wrdreg s9  }
0x23: {  	s9 =	sshrl.u32 s13, $0x3;
	s25 =	sadd.s32 s5, s10;
	s10 =	sadd.s32 s17, s8  }
0x24: {  	s13 =	sadd.s32 s18, s8;
	s8 =	sadd.s32 s20, s8;
	s9 =	sadd.s32 s5, s9  }
0x25: {  	[dreg:$0x13] =	wrdreg s25;
	s25 =	sshrl.u32 s23, $0x3;
	s8 =	sshrl.u32 s8, $0x3  }
0x26: {  	s23 =	sadd.s32 s15, s3;
	[dreg:$0x12] =	wrdreg s9;
	s9 =	sadd.s32 s5, s26  }
0x27: {  	s26 =	sadd.s32 s12, s3;
	s8 =	sadd.s32 s5, s8;
	[dreg:$0x14] =	wrdreg s9  }
0x28: {  	s9 =	sshrl.u32 s10, $0x3;
	s10 =	sshrl.u32 s13, $0x3;
	[dreg:$0x18] =	wrdreg s8  }
0x29: {  	s13 =	sadd.s32 s14, s3;
	s8 =	sshrl.u32 s23, $0x3;
	s9 =	sadd.s32 s5, s9  }
0x2a: {  	s24 =	sadd.s32 s5, s10;
	s10 =	sshrl.u32 s26, $0x3;
	[dreg:$0x15] =	wrdreg s9  }
0x2b: {  	[dreg:$0x16] =	wrdreg s24;
	s9 =	sadd.s32 s5, s25;
	s7 =	sadd.s32 s5, s10  }
0x2c: {  	s24 =	sadd.s32 s16, s3;
	s25 =	sadd.s32 s5, s8;
	[dreg:$0x17] =	wrdreg s9  }
0x2d: {  	s8 =	sadd.s32 s17, s3;
	s10 =	sadd.s32 s19, s3;
	[dreg:$0x1a] =	wrdreg s7  }
0x2e: {  	s7 =	sshrl.u32 s13, $0x3;
	[dreg:$0x1c] =	wrdreg s25;
	s26 =	sshrl.u32 s24, $0x3  }
0x2f: {  	s9 =	sadd.s32 s18, s3;
	s23 =	sshrl.u32 s10, $0x3;
	s24 =	sadd.s32 s20, s3  }
0x30: {  	s3 =	rddreg [dreg:$0x1];
	s25 =	smul.u32 $0x50000, s21;
	s7 =	sadd.s32 s5, s7  }
0x31: {  	s10 =	sadd.s32 s4, s3;
	[dreg:$0x1b] =	wrdreg s7;
	s7 =	sadd.s32 s5, s26  }
0x32: {  	s4 =	simm.s32 $0x2080;
	s26 =	sor.u32 s21, s6;
	[dreg:$0x1d] =	wrdreg s7  }
0x33: {  	s7 =	sshrl.u32 s8, $0x3;
	s8 =	sshrl.u32 s9, $0x3;
	s6 =	smul.u32 $0x3400, s26  }
0x34: {  	s9 =	smul.u32 $0xC8000, s26;
	s26 =	sadd.s32 $0x4E200, s22;
	s7 =	sadd.s32 s5, s7  }
0x35: {  	s13 =	sadd.s32 s5, s8;
	s8 =	sshrl.u32 s25, $0x2;
	[dreg:$0x1e] =	wrdreg s7  }
0x36: {  	s25 =	sadd.s32 $0x27100, s22;
	[dreg:$0x1f] =	wrdreg s13;
	s7 =	sadd.s32 s5, s23  }
0x37: {  	s8 =	sadd.s32 s8, s3;
	s13 =	sadd.s32 s11, s3;
	s23 =	smax.u32 s2, $0x1  }
0x38: {  	s2 =	sadd.s32 s14, s3;
	[smem:$0x7F6] =	sst s7;
	s7 =	sshrl.u32 s24, $0x3  }
0x39: {  	s14 =	sadd.s32 s15, s3;
	s15 =	sadd.s32 s16, s3;
	s5 =	sadd.s32 s5, s7  }
0x3a: {  	s16 =	sadd.s32 s17, s3;
	s17 =	sadd.s32 s18, s3;
	[smem:$0x7F7] =	sst s5  }
0x3b: {  	s18 =	sadd.s32 s19, s3;
	_ =	strace $0x8000004A;
	[smem:$0x7F8] =	sst s10  }
0x3c: {  	s19 =	sadd.s32 s20, s3;
	s20 =	sadd.s32 $0x68000, s6;
	[smem:$0x7F9] =	sst s13  }
0x3d: {  	s21 =	sadd.s32 $0x1900000, s9;
	s24 =	sadd.s32 s12, s3;
	[smem:$0x7FA] =	sst s23  }
0x3e: {  	s12 =	simm.s32 $0x4080;
	s7 =	sadd.s32 $0x13AE00, s0;
	[smem:$0x7FB] =	sst s24  }
0x3f: {  	s5 =	sadd.s32 $0x2600, s0;
	s0 =	simm.s32 $0x40;
	[smem:$0x7FC] =	sst s25  }
0x40: {  	s23 =	sadd.s32 $0xD0000, s6;
	s24 =	sadd.s32 $0x3200000, s9;
	[dreg:$0x3] =	wrdreg s22  }
0x41: {  	v0 =	vimm.f32 $0.0e+00;
	[smem:$0x7FD] =	sst s26;
	s26 =	simm.s32 $0x6080;
	s22 =	simm.s32 $0x0  }
.LBB2_1:
0x42: {  	[tilespmem:$0x6080] =	vst v0  }
0x43: {  	[tilespmem:$0x6090] =	vst v0  }
0x44: {  	[tilespmem:$0x60A0] =	vst v0  }
0x45: {  	[tilespmem:$0x60B0] =	vst v0  }
0x46: {  	[tilespmem:$0x60C0] =	vst v0  }
0x47: {  	[tilespmem:$0x60D0] =	vst v0  }
0x48: {  	[tilespmem:$0x60E0] =	vst v0  }
0x49: {  	[tilespmem:$0x60F0] =	vst v0  }
0x4a: {  	[tilespmem:$0x6100] =	vst v0  }
0x4b: {  	[tilespmem:$0x6110] =	vst v0  }
0x4c: {  	[tilespmem:$0x6120] =	vst v0  }
0x4d: {  	[tilespmem:$0x6130] =	vst v0  }
0x4e: {  	[tilespmem:$0x6140] =	vst v0  }
0x4f: {  	[tilespmem:$0x6150] =	vst v0  }
0x50: {  	[tilespmem:$0x6160] =	vst v0  }
0x51: {  	[tilespmem:$0x6170] =	vst v0  }
0x52: {  	[tilespmem:$0x6180] =	vst v0  }
0x53: {  	[tilespmem:$0x6190] =	vst v0  }
0x54: {  	[tilespmem:$0x61A0] =	vst v0  }
0x55: {  	[tilespmem:$0x61B0] =	vst v0  }
0x56: {  	[tilespmem:$0x61C0] =	vst v0  }
0x57: {  	[tilespmem:$0x61D0] =	vst v0  }
0x58: {  	[tilespmem:$0x61E0] =	vst v0  }
0x59: {  	[tilespmem:$0x61F0] =	vst v0  }
0x5a: {  	[tilespmem:$0x6200] =	vst v0  }
0x5b: {  	[tilespmem:$0x6210] =	vst v0  }
0x5c: {  	[tilespmem:$0x6220] =	vst v0  }
0x5d: {  	[tilespmem:$0x6230] =	vst v0  }
0x5e: {  	[tilespmem:$0x6240] =	vst v0  }
0x5f: {  	[tilespmem:$0x6250] =	vst v0  }
0x60: {  	[tilespmem:$0x6260] =	vst v0  }
0x61: {  	[tilespmem:$0x6270] =	vst v0  }
0x62: {  	[tilespmem:$0x6280] =	vst v0  }
0x63: {  	[tilespmem:$0x6290] =	vst v0  }
0x64: {  	[tilespmem:$0x62A0] =	vst v0  }
0x65: {  	[tilespmem:$0x62B0] =	vst v0  }
0x66: {  	[tilespmem:$0x62C0] =	vst v0  }
0x67: {  	[tilespmem:$0x62D0] =	vst v0  }
0x68: {  	[tilespmem:$0x62E0] =	vst v0  }
0x69: {  	[tilespmem:$0x62F0] =	vst v0  }
0x6a: {  	[tilespmem:$0x6300] =	vst v0  }
0x6b: {  	[tilespmem:$0x6310] =	vst v0  }
0x6c: {  	[tilespmem:$0x6320] =	vst v0  }
0x6d: {  	[tilespmem:$0x6330] =	vst v0  }
0x6e: {  	[tilespmem:$0x6340] =	vst v0  }
0x6f: {  	[tilespmem:$0x6350] =	vst v0  }
0x70: {  	[tilespmem:$0x6360] =	vst v0  }
0x71: {  	[tilespmem:$0x6370] =	vst v0  }
0x72: {  	[tilespmem:$0x6380] =	vst v0  }
0x73: {  	[tilespmem:$0x6390] =	vst v0  }
0x74: {  	[tilespmem:$0x63A0] =	vst v0  }
0x75: {  	[tilespmem:$0x63B0] =	vst v0  }
0x76: {  	[tilespmem:$0x63C0] =	vst v0  }
0x77: {  	[tilespmem:$0x63D0] =	vst v0  }
0x78: {  	[tilespmem:$0x63E0] =	vst v0  }
0x79: {  	[tilespmem:$0x63F0] =	vst v0  }
0x7a: {  	[tilespmem:$0x6400] =	vst v0  }
0x7b: {  	[tilespmem:$0x6410] =	vst v0  }
0x7c: {  	[tilespmem:$0x6420] =	vst v0  }
0x7d: {  	[tilespmem:$0x6430] =	vst v0  }
0x7e: {  	[tilespmem:$0x6440] =	vst v0  }
0x7f: {  	[tilespmem:$0x6450] =	vst v0  }
0x80: {  	[tilespmem:$0x6460] =	vst v0  }
0x81: {  	[tilespmem:$0x6470] =	vst v0;
	s10 =	simm.s32 $0x0;
	s25 =	simm.s32 $0x200  }
.LBB2_2:
0x82: {  	p1 =	sne.s32 s25, $0x7E00;
	[tilespmem:s10+$0x20F0] =	vst v0  }
0x83: {  	[tilespmem:s10+$0x2080] =	vst v0  }
0x84: {  	[tilespmem:s10+$0x2090] =	vst v0  }
.Ltmp0:
0x85: {  	[tilespmem:s10+$0x20A0] =	vst v0;
	(pc) =	sbr.rel @p1 .LBB2_2-.Ltmp0, $4  }
0x86: {  	[tilespmem:s10+$0x20B0] =	vst v0  }
0x87: {  	[tilespmem:s10+$0x20C0] =	vst v0  }
0x88: {  	[tilespmem:s10+$0x20D0] =	vst v0  }
0x89: {  	[tilespmem:s10+$0x20E0] =	vst v0;
	s10 =	sshra.s32 s25, $0x2;
	s25 =	sadd.s32 $0x200, s25  }
0x8a: {  	[tilespmem:s10+$0x20F0] =	vst v0  }
0x8b: {  	[tilespmem:s10+$0x2080] =	vst v0  }
0x8c: {  	[tilespmem:s10+$0x2090] =	vst v0  }
0x8d: {  	[tilespmem:s10+$0x20A0] =	vst v0  }
0x8e: {  	[tilespmem:s10+$0x20B0] =	vst v0  }
0x8f: {  	[tilespmem:s10+$0x20C0] =	vst v0  }
0x90: {  	[tilespmem:s10+$0x20D0] =	vst v0  }
0x91: {  	[tilespmem:s10+$0x20E0] =	vst v0;
	s25 =	sadd.s32 $0x0, s8  }
0x92: {  	[spmem:s25] =	stream.linear.scatter [tilespmem:s26], [sflag:$0x3], $0x400, $0x38;
	[tilespmem:$0x1A480] =	vst v63  }
0x93: {  	s10 =	simm.s32 $0x1000;
	_ =	swait.ge [sflag:s28], $0x400  }
.LBB2_4:
0x94: {  	s11 =	sshra.s32 s10, $0x2;
	[sflag:s28] =	ssyncset.done $0x0;
	p1 =	sne.s32 s10, $0x4F000  }
.Ltmp1:
0x95: {  	s11 =	sadd.s32 s11, s8;
	[sflag:s28] =	ssyncadd.s32 $0xFFFFFC00;
	(pc) =	sbr.rel @p1 .LBB2_4-.Ltmp1, $3  }
0x96: {  	[spmem:s11] =	stream.linear.scatter [tilespmem:s26], [sflag:$0x3], $0x400, $0x38;
	[tilespmem:$0x1A480] =	vst v63  }
0x97: {  	s10 =	sadd.s32 $0x1000, s10;
	_ =	sdelay $0x1  }
0x98: {  	_ =	swait.ge [sflag:s28], $0x400  }
0x99: {  	[sflag:s28] =	ssyncset.done $0x0  }
0x9a: {  	[sflag:s28] =	ssyncadd.s32 $0xFFFFFC00  }
0x9b: {  	s25 =	simm.s32 $0x0;
	s10 =	simm.s32 $0x0;
	[bflag:$0x0] =	sbarrier.arrive $0xFFFF  }
.LBB2_6:
0x9c: {  	s11 =	sshll.u32 s10, $0x7  }
0x9d: {  	s13 =	sand.u32 $0x3C00, s11  }
0x9e: {  	s11 =	sand.u32 $0x380, s11;
	s13 =	sadd.s32 s6, s13  }
0x9f: {  	s11 =	sor.u32 s11, s13  }
0xa0: {  	s11 =	sshrl.u32 s11, $0x3  }
0xa1: {  	s13 =	sshll.u32 s10, $0xD;
	s11 =	sadd.s32 s5, s11  }
0xa2: {  	[tilespmem:s25], [sflag:$0x1] =	stream.linear.gather [hbm4b:s11+s25], $0x80, $0x38;
	[tilespmem:$0x1A480] =	vst v63  }
0xa3: {  	s11 =	sadd.s32 s9, s13  }
0xa4: {  	s11 =	sshrl.u32 s11, $0x3  }
0xa5: {  	s11 =	sadd.s32 s7, s11  }
0xa6: {  	[tilespmem:s29], [sflag:$0x2] =	stream.linear.gather [hbm4b:s11+s25], $0x2000, $0x38;
	[tilespmem:$0x1A480] =	vst v63  }
0xa7: {  	_ =	swait.ge [sflag:s30], $0x80  }
0xa8: {  	[sflag:s30] =	ssyncset.done $0x0  }
0xa9: {  	[sflag:s30] =	ssyncadd.s32 $0xFFFFFF80  }
0xaa: {  	_ =	swait.ge [sflag:s31], $0x2000  }
0xab: {  	[sflag:s31] =	ssyncset.done $0x0  }
0xac: {  	s11 =	simm.s32 $0x0;
	[sflag:s31] =	ssyncadd.s32 $0xFFFFE000  }
0xad: {  	s13 =	simm.s32 $0x200;
	v1 =	vld [tilespmem:s11+$0x80]  }
.LBB2_7:
0xae: {  	p1 =	sne.s32 s13, $0x7E00  }
.Ltmp2:
0xaf: {  	_ = 	snop;
	(pc) =	sbr.rel @p1 .LBB2_7-.Ltmp2, $3  }
0xb0: {  	_ =	sdelay $0x1  }
0xb1: {  	[tilespmem:s11+$0x2080] =	vst v1;
	s11 =	sshra.s32 s13, $0x2;
	s13 =	sadd.s32 $0x200, s13  }
0xb2: {  	v1 =	vld [tilespmem:s11+$0x80]  }
0xb3: {  	_ =	sdelay $0x1  }
0xb4: {  	s10 =	sadd.s32 $0x1, s10  }
0xb5: {  	p1 =	sne.s32 s10, $0x64  }
.Ltmp3:
0xb6: {  	[tilespmem:s11+$0x2080] =	vst v1;
	(pc) =	sbr.rel @p1 .LBB2_6-.Ltmp3, $4  }
0xb7: {  	[spmem:s3] =	stream.indirect.scatter.add.f32 [tilespmem:s4], [sflag:$0x3], $0x80, s1, s0, $0xb8;
	[tilespmem:$0x1A480] =	vst v63  }
0xb8: {  	_ =	swait.ge [sflag:s28], $0x2000  }
0xb9: {  	[sflag:s28] =	ssyncset.done $0x0  }
0xba: {  	[sflag:s28] =	ssyncadd.s32 $0xFFFFE000  }
0xbb: {  	[bflag:$0x0] =	sbarrier.arrive $0xFFFF  }
0xbc: {  	[tilespmem:s12], [sflag:$0x3] =	stream.linear.gather [spmem:s8], $0x2000, $0x38;
	[tilespmem:$0x1A480] =	vst v63  }
0xbd: {  	_ =	swait.ge [sflag:s28], $0x2000  }
0xbe: {  	[sflag:s28] =	ssyncset.done $0x0  }
0xbf: {  	s10 =	rddreg [dreg:$0x7];
	[sflag:s28] =	ssyncadd.s32 $0xFFFFE000  }
0xc0: {  	[hbm4b:s10+s1] =	stream.linear.scatter [tilespmem:s12], [sflag:$0x3], $0x2000, $0x38;
	[tilespmem:$0x1A480] =	vst v63  }
0xc1: {  	_ =	swait.ge [sflag:s28], $0x2000  }
0xc2: {  	s11 =	sld [smem:$0x7FB]  }
0xc3: {  	[sflag:s28] =	ssyncset.done $0x0  }
0xc4: {  	[sflag:s28] =	ssyncadd.s32 $0xFFFFE000  }
0xc5: {  	[tilespmem:s12], [sflag:$0x3] =	stream.linear.gather [spmem:s11], $0x2000, $0x38;
	[tilespmem:$0x1A480] =	vst v63  }
0xc6: {  	_ =	swait.ge [sflag:s28], $0x2000  }
0xc7: {  	[sflag:s28] =	ssyncset.done $0x0  }
0xc8: {  	s13 =	rddreg [dreg:$0x8];
	[sflag:s28] =	ssyncadd.s32 $0xFFFFE000  }
0xc9: {  	[hbm4b:s13+s1] =	stream.linear.scatter [tilespmem:s12], [sflag:$0x3], $0x2000, $0x38;
	[tilespmem:$0x1A480] =	vst v63  }
0xca: {  	_ =	swait.ge [sflag:s28], $0x2000  }
0xcb: {  	[sflag:s28] =	ssyncset.done $0x0  }
0xcc: {  	[sflag:s28] =	ssyncadd.s32 $0xFFFFE000  }
0xcd: {  	[tilespmem:s12], [sflag:$0x3] =	stream.linear.gather [spmem:s2], $0x2000, $0x38;
	[tilespmem:$0x1A480] =	vst v63  }
0xce: {  	_ =	swait.ge [sflag:s28], $0x2000  }
0xcf: {  	[sflag:s28] =	ssyncset.done $0x0  }
0xd0: {  	s25 =	rddreg [dreg:$0x9];
	[sflag:s28] =	ssyncadd.s32 $0xFFFFE000  }
0xd1: {  	[hbm4b:s25+s1] =	stream.linear.scatter [tilespmem:s12], [sflag:$0x3], $0x2000, $0x38;
	[tilespmem:$0x1A480] =	vst v63  }
0xd2: {  	_ =	swait.ge [sflag:s28], $0x2000  }
0xd3: {  	[sflag:s28] =	ssyncset.done $0x0  }
0xd4: {  	[sflag:s28] =	ssyncadd.s32 $0xFFFFE000  }
0xd5: {  	[tilespmem:s12], [sflag:$0x3] =	stream.linear.gather [spmem:s14], $0x2000, $0x38;
	[tilespmem:$0x1A480] =	vst v63  }
0xd6: {  	_ =	swait.ge [sflag:s28], $0x2000  }
0xd7: {  	[sflag:s28] =	ssyncset.done $0x0  }
0xd8: {  	s11 =	rddreg [dreg:$0xa];
	[sflag:s28] =	ssyncadd.s32 $0xFFFFE000  }
0xd9: {  	[hbm4b:s11+s1] =	stream.linear.scatter [tilespmem:s12], [sflag:$0x3], $0x2000, $0x38;
	[tilespmem:$0x1A480] =	vst v63  }
0xda: {  	_ =	swait.ge [sflag:s28], $0x2000  }
0xdb: {  	[sflag:s28] =	ssyncset.done $0x0  }
0xdc: {  	[sflag:s28] =	ssyncadd.s32 $0xFFFFE000  }
0xdd: {  	[tilespmem:s12], [sflag:$0x3] =	stream.linear.gather [spmem:s15], $0x2000, $0x38;
	[tilespmem:$0x1A480] =	vst v63  }
0xde: {  	_ =	swait.ge [sflag:s28], $0x2000  }
0xdf: {  	[sflag:s28] =	ssyncset.done $0x0  }
0xe0: {  	s13 =	rddreg [dreg:$0xb];
	[sflag:s28] =	ssyncadd.s32 $0xFFFFE000  }
0xe1: {  	[hbm4b:s13+s1] =	stream.linear.scatter [tilespmem:s12], [sflag:$0x3], $0x2000, $0x38;
	[tilespmem:$0x1A480] =	vst v63  }
0xe2: {  	_ =	swait.ge [sflag:s28], $0x2000  }
0xe3: {  	[sflag:s28] =	ssyncset.done $0x0  }
0xe4: {  	[sflag:s28] =	ssyncadd.s32 $0xFFFFE000  }
0xe5: {  	[tilespmem:s12], [sflag:$0x3] =	stream.linear.gather [spmem:s16], $0x2000, $0x38;
	[tilespmem:$0x1A480] =	vst v63  }
0xe6: {  	_ =	swait.ge [sflag:s28], $0x2000  }
0xe7: {  	[sflag:s28] =	ssyncset.done $0x0  }
0xe8: {  	s25 =	rddreg [dreg:$0xc];
	[sflag:s28] =	ssyncadd.s32 $0xFFFFE000  }
0xe9: {  	[hbm4b:s25+s1] =	stream.linear.scatter [tilespmem:s12], [sflag:$0x3], $0x2000, $0x38;
	[tilespmem:$0x1A480] =	vst v63  }
0xea: {  	_ =	swait.ge [sflag:s28], $0x2000  }
0xeb: {  	s11 =	sld [smem:$0x7F8]  }
0xec: {  	[sflag:s28] =	ssyncset.done $0x0  }
0xed: {  	[sflag:s28] =	ssyncadd.s32 $0xFFFFE000  }
0xee: {  	[tilespmem:s12], [sflag:$0x3] =	stream.linear.gather [spmem:s11], $0x800, $0x38;
	[tilespmem:$0x1A480] =	vst v63  }
0xef: {  	_ =	swait.ge [sflag:s28], $0x800  }
0xf0: {  	[sflag:s28] =	ssyncset.done $0x0  }
0xf1: {  	s13 =	rddreg [dreg:$0x3];
	[sflag:s28] =	ssyncadd.s32 $0xFFFFF800  }
0xf2: {  	[hbm4b:s13+s1] =	stream.linear.scatter [tilespmem:s12], [sflag:$0x3], $0x800, $0x38;
	[tilespmem:$0x1A480] =	vst v63  }
0xf3: {  	_ =	swait.ge [sflag:s28], $0x800  }
0xf4: {  	[sflag:s28] =	ssyncset.done $0x0  }
0xf5: {  	s10 =	simm.s32 @!p0 $0x4080;
	s11 =	simm.s32 @!p0 $0x3;
	[sflag:s28] =	ssyncadd.s32 $0xFFFFF800  }
0xf6: {  	[tilespmem:s10], [sflag:$0x3] =	stream.linear.gather @!p0 [spmem:s17], $0x2000, $0x38;
	[tilespmem:$0x1A480] =	vst v63  }
0xf7: {  	_ =	swait.ge @!p0 [sflag:s11], $0x2000  }
0xf8: {  	[sflag:s11] =	ssyncset.done @!p0 $0x0  }
0xf9: {  	s13 =	simm.s32 @!p0 $0x0;
	s25 =	rddreg [dreg:$0xd];
	[sflag:s11] =	ssyncadd.s32 @!p0 $0xFFFFE000  }
0xfa: {  	[hbm4b:s25+s13] =	stream.linear.scatter @!p0 [tilespmem:s10], [sflag:$0x3], $0x2000, $0x38;
	[tilespmem:$0x1A480] =	vst v63  }
0xfb: {  	_ =	swait.ge @!p0 [sflag:s11], $0x2000  }
0xfc: {  	[sflag:s11] =	ssyncset.done @!p0 $0x0  }
0xfd: {  	[sflag:s11] =	ssyncadd.s32 @!p0 $0xFFFFE000  }
0xfe: {  	[tilespmem:s10], [sflag:$0x3] =	stream.linear.gather @!p0 [spmem:s18], $0x2000, $0x38;
	[tilespmem:$0x1A480] =	vst v63  }
0xff: {  	_ =	swait.ge @!p0 [sflag:s11], $0x2000  }
0x100: {  	[sflag:s11] =	ssyncset.done @!p0 $0x0  }
0x101: {  	s25 =	rddreg [dreg:$0xe];
	[sflag:s11] =	ssyncadd.s32 @!p0 $0xFFFFE000  }
0x102: {  	[hbm4b:s25+s13] =	stream.linear.scatter @!p0 [tilespmem:s10], [sflag:$0x3], $0x2000, $0x38;
	[tilespmem:$0x1A480] =	vst v63  }
0x103: {  	_ =	swait.ge @!p0 [sflag:s11], $0x2000  }
0x104: {  	[sflag:s11] =	ssyncset.done @!p0 $0x0  }
0x105: {  	[sflag:s11] =	ssyncadd.s32 @!p0 $0xFFFFE000  }
0x106: {  	[tilespmem:s10], [sflag:$0x3] =	stream.linear.gather @!p0 [spmem:s19], $0x2000, $0x38;
	[tilespmem:$0x1A480] =	vst v63  }
0x107: {  	_ =	swait.ge @!p0 [sflag:s11], $0x2000  }
0x108: {  	[sflag:s11] =	ssyncset.done @!p0 $0x0  }
0x109: {  	s25 =	rddreg [dreg:$0xf];
	[sflag:s11] =	ssyncadd.s32 @!p0 $0xFFFFE000  }
0x10a: {  	[hbm4b:s25+s13] =	stream.linear.scatter @!p0 [tilespmem:s10], [sflag:$0x3], $0x2000, $0x38;
	[tilespmem:$0x1A480] =	vst v63  }
0x10b: {  	_ =	swait.ge @!p0 [sflag:s11], $0x2000  }
0x10c: {  	s25 =	sld [smem:$0x7F9]  }
0x10d: {  	[sflag:s11] =	ssyncset.done @!p0 $0x0  }
0x10e: {  	[sflag:s11] =	ssyncadd.s32 @!p0 $0xFFFFE000  }
0x10f: {  	[tilespmem:s10], [sflag:$0x3] =	stream.linear.gather @!p0 [spmem:s25], $0x1800, $0x38;
	[tilespmem:$0x1A480] =	vst v63  }
0x110: {  	_ =	swait.ge @!p0 [sflag:s11], $0x1800  }
0x111: {  	[sflag:s11] =	ssyncset.done @!p0 $0x0  }
0x112: {  	s25 =	rddreg [dreg:$0x4];
	[sflag:s11] =	ssyncadd.s32 @!p0 $0xFFFFE800  }
0x113: {  	[hbm4b:s25+s13] =	stream.linear.scatter @!p0 [tilespmem:s10], [sflag:$0x3], $0x1800, $0x38;
	[tilespmem:$0x1A480] =	vst v63  }
0x114: {  	_ =	swait.ge @!p0 [sflag:s11], $0x1800  }
0x115: {  	[sflag:s11] =	ssyncset.done @!p0 $0x0  }
0x116: {  	[sflag:s11] =	ssyncadd.s32 @!p0 $0xFFFFE800  }
0x117: {  	s25 =	sadd.s32 $0x0, s8;
	[bflag:$0x0] =	sbarrier.arrive $0xFFFF  }
0x118: {  	[spmem:s25] =	stream.linear.scatter [tilespmem:s26], [sflag:$0x3], $0x400, $0x38;
	[tilespmem:$0x1A480] =	vst v63  }
0x119: {  	s10 =	simm.s32 $0x1000;
	_ =	swait.ge [sflag:s28], $0x400  }
.LBB2_10:
0x11a: {  	s11 =	sshra.s32 s10, $0x2;
	[sflag:s28] =	ssyncset.done $0x0;
	p1 =	sne.s32 s10, $0x4F000  }
.Ltmp4:
0x11b: {  	s11 =	sadd.s32 s11, s8;
	[sflag:s28] =	ssyncadd.s32 $0xFFFFFC00;
	(pc) =	sbr.rel @p1 .LBB2_10-.Ltmp4, $3  }
0x11c: {  	[spmem:s11] =	stream.linear.scatter [tilespmem:s26], [sflag:$0x3], $0x400, $0x38;
	[tilespmem:$0x1A480] =	vst v63  }
0x11d: {  	s10 =	sadd.s32 $0x1000, s10;
	_ =	sdelay $0x1  }
0x11e: {  	_ =	swait.ge [sflag:s28], $0x400  }
0x11f: {  	[sflag:s28] =	ssyncset.done $0x0  }
0x120: {  	[sflag:s28] =	ssyncadd.s32 $0xFFFFFC00  }
0x121: {  	s25 =	simm.s32 $0x0;
	s10 =	simm.s32 $0x0;
	[bflag:$0x0] =	sbarrier.arrive $0xFFFF  }
.LBB2_12:
0x122: {  	s11 =	sshll.u32 s10, $0x7  }
0x123: {  	s13 =	sand.u32 $0x3C00, s11  }
0x124: {  	s11 =	sand.u32 $0x380, s11;
	s13 =	sadd.s32 s13, s20  }
0x125: {  	s11 =	sor.u32 s11, s13  }
0x126: {  	s11 =	sshrl.u32 s11, $0x3  }
0x127: {  	s13 =	sshll.u32 s10, $0xD;
	s11 =	sadd.s32 s5, s11  }
0x128: {  	[tilespmem:s25], [sflag:$0x1] =	stream.linear.gather [hbm4b:s11+s25], $0x80, $0x38;
	[tilespmem:$0x1A480] =	vst v63  }
0x129: {  	s11 =	sadd.s32 s13, s21  }
0x12a: {  	s11 =	sshrl.u32 s11, $0x3  }
0x12b: {  	s11 =	sadd.s32 s7, s11  }
0x12c: {  	[tilespmem:s29], [sflag:$0x2] =	stream.linear.gather [hbm4b:s11+s25], $0x2000, $0x38;
	[tilespmem:$0x1A480] =	vst v63  }
0x12d: {  	_ =	swait.ge [sflag:s30], $0x80  }
0x12e: {  	[sflag:s30] =	ssyncset.done $0x0  }
0x12f: {  	[sflag:s30] =	ssyncadd.s32 $0xFFFFFF80  }
0x130: {  	_ =	swait.ge [sflag:s31], $0x2000  }
0x131: {  	[sflag:s31] =	ssyncset.done $0x0  }
0x132: {  	s11 =	simm.s32 $0x0;
	[sflag:s31] =	ssyncadd.s32 $0xFFFFE000  }
0x133: {  	s13 =	simm.s32 $0x200;
	v1 =	vld [tilespmem:s11+$0x80]  }
.LBB2_13:
0x134: {  	p1 =	sne.s32 s13, $0x7E00  }
.Ltmp5:
0x135: {  	_ = 	snop;
	(pc) =	sbr.rel @p1 .LBB2_13-.Ltmp5, $3  }
0x136: {  	_ =	sdelay $0x1  }
0x137: {  	[tilespmem:s11+$0x2080] =	vst v1;
	s11 =	sshra.s32 s13, $0x2;
	s13 =	sadd.s32 $0x200, s13  }
0x138: {  	v1 =	vld [tilespmem:s11+$0x80]  }
0x139: {  	_ =	sdelay $0x1  }
0x13a: {  	s10 =	sadd.s32 $0x1, s10  }
0x13b: {  	p1 =	sne.s32 s10, $0x64  }
.Ltmp6:
0x13c: {  	[tilespmem:s11+$0x2080] =	vst v1;
	(pc) =	sbr.rel @p1 .LBB2_12-.Ltmp6, $4  }
0x13d: {  	[spmem:s3] =	stream.indirect.scatter.add.f32 [tilespmem:s4], [sflag:$0x3], $0x80, s1, s0, $0xb8;
	[tilespmem:$0x1A480] =	vst v63  }
0x13e: {  	_ =	swait.ge [sflag:s28], $0x2000  }
0x13f: {  	[sflag:s28] =	ssyncset.done $0x0  }
0x140: {  	[sflag:s28] =	ssyncadd.s32 $0xFFFFE000  }
0x141: {  	[bflag:$0x0] =	sbarrier.arrive $0xFFFF  }
0x142: {  	[tilespmem:s12], [sflag:$0x3] =	stream.linear.gather [spmem:s8], $0x2000, $0x38;
	[tilespmem:$0x1A480] =	vst v63  }
0x143: {  	_ =	swait.ge [sflag:s28], $0x2000  }
0x144: {  	[sflag:s28] =	ssyncset.done $0x0  }
0x145: {  	s10 =	rddreg [dreg:$0x10];
	[sflag:s28] =	ssyncadd.s32 $0xFFFFE000  }
0x146: {  	[hbm4b:s10+s1] =	stream.linear.scatter [tilespmem:s12], [sflag:$0x3], $0x2000, $0x38;
	[tilespmem:$0x1A480] =	vst v63  }
0x147: {  	_ =	swait.ge [sflag:s28], $0x2000  }
0x148: {  	s11 =	sld [smem:$0x7FB]  }
0x149: {  	[sflag:s28] =	ssyncset.done $0x0  }
0x14a: {  	[sflag:s28] =	ssyncadd.s32 $0xFFFFE000  }
0x14b: {  	[tilespmem:s12], [sflag:$0x3] =	stream.linear.gather [spmem:s11], $0x2000, $0x38;
	[tilespmem:$0x1A480] =	vst v63  }
0x14c: {  	_ =	swait.ge [sflag:s28], $0x2000  }
0x14d: {  	[sflag:s28] =	ssyncset.done $0x0  }
0x14e: {  	s13 =	rddreg [dreg:$0x11];
	[sflag:s28] =	ssyncadd.s32 $0xFFFFE000  }
0x14f: {  	[hbm4b:s13+s1] =	stream.linear.scatter [tilespmem:s12], [sflag:$0x3], $0x2000, $0x38;
	[tilespmem:$0x1A480] =	vst v63  }
0x150: {  	_ =	swait.ge [sflag:s28], $0x2000  }
0x151: {  	[sflag:s28] =	ssyncset.done $0x0  }
0x152: {  	[sflag:s28] =	ssyncadd.s32 $0xFFFFE000  }
0x153: {  	[tilespmem:s12], [sflag:$0x3] =	stream.linear.gather [spmem:s2], $0x2000, $0x38;
	[tilespmem:$0x1A480] =	vst v63  }
0x154: {  	_ =	swait.ge [sflag:s28], $0x2000  }
0x155: {  	[sflag:s28] =	ssyncset.done $0x0  }
0x156: {  	s25 =	rddreg [dreg:$0x12];
	[sflag:s28] =	ssyncadd.s32 $0xFFFFE000  }
0x157: {  	[hbm4b:s25+s1] =	stream.linear.scatter [tilespmem:s12], [sflag:$0x3], $0x2000, $0x38;
	[tilespmem:$0x1A480] =	vst v63  }
0x158: {  	_ =	swait.ge [sflag:s28], $0x2000  }
0x159: {  	[sflag:s28] =	ssyncset.done $0x0  }
0x15a: {  	[sflag:s28] =	ssyncadd.s32 $0xFFFFE000  }
0x15b: {  	[tilespmem:s12], [sflag:$0x3] =	stream.linear.gather [spmem:s14], $0x2000, $0x38;
	[tilespmem:$0x1A480] =	vst v63  }
0x15c: {  	_ =	swait.ge [sflag:s28], $0x2000  }
0x15d: {  	[sflag:s28] =	ssyncset.done $0x0  }
0x15e: {  	s11 =	rddreg [dreg:$0x13];
	[sflag:s28] =	ssyncadd.s32 $0xFFFFE000  }
0x15f: {  	[hbm4b:s11+s1] =	stream.linear.scatter [tilespmem:s12], [sflag:$0x3], $0x2000, $0x38;
	[tilespmem:$0x1A480] =	vst v63  }
0x160: {  	_ =	swait.ge [sflag:s28], $0x2000  }
0x161: {  	[sflag:s28] =	ssyncset.done $0x0  }
0x162: {  	[sflag:s28] =	ssyncadd.s32 $0xFFFFE000  }
0x163: {  	[tilespmem:s12], [sflag:$0x3] =	stream.linear.gather [spmem:s15], $0x2000, $0x38;
	[tilespmem:$0x1A480] =	vst v63  }
0x164: {  	_ =	swait.ge [sflag:s28], $0x2000  }
0x165: {  	[sflag:s28] =	ssyncset.done $0x0  }
0x166: {  	s13 =	rddreg [dreg:$0x14];
	[sflag:s28] =	ssyncadd.s32 $0xFFFFE000  }
0x167: {  	[hbm4b:s13+s1] =	stream.linear.scatter [tilespmem:s12], [sflag:$0x3], $0x2000, $0x38;
	[tilespmem:$0x1A480] =	vst v63  }
0x168: {  	_ =	swait.ge [sflag:s28], $0x2000  }
0x169: {  	[sflag:s28] =	ssyncset.done $0x0  }
0x16a: {  	[sflag:s28] =	ssyncadd.s32 $0xFFFFE000  }
0x16b: {  	[tilespmem:s12], [sflag:$0x3] =	stream.linear.gather [spmem:s16], $0x2000, $0x38;
	[tilespmem:$0x1A480] =	vst v63  }
0x16c: {  	_ =	swait.ge [sflag:s28], $0x2000  }
0x16d: {  	[sflag:s28] =	ssyncset.done $0x0  }
0x16e: {  	s25 =	rddreg [dreg:$0x15];
	[sflag:s28] =	ssyncadd.s32 $0xFFFFE000  }
0x16f: {  	[hbm4b:s25+s1] =	stream.linear.scatter [tilespmem:s12], [sflag:$0x3], $0x2000, $0x38;
	[tilespmem:$0x1A480] =	vst v63  }
0x170: {  	_ =	swait.ge [sflag:s28], $0x2000  }
0x171: {  	s11 =	sld [smem:$0x7F8]  }
0x172: {  	[sflag:s28] =	ssyncset.done $0x0  }
0x173: {  	[sflag:s28] =	ssyncadd.s32 $0xFFFFE000  }
0x174: {  	[tilespmem:s12], [sflag:$0x3] =	stream.linear.gather [spmem:s11], $0x800, $0x38;
	[tilespmem:$0x1A480] =	vst v63  }
0x175: {  	_ =	swait.ge [sflag:s28], $0x800  }
0x176: {  	s13 =	sld [smem:$0x7FC]  }
0x177: {  	[sflag:s28] =	ssyncset.done $0x0  }
0x178: {  	[sflag:s28] =	ssyncadd.s32 $0xFFFFF800  }
0x179: {  	[hbm4b:s13+s1] =	stream.linear.scatter [tilespmem:s12], [sflag:$0x3], $0x800, $0x38;
	[tilespmem:$0x1A480] =	vst v63  }
0x17a: {  	_ =	swait.ge [sflag:s28], $0x800  }
0x17b: {  	[sflag:s28] =	ssyncset.done $0x0  }
0x17c: {  	s10 =	simm.s32 @!p0 $0x4080;
	s11 =	simm.s32 @!p0 $0x3;
	[sflag:s28] =	ssyncadd.s32 $0xFFFFF800  }
0x17d: {  	[tilespmem:s10], [sflag:$0x3] =	stream.linear.gather @!p0 [spmem:s17], $0x2000, $0x38;
	[tilespmem:$0x1A480] =	vst v63  }
0x17e: {  	_ =	swait.ge @!p0 [sflag:s11], $0x2000  }
0x17f: {  	[sflag:s11] =	ssyncset.done @!p0 $0x0  }
0x180: {  	s13 =	simm.s32 @!p0 $0x0;
	s25 =	rddreg [dreg:$0x16];
	[sflag:s11] =	ssyncadd.s32 @!p0 $0xFFFFE000  }
0x181: {  	[hbm4b:s25+s13] =	stream.linear.scatter @!p0 [tilespmem:s10], [sflag:$0x3], $0x2000, $0x38;
	[tilespmem:$0x1A480] =	vst v63  }
0x182: {  	_ =	swait.ge @!p0 [sflag:s11], $0x2000  }
0x183: {  	[sflag:s11] =	ssyncset.done @!p0 $0x0  }
0x184: {  	[sflag:s11] =	ssyncadd.s32 @!p0 $0xFFFFE000  }
0x185: {  	[tilespmem:s10], [sflag:$0x3] =	stream.linear.gather @!p0 [spmem:s18], $0x2000, $0x38;
	[tilespmem:$0x1A480] =	vst v63  }
0x186: {  	_ =	swait.ge @!p0 [sflag:s11], $0x2000  }
0x187: {  	[sflag:s11] =	ssyncset.done @!p0 $0x0  }
0x188: {  	s25 =	rddreg [dreg:$0x17];
	[sflag:s11] =	ssyncadd.s32 @!p0 $0xFFFFE000  }
0x189: {  	[hbm4b:s25+s13] =	stream.linear.scatter @!p0 [tilespmem:s10], [sflag:$0x3], $0x2000, $0x38;
	[tilespmem:$0x1A480] =	vst v63  }
0x18a: {  	_ =	swait.ge @!p0 [sflag:s11], $0x2000  }
0x18b: {  	[sflag:s11] =	ssyncset.done @!p0 $0x0  }
0x18c: {  	[sflag:s11] =	ssyncadd.s32 @!p0 $0xFFFFE000  }
0x18d: {  	[tilespmem:s10], [sflag:$0x3] =	stream.linear.gather @!p0 [spmem:s19], $0x2000, $0x38;
	[tilespmem:$0x1A480] =	vst v63  }
0x18e: {  	_ =	swait.ge @!p0 [sflag:s11], $0x2000  }
0x18f: {  	[sflag:s11] =	ssyncset.done @!p0 $0x0  }
0x190: {  	s25 =	rddreg [dreg:$0x18];
	[sflag:s11] =	ssyncadd.s32 @!p0 $0xFFFFE000  }
0x191: {  	[hbm4b:s25+s13] =	stream.linear.scatter @!p0 [tilespmem:s10], [sflag:$0x3], $0x2000, $0x38;
	[tilespmem:$0x1A480] =	vst v63  }
0x192: {  	_ =	swait.ge @!p0 [sflag:s11], $0x2000  }
0x193: {  	s25 =	sld [smem:$0x7F9]  }
0x194: {  	[sflag:s11] =	ssyncset.done @!p0 $0x0  }
0x195: {  	[sflag:s11] =	ssyncadd.s32 @!p0 $0xFFFFE000  }
0x196: {  	[tilespmem:s10], [sflag:$0x3] =	stream.linear.gather @!p0 [spmem:s25], $0x1800, $0x38;
	[tilespmem:$0x1A480] =	vst v63  }
0x197: {  	_ =	swait.ge @!p0 [sflag:s11], $0x1800  }
0x198: {  	[sflag:s11] =	ssyncset.done @!p0 $0x0  }
0x199: {  	s25 =	rddreg [dreg:$0x5];
	[sflag:s11] =	ssyncadd.s32 @!p0 $0xFFFFE800  }
0x19a: {  	[hbm4b:s25+s13] =	stream.linear.scatter @!p0 [tilespmem:s10], [sflag:$0x3], $0x1800, $0x38;
	[tilespmem:$0x1A480] =	vst v63  }
0x19b: {  	_ =	swait.ge @!p0 [sflag:s11], $0x1800  }
0x19c: {  	[sflag:s11] =	ssyncset.done @!p0 $0x0  }
0x19d: {  	[sflag:s11] =	ssyncadd.s32 @!p0 $0xFFFFE800  }
0x19e: {  	s25 =	sadd.s32 $0x0, s8;
	[bflag:$0x0] =	sbarrier.arrive $0xFFFF  }
0x19f: {  	[spmem:s25] =	stream.linear.scatter [tilespmem:s26], [sflag:$0x3], $0x400, $0x38;
	[tilespmem:$0x1A480] =	vst v63  }
0x1a0: {  	s10 =	simm.s32 $0x1000;
	_ =	swait.ge [sflag:s28], $0x400  }
.LBB2_16:
0x1a1: {  	s11 =	sshra.s32 s10, $0x2;
	[sflag:s28] =	ssyncset.done $0x0;
	p1 =	sne.s32 s10, $0x4F000  }
.Ltmp7:
0x1a2: {  	s11 =	sadd.s32 s11, s8;
	[sflag:s28] =	ssyncadd.s32 $0xFFFFFC00;
	(pc) =	sbr.rel @p1 .LBB2_16-.Ltmp7, $3  }
0x1a3: {  	[spmem:s11] =	stream.linear.scatter [tilespmem:s26], [sflag:$0x3], $0x400, $0x38;
	[tilespmem:$0x1A480] =	vst v63  }
0x1a4: {  	s10 =	sadd.s32 $0x1000, s10;
	_ =	sdelay $0x1  }
0x1a5: {  	_ =	swait.ge [sflag:s28], $0x400  }
0x1a6: {  	[sflag:s28] =	ssyncset.done $0x0  }
0x1a7: {  	[sflag:s28] =	ssyncadd.s32 $0xFFFFFC00  }
0x1a8: {  	s25 =	simm.s32 $0x0;
	s10 =	simm.s32 $0x0;
	[bflag:$0x0] =	sbarrier.arrive $0xFFFF  }
.LBB2_18:
0x1a9: {  	s11 =	sshll.u32 s10, $0x7  }
0x1aa: {  	s13 =	sand.u32 $0x3C00, s11  }
0x1ab: {  	s11 =	sand.u32 $0x380, s11;
	s13 =	sadd.s32 s13, s23  }
0x1ac: {  	s11 =	sor.u32 s11, s13  }
0x1ad: {  	s11 =	sshrl.u32 s11, $0x3  }
0x1ae: {  	s13 =	sshll.u32 s10, $0xD;
	s11 =	sadd.s32 s5, s11  }
0x1af: {  	[tilespmem:s25], [sflag:$0x1] =	stream.linear.gather [hbm4b:s11+s25], $0x80, $0x38;
	[tilespmem:$0x1A480] =	vst v63  }
0x1b0: {  	s11 =	sadd.s32 s13, s24  }
0x1b1: {  	s11 =	sshrl.u32 s11, $0x3  }
0x1b2: {  	s11 =	sadd.s32 s7, s11  }
0x1b3: {  	[tilespmem:s29], [sflag:$0x2] =	stream.linear.gather [hbm4b:s11+s25], $0x2000, $0x38;
	[tilespmem:$0x1A480] =	vst v63  }
0x1b4: {  	_ =	swait.ge [sflag:s30], $0x80  }
0x1b5: {  	[sflag:s30] =	ssyncset.done $0x0  }
0x1b6: {  	[sflag:s30] =	ssyncadd.s32 $0xFFFFFF80  }
0x1b7: {  	_ =	swait.ge [sflag:s31], $0x2000  }
0x1b8: {  	[sflag:s31] =	ssyncset.done $0x0  }
0x1b9: {  	s11 =	simm.s32 $0x0;
	[sflag:s31] =	ssyncadd.s32 $0xFFFFE000  }
0x1ba: {  	s13 =	simm.s32 $0x200;
	v1 =	vld [tilespmem:s11+$0x80]  }
.LBB2_19:
0x1bb: {  	p1 =	sne.s32 s13, $0x7E00  }
.Ltmp8:
0x1bc: {  	_ = 	snop;
	(pc) =	sbr.rel @p1 .LBB2_19-.Ltmp8, $3  }
0x1bd: {  	_ =	sdelay $0x1  }
0x1be: {  	[tilespmem:s11+$0x2080] =	vst v1;
	s11 =	sshra.s32 s13, $0x2;
	s13 =	sadd.s32 $0x200, s13  }
0x1bf: {  	v1 =	vld [tilespmem:s11+$0x80]  }
0x1c0: {  	_ =	sdelay $0x1  }
0x1c1: {  	s10 =	sadd.s32 $0x1, s10  }
0x1c2: {  	p1 =	sne.s32 s10, $0x64  }
.Ltmp9:
0x1c3: {  	[tilespmem:s11+$0x2080] =	vst v1;
	(pc) =	sbr.rel @p1 .LBB2_18-.Ltmp9, $4  }
0x1c4: {  	[spmem:s3] =	stream.indirect.scatter.add.f32 [tilespmem:s4], [sflag:$0x3], $0x80, s1, s0, $0xb8;
	[tilespmem:$0x1A480] =	vst v63  }
0x1c5: {  	_ =	swait.ge [sflag:s28], $0x2000  }
0x1c6: {  	[sflag:s28] =	ssyncset.done $0x0  }
0x1c7: {  	[sflag:s28] =	ssyncadd.s32 $0xFFFFE000  }
0x1c8: {  	[bflag:$0x0] =	sbarrier.arrive $0xFFFF  }
0x1c9: {  	[tilespmem:s12], [sflag:$0x3] =	stream.linear.gather [spmem:s8], $0x2000, $0x38;
	[tilespmem:$0x1A480] =	vst v63  }
0x1ca: {  	_ =	swait.ge [sflag:s28], $0x2000  }
0x1cb: {  	[sflag:s28] =	ssyncset.done $0x0  }
0x1cc: {  	s10 =	rddreg [dreg:$0x19];
	[sflag:s28] =	ssyncadd.s32 $0xFFFFE000  }
0x1cd: {  	[hbm4b:s10+s1] =	stream.linear.scatter [tilespmem:s12], [sflag:$0x3], $0x2000, $0x38;
	[tilespmem:$0x1A480] =	vst v63  }
0x1ce: {  	_ =	swait.ge [sflag:s28], $0x2000  }
0x1cf: {  	s11 =	sld [smem:$0x7FB]  }
0x1d0: {  	[sflag:s28] =	ssyncset.done $0x0  }
0x1d1: {  	[sflag:s28] =	ssyncadd.s32 $0xFFFFE000  }
0x1d2: {  	[tilespmem:s12], [sflag:$0x3] =	stream.linear.gather [spmem:s11], $0x2000, $0x38;
	[tilespmem:$0x1A480] =	vst v63  }
0x1d3: {  	_ =	swait.ge [sflag:s28], $0x2000  }
0x1d4: {  	[sflag:s28] =	ssyncset.done $0x0  }
0x1d5: {  	s13 =	rddreg [dreg:$0x1a];
	[sflag:s28] =	ssyncadd.s32 $0xFFFFE000  }
0x1d6: {  	[hbm4b:s13+s1] =	stream.linear.scatter [tilespmem:s12], [sflag:$0x3], $0x2000, $0x38;
	[tilespmem:$0x1A480] =	vst v63  }
0x1d7: {  	_ =	swait.ge [sflag:s28], $0x2000  }
0x1d8: {  	[sflag:s28] =	ssyncset.done $0x0  }
0x1d9: {  	[sflag:s28] =	ssyncadd.s32 $0xFFFFE000  }
0x1da: {  	[tilespmem:s12], [sflag:$0x3] =	stream.linear.gather [spmem:s2], $0x2000, $0x38;
	[tilespmem:$0x1A480] =	vst v63  }
0x1db: {  	_ =	swait.ge [sflag:s28], $0x2000  }
0x1dc: {  	[sflag:s28] =	ssyncset.done $0x0  }
0x1dd: {  	s25 =	rddreg [dreg:$0x1b];
	[sflag:s28] =	ssyncadd.s32 $0xFFFFE000  }
0x1de: {  	[hbm4b:s25+s1] =	stream.linear.scatter [tilespmem:s12], [sflag:$0x3], $0x2000, $0x38;
	[tilespmem:$0x1A480] =	vst v63  }
0x1df: {  	_ =	swait.ge [sflag:s28], $0x2000  }
0x1e0: {  	[sflag:s28] =	ssyncset.done $0x0  }
0x1e1: {  	[sflag:s28] =	ssyncadd.s32 $0xFFFFE000  }
0x1e2: {  	[tilespmem:s12], [sflag:$0x3] =	stream.linear.gather [spmem:s14], $0x2000, $0x38;
	[tilespmem:$0x1A480] =	vst v63  }
0x1e3: {  	_ =	swait.ge [sflag:s28], $0x2000  }
0x1e4: {  	[sflag:s28] =	ssyncset.done $0x0  }
0x1e5: {  	s11 =	rddreg [dreg:$0x1c];
	[sflag:s28] =	ssyncadd.s32 $0xFFFFE000  }
0x1e6: {  	[hbm4b:s11+s1] =	stream.linear.scatter [tilespmem:s12], [sflag:$0x3], $0x2000, $0x38;
	[tilespmem:$0x1A480] =	vst v63  }
0x1e7: {  	_ =	swait.ge [sflag:s28], $0x2000  }
0x1e8: {  	[sflag:s28] =	ssyncset.done $0x0  }
0x1e9: {  	[sflag:s28] =	ssyncadd.s32 $0xFFFFE000  }
0x1ea: {  	[tilespmem:s12], [sflag:$0x3] =	stream.linear.gather [spmem:s15], $0x2000, $0x38;
	[tilespmem:$0x1A480] =	vst v63  }
0x1eb: {  	_ =	swait.ge [sflag:s28], $0x2000  }
0x1ec: {  	[sflag:s28] =	ssyncset.done $0x0  }
0x1ed: {  	s13 =	rddreg [dreg:$0x1d];
	[sflag:s28] =	ssyncadd.s32 $0xFFFFE000  }
0x1ee: {  	[hbm4b:s13+s1] =	stream.linear.scatter [tilespmem:s12], [sflag:$0x3], $0x2000, $0x38;
	[tilespmem:$0x1A480] =	vst v63  }
0x1ef: {  	_ =	swait.ge [sflag:s28], $0x2000  }
0x1f0: {  	[sflag:s28] =	ssyncset.done $0x0  }
0x1f1: {  	[sflag:s28] =	ssyncadd.s32 $0xFFFFE000  }
0x1f2: {  	[tilespmem:s12], [sflag:$0x3] =	stream.linear.gather [spmem:s16], $0x2000, $0x38;
	[tilespmem:$0x1A480] =	vst v63  }
0x1f3: {  	_ =	swait.ge [sflag:s28], $0x2000  }
0x1f4: {  	[sflag:s28] =	ssyncset.done $0x0  }
0x1f5: {  	s25 =	rddreg [dreg:$0x1e];
	[sflag:s28] =	ssyncadd.s32 $0xFFFFE000  }
0x1f6: {  	[hbm4b:s25+s1] =	stream.linear.scatter [tilespmem:s12], [sflag:$0x3], $0x2000, $0x38;
	[tilespmem:$0x1A480] =	vst v63  }
0x1f7: {  	_ =	swait.ge [sflag:s28], $0x2000  }
0x1f8: {  	s11 =	sld [smem:$0x7F8]  }
0x1f9: {  	[sflag:s28] =	ssyncset.done $0x0  }
0x1fa: {  	[sflag:s28] =	ssyncadd.s32 $0xFFFFE000  }
0x1fb: {  	[tilespmem:s12], [sflag:$0x3] =	stream.linear.gather [spmem:s11], $0x800, $0x38;
	[tilespmem:$0x1A480] =	vst v63  }
0x1fc: {  	_ =	swait.ge [sflag:s28], $0x800  }
0x1fd: {  	s13 =	sld [smem:$0x7FD]  }
0x1fe: {  	[sflag:s28] =	ssyncset.done $0x0  }
0x1ff: {  	[sflag:s28] =	ssyncadd.s32 $0xFFFFF800  }
0x200: {  	[hbm4b:s13+s1] =	stream.linear.scatter [tilespmem:s12], [sflag:$0x3], $0x800, $0x38;
	[tilespmem:$0x1A480] =	vst v63  }
0x201: {  	_ =	swait.ge [sflag:s28], $0x800  }
0x202: {  	[sflag:s28] =	ssyncset.done $0x0  }
0x203: {  	s10 =	simm.s32 @!p0 $0x4080;
	s11 =	simm.s32 @!p0 $0x3;
	[sflag:s28] =	ssyncadd.s32 $0xFFFFF800  }
0x204: {  	[tilespmem:s10], [sflag:$0x3] =	stream.linear.gather @!p0 [spmem:s17], $0x2000, $0x38;
	[tilespmem:$0x1A480] =	vst v63  }
0x205: {  	_ =	swait.ge @!p0 [sflag:s11], $0x2000  }
0x206: {  	[sflag:s11] =	ssyncset.done @!p0 $0x0  }
0x207: {  	s13 =	simm.s32 @!p0 $0x0;
	s25 =	rddreg [dreg:$0x1f];
	[sflag:s11] =	ssyncadd.s32 @!p0 $0xFFFFE000  }
0x208: {  	[hbm4b:s25+s13] =	stream.linear.scatter @!p0 [tilespmem:s10], [sflag:$0x3], $0x2000, $0x38;
	[tilespmem:$0x1A480] =	vst v63  }
0x209: {  	_ =	swait.ge @!p0 [sflag:s11], $0x2000  }
0x20a: {  	[sflag:s11] =	ssyncset.done @!p0 $0x0  }
0x20b: {  	[sflag:s11] =	ssyncadd.s32 @!p0 $0xFFFFE000  }
0x20c: {  	[tilespmem:s10], [sflag:$0x3] =	stream.linear.gather @!p0 [spmem:s18], $0x2000, $0x38;
	[tilespmem:$0x1A480] =	vst v63  }
0x20d: {  	_ =	swait.ge @!p0 [sflag:s11], $0x2000  }
0x20e: {  	s25 =	sld [smem:$0x7F6]  }
0x20f: {  	[sflag:s11] =	ssyncset.done @!p0 $0x0  }
0x210: {  	[sflag:s11] =	ssyncadd.s32 @!p0 $0xFFFFE000  }
0x211: {  	[hbm4b:s25+s13] =	stream.linear.scatter @!p0 [tilespmem:s10], [sflag:$0x3], $0x2000, $0x38;
	[tilespmem:$0x1A480] =	vst v63  }
0x212: {  	_ =	swait.ge @!p0 [sflag:s11], $0x2000  }
0x213: {  	[sflag:s11] =	ssyncset.done @!p0 $0x0  }
0x214: {  	[sflag:s11] =	ssyncadd.s32 @!p0 $0xFFFFE000  }
0x215: {  	[tilespmem:s10], [sflag:$0x3] =	stream.linear.gather @!p0 [spmem:s19], $0x2000, $0x38;
	[tilespmem:$0x1A480] =	vst v63  }
0x216: {  	_ =	swait.ge @!p0 [sflag:s11], $0x2000  }
0x217: {  	s25 =	sld [smem:$0x7F7]  }
0x218: {  	[sflag:s11] =	ssyncset.done @!p0 $0x0  }
0x219: {  	[sflag:s11] =	ssyncadd.s32 @!p0 $0xFFFFE000  }
0x21a: {  	[hbm4b:s25+s13] =	stream.linear.scatter @!p0 [tilespmem:s10], [sflag:$0x3], $0x2000, $0x38;
	[tilespmem:$0x1A480] =	vst v63  }
0x21b: {  	_ =	swait.ge @!p0 [sflag:s11], $0x2000  }
0x21c: {  	s25 =	sld [smem:$0x7F9]  }
0x21d: {  	[sflag:s11] =	ssyncset.done @!p0 $0x0  }
0x21e: {  	[sflag:s11] =	ssyncadd.s32 @!p0 $0xFFFFE000  }
0x21f: {  	[tilespmem:s10], [sflag:$0x3] =	stream.linear.gather @!p0 [spmem:s25], $0x1800, $0x38;
	[tilespmem:$0x1A480] =	vst v63  }
0x220: {  	_ =	swait.ge @!p0 [sflag:s11], $0x1800  }
0x221: {  	[sflag:s11] =	ssyncset.done @!p0 $0x0  }
0x222: {  	s25 =	rddreg [dreg:$0x6];
	[sflag:s11] =	ssyncadd.s32 @!p0 $0xFFFFE800  }
0x223: {  	[hbm4b:s25+s13] =	stream.linear.scatter @!p0 [tilespmem:s10], [sflag:$0x3], $0x1800, $0x38;
	[tilespmem:$0x1A480] =	vst v63  }
0x224: {  	_ =	swait.ge @!p0 [sflag:s11], $0x1800  }
0x225: {  	s25 =	sld [smem:$0x7FA];
	_ =	sdelay $0x1  }
0x226: {  	s22 =	sadd.s32 $0x1, s22  }
0x227: {  	p1 =	sne.s32 s22, s25  }
.Ltmp10:
0x228: {  	_ = 	snop;
	(pc) =	sbr.rel @p1 .LBB2_1-.Ltmp10, $3  }
0x229: {  	[sflag:s11] =	ssyncset.done @!p0 $0x0  }
0x22a: {  	[sflag:s11] =	ssyncadd.s32 @!p0 $0xFFFFE800  }
0x22b: {  	[bflag:$0x0] =	sbarrier.arrive $0xFFFF;
	_ =	sdelay $0x1  }
0x22c: {  	_ =	sfence.sel $0x180000  }
0x22d: {  	[bflag:$0x0] =	sbarrier.arrive $0xFFFF  }
0x22e: {  	_ =	strace $0x9000004A  }
0x22f: {  	s0 =	stileid.u32;
	[bflag:$0x2] =	sbarrier.arrive $0xFFFF  }
0x230: {  	p0 =	sne.s32 s0, $0x0;
	s0 =	rddreg [dreg:$0x2]  }
0x231: {  	s0 =	sadd.s32 @!p0 $0x100000, s0  }
0x232: {  	[sflag:s0] =	ssyncadd.tile.s32 @!p0 $0x1;
	_ =	shalt  }
.Lfunc_end2:
_tile_overlayer_lowered:
.L_overlay_start_2:
0x233: {  	(tag) =	ssettag $0x2  }
0x234: {  	s0 =	rddreg [dreg:$0x0];
	s2 =	stileid.u32  }
0x235: {  	s1 =	rddreg [dreg:$0x1];
	p0 =	sne.s32 s2, $0x0  }
0x236: {  	s3 =	rddreg [dreg:$0x2];
	[bflag:$0x3] =	sbarrier.arrive $0xFFFF;
	s2 =	simm.s32 @!p0 $0x1C03  }
0x237: {  	[timem:s3], [sflag:s2] =	dma.local @!p0 [hbm:s0], s1  }
0x238: {  	s0 =	simm.s32 @!p0 $0x3  }
0x239: {  	_ =	swait.ge @!p0 [sflag:s0], s1  }
0x23a: {  	s1 =	ssub.s32 @!p0 $0x0, s1;
	[sflag:s0] =	ssyncset.done @!p0 $0x0  }
0x23b: {  	[sflag:s0] =	ssyncadd.s32 @!p0 s1  }
0x23c: {  	[bflag:$0x3] =	sbarrier.arrive $0xFFFF  }
0x23d: {  	_ =	shalt  }

</sc_bundles>
